<compile_context>
chip_gen: v7x
topology: tpu7x:2x2x1
jax: 0.10.2.dev20260603
libtpu: 0.0.44.dev20260713+nightly
codegen_flags: <defaults>
</compile_context>

<pallas_src>
import dataclasses
import functools

import jax
import jax.numpy as jnp
from jax import lax
from jax.experimental import pallas as pl
from jax.experimental.pallas import tpu as pltpu
from jax.experimental.pallas import tpu_sc as plsc

MIN_RADIUS = 0.01
MAX_RADIUS = 1.0

LANES = 16
NUM_WORKERS = 32
GRP = 512


def _radii_coef_kernel(lr_ref, out_ref):
    r = jnp.clip(jnp.exp(lr_ref[...]), MIN_RADIUS, MAX_RADIUS)
    out_ref[...] = -1.0 / (2.0 * r * r + 1e-8)


def _make_sc_kernel(M, K, N, MAIN):
    if MAIN % GRP:
        raise ValueError("aligned prefix must divide the group size")
    NFULL = MAIN // GRP
    TMAX = -(-NFULL // NUM_WORKERS)
    UMAX = -(-TMAX // 2)
    mesh = plsc.VectorSubcoreMesh(
        core_axis_name="c", subcore_axis_name="s", num_cores=2, num_subcores=16
    )
    cp = pltpu.CompilerParams()
    if "needs_layout_passes" in pltpu.CompilerParams.__dataclass_fields__:
        cp = dataclasses.replace(cp, needs_layout_passes=False)

    @functools.partial(
        pl.kernel,
        out_type=(
            jax.ShapeDtypeStruct((K, M), jnp.float32),
            jax.ShapeDtypeStruct((K, 128), jnp.float32),
        ),
        mesh=mesh,
        compiler_params=cp,
        scratch_types=[
            pltpu.VMEM((3 * N,), jnp.float32),
            pltpu.VMEM((N,), jnp.float32),
            pltpu.VMEM((K, GRP), jnp.int32),
            pltpu.VMEM((K, GRP), jnp.int32),
            pltpu.VMEM((3, GRP), jnp.float32),
            pltpu.VMEM((3, GRP), jnp.float32),
            pltpu.VMEM((K, GRP), jnp.float32),
            pltpu.VMEM((K, GRP), jnp.float32),
            pltpu.SemaphoreType.DMA,
            pltpu.SemaphoreType.DMA,
            pltpu.SemaphoreType.DMA,
            pltpu.SemaphoreType.DMA,
            pltpu.SemaphoreType.DMA,
            pltpu.SemaphoreType.DMA,
        ],
    )
    def sc_kernel(q_hbm, i_hbm, qt_hbm, it_hbm, p_hbm, c_hbm, o_hbm, ot_hbm,
                  tpos, tcoef, ib0, ib1, qb0, qb1, ob0, ob1,
                  is0, is1, qs0, qs1, os0, os1):
        wid = lax.axis_index("s") * 2 + lax.axis_index("c")
        ibuf, qbuf, obuf = (ib0, ib1), (qb0, qb1), (ob0, ob1)
        isem, qsem, osem = (is0, is1), (qs0, qs1), (os0, os1)
        tp_desc = pltpu.async_copy(p_hbm, tpos, os0)
        tc_desc = pltpu.async_copy(c_hbm, tcoef, os1)

        def compute(ib, qb, ob, width):
            @plsc.parallel_loop(0, width // LANES, unroll=4)
            def _lane_group(l):
                lane = lax.iota(jnp.int32, LANES) + l * LANES

                def row(k):
                    return jnp.full((LANES,), k, jnp.int32)

                qx = plsc.load_gather(qb, [row(0), lane])
                qy = plsc.load_gather(qb, [row(1), lane])
                qz = plsc.load_gather(qb, [row(2), lane])
                acc = jnp.full((LANES,), 1e-8, jnp.float32)
                ws = []
                for k in range(K):
                    idxv = plsc.load_gather(ib, [row(k), lane])
                    i3 = idxv * 3
                    px = plsc.load_gather(tpos, [i3])
                    py = plsc.load_gather(tpos, [i3 + 1])
                    pz = plsc.load_gather(tpos, [i3 + 2])
                    cc = plsc.load_gather(tcoef, [idxv])
                    dx = px - qx
                    dy = py - qy
                    dz = pz - qz
                    d2 = dx * dx + dy * dy + dz * dz
                    w = jnp.exp(d2 * cc)
                    acc = acc + w
                    ws.append(w)
                r = jnp.full((LANES,), 1.0, jnp.float32) / acc
                for k in range(K):
                    plsc.store_scatter(ob, [row(k), lane], ws[k] * r)

        def start_in(g, b):
            m0 = g * GRP
            pltpu.async_copy(i_hbm.at[:, pl.ds(m0, GRP)], ibuf[b], isem[b])
            pltpu.async_copy(q_hbm.at[:, pl.ds(m0, GRP)], qbuf[b], qsem[b])

        def wait_in(b):
            pltpu.make_async_copy(i_hbm.at[:, pl.ds(0, GRP)], ibuf[b], isem[b]).wait()
            pltpu.make_async_copy(q_hbm.at[:, pl.ds(0, GRP)], qbuf[b], qsem[b]).wait()

        def wait_out(b):
            pltpu.make_async_copy(obuf[b], o_hbm.at[:, pl.ds(0, GRP)], osem[b]).wait()

        start_in(wid, 0)
        tp_desc.wait()
        tc_desc.wait()

        @pl.loop(0, UMAX)
        def _pair(u):
            t0 = u * 2
            for b in (0, 1):
                t = t0 + b
                g = wid + t * NUM_WORKERS

                @pl.when(g < NFULL)
                def _phase():
                    gn = g + NUM_WORKERS

                    @pl.when(gn < NFULL)
                    def _prefetch():
                        start_in(gn, 1 - b)

                    wait_in(b)

                    @pl.when(t >= 2)
                    def _drain_prev():
                        wait_out(b)

                    compute(ibuf[b], qbuf[b], obuf[b], GRP)
                    pltpu.async_copy(
                        obuf[b], o_hbm.at[:, pl.ds(g * GRP, GRP)], osem[b])

        nmine = (NFULL - wid + NUM_WORKERS - 1) // NUM_WORKERS
        for b in (0, 1):
            @pl.when(nmine >= b + 1)
            def _drain():
                wait_out(b)

        @pl.when(wid == 0)
        def _tail():
            pltpu.sync_copy(it_hbm, ib0.at[:, pl.ds(0, 128)])
            pltpu.sync_copy(qt_hbm, qb0.at[:, pl.ds(0, 128)])
            compute(ib0, qb0, ob0, 128)
            pltpu.sync_copy(ob0.at[:, pl.ds(0, 128)], ot_hbm)

    return sc_kernel


def kernel(query_points, k_nearest_indices, positions, log_radii):
    M, K = k_nearest_indices.shape
    N = positions.shape[0]
    TAIL = M % 128
    MAIN = M - TAIL

    coef = pl.pallas_call(
        _radii_coef_kernel,
        out_shape=jax.ShapeDtypeStruct(log_radii.shape, jnp.float32),
    )(log_radii.astype(jnp.float32))

    q_t = query_points.astype(jnp.float32).T
    i_t = k_nearest_indices.astype(jnp.int32).T
    q_tail = lax.dynamic_slice(q_t, (0, M - 128), (3, 128))
    i_tail = lax.dynamic_slice(i_t, (0, M - 128), (K, 128))

    out_t, out_tail = _make_sc_kernel(M, K, N, MAIN)(
        q_t,
        i_t,
        q_tail,
        i_tail,
        positions.astype(jnp.float32).reshape(-1),
        coef.reshape(-1),
    )
    if TAIL:
        out_t = lax.dynamic_update_slice(out_t, out_tail, (0, M - 128))
    return out_t.T

# --- scband reference (transcript-rebuilt; emitter-appended) ---
"""Pipeline reference for scband-control-nodes-71700184039777 (READ-ONLY COPY).

The authoritative reference and input builder live on the scoring server;
editing this copy changes nothing except your own understanding.
"""

import jax, jax.numpy as jnp
import numpy as np

NUM_NODES = 20000
M = 1000000
K = 16
INIT_RADIUS = 0.1
MIN_RADIUS = 0.01
MAX_RADIUS = 1.0


def setup_inputs(seed: int = 0) -> dict:
    key = jax.random.key(seed)
    k1, k2, k3 = jax.random.split(key, 3)
    query_points = jax.random.normal(k1, (M, 3), dtype=jnp.float32)
    k_nearest_indices = jax.random.randint(k2, (M, K), 0, NUM_NODES, dtype=jnp.int64 if jax.config.read('jax_enable_x64') else jnp.int32)
    positions = jax.random.normal(k3, (NUM_NODES, 3), dtype=jnp.float32)
    log_radii = jnp.ones((NUM_NODES, 1), dtype=jnp.float32) * jnp.log(jnp.float32(INIT_RADIUS))
    return {
        'query_points': query_points,
        'k_nearest_indices': k_nearest_indices,
        'positions': positions,
        'log_radii': log_radii,
    }


def reference(query_points, k_nearest_indices, positions, log_radii):
    # radii with positivity activation + clamp
    radii = jnp.exp(log_radii)
    radii = jnp.clip(radii, MIN_RADIUS, MAX_RADIUS)  # [N, 1]
    # gather k nearest control-node positions and radii
    nearest_positions = jnp.take(positions, k_nearest_indices, axis=0)  # [M, k, 3]
    nearest_radii = jnp.take(radii, k_nearest_indices, axis=0)          # [M, k, 1]
    diffs = query_points[:, None, :] - nearest_positions                # [M, k, 3]
    distances_sq = jnp.sum(diffs ** 2, axis=-1, keepdims=True)          # [M, k, 1]
    raw_weights = jnp.exp(-distances_sq / (2.0 * nearest_radii ** 2 + 1e-08))
    weights_sum = jnp.sum(raw_weights, axis=1, keepdims=True) + 1e-08
    weights = raw_weights / weights_sum
    return jnp.squeeze(weights, axis=-1)  # [M, k]

if __name__ == "__main__":
    import jax
    _d = setup_inputs()
    print(jax.jit(kernel)(*tuple(_d.values())))

</pallas_src>

<mosaic_0001>
#map = affine_map<(d0, d1) -> (0, 0)>
#map1 = affine_map<(d0, d1) -> (0)>
module attributes {stable_mosaic.version = 14 : i64} {
  func.func @sc_kernel(%arg0: i32, %arg1: i32, %arg2: memref<3x1000000xf32, #tpu.memory_space<hbm>>, %arg3: memref<16x1000000xi32, #tpu.memory_space<hbm>>, %arg4: memref<3x128xf32, #tpu.memory_space<hbm>>, %arg5: memref<16x128xi32, #tpu.memory_space<hbm>>, %arg6: memref<60000xf32, #tpu.memory_space<hbm>>, %arg7: memref<20000xf32, #tpu.memory_space<hbm>>, %arg8: memref<16x1000000xf32, #tpu.memory_space<hbm>>, %arg9: memref<16x128xf32, #tpu.memory_space<hbm>>, %arg10: memref<60000xf32, #tpu.memory_space<vmem>>, %arg11: memref<20000xf32, #tpu.memory_space<vmem>>, %arg12: memref<16x512xi32, #tpu.memory_space<vmem>>, %arg13: memref<16x512xi32, #tpu.memory_space<vmem>>, %arg14: memref<3x512xf32, #tpu.memory_space<vmem>>, %arg15: memref<3x512xf32, #tpu.memory_space<vmem>>, %arg16: memref<16x512xf32, #tpu.memory_space<vmem>>, %arg17: memref<16x512xf32, #tpu.memory_space<vmem>>, %arg18: memref<!tpu.dma_semaphore, #tpu.memory_space<semaphore_mem>>, %arg19: memref<!tpu.dma_semaphore, #tpu.memory_space<semaphore_mem>>, %arg20: memref<!tpu.dma_semaphore, #tpu.memory_space<semaphore_mem>>, %arg21: memref<!tpu.dma_semaphore, #tpu.memory_space<semaphore_mem>>, %arg22: memref<!tpu.dma_semaphore, #tpu.memory_space<semaphore_mem>>, %arg23: memref<!tpu.dma_semaphore, #tpu.memory_space<semaphore_mem>>) attributes {dimension_semantics = [#tpu.dimension_semantics<core_parallel>, #tpu.dimension_semantics<subcore_parallel>], iteration_bounds = array<i64: 2, 16>, scalar_prefetch = 0 : i64, scratch_operands = 14 : i64, tpu.core_type = #tpu.core_type<sc_vector_subcore>, window_params = [{transform_indices = #map}, {transform_indices = #map}, {transform_indices = #map}, {transform_indices = #map}, {transform_indices = #map1}, {transform_indices = #map1}, {transform_indices = #map}, {transform_indices = #map}]} {
    %mul3A = arith.constant 2 : i32
    %mul3A_0 = arith.muli %arg1, %mul3A : i32
    %add3A = arith.addi %mul3A_0, %arg0 : i32
    tpu.enqueue_dma source(%arg6 : memref<60000xf32, #tpu.memory_space<hbm>>) target(%arg10 : memref<60000xf32, #tpu.memory_space<vmem>>) target_semaphore(%arg22 : memref<!tpu.dma_semaphore, #tpu.memory_space<semaphore_mem>>)
    tpu.enqueue_dma source(%arg7 : memref<20000xf32, #tpu.memory_space<hbm>>) target(%arg11 : memref<20000xf32, #tpu.memory_space<vmem>>) target_semaphore(%arg23 : memref<!tpu.dma_semaphore, #tpu.memory_space<semaphore_mem>>)
    %mul3A_1 = arith.constant 512 : i32
    %mul3A_2 = arith.muli %add3A, %mul3A_1 : i32
    %dma_start3A = arith.constant 0 : i32
    %dma_start3A_3 = tpu.memref_slice %arg3[%dma_start3A, %mul3A_2] : memref<16x1000000xi32, #tpu.memory_space<hbm>> -> memref<16x512xi32, #tpu.memory_space<hbm>>
    %dma_start3A_4 = arith.constant 0 : i32
    %dma_start3A_5 = tpu.memref_slice %arg3[%dma_start3A_4, %mul3A_2] : memref<16x1000000xi32, #tpu.memory_space<hbm>> -> memref<16x512xi32, #tpu.memory_space<hbm>>
    tpu.enqueue_dma source(%dma_start3A_5 : memref<16x512xi32, #tpu.memory_space<hbm>>) target(%arg12 : memref<16x512xi32, #tpu.memory_space<vmem>>) target_semaphore(%arg18 : memref<!tpu.dma_semaphore, #tpu.memory_space<semaphore_mem>>)
    %dma_start3A_6 = arith.constant 0 : i32
    %dma_start3A_7 = tpu.memref_slice %arg2[%dma_start3A_6, %mul3A_2] : memref<3x1000000xf32, #tpu.memory_space<hbm>> -> memref<3x512xf32, #tpu.memory_space<hbm>>
    %dma_start3A_8 = arith.constant 0 : i32
    %dma_start3A_9 = tpu.memref_slice %arg2[%dma_start3A_8, %mul3A_2] : memref<3x1000000xf32, #tpu.memory_space<hbm>> -> memref<3x512xf32, #tpu.memory_space<hbm>>
    tpu.enqueue_dma source(%dma_start3A_9 : memref<3x512xf32, #tpu.memory_space<hbm>>) target(%arg14 : memref<3x512xf32, #tpu.memory_space<vmem>>) target_semaphore(%arg20 : memref<!tpu.dma_semaphore, #tpu.memory_space<semaphore_mem>>)
    tpu.wait_dma2 semaphore(%arg22 : memref<!tpu.dma_semaphore, #tpu.memory_space<semaphore_mem>>) src(%arg6 : memref<60000xf32, #tpu.memory_space<hbm>>) dst(%arg10 : memref<60000xf32, #tpu.memory_space<vmem>>)
    tpu.wait_dma2 semaphore(%arg23 : memref<!tpu.dma_semaphore, #tpu.memory_space<semaphore_mem>>) src(%arg7 : memref<20000xf32, #tpu.memory_space<hbm>>) dst(%arg11 : memref<20000xf32, #tpu.memory_space<vmem>>)
    %scan3A = arith.constant 0 : i32
    %scan3A_10 = arith.constant 31 : i32
    %scan3A_11 = arith.addi %scan3A, %scan3A_10 : i32
    %scan3A_12 = arith.constant 1 : i32
    scf.for %scan3A_47 = %scan3A to %scan3A_11 step %scan3A_12  : i32 {
      %mul3A_48 = arith.constant 1 : i32
      %mul3A_49 = arith.muli %scan3A_47, %mul3A_48 : i32
      %add3A_50 = arith.constant 0 : i32
      %add3A_51 = arith.addi %add3A_50, %mul3A_49 : i32
      %mul3A_52 = arith.constant 2 : i32
      %mul3A_53 = arith.muli %add3A_51, %mul3A_52 : i32
      %add3A_54 = arith.constant 0 : i32
      %add3A_55 = arith.addi %mul3A_53, %add3A_54 : i32
      %mul3A_56 = arith.constant 32 : i32
      %mul3A_57 = arith.muli %add3A_55, %mul3A_56 : i32
      %add3A_58 = arith.addi %add3A, %mul3A_57 : i32
      %lt3A = arith.constant 1953 : i32
      %lt3A_59 = arith.cmpi slt, %add3A_58, %lt3A : i32
      %convert_element_type3A_60 = arith.extui %lt3A_59 : i1 to i32
      %cond3A_61 = arith.constant 0 : i32
      %cond3A_62 = arith.cmpi ne, %convert_element_type3A_60, %cond3A_61 : i32
      scf.if %cond3A_62 {
        %add3A_73 = arith.constant 32 : i32
        %add3A_74 = arith.addi %add3A_58, %add3A_73 : i32
        %lt3A_75 = arith.constant 1953 : i32
        %lt3A_76 = arith.cmpi slt, %add3A_74, %lt3A_75 : i32
        %convert_element_type3A_77 = arith.extui %lt3A_76 : i1 to i32
        %cond3A_78 = arith.constant 0 : i32
        %cond3A_79 = arith.cmpi ne, %convert_element_type3A_77, %cond3A_78 : i32
        scf.if %cond3A_79 {
          %mul3A_104 = arith.constant 512 : i32
          %mul3A_105 = arith.muli %add3A_74, %mul3A_104 : i32
          %dma_start3A_106 = arith.constant 0 : i32
          %dma_start3A_107 = tpu.memref_slice %arg3[%dma_start3A_106, %mul3A_105] : memref<16x1000000xi32, #tpu.memory_space<hbm>> -> memref<16x512xi32, #tpu.memory_space<hbm>>
          %dma_start3A_108 = arith.constant 0 : i32
          %dma_start3A_109 = tpu.memref_slice %arg3[%dma_start3A_108, %mul3A_105] : memref<16x1000000xi32, #tpu.memory_space<hbm>> -> memref<16x512xi32, #tpu.memory_space<hbm>>
          tpu.enqueue_dma source(%dma_start3A_109 : memref<16x512xi32, #tpu.memory_space<hbm>>) target(%arg13 : memref<16x512xi32, #tpu.memory_space<vmem>>) target_semaphore(%arg19 : memref<!tpu.dma_semaphore, #tpu.memory_space<semaphore_mem>>)
          %dma_start3A_110 = arith.constant 0 : i32
          %dma_start3A_111 = tpu.memref_slice %arg2[%dma_start3A_110, %mul3A_105] : memref<3x1000000xf32, #tpu.memory_space<hbm>> -> memref<3x512xf32, #tpu.memory_space<hbm>>
          %dma_start3A_112 = arith.constant 0 : i32
          %dma_start3A_113 = tpu.memref_slice %arg2[%dma_start3A_112, %mul3A_105] : memref<3x1000000xf32, #tpu.memory_space<hbm>> -> memref<3x512xf32, #tpu.memory_space<hbm>>
          tpu.enqueue_dma source(%dma_start3A_113 : memref<3x512xf32, #tpu.memory_space<hbm>>) target(%arg15 : memref<3x512xf32, #tpu.memory_space<vmem>>) target_semaphore(%arg21 : memref<!tpu.dma_semaphore, #tpu.memory_space<semaphore_mem>>)
        } else {
        }
        %dma_wait3A = arith.constant 0 : i32
        %dma_wait3A_80 = arith.constant 0 : i32
        %dma_wait3A_81 = tpu.memref_slice %arg3[%dma_wait3A, %dma_wait3A_80] : memref<16x1000000xi32, #tpu.memory_space<hbm>> -> memref<16x512xi32, #tpu.memory_space<hbm>>
        %dma_wait3A_82 = arith.constant 0 : i32
        %dma_wait3A_83 = arith.constant 0 : i32
        %dma_wait3A_84 = tpu.memref_slice %arg3[%dma_wait3A_82, %dma_wait3A_83] : memref<16x1000000xi32, #tpu.memory_space<hbm>> -> memref<16x512xi32, #tpu.memory_space<hbm>>
        tpu.wait_dma2 semaphore(%arg18 : memref<!tpu.dma_semaphore, #tpu.memory_space<semaphore_mem>>) src(%dma_wait3A_84 : memref<16x512xi32, #tpu.memory_space<hbm>>) dst(%arg12 : memref<16x512xi32, #tpu.memory_space<vmem>>)
        %dma_wait3A_85 = arith.constant 0 : i32
        %dma_wait3A_86 = arith.constant 0 : i32
        %dma_wait3A_87 = tpu.memref_slice %arg2[%dma_wait3A_85, %dma_wait3A_86] : memref<3x1000000xf32, #tpu.memory_space<hbm>> -> memref<3x512xf32, #tpu.memory_space<hbm>>
        %dma_wait3A_88 = arith.constant 0 : i32
        %dma_wait3A_89 = arith.constant 0 : i32
        %dma_wait3A_90 = tpu.memref_slice %arg2[%dma_wait3A_88, %dma_wait3A_89] : memref<3x1000000xf32, #tpu.memory_space<hbm>> -> memref<3x512xf32, #tpu.memory_space<hbm>>
        tpu.wait_dma2 semaphore(%arg20 : memref<!tpu.dma_semaphore, #tpu.memory_space<semaphore_mem>>) src(%dma_wait3A_90 : memref<3x512xf32, #tpu.memory_space<hbm>>) dst(%arg14 : memref<3x512xf32, #tpu.memory_space<vmem>>)
        %ge3A_91 = arith.constant 2 : i32
        %ge3A_92 = arith.cmpi sge, %add3A_55, %ge3A_91 : i32
        %convert_element_type3A_93 = arith.extui %ge3A_92 : i1 to i32
        %cond3A_94 = arith.constant 0 : i32
        %cond3A_95 = arith.cmpi ne, %convert_element_type3A_93, %cond3A_94 : i32
        scf.if %cond3A_95 {
          %dma_wait3A_104 = arith.constant 0 : i32
          %dma_wait3A_105 = arith.constant 0 : i32
          %dma_wait3A_106 = tpu.memref_slice %arg8[%dma_wait3A_104, %dma_wait3A_105] : memref<16x1000000xf32, #tpu.memory_space<hbm>> -> memref<16x512xf32, #tpu.memory_space<hbm>>
          %dma_wait3A_107 = arith.constant 0 : i32
          %dma_wait3A_108 = arith.constant 0 : i32
          %dma_wait3A_109 = tpu.memref_slice %arg8[%dma_wait3A_107, %dma_wait3A_108] : memref<16x1000000xf32, #tpu.memory_space<hbm>> -> memref<16x512xf32, #tpu.memory_space<hbm>>
          tpu.wait_dma2 semaphore(%arg22 : memref<!tpu.dma_semaphore, #tpu.memory_space<semaphore_mem>>) src(%arg16 : memref<16x512xf32, #tpu.memory_space<vmem>>) dst(%dma_wait3A_109 : memref<16x512xf32, #tpu.memory_space<hbm>>)
        } else {
        }
        %parallel_loop3A = arith.constant 0 : i32
        %parallel_loop3A_96 = arith.constant 32 : i32
        %parallel_loop3A_97 = arith.constant 1 : i32
        scf.for %parallel_loop3A_104 = %parallel_loop3A to %parallel_loop3A_96 step %parallel_loop3A_97  : i32 {
          %parallel_loop3A_105 = tpu.iota {dimensions = array<i32: 0>} : vector<16xi32>
          %parallel_loop3A_106 = arith.constant 16 : i32
          %parallel_loop3A_107 = arith.muli %parallel_loop3A_104, %parallel_loop3A_106 : i32
          %parallel_loop3A_108 = vector.broadcast %parallel_loop3A_107 : i32 to vector<16xi32>
          %parallel_loop3A_109 = arith.addi %parallel_loop3A_105, %parallel_loop3A_108 : vector<16xi32>
          %parallel_loop3A_110 = arith.constant 0 : i32
          %parallel_loop3A_111 = vector.broadcast %parallel_loop3A_110 : i32 to vector<16xi32>
          %parallel_loop3A_112 = tpu.vector_load_idx %arg14[%parallel_loop3A_111, %parallel_loop3A_109] : memref<3x512xf32, #tpu.memory_space<vmem>>[vector<16xi32>, vector<16xi32>], vector<16xf32>,
          %parallel_loop3A_113 = arith.constant 1 : i32
          %parallel_loop3A_114 = vector.broadcast %parallel_loop3A_113 : i32 to vector<16xi32>
          %parallel_loop3A_115 = tpu.vector_load_idx %arg14[%parallel_loop3A_114, %parallel_loop3A_109] : memref<3x512xf32, #tpu.memory_space<vmem>>[vector<16xi32>, vector<16xi32>], vector<16xf32>,
          %parallel_loop3A_116 = arith.constant 2 : i32
          %parallel_loop3A_117 = vector.broadcast %parallel_loop3A_116 : i32 to vector<16xi32>
          %parallel_loop3A_118 = tpu.vector_load_idx %arg14[%parallel_loop3A_117, %parallel_loop3A_109] : memref<3x512xf32, #tpu.memory_space<vmem>>[vector<16xi32>, vector<16xi32>], vector<16xf32>,
          %parallel_loop3A_119 = arith.constant 9.99999993E-9 : f32
          %parallel_loop3A_120 = vector.broadcast %parallel_loop3A_119 : f32 to vector<16xf32>
          %parallel_loop3A_121 = arith.constant 0 : i32
          %parallel_loop3A_122 = vector.broadcast %parallel_loop3A_121 : i32 to vector<16xi32>
          %parallel_loop3A_123 = tpu.vector_load_idx %arg12[%parallel_loop3A_122, %parallel_loop3A_109] : memref<16x512xi32, #tpu.memory_space<vmem>>[vector<16xi32>, vector<16xi32>], vector<16xi32>,
          %parallel_loop3A_124 = arith.constant 3 : i32
          %parallel_loop3A_125 = vector.broadcast %parallel_loop3A_124 : i32 to vector<16xi32>
          %parallel_loop3A_126 = arith.muli %parallel_loop3A_123, %parallel_loop3A_125 : vector<16xi32>
          %parallel_loop3A_127 = tpu.vector_load_idx %arg10[%parallel_loop3A_126] : memref<60000xf32, #tpu.memory_space<vmem>>[vector<16xi32>], vector<16xf32>,
          %parallel_loop3A_128 = arith.constant 1 : i32
          %parallel_loop3A_129 = vector.broadcast %parallel_loop3A_128 : i32 to vector<16xi32>
          %parallel_loop3A_130 = arith.addi %parallel_loop3A_126, %parallel_loop3A_129 : vector<16xi32>
          %parallel_loop3A_131 = tpu.vector_load_idx %arg10[%parallel_loop3A_130] : memref<60000xf32, #tpu.memory_space<vmem>>[vector<16xi32>], vector<16xf32>,
          %parallel_loop3A_132 = arith.constant 2 : i32
          %parallel_loop3A_133 = vector.broadcast %parallel_loop3A_132 : i32 to vector<16xi32>
          %parallel_loop3A_134 = arith.addi %parallel_loop3A_126, %parallel_loop3A_133 : vector<16xi32>
          %parallel_loop3A_135 = tpu.vector_load_idx %arg10[%parallel_loop3A_134] : memref<60000xf32, #tpu.memory_space<vmem>>[vector<16xi32>], vector<16xf32>,
          %parallel_loop3A_136 = tpu.vector_load_idx %arg11[%parallel_loop3A_123] : memref<20000xf32, #tpu.memory_space<vmem>>[vector<16xi32>], vector<16xf32>,
          %parallel_loop3A_137 = arith.subf %parallel_loop3A_127, %parallel_loop3A_112 : vector<16xf32>
          %parallel_loop3A_138 = arith.subf %parallel_loop3A_131, %parallel_loop3A_115 : vector<16xf32>
          %parallel_loop3A_139 = arith.subf %parallel_loop3A_135, %parallel_loop3A_118 : vector<16xf32>
          %parallel_loop3A_140 = arith.mulf %parallel_loop3A_137, %parallel_loop3A_137 : vector<16xf32>
          %parallel_loop3A_141 = arith.mulf %parallel_loop3A_138, %parallel_loop3A_138 : vector<16xf32>
          %parallel_loop3A_142 = arith.addf %parallel_loop3A_140, %parallel_loop3A_141 : vector<16xf32>
          %parallel_loop3A_143 = arith.mulf %parallel_loop3A_139, %parallel_loop3A_139 : vector<16xf32>
          %parallel_loop3A_144 = arith.addf %parallel_loop3A_142, %parallel_loop3A_143 : vector<16xf32>
          %parallel_loop3A_145 = arith.mulf %parallel_loop3A_144, %parallel_loop3A_136 : vector<16xf32>
          %parallel_loop3A_146 = math.exp %parallel_loop3A_145 : vector<16xf32>
          %parallel_loop3A_147 = arith.addf %parallel_loop3A_120, %parallel_loop3A_146 : vector<16xf32>
          %parallel_loop3A_148 = arith.constant 1 : i32
          %parallel_loop3A_149 = vector.broadcast %parallel_loop3A_148 : i32 to vector<16xi32>
          %parallel_loop3A_150 = tpu.vector_load_idx %arg12[%parallel_loop3A_149, %parallel_loop3A_109] : memref<16x512xi32, #tpu.memory_space<vmem>>[vector<16xi32>, vector<16xi32>], vector<16xi32>,
          %parallel_loop3A_151 = arith.constant 3 : i32
          %parallel_loop3A_152 = vector.broadcast %parallel_loop3A_151 : i32 to vector<16xi32>
          %parallel_loop3A_153 = arith.muli %parallel_loop3A_150, %parallel_loop3A_152 : vector<16xi32>
          %parallel_loop3A_154 = tpu.vector_load_idx %arg10[%parallel_loop3A_153] : memref<60000xf32, #tpu.memory_space<vmem>>[vector<16xi32>], vector<16xf32>,
          %parallel_loop3A_155 = arith.constant 1 : i32
          %parallel_loop3A_156 = vector.broadcast %parallel_loop3A_155 : i32 to vector<16xi32>
          %parallel_loop3A_157 = arith.addi %parallel_loop3A_153, %parallel_loop3A_156 : vector<16xi32>
          %parallel_loop3A_158 = tpu.vector_load_idx %arg10[%parallel_loop3A_157] : memref<60000xf32, #tpu.memory_space<vmem>>[vector<16xi32>], vector<16xf32>,
          %parallel_loop3A_159 = arith.constant 2 : i32
          %parallel_loop3A_160 = vector.broadcast %parallel_loop3A_159 : i32 to vector<16xi32>
          %parallel_loop3A_161 = arith.addi %parallel_loop3A_153, %parallel_loop3A_160 : vector<16xi32>
          %parallel_loop3A_162 = tpu.vector_load_idx %arg10[%parallel_loop3A_161] : memref<60000xf32, #tpu.memory_space<vmem>>[vector<16xi32>], vector<16xf32>,
          %parallel_loop3A_163 = tpu.vector_load_idx %arg11[%parallel_loop3A_150] : memref<20000xf32, #tpu.memory_space<vmem>>[vector<16xi32>], vector<16xf32>,
          %parallel_loop3A_164 = arith.subf %parallel_loop3A_154, %parallel_loop3A_112 : vector<16xf32>
          %parallel_loop3A_165 = arith.subf %parallel_loop3A_158, %parallel_loop3A_115 : vector<16xf32>
          %parallel_loop3A_166 = arith.subf %parallel_loop3A_162, %parallel_loop3A_118 : vector<16xf32>
          %parallel_loop3A_167 = arith.mulf %parallel_loop3A_164, %parallel_loop3A_164 : vector<16xf32>
          %parallel_loop3A_168 = arith.mulf %parallel_loop3A_165, %parallel_loop3A_165 : vector<16xf32>
          %parallel_loop3A_169 = arith.addf %parallel_loop3A_167, %parallel_loop3A_168 : vector<16xf32>
          %parallel_loop3A_170 = arith.mulf %parallel_loop3A_166, %parallel_loop3A_166 : vector<16xf32>
          %parallel_loop3A_171 = arith.addf %parallel_loop3A_169, %parallel_loop3A_170 : vector<16xf32>
          %parallel_loop3A_172 = arith.mulf %parallel_loop3A_171, %parallel_loop3A_163 : vector<16xf32>
          %parallel_loop3A_173 = math.exp %parallel_loop3A_172 : vector<16xf32>
          %parallel_loop3A_174 = arith.addf %parallel_loop3A_147, %parallel_loop3A_173 : vector<16xf32>
          %parallel_loop3A_175 = arith.constant 2 : i32
          %parallel_loop3A_176 = vector.broadcast %parallel_loop3A_175 : i32 to vector<16xi32>
          %parallel_loop3A_177 = tpu.vector_load_idx %arg12[%parallel_loop3A_176, %parallel_loop3A_109] : memref<16x512xi32, #tpu.memory_space<vmem>>[vector<16xi32>, vector<16xi32>], vector<16xi32>,
          %parallel_loop3A_178 = arith.constant 3 : i32
          %parallel_loop3A_179 = vector.broadcast %parallel_loop3A_178 : i32 to vector<16xi32>
          %parallel_loop3A_180 = arith.muli %parallel_loop3A_177, %parallel_loop3A_179 : vector<16xi32>
          %parallel_loop3A_181 = tpu.vector_load_idx %arg10[%parallel_loop3A_180] : memref<60000xf32, #tpu.memory_space<vmem>>[vector<16xi32>], vector<16xf32>,
          %parallel_loop3A_182 = arith.constant 1 : i32
          %parallel_loop3A_183 = vector.broadcast %parallel_loop3A_182 : i32 to vector<16xi32>
          %parallel_loop3A_184 = arith.addi %parallel_loop3A_180, %parallel_loop3A_183 : vector<16xi32>
          %parallel_loop3A_185 = tpu.vector_load_idx %arg10[%parallel_loop3A_184] : memref<60000xf32, #tpu.memory_space<vmem>>[vector<16xi32>], vector<16xf32>,
          %parallel_loop3A_186 = arith.constant 2 : i32
          %parallel_loop3A_187 = vector.broadcast %parallel_loop3A_186 : i32 to vector<16xi32>
          %parallel_loop3A_188 = arith.addi %parallel_loop3A_180, %parallel_loop3A_187 : vector<16xi32>
          %parallel_loop3A_189 = tpu.vector_load_idx %arg10[%parallel_loop3A_188] : memref<60000xf32, #tpu.memory_space<vmem>>[vector<16xi32>], vector<16xf32>,
          %parallel_loop3A_190 = tpu.vector_load_idx %arg11[%parallel_loop3A_177] : memref<20000xf32, #tpu.memory_space<vmem>>[vector<16xi32>], vector<16xf32>,
          %parallel_loop3A_191 = arith.subf %parallel_loop3A_181, %parallel_loop3A_112 : vector<16xf32>
          %parallel_loop3A_192 = arith.subf %parallel_loop3A_185, %parallel_loop3A_115 : vector<16xf32>
          %parallel_loop3A_193 = arith.subf %parallel_loop3A_189, %parallel_loop3A_118 : vector<16xf32>
          %parallel_loop3A_194 = arith.mulf %parallel_loop3A_191, %parallel_loop3A_191 : vector<16xf32>
          %parallel_loop3A_195 = arith.mulf %parallel_loop3A_192, %parallel_loop3A_192 : vector<16xf32>
          %parallel_loop3A_196 = arith.addf %parallel_loop3A_194, %parallel_loop3A_195 : vector<16xf32>
          %parallel_loop3A_197 = arith.mulf %parallel_loop3A_193, %parallel_loop3A_193 : vector<16xf32>
          %parallel_loop3A_198 = arith.addf %parallel_loop3A_196, %parallel_loop3A_197 : vector<16xf32>
          %parallel_loop3A_199 = arith.mulf %parallel_loop3A_198, %parallel_loop3A_190 : vector<16xf32>
          %parallel_loop3A_200 = math.exp %parallel_loop3A_199 : vector<16xf32>
          %parallel_loop3A_201 = arith.addf %parallel_loop3A_174, %parallel_loop3A_200 : vector<16xf32>
          %parallel_loop3A_202 = arith.constant 3 : i32
          %parallel_loop3A_203 = vector.broadcast %parallel_loop3A_202 : i32 to vector<16xi32>
          %parallel_loop3A_204 = tpu.vector_load_idx %arg12[%parallel_loop3A_203, %parallel_loop3A_109] : memref<16x512xi32, #tpu.memory_space<vmem>>[vector<16xi32>, vector<16xi32>], vector<16xi32>,
          %parallel_loop3A_205 = arith.constant 3 : i32
          %parallel_loop3A_206 = vector.broadcast %parallel_loop3A_205 : i32 to vector<16xi32>
          %parallel_loop3A_207 = arith.muli %parallel_loop3A_204, %parallel_loop3A_206 : vector<16xi32>
          %parallel_loop3A_208 = tpu.vector_load_idx %arg10[%parallel_loop3A_207] : memref<60000xf32, #tpu.memory_space<vmem>>[vector<16xi32>], vector<16xf32>,
          %parallel_loop3A_209 = arith.constant 1 : i32
          %parallel_loop3A_210 = vector.broadcast %parallel_loop3A_209 : i32 to vector<16xi32>
          %parallel_loop3A_211 = arith.addi %parallel_loop3A_207, %parallel_loop3A_210 : vector<16xi32>
          %parallel_loop3A_212 = tpu.vector_load_idx %arg10[%parallel_loop3A_211] : memref<60000xf32, #tpu.memory_space<vmem>>[vector<16xi32>], vector<16xf32>,
          %parallel_loop3A_213 = arith.constant 2 : i32
          %parallel_loop3A_214 = vector.broadcast %parallel_loop3A_213 : i32 to vector<16xi32>
          %parallel_loop3A_215 = arith.addi %parallel_loop3A_207, %parallel_loop3A_214 : vector<16xi32>
          %parallel_loop3A_216 = tpu.vector_load_idx %arg10[%parallel_loop3A_215] : memref<60000xf32, #tpu.memory_space<vmem>>[vector<16xi32>], vector<16xf32>,
          %parallel_loop3A_217 = tpu.vector_load_idx %arg11[%parallel_loop3A_204] : memref<20000xf32, #tpu.memory_space<vmem>>[vector<16xi32>], vector<16xf32>,
          %parallel_loop3A_218 = arith.subf %parallel_loop3A_208, %parallel_loop3A_112 : vector<16xf32>
          %parallel_loop3A_219 = arith.subf %parallel_loop3A_212, %parallel_loop3A_115 : vector<16xf32>
          %parallel_loop3A_220 = arith.subf %parallel_loop3A_216, %parallel_loop3A_118 : vector<16xf32>
          %parallel_loop3A_221 = arith.mulf %parallel_loop3A_218, %parallel_loop3A_218 : vector<16xf32>
          %parallel_loop3A_222 = arith.mulf %parallel_loop3A_219, %parallel_loop3A_219 : vector<16xf32>
          %parallel_loop3A_223 = arith.addf %parallel_loop3A_221, %parallel_loop3A_222 : vector<16xf32>
          %parallel_loop3A_224 = arith.mulf %parallel_loop3A_220, %parallel_loop3A_220 : vector<16xf32>
          %parallel_loop3A_225 = arith.addf %parallel_loop3A_223, %parallel_loop3A_224 : vector<16xf32>
          %parallel_loop3A_226 = arith.mulf %parallel_loop3A_225, %parallel_loop3A_217 : vector<16xf32>
          %parallel_loop3A_227 = math.exp %parallel_loop3A_226 : vector<16xf32>
          %parallel_loop3A_228 = arith.addf %parallel_loop3A_201, %parallel_loop3A_227 : vector<16xf32>
          %parallel_loop3A_229 = arith.constant 4 : i32
          %parallel_loop3A_230 = vector.broadcast %parallel_loop3A_229 : i32 to vector<16xi32>
          %parallel_loop3A_231 = tpu.vector_load_idx %arg12[%parallel_loop3A_230, %parallel_loop3A_109] : memref<16x512xi32, #tpu.memory_space<vmem>>[vector<16xi32>, vector<16xi32>], vector<16xi32>,
          %parallel_loop3A_232 = arith.constant 3 : i32
          %parallel_loop3A_233 = vector.broadcast %parallel_loop3A_232 : i32 to vector<16xi32>
          %parallel_loop3A_234 = arith.muli %parallel_loop3A_231, %parallel_loop3A_233 : vector<16xi32>
          %parallel_loop3A_235 = tpu.vector_load_idx %arg10[%parallel_loop3A_234] : memref<60000xf32, #tpu.memory_space<vmem>>[vector<16xi32>], vector<16xf32>,
          %parallel_loop3A_236 = arith.constant 1 : i32
          %parallel_loop3A_237 = vector.broadcast %parallel_loop3A_236 : i32 to vector<16xi32>
          %parallel_loop3A_238 = arith.addi %parallel_loop3A_234, %parallel_loop3A_237 : vector<16xi32>
          %parallel_loop3A_239 = tpu.vector_load_idx %arg10[%parallel_loop3A_238] : memref<60000xf32, #tpu.memory_space<vmem>>[vector<16xi32>], vector<16xf32>,
          %parallel_loop3A_240 = arith.constant 2 : i32
          %parallel_loop3A_241 = vector.broadcast %parallel_loop3A_240 : i32 to vector<16xi32>
          %parallel_loop3A_242 = arith.addi %parallel_loop3A_234, %parallel_loop3A_241 : vector<16xi32>
          %parallel_loop3A_243 = tpu.vector_load_idx %arg10[%parallel_loop3A_242] : memref<60000xf32, #tpu.memory_space<vmem>>[vector<16xi32>], vector<16xf32>,
          %parallel_loop3A_244 = tpu.vector_load_idx %arg11[%parallel_loop3A_231] : memref<20000xf32, #tpu.memory_space<vmem>>[vector<16xi32>], vector<16xf32>,
          %parallel_loop3A_245 = arith.subf %parallel_loop3A_235, %parallel_loop3A_112 : vector<16xf32>
          %parallel_loop3A_246 = arith.subf %parallel_loop3A_239, %parallel_loop3A_115 : vector<16xf32>
          %parallel_loop3A_247 = arith.subf %parallel_loop3A_243, %parallel_loop3A_118 : vector<16xf32>
          %parallel_loop3A_248 = arith.mulf %parallel_loop3A_245, %parallel_loop3A_245 : vector<16xf32>
          %parallel_loop3A_249 = arith.mulf %parallel_loop3A_246, %parallel_loop3A_246 : vector<16xf32>
          %parallel_loop3A_250 = arith.addf %parallel_loop3A_248, %parallel_loop3A_249 : vector<16xf32>
          %parallel_loop3A_251 = arith.mulf %parallel_loop3A_247, %parallel_loop3A_247 : vector<16xf32>
          %parallel_loop3A_252 = arith.addf %parallel_loop3A_250, %parallel_loop3A_251 : vector<16xf32>
          %parallel_loop3A_253 = arith.mulf %parallel_loop3A_252, %parallel_loop3A_244 : vector<16xf32>
          %parallel_loop3A_254 = math.exp %parallel_loop3A_253 : vector<16xf32>
          %parallel_loop3A_255 = arith.addf %parallel_loop3A_228, %parallel_loop3A_254 : vector<16xf32>
          %parallel_loop3A_256 = arith.constant 5 : i32
          %parallel_loop3A_257 = vector.broadcast %parallel_loop3A_256 : i32 to vector<16xi32>
          %parallel_loop3A_258 = tpu.vector_load_idx %arg12[%parallel_loop3A_257, %parallel_loop3A_109] : memref<16x512xi32, #tpu.memory_space<vmem>>[vector<16xi32>, vector<16xi32>], vector<16xi32>,
          %parallel_loop3A_259 = arith.constant 3 : i32
          %parallel_loop3A_260 = vector.broadcast %parallel_loop3A_259 : i32 to vector<16xi32>
          %parallel_loop3A_261 = arith.muli %parallel_loop3A_258, %parallel_loop3A_260 : vector<16xi32>
          %parallel_loop3A_262 = tpu.vector_load_idx %arg10[%parallel_loop3A_261] : memref<60000xf32, #tpu.memory_space<vmem>>[vector<16xi32>], vector<16xf32>,
          %parallel_loop3A_263 = arith.constant 1 : i32
          %parallel_loop3A_264 = vector.broadcast %parallel_loop3A_263 : i32 to vector<16xi32>
          %parallel_loop3A_265 = arith.addi %parallel_loop3A_261, %parallel_loop3A_264 : vector<16xi32>
          %parallel_loop3A_266 = tpu.vector_load_idx %arg10[%parallel_loop3A_265] : memref<60000xf32, #tpu.memory_space<vmem>>[vector<16xi32>], vector<16xf32>,
          %parallel_loop3A_267 = arith.constant 2 : i32
          %parallel_loop3A_268 = vector.broadcast %parallel_loop3A_267 : i32 to vector<16xi32>
          %parallel_loop3A_269 = arith.addi %parallel_loop3A_261, %parallel_loop3A_268 : vector<16xi32>
          %parallel_loop3A_270 = tpu.vector_load_idx %arg10[%parallel_loop3A_269] : memref<60000xf32, #tpu.memory_space<vmem>>[vector<16xi32>], vector<16xf32>,
          %parallel_loop3A_271 = tpu.vector_load_idx %arg11[%parallel_loop3A_258] : memref<20000xf32, #tpu.memory_space<vmem>>[vector<16xi32>], vector<16xf32>,
          %parallel_loop3A_272 = arith.subf %parallel_loop3A_262, %parallel_loop3A_112 : vector<16xf32>
          %parallel_loop3A_273 = arith.subf %parallel_loop3A_266, %parallel_loop3A_115 : vector<16xf32>
          %parallel_loop3A_274 = arith.subf %parallel_loop3A_270, %parallel_loop3A_118 : vector<16xf32>
          %parallel_loop3A_275 = arith.mulf %parallel_loop3A_272, %parallel_loop3A_272 : vector<16xf32>
          %parallel_loop3A_276 = arith.mulf %parallel_loop3A_273, %parallel_loop3A_273 : vector<16xf32>
          %parallel_loop3A_277 = arith.addf %parallel_loop3A_275, %parallel_loop3A_276 : vector<16xf32>
          %parallel_loop3A_278 = arith.mulf %parallel_loop3A_274, %parallel_loop3A_274 : vector<16xf32>
          %parallel_loop3A_279 = arith.addf %parallel_loop3A_277, %parallel_loop3A_278 : vector<16xf32>
          %parallel_loop3A_280 = arith.mulf %parallel_loop3A_279, %parallel_loop3A_271 : vector<16xf32>
          %parallel_loop3A_281 = math.exp %parallel_loop3A_280 : vector<16xf32>
          %parallel_loop3A_282 = arith.addf %parallel_loop3A_255, %parallel_loop3A_281 : vector<16xf32>
          %parallel_loop3A_283 = arith.constant 6 : i32
          %parallel_loop3A_284 = vector.broadcast %parallel_loop3A_283 : i32 to vector<16xi32>
          %parallel_loop3A_285 = tpu.vector_load_idx %arg12[%parallel_loop3A_284, %parallel_loop3A_109] : memref<16x512xi32, #tpu.memory_space<vmem>>[vector<16xi32>, vector<16xi32>], vector<16xi32>,
          %parallel_loop3A_286 = arith.constant 3 : i32
          %parallel_loop3A_287 = vector.broadcast %parallel_loop3A_286 : i32 to vector<16xi32>
          %parallel_loop3A_288 = arith.muli %parallel_loop3A_285, %parallel_loop3A_287 : vector<16xi32>
          %parallel_loop3A_289 = tpu.vector_load_idx %arg10[%parallel_loop3A_288] : memref<60000xf32, #tpu.memory_space<vmem>>[vector<16xi32>], vector<16xf32>,
          %parallel_loop3A_290 = arith.constant 1 : i32
          %parallel_loop3A_291 = vector.broadcast %parallel_loop3A_290 : i32 to vector<16xi32>
          %parallel_loop3A_292 = arith.addi %parallel_loop3A_288, %parallel_loop3A_291 : vector<16xi32>
          %parallel_loop3A_293 = tpu.vector_load_idx %arg10[%parallel_loop3A_292] : memref<60000xf32, #tpu.memory_space<vmem>>[vector<16xi32>], vector<16xf32>,
          %parallel_loop3A_294 = arith.constant 2 : i32
          %parallel_loop3A_295 = vector.broadcast %parallel_loop3A_294 : i32 to vector<16xi32>
          %parallel_loop3A_296 = arith.addi %parallel_loop3A_288, %parallel_loop3A_295 : vector<16xi32>
          %parallel_loop3A_297 = tpu.vector_load_idx %arg10[%parallel_loop3A_296] : memref<60000xf32, #tpu.memory_space<vmem>>[vector<16xi32>], vector<16xf32>,
          %parallel_loop3A_298 = tpu.vector_load_idx %arg11[%parallel_loop3A_285] : memref<20000xf32, #tpu.memory_space<vmem>>[vector<16xi32>], vector<16xf32>,
          %parallel_loop3A_299 = arith.subf %parallel_loop3A_289, %parallel_loop3A_112 : vector<16xf32>
          %parallel_loop3A_300 = arith.subf %parallel_loop3A_293, %parallel_loop3A_115 : vector<16xf32>
          %parallel_loop3A_301 = arith.subf %parallel_loop3A_297, %parallel_loop3A_118 : vector<16xf32>
          %parallel_loop3A_302 = arith.mulf %parallel_loop3A_299, %parallel_loop3A_299 : vector<16xf32>
          %parallel_loop3A_303 = arith.mulf %parallel_loop3A_300, %parallel_loop3A_300 : vector<16xf32>
          %parallel_loop3A_304 = arith.addf %parallel_loop3A_302, %parallel_loop3A_303 : vector<16xf32>
          %parallel_loop3A_305 = arith.mulf %parallel_loop3A_301, %parallel_loop3A_301 : vector<16xf32>
          %parallel_loop3A_306 = arith.addf %parallel_loop3A_304, %parallel_loop3A_305 : vector<16xf32>
          %parallel_loop3A_307 = arith.mulf %parallel_loop3A_306, %parallel_loop3A_298 : vector<16xf32>
          %parallel_loop3A_308 = math.exp %parallel_loop3A_307 : vector<16xf32>
          %parallel_loop3A_309 = arith.addf %parallel_loop3A_282, %parallel_loop3A_308 : vector<16xf32>
          %parallel_loop3A_310 = arith.constant 7 : i32
          %parallel_loop3A_311 = vector.broadcast %parallel_loop3A_310 : i32 to vector<16xi32>
          %parallel_loop3A_312 = tpu.vector_load_idx %arg12[%parallel_loop3A_311, %parallel_loop3A_109] : memref<16x512xi32, #tpu.memory_space<vmem>>[vector<16xi32>, vector<16xi32>], vector<16xi32>,
          %parallel_loop3A_313 = arith.constant 3 : i32
          %parallel_loop3A_314 = vector.broadcast %parallel_loop3A_313 : i32 to vector<16xi32>
          %parallel_loop3A_315 = arith.muli %parallel_loop3A_312, %parallel_loop3A_314 : vector<16xi32>
          %parallel_loop3A_316 = tpu.vector_load_idx %arg10[%parallel_loop3A_315] : memref<60000xf32, #tpu.memory_space<vmem>>[vector<16xi32>], vector<16xf32>,
          %parallel_loop3A_317 = arith.constant 1 : i32
          %parallel_loop3A_318 = vector.broadcast %parallel_loop3A_317 : i32 to vector<16xi32>
          %parallel_loop3A_319 = arith.addi %parallel_loop3A_315, %parallel_loop3A_318 : vector<16xi32>
          %parallel_loop3A_320 = tpu.vector_load_idx %arg10[%parallel_loop3A_319] : memref<60000xf32, #tpu.memory_space<vmem>>[vector<16xi32>], vector<16xf32>,
          %parallel_loop3A_321 = arith.constant 2 : i32
          %parallel_loop3A_322 = vector.broadcast %parallel_loop3A_321 : i32 to vector<16xi32>
          %parallel_loop3A_323 = arith.addi %parallel_loop3A_315, %parallel_loop3A_322 : vector<16xi32>
          %parallel_loop3A_324 = tpu.vector_load_idx %arg10[%parallel_loop3A_323] : memref<60000xf32, #tpu.memory_space<vmem>>[vector<16xi32>], vector<16xf32>,
          %parallel_loop3A_325 = tpu.vector_load_idx %arg11[%parallel_loop3A_312] : memref<20000xf32, #tpu.memory_space<vmem>>[vector<16xi32>], vector<16xf32>,
          %parallel_loop3A_326 = arith.subf %parallel_loop3A_316, %parallel_loop3A_112 : vector<16xf32>
          %parallel_loop3A_327 = arith.subf %parallel_loop3A_320, %parallel_loop3A_115 : vector<16xf32>
          %parallel_loop3A_328 = arith.subf %parallel_loop3A_324, %parallel_loop3A_118 : vector<16xf32>
          %parallel_loop3A_329 = arith.mulf %parallel_loop3A_326, %parallel_loop3A_326 : vector<16xf32>
          %parallel_loop3A_330 = arith.mulf %parallel_loop3A_327, %parallel_loop3A_327 : vector<16xf32>
          %parallel_loop3A_331 = arith.addf %parallel_loop3A_329, %parallel_loop3A_330 : vector<16xf32>
          %parallel_loop3A_332 = arith.mulf %parallel_loop3A_328, %parallel_loop3A_328 : vector<16xf32>
          %parallel_loop3A_333 = arith.addf %parallel_loop3A_331, %parallel_loop3A_332 : vector<16xf32>
          %parallel_loop3A_334 = arith.mulf %parallel_loop3A_333, %parallel_loop3A_325 : vector<16xf32>
          %parallel_loop3A_335 = math.exp %parallel_loop3A_334 : vector<16xf32>
          %parallel_loop3A_336 = arith.addf %parallel_loop3A_309, %parallel_loop3A_335 : vector<16xf32>
          %parallel_loop3A_337 = arith.constant 8 : i32
          %parallel_loop3A_338 = vector.broadcast %parallel_loop3A_337 : i32 to vector<16xi32>
          %parallel_loop3A_339 = tpu.vector_load_idx %arg12[%parallel_loop3A_338, %parallel_loop3A_109] : memref<16x512xi32, #tpu.memory_space<vmem>>[vector<16xi32>, vector<16xi32>], vector<16xi32>,
          %parallel_loop3A_340 = arith.constant 3 : i32
          %parallel_loop3A_341 = vector.broadcast %parallel_loop3A_340 : i32 to vector<16xi32>
          %parallel_loop3A_342 = arith.muli %parallel_loop3A_339, %parallel_loop3A_341 : vector<16xi32>
          %parallel_loop3A_343 = tpu.vector_load_idx %arg10[%parallel_loop3A_342] : memref<60000xf32, #tpu.memory_space<vmem>>[vector<16xi32>], vector<16xf32>,
          %parallel_loop3A_344 = arith.constant 1 : i32
          %parallel_loop3A_345 = vector.broadcast %parallel_loop3A_344 : i32 to vector<16xi32>
          %parallel_loop3A_346 = arith.addi %parallel_loop3A_342, %parallel_loop3A_345 : vector<16xi32>
          %parallel_loop3A_347 = tpu.vector_load_idx %arg10[%parallel_loop3A_346] : memref<60000xf32, #tpu.memory_space<vmem>>[vector<16xi32>], vector<16xf32>,
          %parallel_loop3A_348 = arith.constant 2 : i32
          %parallel_loop3A_349 = vector.broadcast %parallel_loop3A_348 : i32 to vector<16xi32>
          %parallel_loop3A_350 = arith.addi %parallel_loop3A_342, %parallel_loop3A_349 : vector<16xi32>
          %parallel_loop3A_351 = tpu.vector_load_idx %arg10[%parallel_loop3A_350] : memref<60000xf32, #tpu.memory_space<vmem>>[vector<16xi32>], vector<16xf32>,
          %parallel_loop3A_352 = tpu.vector_load_idx %arg11[%parallel_loop3A_339] : memref<20000xf32, #tpu.memory_space<vmem>>[vector<16xi32>], vector<16xf32>,
          %parallel_loop3A_353 = arith.subf %parallel_loop3A_343, %parallel_loop3A_112 : vector<16xf32>
          %parallel_loop3A_354 = arith.subf %parallel_loop3A_347, %parallel_loop3A_115 : vector<16xf32>
          %parallel_loop3A_355 = arith.subf %parallel_loop3A_351, %parallel_loop3A_118 : vector<16xf32>
          %parallel_loop3A_356 = arith.mulf %parallel_loop3A_353, %parallel_loop3A_353 : vector<16xf32>
          %parallel_loop3A_357 = arith.mulf %parallel_loop3A_354, %parallel_loop3A_354 : vector<16xf32>
          %parallel_loop3A_358 = arith.addf %parallel_loop3A_356, %parallel_loop3A_357 : vector<16xf32>
          %parallel_loop3A_359 = arith.mulf %parallel_loop3A_355, %parallel_loop3A_355 : vector<16xf32>
          %parallel_loop3A_360 = arith.addf %parallel_loop3A_358, %parallel_loop3A_359 : vector<16xf32>
          %parallel_loop3A_361 = arith.mulf %parallel_loop3A_360, %parallel_loop3A_352 : vector<16xf32>
          %parallel_loop3A_362 = math.exp %parallel_loop3A_361 : vector<16xf32>
          %parallel_loop3A_363 = arith.addf %parallel_loop3A_336, %parallel_loop3A_362 : vector<16xf32>
          %parallel_loop3A_364 = arith.constant 9 : i32
          %parallel_loop3A_365 = vector.broadcast %parallel_loop3A_364 : i32 to vector<16xi32>
          %parallel_loop3A_366 = tpu.vector_load_idx %arg12[%parallel_loop3A_365, %parallel_loop3A_109] : memref<16x512xi32, #tpu.memory_space<vmem>>[vector<16xi32>, vector<16xi32>], vector<16xi32>,
          %parallel_loop3A_367 = arith.constant 3 : i32
          %parallel_loop3A_368 = vector.broadcast %parallel_loop3A_367 : i32 to vector<16xi32>
          %parallel_loop3A_369 = arith.muli %parallel_loop3A_366, %parallel_loop3A_368 : vector<16xi32>
          %parallel_loop3A_370 = tpu.vector_load_idx %arg10[%parallel_loop3A_369] : memref<60000xf32, #tpu.memory_space<vmem>>[vector<16xi32>], vector<16xf32>,
          %parallel_loop3A_371 = arith.constant 1 : i32
          %parallel_loop3A_372 = vector.broadcast %parallel_loop3A_371 : i32 to vector<16xi32>
          %parallel_loop3A_373 = arith.addi %parallel_loop3A_369, %parallel_loop3A_372 : vector<16xi32>
          %parallel_loop3A_374 = tpu.vector_load_idx %arg10[%parallel_loop3A_373] : memref<60000xf32, #tpu.memory_space<vmem>>[vector<16xi32>], vector<16xf32>,
          %parallel_loop3A_375 = arith.constant 2 : i32
          %parallel_loop3A_376 = vector.broadcast %parallel_loop3A_375 : i32 to vector<16xi32>
          %parallel_loop3A_377 = arith.addi %parallel_loop3A_369, %parallel_loop3A_376 : vector<16xi32>
          %parallel_loop3A_378 = tpu.vector_load_idx %arg10[%parallel_loop3A_377] : memref<60000xf32, #tpu.memory_space<vmem>>[vector<16xi32>], vector<16xf32>,
          %parallel_loop3A_379 = tpu.vector_load_idx %arg11[%parallel_loop3A_366] : memref<20000xf32, #tpu.memory_space<vmem>>[vector<16xi32>], vector<16xf32>,
          %parallel_loop3A_380 = arith.subf %parallel_loop3A_370, %parallel_loop3A_112 : vector<16xf32>
          %parallel_loop3A_381 = arith.subf %parallel_loop3A_374, %parallel_loop3A_115 : vector<16xf32>
          %parallel_loop3A_382 = arith.subf %parallel_loop3A_378, %parallel_loop3A_118 : vector<16xf32>
          %parallel_loop3A_383 = arith.mulf %parallel_loop3A_380, %parallel_loop3A_380 : vector<16xf32>
          %parallel_loop3A_384 = arith.mulf %parallel_loop3A_381, %parallel_loop3A_381 : vector<16xf32>
          %parallel_loop3A_385 = arith.addf %parallel_loop3A_383, %parallel_loop3A_384 : vector<16xf32>
          %parallel_loop3A_386 = arith.mulf %parallel_loop3A_382, %parallel_loop3A_382 : vector<16xf32>
          %parallel_loop3A_387 = arith.addf %parallel_loop3A_385, %parallel_loop3A_386 : vector<16xf32>
          %parallel_loop3A_388 = arith.mulf %parallel_loop3A_387, %parallel_loop3A_379 : vector<16xf32>
          %parallel_loop3A_389 = math.exp %parallel_loop3A_388 : vector<16xf32>
          %parallel_loop3A_390 = arith.addf %parallel_loop3A_363, %parallel_loop3A_389 : vector<16xf32>
          %parallel_loop3A_391 = arith.constant 10 : i32
          %parallel_loop3A_392 = vector.broadcast %parallel_loop3A_391 : i32 to vector<16xi32>
          %parallel_loop3A_393 = tpu.vector_load_idx %arg12[%parallel_loop3A_392, %parallel_loop3A_109] : memref<16x512xi32, #tpu.memory_space<vmem>>[vector<16xi32>, vector<16xi32>], vector<16xi32>,
          %parallel_loop3A_394 = arith.constant 3 : i32
          %parallel_loop3A_395 = vector.broadcast %parallel_loop3A_394 : i32 to vector<16xi32>
          %parallel_loop3A_396 = arith.muli %parallel_loop3A_393, %parallel_loop3A_395 : vector<16xi32>
          %parallel_loop3A_397 = tpu.vector_load_idx %arg10[%parallel_loop3A_396] : memref<60000xf32, #tpu.memory_space<vmem>>[vector<16xi32>], vector<16xf32>,
          %parallel_loop3A_398 = arith.constant 1 : i32
          %parallel_loop3A_399 = vector.broadcast %parallel_loop3A_398 : i32 to vector<16xi32>
          %parallel_loop3A_400 = arith.addi %parallel_loop3A_396, %parallel_loop3A_399 : vector<16xi32>
          %parallel_loop3A_401 = tpu.vector_load_idx %arg10[%parallel_loop3A_400] : memref<60000xf32, #tpu.memory_space<vmem>>[vector<16xi32>], vector<16xf32>,
          %parallel_loop3A_402 = arith.constant 2 : i32
          %parallel_loop3A_403 = vector.broadcast %parallel_loop3A_402 : i32 to vector<16xi32>
          %parallel_loop3A_404 = arith.addi %parallel_loop3A_396, %parallel_loop3A_403 : vector<16xi32>
          %parallel_loop3A_405 = tpu.vector_load_idx %arg10[%parallel_loop3A_404] : memref<60000xf32, #tpu.memory_space<vmem>>[vector<16xi32>], vector<16xf32>,
          %parallel_loop3A_406 = tpu.vector_load_idx %arg11[%parallel_loop3A_393] : memref<20000xf32, #tpu.memory_space<vmem>>[vector<16xi32>], vector<16xf32>,
          %parallel_loop3A_407 = arith.subf %parallel_loop3A_397, %parallel_loop3A_112 : vector<16xf32>
          %parallel_loop3A_408 = arith.subf %parallel_loop3A_401, %parallel_loop3A_115 : vector<16xf32>
          %parallel_loop3A_409 = arith.subf %parallel_loop3A_405, %parallel_loop3A_118 : vector<16xf32>
          %parallel_loop3A_410 = arith.mulf %parallel_loop3A_407, %parallel_loop3A_407 : vector<16xf32>
          %parallel_loop3A_411 = arith.mulf %parallel_loop3A_408, %parallel_loop3A_408 : vector<16xf32>
          %parallel_loop3A_412 = arith.addf %parallel_loop3A_410, %parallel_loop3A_411 : vector<16xf32>
          %parallel_loop3A_413 = arith.mulf %parallel_loop3A_409, %parallel_loop3A_409 : vector<16xf32>
          %parallel_loop3A_414 = arith.addf %parallel_loop3A_412, %parallel_loop3A_413 : vector<16xf32>
          %parallel_loop3A_415 = arith.mulf %parallel_loop3A_414, %parallel_loop3A_406 : vector<16xf32>
          %parallel_loop3A_416 = math.exp %parallel_loop3A_415 : vector<16xf32>
          %parallel_loop3A_417 = arith.addf %parallel_loop3A_390, %parallel_loop3A_416 : vector<16xf32>
          %parallel_loop3A_418 = arith.constant 11 : i32
          %parallel_loop3A_419 = vector.broadcast %parallel_loop3A_418 : i32 to vector<16xi32>
          %parallel_loop3A_420 = tpu.vector_load_idx %arg12[%parallel_loop3A_419, %parallel_loop3A_109] : memref<16x512xi32, #tpu.memory_space<vmem>>[vector<16xi32>, vector<16xi32>], vector<16xi32>,
          %parallel_loop3A_421 = arith.constant 3 : i32
          %parallel_loop3A_422 = vector.broadcast %parallel_loop3A_421 : i32 to vector<16xi32>
          %parallel_loop3A_423 = arith.muli %parallel_loop3A_420, %parallel_loop3A_422 : vector<16xi32>
          %parallel_loop3A_424 = tpu.vector_load_idx %arg10[%parallel_loop3A_423] : memref<60000xf32, #tpu.memory_space<vmem>>[vector<16xi32>], vector<16xf32>,
          %parallel_loop3A_425 = arith.constant 1 : i32
          %parallel_loop3A_426 = vector.broadcast %parallel_loop3A_425 : i32 to vector<16xi32>
          %parallel_loop3A_427 = arith.addi %parallel_loop3A_423, %parallel_loop3A_426 : vector<16xi32>
          %parallel_loop3A_428 = tpu.vector_load_idx %arg10[%parallel_loop3A_427] : memref<60000xf32, #tpu.memory_space<vmem>>[vector<16xi32>], vector<16xf32>,
          %parallel_loop3A_429 = arith.constant 2 : i32
          %parallel_loop3A_430 = vector.broadcast %parallel_loop3A_429 : i32 to vector<16xi32>
          %parallel_loop3A_431 = arith.addi %parallel_loop3A_423, %parallel_loop3A_430 : vector<16xi32>
          %parallel_loop3A_432 = tpu.vector_load_idx %arg10[%parallel_loop3A_431] : memref<60000xf32, #tpu.memory_space<vmem>>[vector<16xi32>], vector<16xf32>,
          %parallel_loop3A_433 = tpu.vector_load_idx %arg11[%parallel_loop3A_420] : memref<20000xf32, #tpu.memory_space<vmem>>[vector<16xi32>], vector<16xf32>,
          %parallel_loop3A_434 = arith.subf %parallel_loop3A_424, %parallel_loop3A_112 : vector<16xf32>
          %parallel_loop3A_435 = arith.subf %parallel_loop3A_428, %parallel_loop3A_115 : vector<16xf32>
          %parallel_loop3A_436 = arith.subf %parallel_loop3A_432, %parallel_loop3A_118 : vector<16xf32>
          %parallel_loop3A_437 = arith.mulf %parallel_loop3A_434, %parallel_loop3A_434 : vector<16xf32>
          %parallel_loop3A_438 = arith.mulf %parallel_loop3A_435, %parallel_loop3A_435 : vector<16xf32>
          %parallel_loop3A_439 = arith.addf %parallel_loop3A_437, %parallel_loop3A_438 : vector<16xf32>
          %parallel_loop3A_440 = arith.mulf %parallel_loop3A_436, %parallel_loop3A_436 : vector<16xf32>
          %parallel_loop3A_441 = arith.addf %parallel_loop3A_439, %parallel_loop3A_440 : vector<16xf32>
          %parallel_loop3A_442 = arith.mulf %parallel_loop3A_441, %parallel_loop3A_433 : vector<16xf32>
          %parallel_loop3A_443 = math.exp %parallel_loop3A_442 : vector<16xf32>
          %parallel_loop3A_444 = arith.addf %parallel_loop3A_417, %parallel_loop3A_443 : vector<16xf32>
          %parallel_loop3A_445 = arith.constant 12 : i32
          %parallel_loop3A_446 = vector.broadcast %parallel_loop3A_445 : i32 to vector<16xi32>
          %parallel_loop3A_447 = tpu.vector_load_idx %arg12[%parallel_loop3A_446, %parallel_loop3A_109] : memref<16x512xi32, #tpu.memory_space<vmem>>[vector<16xi32>, vector<16xi32>], vector<16xi32>,
          %parallel_loop3A_448 = arith.constant 3 : i32
          %parallel_loop3A_449 = vector.broadcast %parallel_loop3A_448 : i32 to vector<16xi32>
          %parallel_loop3A_450 = arith.muli %parallel_loop3A_447, %parallel_loop3A_449 : vector<16xi32>
          %parallel_loop3A_451 = tpu.vector_load_idx %arg10[%parallel_loop3A_450] : memref<60000xf32, #tpu.memory_space<vmem>>[vector<16xi32>], vector<16xf32>,
          %parallel_loop3A_452 = arith.constant 1 : i32
          %parallel_loop3A_453 = vector.broadcast %parallel_loop3A_452 : i32 to vector<16xi32>
          %parallel_loop3A_454 = arith.addi %parallel_loop3A_450, %parallel_loop3A_453 : vector<16xi32>
          %parallel_loop3A_455 = tpu.vector_load_idx %arg10[%parallel_loop3A_454] : memref<60000xf32, #tpu.memory_space<vmem>>[vector<16xi32>], vector<16xf32>,
          %parallel_loop3A_456 = arith.constant 2 : i32
          %parallel_loop3A_457 = vector.broadcast %parallel_loop3A_456 : i32 to vector<16xi32>
          %parallel_loop3A_458 = arith.addi %parallel_loop3A_450, %parallel_loop3A_457 : vector<16xi32>
          %parallel_loop3A_459 = tpu.vector_load_idx %arg10[%parallel_loop3A_458] : memref<60000xf32, #tpu.memory_space<vmem>>[vector<16xi32>], vector<16xf32>,
          %parallel_loop3A_460 = tpu.vector_load_idx %arg11[%parallel_loop3A_447] : memref<20000xf32, #tpu.memory_space<vmem>>[vector<16xi32>], vector<16xf32>,
          %parallel_loop3A_461 = arith.subf %parallel_loop3A_451, %parallel_loop3A_112 : vector<16xf32>
          %parallel_loop3A_462 = arith.subf %parallel_loop3A_455, %parallel_loop3A_115 : vector<16xf32>
          %parallel_loop3A_463 = arith.subf %parallel_loop3A_459, %parallel_loop3A_118 : vector<16xf32>
          %parallel_loop3A_464 = arith.mulf %parallel_loop3A_461, %parallel_loop3A_461 : vector<16xf32>
          %parallel_loop3A_465 = arith.mulf %parallel_loop3A_462, %parallel_loop3A_462 : vector<16xf32>
          %parallel_loop3A_466 = arith.addf %parallel_loop3A_464, %parallel_loop3A_465 : vector<16xf32>
          %parallel_loop3A_467 = arith.mulf %parallel_loop3A_463, %parallel_loop3A_463 : vector<16xf32>
          %parallel_loop3A_468 = arith.addf %parallel_loop3A_466, %parallel_loop3A_467 : vector<16xf32>
          %parallel_loop3A_469 = arith.mulf %parallel_loop3A_468, %parallel_loop3A_460 : vector<16xf32>
          %parallel_loop3A_470 = math.exp %parallel_loop3A_469 : vector<16xf32>
          %parallel_loop3A_471 = arith.addf %parallel_loop3A_444, %parallel_loop3A_470 : vector<16xf32>
          %parallel_loop3A_472 = arith.constant 13 : i32
          %parallel_loop3A_473 = vector.broadcast %parallel_loop3A_472 : i32 to vector<16xi32>
          %parallel_loop3A_474 = tpu.vector_load_idx %arg12[%parallel_loop3A_473, %parallel_loop3A_109] : memref<16x512xi32, #tpu.memory_space<vmem>>[vector<16xi32>, vector<16xi32>], vector<16xi32>,
          %parallel_loop3A_475 = arith.constant 3 : i32
          %parallel_loop3A_476 = vector.broadcast %parallel_loop3A_475 : i32 to vector<16xi32>
          %parallel_loop3A_477 = arith.muli %parallel_loop3A_474, %parallel_loop3A_476 : vector<16xi32>
          %parallel_loop3A_478 = tpu.vector_load_idx %arg10[%parallel_loop3A_477] : memref<60000xf32, #tpu.memory_space<vmem>>[vector<16xi32>], vector<16xf32>,
          %parallel_loop3A_479 = arith.constant 1 : i32
          %parallel_loop3A_480 = vector.broadcast %parallel_loop3A_479 : i32 to vector<16xi32>
          %parallel_loop3A_481 = arith.addi %parallel_loop3A_477, %parallel_loop3A_480 : vector<16xi32>
          %parallel_loop3A_482 = tpu.vector_load_idx %arg10[%parallel_loop3A_481] : memref<60000xf32, #tpu.memory_space<vmem>>[vector<16xi32>], vector<16xf32>,
          %parallel_loop3A_483 = arith.constant 2 : i32
          %parallel_loop3A_484 = vector.broadcast %parallel_loop3A_483 : i32 to vector<16xi32>
          %parallel_loop3A_485 = arith.addi %parallel_loop3A_477, %parallel_loop3A_484 : vector<16xi32>
          %parallel_loop3A_486 = tpu.vector_load_idx %arg10[%parallel_loop3A_485] : memref<60000xf32, #tpu.memory_space<vmem>>[vector<16xi32>], vector<16xf32>,
          %parallel_loop3A_487 = tpu.vector_load_idx %arg11[%parallel_loop3A_474] : memref<20000xf32, #tpu.memory_space<vmem>>[vector<16xi32>], vector<16xf32>,
          %parallel_loop3A_488 = arith.subf %parallel_loop3A_478, %parallel_loop3A_112 : vector<16xf32>
          %parallel_loop3A_489 = arith.subf %parallel_loop3A_482, %parallel_loop3A_115 : vector<16xf32>
          %parallel_loop3A_490 = arith.subf %parallel_loop3A_486, %parallel_loop3A_118 : vector<16xf32>
          %parallel_loop3A_491 = arith.mulf %parallel_loop3A_488, %parallel_loop3A_488 : vector<16xf32>
          %parallel_loop3A_492 = arith.mulf %parallel_loop3A_489, %parallel_loop3A_489 : vector<16xf32>
          %parallel_loop3A_493 = arith.addf %parallel_loop3A_491, %parallel_loop3A_492 : vector<16xf32>
          %parallel_loop3A_494 = arith.mulf %parallel_loop3A_490, %parallel_loop3A_490 : vector<16xf32>
          %parallel_loop3A_495 = arith.addf %parallel_loop3A_493, %parallel_loop3A_494 : vector<16xf32>
          %parallel_loop3A_496 = arith.mulf %parallel_loop3A_495, %parallel_loop3A_487 : vector<16xf32>
          %parallel_loop3A_497 = math.exp %parallel_loop3A_496 : vector<16xf32>
          %parallel_loop3A_498 = arith.addf %parallel_loop3A_471, %parallel_loop3A_497 : vector<16xf32>
          %parallel_loop3A_499 = arith.constant 14 : i32
          %parallel_loop3A_500 = vector.broadcast %parallel_loop3A_499 : i32 to vector<16xi32>
          %parallel_loop3A_501 = tpu.vector_load_idx %arg12[%parallel_loop3A_500, %parallel_loop3A_109] : memref<16x512xi32, #tpu.memory_space<vmem>>[vector<16xi32>, vector<16xi32>], vector<16xi32>,
          %parallel_loop3A_502 = arith.constant 3 : i32
          %parallel_loop3A_503 = vector.broadcast %parallel_loop3A_502 : i32 to vector<16xi32>
          %parallel_loop3A_504 = arith.muli %parallel_loop3A_501, %parallel_loop3A_503 : vector<16xi32>
          %parallel_loop3A_505 = tpu.vector_load_idx %arg10[%parallel_loop3A_504] : memref<60000xf32, #tpu.memory_space<vmem>>[vector<16xi32>], vector<16xf32>,
          %parallel_loop3A_506 = arith.constant 1 : i32
          %parallel_loop3A_507 = vector.broadcast %parallel_loop3A_506 : i32 to vector<16xi32>
          %parallel_loop3A_508 = arith.addi %parallel_loop3A_504, %parallel_loop3A_507 : vector<16xi32>
          %parallel_loop3A_509 = tpu.vector_load_idx %arg10[%parallel_loop3A_508] : memref<60000xf32, #tpu.memory_space<vmem>>[vector<16xi32>], vector<16xf32>,
          %parallel_loop3A_510 = arith.constant 2 : i32
          %parallel_loop3A_511 = vector.broadcast %parallel_loop3A_510 : i32 to vector<16xi32>
          %parallel_loop3A_512 = arith.addi %parallel_loop3A_504, %parallel_loop3A_511 : vector<16xi32>
          %parallel_loop3A_513 = tpu.vector_load_idx %arg10[%parallel_loop3A_512] : memref<60000xf32, #tpu.memory_space<vmem>>[vector<16xi32>], vector<16xf32>,
          %parallel_loop3A_514 = tpu.vector_load_idx %arg11[%parallel_loop3A_501] : memref<20000xf32, #tpu.memory_space<vmem>>[vector<16xi32>], vector<16xf32>,
          %parallel_loop3A_515 = arith.subf %parallel_loop3A_505, %parallel_loop3A_112 : vector<16xf32>
          %parallel_loop3A_516 = arith.subf %parallel_loop3A_509, %parallel_loop3A_115 : vector<16xf32>
          %parallel_loop3A_517 = arith.subf %parallel_loop3A_513, %parallel_loop3A_118 : vector<16xf32>
          %parallel_loop3A_518 = arith.mulf %parallel_loop3A_515, %parallel_loop3A_515 : vector<16xf32>
          %parallel_loop3A_519 = arith.mulf %parallel_loop3A_516, %parallel_loop3A_516 : vector<16xf32>
          %parallel_loop3A_520 = arith.addf %parallel_loop3A_518, %parallel_loop3A_519 : vector<16xf32>
          %parallel_loop3A_521 = arith.mulf %parallel_loop3A_517, %parallel_loop3A_517 : vector<16xf32>
          %parallel_loop3A_522 = arith.addf %parallel_loop3A_520, %parallel_loop3A_521 : vector<16xf32>
          %parallel_loop3A_523 = arith.mulf %parallel_loop3A_522, %parallel_loop3A_514 : vector<16xf32>
          %parallel_loop3A_524 = math.exp %parallel_loop3A_523 : vector<16xf32>
          %parallel_loop3A_525 = arith.addf %parallel_loop3A_498, %parallel_loop3A_524 : vector<16xf32>
          %parallel_loop3A_526 = arith.constant 15 : i32
          %parallel_loop3A_527 = vector.broadcast %parallel_loop3A_526 : i32 to vector<16xi32>
          %parallel_loop3A_528 = tpu.vector_load_idx %arg12[%parallel_loop3A_527, %parallel_loop3A_109] : memref<16x512xi32, #tpu.memory_space<vmem>>[vector<16xi32>, vector<16xi32>], vector<16xi32>,
          %parallel_loop3A_529 = arith.constant 3 : i32
          %parallel_loop3A_530 = vector.broadcast %parallel_loop3A_529 : i32 to vector<16xi32>
          %parallel_loop3A_531 = arith.muli %parallel_loop3A_528, %parallel_loop3A_530 : vector<16xi32>
          %parallel_loop3A_532 = tpu.vector_load_idx %arg10[%parallel_loop3A_531] : memref<60000xf32, #tpu.memory_space<vmem>>[vector<16xi32>], vector<16xf32>,
          %parallel_loop3A_533 = arith.constant 1 : i32
          %parallel_loop3A_534 = vector.broadcast %parallel_loop3A_533 : i32 to vector<16xi32>
          %parallel_loop3A_535 = arith.addi %parallel_loop3A_531, %parallel_loop3A_534 : vector<16xi32>
          %parallel_loop3A_536 = tpu.vector_load_idx %arg10[%parallel_loop3A_535] : memref<60000xf32, #tpu.memory_space<vmem>>[vector<16xi32>], vector<16xf32>,
          %parallel_loop3A_537 = arith.constant 2 : i32
          %parallel_loop3A_538 = vector.broadcast %parallel_loop3A_537 : i32 to vector<16xi32>
          %parallel_loop3A_539 = arith.addi %parallel_loop3A_531, %parallel_loop3A_538 : vector<16xi32>
          %parallel_loop3A_540 = tpu.vector_load_idx %arg10[%parallel_loop3A_539] : memref<60000xf32, #tpu.memory_space<vmem>>[vector<16xi32>], vector<16xf32>,
          %parallel_loop3A_541 = tpu.vector_load_idx %arg11[%parallel_loop3A_528] : memref<20000xf32, #tpu.memory_space<vmem>>[vector<16xi32>], vector<16xf32>,
          %parallel_loop3A_542 = arith.subf %parallel_loop3A_532, %parallel_loop3A_112 : vector<16xf32>
          %parallel_loop3A_543 = arith.subf %parallel_loop3A_536, %parallel_loop3A_115 : vector<16xf32>
          %parallel_loop3A_544 = arith.subf %parallel_loop3A_540, %parallel_loop3A_118 : vector<16xf32>
          %parallel_loop3A_545 = arith.mulf %parallel_loop3A_542, %parallel_loop3A_542 : vector<16xf32>
          %parallel_loop3A_546 = arith.mulf %parallel_loop3A_543, %parallel_loop3A_543 : vector<16xf32>
          %parallel_loop3A_547 = arith.addf %parallel_loop3A_545, %parallel_loop3A_546 : vector<16xf32>
          %parallel_loop3A_548 = arith.mulf %parallel_loop3A_544, %parallel_loop3A_544 : vector<16xf32>
          %parallel_loop3A_549 = arith.addf %parallel_loop3A_547, %parallel_loop3A_548 : vector<16xf32>
          %parallel_loop3A_550 = arith.mulf %parallel_loop3A_549, %parallel_loop3A_541 : vector<16xf32>
          %parallel_loop3A_551 = math.exp %parallel_loop3A_550 : vector<16xf32>
          %parallel_loop3A_552 = arith.addf %parallel_loop3A_525, %parallel_loop3A_551 : vector<16xf32>
          %parallel_loop3A_553 = arith.constant 1.000000e+00 : f32
          %parallel_loop3A_554 = vector.broadcast %parallel_loop3A_553 : f32 to vector<16xf32>
          %parallel_loop3A_555 = arith.divf %parallel_loop3A_554, %parallel_loop3A_552 : vector<16xf32>
          %parallel_loop3A_556 = arith.constant 0 : i32
          %parallel_loop3A_557 = vector.broadcast %parallel_loop3A_556 : i32 to vector<16xi32>
          %parallel_loop3A_558 = arith.mulf %parallel_loop3A_146, %parallel_loop3A_555 : vector<16xf32>
          tpu.vector_store_idx %arg16[%parallel_loop3A_557, %parallel_loop3A_109], %parallel_loop3A_558 : memref<16x512xf32, #tpu.memory_space<vmem>>[vector<16xi32>, vector<16xi32>], vector<16xf32>,
          %parallel_loop3A_559 = arith.constant 1 : i32
          %parallel_loop3A_560 = vector.broadcast %parallel_loop3A_559 : i32 to vector<16xi32>
          %parallel_loop3A_561 = arith.mulf %parallel_loop3A_173, %parallel_loop3A_555 : vector<16xf32>
          tpu.vector_store_idx %arg16[%parallel_loop3A_560, %parallel_loop3A_109], %parallel_loop3A_561 : memref<16x512xf32, #tpu.memory_space<vmem>>[vector<16xi32>, vector<16xi32>], vector<16xf32>,
          %parallel_loop3A_562 = arith.constant 2 : i32
          %parallel_loop3A_563 = vector.broadcast %parallel_loop3A_562 : i32 to vector<16xi32>
          %parallel_loop3A_564 = arith.mulf %parallel_loop3A_200, %parallel_loop3A_555 : vector<16xf32>
          tpu.vector_store_idx %arg16[%parallel_loop3A_563, %parallel_loop3A_109], %parallel_loop3A_564 : memref<16x512xf32, #tpu.memory_space<vmem>>[vector<16xi32>, vector<16xi32>], vector<16xf32>,
          %parallel_loop3A_565 = arith.constant 3 : i32
          %parallel_loop3A_566 = vector.broadcast %parallel_loop3A_565 : i32 to vector<16xi32>
          %parallel_loop3A_567 = arith.mulf %parallel_loop3A_227, %parallel_loop3A_555 : vector<16xf32>
          tpu.vector_store_idx %arg16[%parallel_loop3A_566, %parallel_loop3A_109], %parallel_loop3A_567 : memref<16x512xf32, #tpu.memory_space<vmem>>[vector<16xi32>, vector<16xi32>], vector<16xf32>,
          %parallel_loop3A_568 = arith.constant 4 : i32
          %parallel_loop3A_569 = vector.broadcast %parallel_loop3A_568 : i32 to vector<16xi32>
          %parallel_loop3A_570 = arith.mulf %parallel_loop3A_254, %parallel_loop3A_555 : vector<16xf32>
          tpu.vector_store_idx %arg16[%parallel_loop3A_569, %parallel_loop3A_109], %parallel_loop3A_570 : memref<16x512xf32, #tpu.memory_space<vmem>>[vector<16xi32>, vector<16xi32>], vector<16xf32>,
          %parallel_loop3A_571 = arith.constant 5 : i32
          %parallel_loop3A_572 = vector.broadcast %parallel_loop3A_571 : i32 to vector<16xi32>
          %parallel_loop3A_573 = arith.mulf %parallel_loop3A_281, %parallel_loop3A_555 : vector<16xf32>
          tpu.vector_store_idx %arg16[%parallel_loop3A_572, %parallel_loop3A_109], %parallel_loop3A_573 : memref<16x512xf32, #tpu.memory_space<vmem>>[vector<16xi32>, vector<16xi32>], vector<16xf32>,
          %parallel_loop3A_574 = arith.constant 6 : i32
          %parallel_loop3A_575 = vector.broadcast %parallel_loop3A_574 : i32 to vector<16xi32>
          %parallel_loop3A_576 = arith.mulf %parallel_loop3A_308, %parallel_loop3A_555 : vector<16xf32>
          tpu.vector_store_idx %arg16[%parallel_loop3A_575, %parallel_loop3A_109], %parallel_loop3A_576 : memref<16x512xf32, #tpu.memory_space<vmem>>[vector<16xi32>, vector<16xi32>], vector<16xf32>,
          %parallel_loop3A_577 = arith.constant 7 : i32
          %parallel_loop3A_578 = vector.broadcast %parallel_loop3A_577 : i32 to vector<16xi32>
          %parallel_loop3A_579 = arith.mulf %parallel_loop3A_335, %parallel_loop3A_555 : vector<16xf32>
          tpu.vector_store_idx %arg16[%parallel_loop3A_578, %parallel_loop3A_109], %parallel_loop3A_579 : memref<16x512xf32, #tpu.memory_space<vmem>>[vector<16xi32>, vector<16xi32>], vector<16xf32>,
          %parallel_loop3A_580 = arith.constant 8 : i32
          %parallel_loop3A_581 = vector.broadcast %parallel_loop3A_580 : i32 to vector<16xi32>
          %parallel_loop3A_582 = arith.mulf %parallel_loop3A_362, %parallel_loop3A_555 : vector<16xf32>
          tpu.vector_store_idx %arg16[%parallel_loop3A_581, %parallel_loop3A_109], %parallel_loop3A_582 : memref<16x512xf32, #tpu.memory_space<vmem>>[vector<16xi32>, vector<16xi32>], vector<16xf32>,
          %parallel_loop3A_583 = arith.constant 9 : i32
          %parallel_loop3A_584 = vector.broadcast %parallel_loop3A_583 : i32 to vector<16xi32>
          %parallel_loop3A_585 = arith.mulf %parallel_loop3A_389, %parallel_loop3A_555 : vector<16xf32>
          tpu.vector_store_idx %arg16[%parallel_loop3A_584, %parallel_loop3A_109], %parallel_loop3A_585 : memref<16x512xf32, #tpu.memory_space<vmem>>[vector<16xi32>, vector<16xi32>], vector<16xf32>,
          %parallel_loop3A_586 = arith.constant 10 : i32
          %parallel_loop3A_587 = vector.broadcast %parallel_loop3A_586 : i32 to vector<16xi32>
          %parallel_loop3A_588 = arith.mulf %parallel_loop3A_416, %parallel_loop3A_555 : vector<16xf32>
          tpu.vector_store_idx %arg16[%parallel_loop3A_587, %parallel_loop3A_109], %parallel_loop3A_588 : memref<16x512xf32, #tpu.memory_space<vmem>>[vector<16xi32>, vector<16xi32>], vector<16xf32>,
          %parallel_loop3A_589 = arith.constant 11 : i32
          %parallel_loop3A_590 = vector.broadcast %parallel_loop3A_589 : i32 to vector<16xi32>
          %parallel_loop3A_591 = arith.mulf %parallel_loop3A_443, %parallel_loop3A_555 : vector<16xf32>
          tpu.vector_store_idx %arg16[%parallel_loop3A_590, %parallel_loop3A_109], %parallel_loop3A_591 : memref<16x512xf32, #tpu.memory_space<vmem>>[vector<16xi32>, vector<16xi32>], vector<16xf32>,
          %parallel_loop3A_592 = arith.constant 12 : i32
          %parallel_loop3A_593 = vector.broadcast %parallel_loop3A_592 : i32 to vector<16xi32>
          %parallel_loop3A_594 = arith.mulf %parallel_loop3A_470, %parallel_loop3A_555 : vector<16xf32>
          tpu.vector_store_idx %arg16[%parallel_loop3A_593, %parallel_loop3A_109], %parallel_loop3A_594 : memref<16x512xf32, #tpu.memory_space<vmem>>[vector<16xi32>, vector<16xi32>], vector<16xf32>,
          %parallel_loop3A_595 = arith.constant 13 : i32
          %parallel_loop3A_596 = vector.broadcast %parallel_loop3A_595 : i32 to vector<16xi32>
          %parallel_loop3A_597 = arith.mulf %parallel_loop3A_497, %parallel_loop3A_555 : vector<16xf32>
          tpu.vector_store_idx %arg16[%parallel_loop3A_596, %parallel_loop3A_109], %parallel_loop3A_597 : memref<16x512xf32, #tpu.memory_space<vmem>>[vector<16xi32>, vector<16xi32>], vector<16xf32>,
          %parallel_loop3A_598 = arith.constant 14 : i32
          %parallel_loop3A_599 = vector.broadcast %parallel_loop3A_598 : i32 to vector<16xi32>
          %parallel_loop3A_600 = arith.mulf %parallel_loop3A_524, %parallel_loop3A_555 : vector<16xf32>
          tpu.vector_store_idx %arg16[%parallel_loop3A_599, %parallel_loop3A_109], %parallel_loop3A_600 : memref<16x512xf32, #tpu.memory_space<vmem>>[vector<16xi32>, vector<16xi32>], vector<16xf32>,
          %parallel_loop3A_601 = arith.constant 15 : i32
          %parallel_loop3A_602 = vector.broadcast %parallel_loop3A_601 : i32 to vector<16xi32>
          %parallel_loop3A_603 = arith.mulf %parallel_loop3A_551, %parallel_loop3A_555 : vector<16xf32>
          tpu.vector_store_idx %arg16[%parallel_loop3A_602, %parallel_loop3A_109], %parallel_loop3A_603 : memref<16x512xf32, #tpu.memory_space<vmem>>[vector<16xi32>, vector<16xi32>], vector<16xf32>,
        } {sc.loop_unroll_factor = 4 : i64, sc.parallel_access}
        %mul3A_98 = arith.constant 512 : i32
        %mul3A_99 = arith.muli %add3A_58, %mul3A_98 : i32
        %dma_start3A_100 = arith.constant 0 : i32
        %dma_start3A_101 = tpu.memref_slice %arg8[%dma_start3A_100, %mul3A_99] : memref<16x1000000xf32, #tpu.memory_space<hbm>> -> memref<16x512xf32, #tpu.memory_space<hbm>>
        %dma_start3A_102 = arith.constant 0 : i32
        %dma_start3A_103 = tpu.memref_slice %arg8[%dma_start3A_102, %mul3A_99] : memref<16x1000000xf32, #tpu.memory_space<hbm>> -> memref<16x512xf32, #tpu.memory_space<hbm>>
        tpu.enqueue_dma source(%arg16 : memref<16x512xf32, #tpu.memory_space<vmem>>) target(%dma_start3A_103 : memref<16x512xf32, #tpu.memory_space<hbm>>) target_semaphore(%arg22 : memref<!tpu.dma_semaphore, #tpu.memory_space<semaphore_mem>>)
      } else {
      }
      %add3A_63 = arith.constant 1 : i32
      %add3A_64 = arith.addi %mul3A_53, %add3A_63 : i32
      %mul3A_65 = arith.constant 32 : i32
      %mul3A_66 = arith.muli %add3A_64, %mul3A_65 : i32
      %add3A_67 = arith.addi %add3A, %mul3A_66 : i32
      %lt3A_68 = arith.constant 1953 : i32
      %lt3A_69 = arith.cmpi slt, %add3A_67, %lt3A_68 : i32
      %convert_element_type3A_70 = arith.extui %lt3A_69 : i1 to i32
      %cond3A_71 = arith.constant 0 : i32
      %cond3A_72 = arith.cmpi ne, %convert_element_type3A_70, %cond3A_71 : i32
      scf.if %cond3A_72 {
        %add3A_73 = arith.constant 32 : i32
        %add3A_74 = arith.addi %add3A_67, %add3A_73 : i32
        %lt3A_75 = arith.constant 1953 : i32
        %lt3A_76 = arith.cmpi slt, %add3A_74, %lt3A_75 : i32
        %convert_element_type3A_77 = arith.extui %lt3A_76 : i1 to i32
        %cond3A_78 = arith.constant 0 : i32
        %cond3A_79 = arith.cmpi ne, %convert_element_type3A_77, %cond3A_78 : i32
        scf.if %cond3A_79 {
          %mul3A_104 = arith.constant 512 : i32
          %mul3A_105 = arith.muli %add3A_74, %mul3A_104 : i32
          %dma_start3A_106 = arith.constant 0 : i32
          %dma_start3A_107 = tpu.memref_slice %arg3[%dma_start3A_106, %mul3A_105] : memref<16x1000000xi32, #tpu.memory_space<hbm>> -> memref<16x512xi32, #tpu.memory_space<hbm>>
          %dma_start3A_108 = arith.constant 0 : i32
          %dma_start3A_109 = tpu.memref_slice %arg3[%dma_start3A_108, %mul3A_105] : memref<16x1000000xi32, #tpu.memory_space<hbm>> -> memref<16x512xi32, #tpu.memory_space<hbm>>
          tpu.enqueue_dma source(%dma_start3A_109 : memref<16x512xi32, #tpu.memory_space<hbm>>) target(%arg12 : memref<16x512xi32, #tpu.memory_space<vmem>>) target_semaphore(%arg18 : memref<!tpu.dma_semaphore, #tpu.memory_space<semaphore_mem>>)
          %dma_start3A_110 = arith.constant 0 : i32
          %dma_start3A_111 = tpu.memref_slice %arg2[%dma_start3A_110, %mul3A_105] : memref<3x1000000xf32, #tpu.memory_space<hbm>> -> memref<3x512xf32, #tpu.memory_space<hbm>>
          %dma_start3A_112 = arith.constant 0 : i32
          %dma_start3A_113 = tpu.memref_slice %arg2[%dma_start3A_112, %mul3A_105] : memref<3x1000000xf32, #tpu.memory_space<hbm>> -> memref<3x512xf32, #tpu.memory_space<hbm>>
          tpu.enqueue_dma source(%dma_start3A_113 : memref<3x512xf32, #tpu.memory_space<hbm>>) target(%arg14 : memref<3x512xf32, #tpu.memory_space<vmem>>) target_semaphore(%arg20 : memref<!tpu.dma_semaphore, #tpu.memory_space<semaphore_mem>>)
        } else {
        }
        %dma_wait3A = arith.constant 0 : i32
        %dma_wait3A_80 = arith.constant 0 : i32
        %dma_wait3A_81 = tpu.memref_slice %arg3[%dma_wait3A, %dma_wait3A_80] : memref<16x1000000xi32, #tpu.memory_space<hbm>> -> memref<16x512xi32, #tpu.memory_space<hbm>>
        %dma_wait3A_82 = arith.constant 0 : i32
        %dma_wait3A_83 = arith.constant 0 : i32
        %dma_wait3A_84 = tpu.memref_slice %arg3[%dma_wait3A_82, %dma_wait3A_83] : memref<16x1000000xi32, #tpu.memory_space<hbm>> -> memref<16x512xi32, #tpu.memory_space<hbm>>
        tpu.wait_dma2 semaphore(%arg19 : memref<!tpu.dma_semaphore, #tpu.memory_space<semaphore_mem>>) src(%dma_wait3A_84 : memref<16x512xi32, #tpu.memory_space<hbm>>) dst(%arg13 : memref<16x512xi32, #tpu.memory_space<vmem>>)
        %dma_wait3A_85 = arith.constant 0 : i32
        %dma_wait3A_86 = arith.constant 0 : i32
        %dma_wait3A_87 = tpu.memref_slice %arg2[%dma_wait3A_85, %dma_wait3A_86] : memref<3x1000000xf32, #tpu.memory_space<hbm>> -> memref<3x512xf32, #tpu.memory_space<hbm>>
        %dma_wait3A_88 = arith.constant 0 : i32
        %dma_wait3A_89 = arith.constant 0 : i32
        %dma_wait3A_90 = tpu.memref_slice %arg2[%dma_wait3A_88, %dma_wait3A_89] : memref<3x1000000xf32, #tpu.memory_space<hbm>> -> memref<3x512xf32, #tpu.memory_space<hbm>>
        tpu.wait_dma2 semaphore(%arg21 : memref<!tpu.dma_semaphore, #tpu.memory_space<semaphore_mem>>) src(%dma_wait3A_90 : memref<3x512xf32, #tpu.memory_space<hbm>>) dst(%arg15 : memref<3x512xf32, #tpu.memory_space<vmem>>)
        %ge3A_91 = arith.constant 2 : i32
        %ge3A_92 = arith.cmpi sge, %add3A_64, %ge3A_91 : i32
        %convert_element_type3A_93 = arith.extui %ge3A_92 : i1 to i32
        %cond3A_94 = arith.constant 0 : i32
        %cond3A_95 = arith.cmpi ne, %convert_element_type3A_93, %cond3A_94 : i32
        scf.if %cond3A_95 {
          %dma_wait3A_104 = arith.constant 0 : i32
          %dma_wait3A_105 = arith.constant 0 : i32
          %dma_wait3A_106 = tpu.memref_slice %arg8[%dma_wait3A_104, %dma_wait3A_105] : memref<16x1000000xf32, #tpu.memory_space<hbm>> -> memref<16x512xf32, #tpu.memory_space<hbm>>
          %dma_wait3A_107 = arith.constant 0 : i32
          %dma_wait3A_108 = arith.constant 0 : i32
          %dma_wait3A_109 = tpu.memref_slice %arg8[%dma_wait3A_107, %dma_wait3A_108] : memref<16x1000000xf32, #tpu.memory_space<hbm>> -> memref<16x512xf32, #tpu.memory_space<hbm>>
          tpu.wait_dma2 semaphore(%arg23 : memref<!tpu.dma_semaphore, #tpu.memory_space<semaphore_mem>>) src(%arg17 : memref<16x512xf32, #tpu.memory_space<vmem>>) dst(%dma_wait3A_109 : memref<16x512xf32, #tpu.memory_space<hbm>>)
        } else {
        }
        %parallel_loop3A = arith.constant 0 : i32
        %parallel_loop3A_96 = arith.constant 32 : i32
        %parallel_loop3A_97 = arith.constant 1 : i32
        scf.for %parallel_loop3A_104 = %parallel_loop3A to %parallel_loop3A_96 step %parallel_loop3A_97  : i32 {
          %parallel_loop3A_105 = tpu.iota {dimensions = array<i32: 0>} : vector<16xi32>
          %parallel_loop3A_106 = arith.constant 16 : i32
          %parallel_loop3A_107 = arith.muli %parallel_loop3A_104, %parallel_loop3A_106 : i32
          %parallel_loop3A_108 = vector.broadcast %parallel_loop3A_107 : i32 to vector<16xi32>
          %parallel_loop3A_109 = arith.addi %parallel_loop3A_105, %parallel_loop3A_108 : vector<16xi32>
          %parallel_loop3A_110 = arith.constant 0 : i32
          %parallel_loop3A_111 = vector.broadcast %parallel_loop3A_110 : i32 to vector<16xi32>
          %parallel_loop3A_112 = tpu.vector_load_idx %arg15[%parallel_loop3A_111, %parallel_loop3A_109] : memref<3x512xf32, #tpu.memory_space<vmem>>[vector<16xi32>, vector<16xi32>], vector<16xf32>,
          %parallel_loop3A_113 = arith.constant 1 : i32
          %parallel_loop3A_114 = vector.broadcast %parallel_loop3A_113 : i32 to vector<16xi32>
          %parallel_loop3A_115 = tpu.vector_load_idx %arg15[%parallel_loop3A_114, %parallel_loop3A_109] : memref<3x512xf32, #tpu.memory_space<vmem>>[vector<16xi32>, vector<16xi32>], vector<16xf32>,
          %parallel_loop3A_116 = arith.constant 2 : i32
          %parallel_loop3A_117 = vector.broadcast %parallel_loop3A_116 : i32 to vector<16xi32>
          %parallel_loop3A_118 = tpu.vector_load_idx %arg15[%parallel_loop3A_117, %parallel_loop3A_109] : memref<3x512xf32, #tpu.memory_space<vmem>>[vector<16xi32>, vector<16xi32>], vector<16xf32>,
          %parallel_loop3A_119 = arith.constant 9.99999993E-9 : f32
          %parallel_loop3A_120 = vector.broadcast %parallel_loop3A_119 : f32 to vector<16xf32>
          %parallel_loop3A_121 = arith.constant 0 : i32
          %parallel_loop3A_122 = vector.broadcast %parallel_loop3A_121 : i32 to vector<16xi32>
          %parallel_loop3A_123 = tpu.vector_load_idx %arg13[%parallel_loop3A_122, %parallel_loop3A_109] : memref<16x512xi32, #tpu.memory_space<vmem>>[vector<16xi32>, vector<16xi32>], vector<16xi32>,
          %parallel_loop3A_124 = arith.constant 3 : i32
          %parallel_loop3A_125 = vector.broadcast %parallel_loop3A_124 : i32 to vector<16xi32>
          %parallel_loop3A_126 = arith.muli %parallel_loop3A_123, %parallel_loop3A_125 : vector<16xi32>
          %parallel_loop3A_127 = tpu.vector_load_idx %arg10[%parallel_loop3A_126] : memref<60000xf32, #tpu.memory_space<vmem>>[vector<16xi32>], vector<16xf32>,
          %parallel_loop3A_128 = arith.constant 1 : i32
          %parallel_loop3A_129 = vector.broadcast %parallel_loop3A_128 : i32 to vector<16xi32>
          %parallel_loop3A_130 = arith.addi %parallel_loop3A_126, %parallel_loop3A_129 : vector<16xi32>
          %parallel_loop3A_131 = tpu.vector_load_idx %arg10[%parallel_loop3A_130] : memref<60000xf32, #tpu.memory_space<vmem>>[vector<16xi32>], vector<16xf32>,
          %parallel_loop3A_132 = arith.constant 2 : i32
          %parallel_loop3A_133 = vector.broadcast %parallel_loop3A_132 : i32 to vector<16xi32>
          %parallel_loop3A_134 = arith.addi %parallel_loop3A_126, %parallel_loop3A_133 : vector<16xi32>
          %parallel_loop3A_135 = tpu.vector_load_idx %arg10[%parallel_loop3A_134] : memref<60000xf32, #tpu.memory_space<vmem>>[vector<16xi32>], vector<16xf32>,
          %parallel_loop3A_136 = tpu.vector_load_idx %arg11[%parallel_loop3A_123] : memref<20000xf32, #tpu.memory_space<vmem>>[vector<16xi32>], vector<16xf32>,
          %parallel_loop3A_137 = arith.subf %parallel_loop3A_127, %parallel_loop3A_112 : vector<16xf32>
          %parallel_loop3A_138 = arith.subf %parallel_loop3A_131, %parallel_loop3A_115 : vector<16xf32>
          %parallel_loop3A_139 = arith.subf %parallel_loop3A_135, %parallel_loop3A_118 : vector<16xf32>
          %parallel_loop3A_140 = arith.mulf %parallel_loop3A_137, %parallel_loop3A_137 : vector<16xf32>
          %parallel_loop3A_141 = arith.mulf %parallel_loop3A_138, %parallel_loop3A_138 : vector<16xf32>
          %parallel_loop3A_142 = arith.addf %parallel_loop3A_140, %parallel_loop3A_141 : vector<16xf32>
          %parallel_loop3A_143 = arith.mulf %parallel_loop3A_139, %parallel_loop3A_139 : vector<16xf32>
          %parallel_loop3A_144 = arith.addf %parallel_loop3A_142, %parallel_loop3A_143 : vector<16xf32>
          %parallel_loop3A_145 = arith.mulf %parallel_loop3A_144, %parallel_loop3A_136 : vector<16xf32>
          %parallel_loop3A_146 = math.exp %parallel_loop3A_145 : vector<16xf32>
          %parallel_loop3A_147 = arith.addf %parallel_loop3A_120, %parallel_loop3A_146 : vector<16xf32>
          %parallel_loop3A_148 = arith.constant 1 : i32
          %parallel_loop3A_149 = vector.broadcast %parallel_loop3A_148 : i32 to vector<16xi32>
          %parallel_loop3A_150 = tpu.vector_load_idx %arg13[%parallel_loop3A_149, %parallel_loop3A_109] : memref<16x512xi32, #tpu.memory_space<vmem>>[vector<16xi32>, vector<16xi32>], vector<16xi32>,
          %parallel_loop3A_151 = arith.constant 3 : i32
          %parallel_loop3A_152 = vector.broadcast %parallel_loop3A_151 : i32 to vector<16xi32>
          %parallel_loop3A_153 = arith.muli %parallel_loop3A_150, %parallel_loop3A_152 : vector<16xi32>
          %parallel_loop3A_154 = tpu.vector_load_idx %arg10[%parallel_loop3A_153] : memref<60000xf32, #tpu.memory_space<vmem>>[vector<16xi32>], vector<16xf32>,
          %parallel_loop3A_155 = arith.constant 1 : i32
          %parallel_loop3A_156 = vector.broadcast %parallel_loop3A_155 : i32 to vector<16xi32>
          %parallel_loop3A_157 = arith.addi %parallel_loop3A_153, %parallel_loop3A_156 : vector<16xi32>
          %parallel_loop3A_158 = tpu.vector_load_idx %arg10[%parallel_loop3A_157] : memref<60000xf32, #tpu.memory_space<vmem>>[vector<16xi32>], vector<16xf32>,
          %parallel_loop3A_159 = arith.constant 2 : i32
          %parallel_loop3A_160 = vector.broadcast %parallel_loop3A_159 : i32 to vector<16xi32>
          %parallel_loop3A_161 = arith.addi %parallel_loop3A_153, %parallel_loop3A_160 : vector<16xi32>
          %parallel_loop3A_162 = tpu.vector_load_idx %arg10[%parallel_loop3A_161] : memref<60000xf32, #tpu.memory_space<vmem>>[vector<16xi32>], vector<16xf32>,
          %parallel_loop3A_163 = tpu.vector_load_idx %arg11[%parallel_loop3A_150] : memref<20000xf32, #tpu.memory_space<vmem>>[vector<16xi32>], vector<16xf32>,
          %parallel_loop3A_164 = arith.subf %parallel_loop3A_154, %parallel_loop3A_112 : vector<16xf32>
          %parallel_loop3A_165 = arith.subf %parallel_loop3A_158, %parallel_loop3A_115 : vector<16xf32>
          %parallel_loop3A_166 = arith.subf %parallel_loop3A_162, %parallel_loop3A_118 : vector<16xf32>
          %parallel_loop3A_167 = arith.mulf %parallel_loop3A_164, %parallel_loop3A_164 : vector<16xf32>
          %parallel_loop3A_168 = arith.mulf %parallel_loop3A_165, %parallel_loop3A_165 : vector<16xf32>
          %parallel_loop3A_169 = arith.addf %parallel_loop3A_167, %parallel_loop3A_168 : vector<16xf32>
          %parallel_loop3A_170 = arith.mulf %parallel_loop3A_166, %parallel_loop3A_166 : vector<16xf32>
          %parallel_loop3A_171 = arith.addf %parallel_loop3A_169, %parallel_loop3A_170 : vector<16xf32>
          %parallel_loop3A_172 = arith.mulf %parallel_loop3A_171, %parallel_loop3A_163 : vector<16xf32>
          %parallel_loop3A_173 = math.exp %parallel_loop3A_172 : vector<16xf32>
          %parallel_loop3A_174 = arith.addf %parallel_loop3A_147, %parallel_loop3A_173 : vector<16xf32>
          %parallel_loop3A_175 = arith.constant 2 : i32
          %parallel_loop3A_176 = vector.broadcast %parallel_loop3A_175 : i32 to vector<16xi32>
          %parallel_loop3A_177 = tpu.vector_load_idx %arg13[%parallel_loop3A_176, %parallel_loop3A_109] : memref<16x512xi32, #tpu.memory_space<vmem>>[vector<16xi32>, vector<16xi32>], vector<16xi32>,
          %parallel_loop3A_178 = arith.constant 3 : i32
          %parallel_loop3A_179 = vector.broadcast %parallel_loop3A_178 : i32 to vector<16xi32>
          %parallel_loop3A_180 = arith.muli %parallel_loop3A_177, %parallel_loop3A_179 : vector<16xi32>
          %parallel_loop3A_181 = tpu.vector_load_idx %arg10[%parallel_loop3A_180] : memref<60000xf32, #tpu.memory_space<vmem>>[vector<16xi32>], vector<16xf32>,
          %parallel_loop3A_182 = arith.constant 1 : i32
          %parallel_loop3A_183 = vector.broadcast %parallel_loop3A_182 : i32 to vector<16xi32>
          %parallel_loop3A_184 = arith.addi %parallel_loop3A_180, %parallel_loop3A_183 : vector<16xi32>
          %parallel_loop3A_185 = tpu.vector_load_idx %arg10[%parallel_loop3A_184] : memref<60000xf32, #tpu.memory_space<vmem>>[vector<16xi32>], vector<16xf32>,
          %parallel_loop3A_186 = arith.constant 2 : i32
          %parallel_loop3A_187 = vector.broadcast %parallel_loop3A_186 : i32 to vector<16xi32>
          %parallel_loop3A_188 = arith.addi %parallel_loop3A_180, %parallel_loop3A_187 : vector<16xi32>
          %parallel_loop3A_189 = tpu.vector_load_idx %arg10[%parallel_loop3A_188] : memref<60000xf32, #tpu.memory_space<vmem>>[vector<16xi32>], vector<16xf32>,
          %parallel_loop3A_190 = tpu.vector_load_idx %arg11[%parallel_loop3A_177] : memref<20000xf32, #tpu.memory_space<vmem>>[vector<16xi32>], vector<16xf32>,
          %parallel_loop3A_191 = arith.subf %parallel_loop3A_181, %parallel_loop3A_112 : vector<16xf32>
          %parallel_loop3A_192 = arith.subf %parallel_loop3A_185, %parallel_loop3A_115 : vector<16xf32>
          %parallel_loop3A_193 = arith.subf %parallel_loop3A_189, %parallel_loop3A_118 : vector<16xf32>
          %parallel_loop3A_194 = arith.mulf %parallel_loop3A_191, %parallel_loop3A_191 : vector<16xf32>
          %parallel_loop3A_195 = arith.mulf %parallel_loop3A_192, %parallel_loop3A_192 : vector<16xf32>
          %parallel_loop3A_196 = arith.addf %parallel_loop3A_194, %parallel_loop3A_195 : vector<16xf32>
          %parallel_loop3A_197 = arith.mulf %parallel_loop3A_193, %parallel_loop3A_193 : vector<16xf32>
          %parallel_loop3A_198 = arith.addf %parallel_loop3A_196, %parallel_loop3A_197 : vector<16xf32>
          %parallel_loop3A_199 = arith.mulf %parallel_loop3A_198, %parallel_loop3A_190 : vector<16xf32>
          %parallel_loop3A_200 = math.exp %parallel_loop3A_199 : vector<16xf32>
          %parallel_loop3A_201 = arith.addf %parallel_loop3A_174, %parallel_loop3A_200 : vector<16xf32>
          %parallel_loop3A_202 = arith.constant 3 : i32
          %parallel_loop3A_203 = vector.broadcast %parallel_loop3A_202 : i32 to vector<16xi32>
          %parallel_loop3A_204 = tpu.vector_load_idx %arg13[%parallel_loop3A_203, %parallel_loop3A_109] : memref<16x512xi32, #tpu.memory_space<vmem>>[vector<16xi32>, vector<16xi32>], vector<16xi32>,
          %parallel_loop3A_205 = arith.constant 3 : i32
          %parallel_loop3A_206 = vector.broadcast %parallel_loop3A_205 : i32 to vector<16xi32>
          %parallel_loop3A_207 = arith.muli %parallel_loop3A_204, %parallel_loop3A_206 : vector<16xi32>
          %parallel_loop3A_208 = tpu.vector_load_idx %arg10[%parallel_loop3A_207] : memref<60000xf32, #tpu.memory_space<vmem>>[vector<16xi32>], vector<16xf32>,
          %parallel_loop3A_209 = arith.constant 1 : i32
          %parallel_loop3A_210 = vector.broadcast %parallel_loop3A_209 : i32 to vector<16xi32>
          %parallel_loop3A_211 = arith.addi %parallel_loop3A_207, %parallel_loop3A_210 : vector<16xi32>
          %parallel_loop3A_212 = tpu.vector_load_idx %arg10[%parallel_loop3A_211] : memref<60000xf32, #tpu.memory_space<vmem>>[vector<16xi32>], vector<16xf32>,
          %parallel_loop3A_213 = arith.constant 2 : i32
          %parallel_loop3A_214 = vector.broadcast %parallel_loop3A_213 : i32 to vector<16xi32>
          %parallel_loop3A_215 = arith.addi %parallel_loop3A_207, %parallel_loop3A_214 : vector<16xi32>
          %parallel_loop3A_216 = tpu.vector_load_idx %arg10[%parallel_loop3A_215] : memref<60000xf32, #tpu.memory_space<vmem>>[vector<16xi32>], vector<16xf32>,
          %parallel_loop3A_217 = tpu.vector_load_idx %arg11[%parallel_loop3A_204] : memref<20000xf32, #tpu.memory_space<vmem>>[vector<16xi32>], vector<16xf32>,
          %parallel_loop3A_218 = arith.subf %parallel_loop3A_208, %parallel_loop3A_112 : vector<16xf32>
          %parallel_loop3A_219 = arith.subf %parallel_loop3A_212, %parallel_loop3A_115 : vector<16xf32>
          %parallel_loop3A_220 = arith.subf %parallel_loop3A_216, %parallel_loop3A_118 : vector<16xf32>
          %parallel_loop3A_221 = arith.mulf %parallel_loop3A_218, %parallel_loop3A_218 : vector<16xf32>
          %parallel_loop3A_222 = arith.mulf %parallel_loop3A_219, %parallel_loop3A_219 : vector<16xf32>
          %parallel_loop3A_223 = arith.addf %parallel_loop3A_221, %parallel_loop3A_222 : vector<16xf32>
          %parallel_loop3A_224 = arith.mulf %parallel_loop3A_220, %parallel_loop3A_220 : vector<16xf32>
          %parallel_loop3A_225 = arith.addf %parallel_loop3A_223, %parallel_loop3A_224 : vector<16xf32>
          %parallel_loop3A_226 = arith.mulf %parallel_loop3A_225, %parallel_loop3A_217 : vector<16xf32>
          %parallel_loop3A_227 = math.exp %parallel_loop3A_226 : vector<16xf32>
          %parallel_loop3A_228 = arith.addf %parallel_loop3A_201, %parallel_loop3A_227 : vector<16xf32>
          %parallel_loop3A_229 = arith.constant 4 : i32
          %parallel_loop3A_230 = vector.broadcast %parallel_loop3A_229 : i32 to vector<16xi32>
          %parallel_loop3A_231 = tpu.vector_load_idx %arg13[%parallel_loop3A_230, %parallel_loop3A_109] : memref<16x512xi32, #tpu.memory_space<vmem>>[vector<16xi32>, vector<16xi32>], vector<16xi32>,
          %parallel_loop3A_232 = arith.constant 3 : i32
          %parallel_loop3A_233 = vector.broadcast %parallel_loop3A_232 : i32 to vector<16xi32>
          %parallel_loop3A_234 = arith.muli %parallel_loop3A_231, %parallel_loop3A_233 : vector<16xi32>
          %parallel_loop3A_235 = tpu.vector_load_idx %arg10[%parallel_loop3A_234] : memref<60000xf32, #tpu.memory_space<vmem>>[vector<16xi32>], vector<16xf32>,
          %parallel_loop3A_236 = arith.constant 1 : i32
          %parallel_loop3A_237 = vector.broadcast %parallel_loop3A_236 : i32 to vector<16xi32>
          %parallel_loop3A_238 = arith.addi %parallel_loop3A_234, %parallel_loop3A_237 : vector<16xi32>
          %parallel_loop3A_239 = tpu.vector_load_idx %arg10[%parallel_loop3A_238] : memref<60000xf32, #tpu.memory_space<vmem>>[vector<16xi32>], vector<16xf32>,
          %parallel_loop3A_240 = arith.constant 2 : i32
          %parallel_loop3A_241 = vector.broadcast %parallel_loop3A_240 : i32 to vector<16xi32>
          %parallel_loop3A_242 = arith.addi %parallel_loop3A_234, %parallel_loop3A_241 : vector<16xi32>
          %parallel_loop3A_243 = tpu.vector_load_idx %arg10[%parallel_loop3A_242] : memref<60000xf32, #tpu.memory_space<vmem>>[vector<16xi32>], vector<16xf32>,
          %parallel_loop3A_244 = tpu.vector_load_idx %arg11[%parallel_loop3A_231] : memref<20000xf32, #tpu.memory_space<vmem>>[vector<16xi32>], vector<16xf32>,
          %parallel_loop3A_245 = arith.subf %parallel_loop3A_235, %parallel_loop3A_112 : vector<16xf32>
          %parallel_loop3A_246 = arith.subf %parallel_loop3A_239, %parallel_loop3A_115 : vector<16xf32>
          %parallel_loop3A_247 = arith.subf %parallel_loop3A_243, %parallel_loop3A_118 : vector<16xf32>
          %parallel_loop3A_248 = arith.mulf %parallel_loop3A_245, %parallel_loop3A_245 : vector<16xf32>
          %parallel_loop3A_249 = arith.mulf %parallel_loop3A_246, %parallel_loop3A_246 : vector<16xf32>
          %parallel_loop3A_250 = arith.addf %parallel_loop3A_248, %parallel_loop3A_249 : vector<16xf32>
          %parallel_loop3A_251 = arith.mulf %parallel_loop3A_247, %parallel_loop3A_247 : vector<16xf32>
          %parallel_loop3A_252 = arith.addf %parallel_loop3A_250, %parallel_loop3A_251 : vector<16xf32>
          %parallel_loop3A_253 = arith.mulf %parallel_loop3A_252, %parallel_loop3A_244 : vector<16xf32>
          %parallel_loop3A_254 = math.exp %parallel_loop3A_253 : vector<16xf32>
          %parallel_loop3A_255 = arith.addf %parallel_loop3A_228, %parallel_loop3A_254 : vector<16xf32>
          %parallel_loop3A_256 = arith.constant 5 : i32
          %parallel_loop3A_257 = vector.broadcast %parallel_loop3A_256 : i32 to vector<16xi32>
          %parallel_loop3A_258 = tpu.vector_load_idx %arg13[%parallel_loop3A_257, %parallel_loop3A_109] : memref<16x512xi32, #tpu.memory_space<vmem>>[vector<16xi32>, vector<16xi32>], vector<16xi32>,
          %parallel_loop3A_259 = arith.constant 3 : i32
          %parallel_loop3A_260 = vector.broadcast %parallel_loop3A_259 : i32 to vector<16xi32>
          %parallel_loop3A_261 = arith.muli %parallel_loop3A_258, %parallel_loop3A_260 : vector<16xi32>
          %parallel_loop3A_262 = tpu.vector_load_idx %arg10[%parallel_loop3A_261] : memref<60000xf32, #tpu.memory_space<vmem>>[vector<16xi32>], vector<16xf32>,
          %parallel_loop3A_263 = arith.constant 1 : i32
          %parallel_loop3A_264 = vector.broadcast %parallel_loop3A_263 : i32 to vector<16xi32>
          %parallel_loop3A_265 = arith.addi %parallel_loop3A_261, %parallel_loop3A_264 : vector<16xi32>
          %parallel_loop3A_266 = tpu.vector_load_idx %arg10[%parallel_loop3A_265] : memref<60000xf32, #tpu.memory_space<vmem>>[vector<16xi32>], vector<16xf32>,
          %parallel_loop3A_267 = arith.constant 2 : i32
          %parallel_loop3A_268 = vector.broadcast %parallel_loop3A_267 : i32 to vector<16xi32>
          %parallel_loop3A_269 = arith.addi %parallel_loop3A_261, %parallel_loop3A_268 : vector<16xi32>
          %parallel_loop3A_270 = tpu.vector_load_idx %arg10[%parallel_loop3A_269] : memref<60000xf32, #tpu.memory_space<vmem>>[vector<16xi32>], vector<16xf32>,
          %parallel_loop3A_271 = tpu.vector_load_idx %arg11[%parallel_loop3A_258] : memref<20000xf32, #tpu.memory_space<vmem>>[vector<16xi32>], vector<16xf32>,
          %parallel_loop3A_272 = arith.subf %parallel_loop3A_262, %parallel_loop3A_112 : vector<16xf32>
          %parallel_loop3A_273 = arith.subf %parallel_loop3A_266, %parallel_loop3A_115 : vector<16xf32>
          %parallel_loop3A_274 = arith.subf %parallel_loop3A_270, %parallel_loop3A_118 : vector<16xf32>
          %parallel_loop3A_275 = arith.mulf %parallel_loop3A_272, %parallel_loop3A_272 : vector<16xf32>
          %parallel_loop3A_276 = arith.mulf %parallel_loop3A_273, %parallel_loop3A_273 : vector<16xf32>
          %parallel_loop3A_277 = arith.addf %parallel_loop3A_275, %parallel_loop3A_276 : vector<16xf32>
          %parallel_loop3A_278 = arith.mulf %parallel_loop3A_274, %parallel_loop3A_274 : vector<16xf32>
          %parallel_loop3A_279 = arith.addf %parallel_loop3A_277, %parallel_loop3A_278 : vector<16xf32>
          %parallel_loop3A_280 = arith.mulf %parallel_loop3A_279, %parallel_loop3A_271 : vector<16xf32>
          %parallel_loop3A_281 = math.exp %parallel_loop3A_280 : vector<16xf32>
          %parallel_loop3A_282 = arith.addf %parallel_loop3A_255, %parallel_loop3A_281 : vector<16xf32>
          %parallel_loop3A_283 = arith.constant 6 : i32
          %parallel_loop3A_284 = vector.broadcast %parallel_loop3A_283 : i32 to vector<16xi32>
          %parallel_loop3A_285 = tpu.vector_load_idx %arg13[%parallel_loop3A_284, %parallel_loop3A_109] : memref<16x512xi32, #tpu.memory_space<vmem>>[vector<16xi32>, vector<16xi32>], vector<16xi32>,
          %parallel_loop3A_286 = arith.constant 3 : i32
          %parallel_loop3A_287 = vector.broadcast %parallel_loop3A_286 : i32 to vector<16xi32>
          %parallel_loop3A_288 = arith.muli %parallel_loop3A_285, %parallel_loop3A_287 : vector<16xi32>
          %parallel_loop3A_289 = tpu.vector_load_idx %arg10[%parallel_loop3A_288] : memref<60000xf32, #tpu.memory_space<vmem>>[vector<16xi32>], vector<16xf32>,
          %parallel_loop3A_290 = arith.constant 1 : i32
          %parallel_loop3A_291 = vector.broadcast %parallel_loop3A_290 : i32 to vector<16xi32>
          %parallel_loop3A_292 = arith.addi %parallel_loop3A_288, %parallel_loop3A_291 : vector<16xi32>
          %parallel_loop3A_293 = tpu.vector_load_idx %arg10[%parallel_loop3A_292] : memref<60000xf32, #tpu.memory_space<vmem>>[vector<16xi32>], vector<16xf32>,
          %parallel_loop3A_294 = arith.constant 2 : i32
          %parallel_loop3A_295 = vector.broadcast %parallel_loop3A_294 : i32 to vector<16xi32>
          %parallel_loop3A_296 = arith.addi %parallel_loop3A_288, %parallel_loop3A_295 : vector<16xi32>
          %parallel_loop3A_297 = tpu.vector_load_idx %arg10[%parallel_loop3A_296] : memref<60000xf32, #tpu.memory_space<vmem>>[vector<16xi32>], vector<16xf32>,
          %parallel_loop3A_298 = tpu.vector_load_idx %arg11[%parallel_loop3A_285] : memref<20000xf32, #tpu.memory_space<vmem>>[vector<16xi32>], vector<16xf32>,
          %parallel_loop3A_299 = arith.subf %parallel_loop3A_289, %parallel_loop3A_112 : vector<16xf32>
          %parallel_loop3A_300 = arith.subf %parallel_loop3A_293, %parallel_loop3A_115 : vector<16xf32>
          %parallel_loop3A_301 = arith.subf %parallel_loop3A_297, %parallel_loop3A_118 : vector<16xf32>
          %parallel_loop3A_302 = arith.mulf %parallel_loop3A_299, %parallel_loop3A_299 : vector<16xf32>
          %parallel_loop3A_303 = arith.mulf %parallel_loop3A_300, %parallel_loop3A_300 : vector<16xf32>
          %parallel_loop3A_304 = arith.addf %parallel_loop3A_302, %parallel_loop3A_303 : vector<16xf32>
          %parallel_loop3A_305 = arith.mulf %parallel_loop3A_301, %parallel_loop3A_301 : vector<16xf32>
          %parallel_loop3A_306 = arith.addf %parallel_loop3A_304, %parallel_loop3A_305 : vector<16xf32>
          %parallel_loop3A_307 = arith.mulf %parallel_loop3A_306, %parallel_loop3A_298 : vector<16xf32>
          %parallel_loop3A_308 = math.exp %parallel_loop3A_307 : vector<16xf32>
          %parallel_loop3A_309 = arith.addf %parallel_loop3A_282, %parallel_loop3A_308 : vector<16xf32>
          %parallel_loop3A_310 = arith.constant 7 : i32
          %parallel_loop3A_311 = vector.broadcast %parallel_loop3A_310 : i32 to vector<16xi32>
          %parallel_loop3A_312 = tpu.vector_load_idx %arg13[%parallel_loop3A_311, %parallel_loop3A_109] : memref<16x512xi32, #tpu.memory_space<vmem>>[vector<16xi32>, vector<16xi32>], vector<16xi32>,
          %parallel_loop3A_313 = arith.constant 3 : i32
          %parallel_loop3A_314 = vector.broadcast %parallel_loop3A_313 : i32 to vector<16xi32>
          %parallel_loop3A_315 = arith.muli %parallel_loop3A_312, %parallel_loop3A_314 : vector<16xi32>
          %parallel_loop3A_316 = tpu.vector_load_idx %arg10[%parallel_loop3A_315] : memref<60000xf32, #tpu.memory_space<vmem>>[vector<16xi32>], vector<16xf32>,
          %parallel_loop3A_317 = arith.constant 1 : i32
          %parallel_loop3A_318 = vector.broadcast %parallel_loop3A_317 : i32 to vector<16xi32>
          %parallel_loop3A_319 = arith.addi %parallel_loop3A_315, %parallel_loop3A_318 : vector<16xi32>
          %parallel_loop3A_320 = tpu.vector_load_idx %arg10[%parallel_loop3A_319] : memref<60000xf32, #tpu.memory_space<vmem>>[vector<16xi32>], vector<16xf32>,
          %parallel_loop3A_321 = arith.constant 2 : i32
          %parallel_loop3A_322 = vector.broadcast %parallel_loop3A_321 : i32 to vector<16xi32>
          %parallel_loop3A_323 = arith.addi %parallel_loop3A_315, %parallel_loop3A_322 : vector<16xi32>
          %parallel_loop3A_324 = tpu.vector_load_idx %arg10[%parallel_loop3A_323] : memref<60000xf32, #tpu.memory_space<vmem>>[vector<16xi32>], vector<16xf32>,
          %parallel_loop3A_325 = tpu.vector_load_idx %arg11[%parallel_loop3A_312] : memref<20000xf32, #tpu.memory_space<vmem>>[vector<16xi32>], vector<16xf32>,
          %parallel_loop3A_326 = arith.subf %parallel_loop3A_316, %parallel_loop3A_112 : vector<16xf32>
          %parallel_loop3A_327 = arith.subf %parallel_loop3A_320, %parallel_loop3A_115 : vector<16xf32>
          %parallel_loop3A_328 = arith.subf %parallel_loop3A_324, %parallel_loop3A_118 : vector<16xf32>
          %parallel_loop3A_329 = arith.mulf %parallel_loop3A_326, %parallel_loop3A_326 : vector<16xf32>
          %parallel_loop3A_330 = arith.mulf %parallel_loop3A_327, %parallel_loop3A_327 : vector<16xf32>
          %parallel_loop3A_331 = arith.addf %parallel_loop3A_329, %parallel_loop3A_330 : vector<16xf32>
          %parallel_loop3A_332 = arith.mulf %parallel_loop3A_328, %parallel_loop3A_328 : vector<16xf32>
          %parallel_loop3A_333 = arith.addf %parallel_loop3A_331, %parallel_loop3A_332 : vector<16xf32>
          %parallel_loop3A_334 = arith.mulf %parallel_loop3A_333, %parallel_loop3A_325 : vector<16xf32>
          %parallel_loop3A_335 = math.exp %parallel_loop3A_334 : vector<16xf32>
          %parallel_loop3A_336 = arith.addf %parallel_loop3A_309, %parallel_loop3A_335 : vector<16xf32>
          %parallel_loop3A_337 = arith.constant 8 : i32
          %parallel_loop3A_338 = vector.broadcast %parallel_loop3A_337 : i32 to vector<16xi32>
          %parallel_loop3A_339 = tpu.vector_load_idx %arg13[%parallel_loop3A_338, %parallel_loop3A_109] : memref<16x512xi32, #tpu.memory_space<vmem>>[vector<16xi32>, vector<16xi32>], vector<16xi32>,
          %parallel_loop3A_340 = arith.constant 3 : i32
          %parallel_loop3A_341 = vector.broadcast %parallel_loop3A_340 : i32 to vector<16xi32>
          %parallel_loop3A_342 = arith.muli %parallel_loop3A_339, %parallel_loop3A_341 : vector<16xi32>
          %parallel_loop3A_343 = tpu.vector_load_idx %arg10[%parallel_loop3A_342] : memref<60000xf32, #tpu.memory_space<vmem>>[vector<16xi32>], vector<16xf32>,
          %parallel_loop3A_344 = arith.constant 1 : i32
          %parallel_loop3A_345 = vector.broadcast %parallel_loop3A_344 : i32 to vector<16xi32>
          %parallel_loop3A_346 = arith.addi %parallel_loop3A_342, %parallel_loop3A_345 : vector<16xi32>
          %parallel_loop3A_347 = tpu.vector_load_idx %arg10[%parallel_loop3A_346] : memref<60000xf32, #tpu.memory_space<vmem>>[vector<16xi32>], vector<16xf32>,
          %parallel_loop3A_348 = arith.constant 2 : i32
          %parallel_loop3A_349 = vector.broadcast %parallel_loop3A_348 : i32 to vector<16xi32>
          %parallel_loop3A_350 = arith.addi %parallel_loop3A_342, %parallel_loop3A_349 : vector<16xi32>
          %parallel_loop3A_351 = tpu.vector_load_idx %arg10[%parallel_loop3A_350] : memref<60000xf32, #tpu.memory_space<vmem>>[vector<16xi32>], vector<16xf32>,
          %parallel_loop3A_352 = tpu.vector_load_idx %arg11[%parallel_loop3A_339] : memref<20000xf32, #tpu.memory_space<vmem>>[vector<16xi32>], vector<16xf32>,
          %parallel_loop3A_353 = arith.subf %parallel_loop3A_343, %parallel_loop3A_112 : vector<16xf32>
          %parallel_loop3A_354 = arith.subf %parallel_loop3A_347, %parallel_loop3A_115 : vector<16xf32>
          %parallel_loop3A_355 = arith.subf %parallel_loop3A_351, %parallel_loop3A_118 : vector<16xf32>
          %parallel_loop3A_356 = arith.mulf %parallel_loop3A_353, %parallel_loop3A_353 : vector<16xf32>
          %parallel_loop3A_357 = arith.mulf %parallel_loop3A_354, %parallel_loop3A_354 : vector<16xf32>
          %parallel_loop3A_358 = arith.addf %parallel_loop3A_356, %parallel_loop3A_357 : vector<16xf32>
          %parallel_loop3A_359 = arith.mulf %parallel_loop3A_355, %parallel_loop3A_355 : vector<16xf32>
          %parallel_loop3A_360 = arith.addf %parallel_loop3A_358, %parallel_loop3A_359 : vector<16xf32>
          %parallel_loop3A_361 = arith.mulf %parallel_loop3A_360, %parallel_loop3A_352 : vector<16xf32>
          %parallel_loop3A_362 = math.exp %parallel_loop3A_361 : vector<16xf32>
          %parallel_loop3A_363 = arith.addf %parallel_loop3A_336, %parallel_loop3A_362 : vector<16xf32>
          %parallel_loop3A_364 = arith.constant 9 : i32
          %parallel_loop3A_365 = vector.broadcast %parallel_loop3A_364 : i32 to vector<16xi32>
          %parallel_loop3A_366 = tpu.vector_load_idx %arg13[%parallel_loop3A_365, %parallel_loop3A_109] : memref<16x512xi32, #tpu.memory_space<vmem>>[vector<16xi32>, vector<16xi32>], vector<16xi32>,
          %parallel_loop3A_367 = arith.constant 3 : i32
          %parallel_loop3A_368 = vector.broadcast %parallel_loop3A_367 : i32 to vector<16xi32>
          %parallel_loop3A_369 = arith.muli %parallel_loop3A_366, %parallel_loop3A_368 : vector<16xi32>
          %parallel_loop3A_370 = tpu.vector_load_idx %arg10[%parallel_loop3A_369] : memref<60000xf32, #tpu.memory_space<vmem>>[vector<16xi32>], vector<16xf32>,
          %parallel_loop3A_371 = arith.constant 1 : i32
          %parallel_loop3A_372 = vector.broadcast %parallel_loop3A_371 : i32 to vector<16xi32>
          %parallel_loop3A_373 = arith.addi %parallel_loop3A_369, %parallel_loop3A_372 : vector<16xi32>
          %parallel_loop3A_374 = tpu.vector_load_idx %arg10[%parallel_loop3A_373] : memref<60000xf32, #tpu.memory_space<vmem>>[vector<16xi32>], vector<16xf32>,
          %parallel_loop3A_375 = arith.constant 2 : i32
          %parallel_loop3A_376 = vector.broadcast %parallel_loop3A_375 : i32 to vector<16xi32>
          %parallel_loop3A_377 = arith.addi %parallel_loop3A_369, %parallel_loop3A_376 : vector<16xi32>
          %parallel_loop3A_378 = tpu.vector_load_idx %arg10[%parallel_loop3A_377] : memref<60000xf32, #tpu.memory_space<vmem>>[vector<16xi32>], vector<16xf32>,
          %parallel_loop3A_379 = tpu.vector_load_idx %arg11[%parallel_loop3A_366] : memref<20000xf32, #tpu.memory_space<vmem>>[vector<16xi32>], vector<16xf32>,
          %parallel_loop3A_380 = arith.subf %parallel_loop3A_370, %parallel_loop3A_112 : vector<16xf32>
          %parallel_loop3A_381 = arith.subf %parallel_loop3A_374, %parallel_loop3A_115 : vector<16xf32>
          %parallel_loop3A_382 = arith.subf %parallel_loop3A_378, %parallel_loop3A_118 : vector<16xf32>
          %parallel_loop3A_383 = arith.mulf %parallel_loop3A_380, %parallel_loop3A_380 : vector<16xf32>
          %parallel_loop3A_384 = arith.mulf %parallel_loop3A_381, %parallel_loop3A_381 : vector<16xf32>
          %parallel_loop3A_385 = arith.addf %parallel_loop3A_383, %parallel_loop3A_384 : vector<16xf32>
          %parallel_loop3A_386 = arith.mulf %parallel_loop3A_382, %parallel_loop3A_382 : vector<16xf32>
          %parallel_loop3A_387 = arith.addf %parallel_loop3A_385, %parallel_loop3A_386 : vector<16xf32>
          %parallel_loop3A_388 = arith.mulf %parallel_loop3A_387, %parallel_loop3A_379 : vector<16xf32>
          %parallel_loop3A_389 = math.exp %parallel_loop3A_388 : vector<16xf32>
          %parallel_loop3A_390 = arith.addf %parallel_loop3A_363, %parallel_loop3A_389 : vector<16xf32>
          %parallel_loop3A_391 = arith.constant 10 : i32
          %parallel_loop3A_392 = vector.broadcast %parallel_loop3A_391 : i32 to vector<16xi32>
          %parallel_loop3A_393 = tpu.vector_load_idx %arg13[%parallel_loop3A_392, %parallel_loop3A_109] : memref<16x512xi32, #tpu.memory_space<vmem>>[vector<16xi32>, vector<16xi32>], vector<16xi32>,
          %parallel_loop3A_394 = arith.constant 3 : i32
          %parallel_loop3A_395 = vector.broadcast %parallel_loop3A_394 : i32 to vector<16xi32>
          %parallel_loop3A_396 = arith.muli %parallel_loop3A_393, %parallel_loop3A_395 : vector<16xi32>
          %parallel_loop3A_397 = tpu.vector_load_idx %arg10[%parallel_loop3A_396] : memref<60000xf32, #tpu.memory_space<vmem>>[vector<16xi32>], vector<16xf32>,
          %parallel_loop3A_398 = arith.constant 1 : i32
          %parallel_loop3A_399 = vector.broadcast %parallel_loop3A_398 : i32 to vector<16xi32>
          %parallel_loop3A_400 = arith.addi %parallel_loop3A_396, %parallel_loop3A_399 : vector<16xi32>
          %parallel_loop3A_401 = tpu.vector_load_idx %arg10[%parallel_loop3A_400] : memref<60000xf32, #tpu.memory_space<vmem>>[vector<16xi32>], vector<16xf32>,
          %parallel_loop3A_402 = arith.constant 2 : i32
          %parallel_loop3A_403 = vector.broadcast %parallel_loop3A_402 : i32 to vector<16xi32>
          %parallel_loop3A_404 = arith.addi %parallel_loop3A_396, %parallel_loop3A_403 : vector<16xi32>
          %parallel_loop3A_405 = tpu.vector_load_idx %arg10[%parallel_loop3A_404] : memref<60000xf32, #tpu.memory_space<vmem>>[vector<16xi32>], vector<16xf32>,
          %parallel_loop3A_406 = tpu.vector_load_idx %arg11[%parallel_loop3A_393] : memref<20000xf32, #tpu.memory_space<vmem>>[vector<16xi32>], vector<16xf32>,
          %parallel_loop3A_407 = arith.subf %parallel_loop3A_397, %parallel_loop3A_112 : vector<16xf32>
          %parallel_loop3A_408 = arith.subf %parallel_loop3A_401, %parallel_loop3A_115 : vector<16xf32>
          %parallel_loop3A_409 = arith.subf %parallel_loop3A_405, %parallel_loop3A_118 : vector<16xf32>
          %parallel_loop3A_410 = arith.mulf %parallel_loop3A_407, %parallel_loop3A_407 : vector<16xf32>
          %parallel_loop3A_411 = arith.mulf %parallel_loop3A_408, %parallel_loop3A_408 : vector<16xf32>
          %parallel_loop3A_412 = arith.addf %parallel_loop3A_410, %parallel_loop3A_411 : vector<16xf32>
          %parallel_loop3A_413 = arith.mulf %parallel_loop3A_409, %parallel_loop3A_409 : vector<16xf32>
          %parallel_loop3A_414 = arith.addf %parallel_loop3A_412, %parallel_loop3A_413 : vector<16xf32>
          %parallel_loop3A_415 = arith.mulf %parallel_loop3A_414, %parallel_loop3A_406 : vector<16xf32>
          %parallel_loop3A_416 = math.exp %parallel_loop3A_415 : vector<16xf32>
          %parallel_loop3A_417 = arith.addf %parallel_loop3A_390, %parallel_loop3A_416 : vector<16xf32>
          %parallel_loop3A_418 = arith.constant 11 : i32
          %parallel_loop3A_419 = vector.broadcast %parallel_loop3A_418 : i32 to vector<16xi32>
          %parallel_loop3A_420 = tpu.vector_load_idx %arg13[%parallel_loop3A_419, %parallel_loop3A_109] : memref<16x512xi32, #tpu.memory_space<vmem>>[vector<16xi32>, vector<16xi32>], vector<16xi32>,
          %parallel_loop3A_421 = arith.constant 3 : i32
          %parallel_loop3A_422 = vector.broadcast %parallel_loop3A_421 : i32 to vector<16xi32>
          %parallel_loop3A_423 = arith.muli %parallel_loop3A_420, %parallel_loop3A_422 : vector<16xi32>
          %parallel_loop3A_424 = tpu.vector_load_idx %arg10[%parallel_loop3A_423] : memref<60000xf32, #tpu.memory_space<vmem>>[vector<16xi32>], vector<16xf32>,
          %parallel_loop3A_425 = arith.constant 1 : i32
          %parallel_loop3A_426 = vector.broadcast %parallel_loop3A_425 : i32 to vector<16xi32>
          %parallel_loop3A_427 = arith.addi %parallel_loop3A_423, %parallel_loop3A_426 : vector<16xi32>
          %parallel_loop3A_428 = tpu.vector_load_idx %arg10[%parallel_loop3A_427] : memref<60000xf32, #tpu.memory_space<vmem>>[vector<16xi32>], vector<16xf32>,
          %parallel_loop3A_429 = arith.constant 2 : i32
          %parallel_loop3A_430 = vector.broadcast %parallel_loop3A_429 : i32 to vector<16xi32>
          %parallel_loop3A_431 = arith.addi %parallel_loop3A_423, %parallel_loop3A_430 : vector<16xi32>
          %parallel_loop3A_432 = tpu.vector_load_idx %arg10[%parallel_loop3A_431] : memref<60000xf32, #tpu.memory_space<vmem>>[vector<16xi32>], vector<16xf32>,
          %parallel_loop3A_433 = tpu.vector_load_idx %arg11[%parallel_loop3A_420] : memref<20000xf32, #tpu.memory_space<vmem>>[vector<16xi32>], vector<16xf32>,
          %parallel_loop3A_434 = arith.subf %parallel_loop3A_424, %parallel_loop3A_112 : vector<16xf32>
          %parallel_loop3A_435 = arith.subf %parallel_loop3A_428, %parallel_loop3A_115 : vector<16xf32>
          %parallel_loop3A_436 = arith.subf %parallel_loop3A_432, %parallel_loop3A_118 : vector<16xf32>
          %parallel_loop3A_437 = arith.mulf %parallel_loop3A_434, %parallel_loop3A_434 : vector<16xf32>
          %parallel_loop3A_438 = arith.mulf %parallel_loop3A_435, %parallel_loop3A_435 : vector<16xf32>
          %parallel_loop3A_439 = arith.addf %parallel_loop3A_437, %parallel_loop3A_438 : vector<16xf32>
          %parallel_loop3A_440 = arith.mulf %parallel_loop3A_436, %parallel_loop3A_436 : vector<16xf32>
          %parallel_loop3A_441 = arith.addf %parallel_loop3A_439, %parallel_loop3A_440 : vector<16xf32>
          %parallel_loop3A_442 = arith.mulf %parallel_loop3A_441, %parallel_loop3A_433 : vector<16xf32>
          %parallel_loop3A_443 = math.exp %parallel_loop3A_442 : vector<16xf32>
          %parallel_loop3A_444 = arith.addf %parallel_loop3A_417, %parallel_loop3A_443 : vector<16xf32>
          %parallel_loop3A_445 = arith.constant 12 : i32
          %parallel_loop3A_446 = vector.broadcast %parallel_loop3A_445 : i32 to vector<16xi32>
          %parallel_loop3A_447 = tpu.vector_load_idx %arg13[%parallel_loop3A_446, %parallel_loop3A_109] : memref<16x512xi32, #tpu.memory_space<vmem>>[vector<16xi32>, vector<16xi32>], vector<16xi32>,
          %parallel_loop3A_448 = arith.constant 3 : i32
          %parallel_loop3A_449 = vector.broadcast %parallel_loop3A_448 : i32 to vector<16xi32>
          %parallel_loop3A_450 = arith.muli %parallel_loop3A_447, %parallel_loop3A_449 : vector<16xi32>
          %parallel_loop3A_451 = tpu.vector_load_idx %arg10[%parallel_loop3A_450] : memref<60000xf32, #tpu.memory_space<vmem>>[vector<16xi32>], vector<16xf32>,
          %parallel_loop3A_452 = arith.constant 1 : i32
          %parallel_loop3A_453 = vector.broadcast %parallel_loop3A_452 : i32 to vector<16xi32>
          %parallel_loop3A_454 = arith.addi %parallel_loop3A_450, %parallel_loop3A_453 : vector<16xi32>
          %parallel_loop3A_455 = tpu.vector_load_idx %arg10[%parallel_loop3A_454] : memref<60000xf32, #tpu.memory_space<vmem>>[vector<16xi32>], vector<16xf32>,
          %parallel_loop3A_456 = arith.constant 2 : i32
          %parallel_loop3A_457 = vector.broadcast %parallel_loop3A_456 : i32 to vector<16xi32>
          %parallel_loop3A_458 = arith.addi %parallel_loop3A_450, %parallel_loop3A_457 : vector<16xi32>
          %parallel_loop3A_459 = tpu.vector_load_idx %arg10[%parallel_loop3A_458] : memref<60000xf32, #tpu.memory_space<vmem>>[vector<16xi32>], vector<16xf32>,
          %parallel_loop3A_460 = tpu.vector_load_idx %arg11[%parallel_loop3A_447] : memref<20000xf32, #tpu.memory_space<vmem>>[vector<16xi32>], vector<16xf32>,
          %parallel_loop3A_461 = arith.subf %parallel_loop3A_451, %parallel_loop3A_112 : vector<16xf32>
          %parallel_loop3A_462 = arith.subf %parallel_loop3A_455, %parallel_loop3A_115 : vector<16xf32>
          %parallel_loop3A_463 = arith.subf %parallel_loop3A_459, %parallel_loop3A_118 : vector<16xf32>
          %parallel_loop3A_464 = arith.mulf %parallel_loop3A_461, %parallel_loop3A_461 : vector<16xf32>
          %parallel_loop3A_465 = arith.mulf %parallel_loop3A_462, %parallel_loop3A_462 : vector<16xf32>
          %parallel_loop3A_466 = arith.addf %parallel_loop3A_464, %parallel_loop3A_465 : vector<16xf32>
          %parallel_loop3A_467 = arith.mulf %parallel_loop3A_463, %parallel_loop3A_463 : vector<16xf32>
          %parallel_loop3A_468 = arith.addf %parallel_loop3A_466, %parallel_loop3A_467 : vector<16xf32>
          %parallel_loop3A_469 = arith.mulf %parallel_loop3A_468, %parallel_loop3A_460 : vector<16xf32>
          %parallel_loop3A_470 = math.exp %parallel_loop3A_469 : vector<16xf32>
          %parallel_loop3A_471 = arith.addf %parallel_loop3A_444, %parallel_loop3A_470 : vector<16xf32>
          %parallel_loop3A_472 = arith.constant 13 : i32
          %parallel_loop3A_473 = vector.broadcast %parallel_loop3A_472 : i32 to vector<16xi32>
          %parallel_loop3A_474 = tpu.vector_load_idx %arg13[%parallel_loop3A_473, %parallel_loop3A_109] : memref<16x512xi32, #tpu.memory_space<vmem>>[vector<16xi32>, vector<16xi32>], vector<16xi32>,
          %parallel_loop3A_475 = arith.constant 3 : i32
          %parallel_loop3A_476 = vector.broadcast %parallel_loop3A_475 : i32 to vector<16xi32>
          %parallel_loop3A_477 = arith.muli %parallel_loop3A_474, %parallel_loop3A_476 : vector<16xi32>
          %parallel_loop3A_478 = tpu.vector_load_idx %arg10[%parallel_loop3A_477] : memref<60000xf32, #tpu.memory_space<vmem>>[vector<16xi32>], vector<16xf32>,
          %parallel_loop3A_479 = arith.constant 1 : i32
          %parallel_loop3A_480 = vector.broadcast %parallel_loop3A_479 : i32 to vector<16xi32>
          %parallel_loop3A_481 = arith.addi %parallel_loop3A_477, %parallel_loop3A_480 : vector<16xi32>
          %parallel_loop3A_482 = tpu.vector_load_idx %arg10[%parallel_loop3A_481] : memref<60000xf32, #tpu.memory_space<vmem>>[vector<16xi32>], vector<16xf32>,
          %parallel_loop3A_483 = arith.constant 2 : i32
          %parallel_loop3A_484 = vector.broadcast %parallel_loop3A_483 : i32 to vector<16xi32>
          %parallel_loop3A_485 = arith.addi %parallel_loop3A_477, %parallel_loop3A_484 : vector<16xi32>
          %parallel_loop3A_486 = tpu.vector_load_idx %arg10[%parallel_loop3A_485] : memref<60000xf32, #tpu.memory_space<vmem>>[vector<16xi32>], vector<16xf32>,
          %parallel_loop3A_487 = tpu.vector_load_idx %arg11[%parallel_loop3A_474] : memref<20000xf32, #tpu.memory_space<vmem>>[vector<16xi32>], vector<16xf32>,
          %parallel_loop3A_488 = arith.subf %parallel_loop3A_478, %parallel_loop3A_112 : vector<16xf32>
          %parallel_loop3A_489 = arith.subf %parallel_loop3A_482, %parallel_loop3A_115 : vector<16xf32>
          %parallel_loop3A_490 = arith.subf %parallel_loop3A_486, %parallel_loop3A_118 : vector<16xf32>
          %parallel_loop3A_491 = arith.mulf %parallel_loop3A_488, %parallel_loop3A_488 : vector<16xf32>
          %parallel_loop3A_492 = arith.mulf %parallel_loop3A_489, %parallel_loop3A_489 : vector<16xf32>
          %parallel_loop3A_493 = arith.addf %parallel_loop3A_491, %parallel_loop3A_492 : vector<16xf32>
          %parallel_loop3A_494 = arith.mulf %parallel_loop3A_490, %parallel_loop3A_490 : vector<16xf32>
          %parallel_loop3A_495 = arith.addf %parallel_loop3A_493, %parallel_loop3A_494 : vector<16xf32>
          %parallel_loop3A_496 = arith.mulf %parallel_loop3A_495, %parallel_loop3A_487 : vector<16xf32>
          %parallel_loop3A_497 = math.exp %parallel_loop3A_496 : vector<16xf32>
          %parallel_loop3A_498 = arith.addf %parallel_loop3A_471, %parallel_loop3A_497 : vector<16xf32>
          %parallel_loop3A_499 = arith.constant 14 : i32
          %parallel_loop3A_500 = vector.broadcast %parallel_loop3A_499 : i32 to vector<16xi32>
          %parallel_loop3A_501 = tpu.vector_load_idx %arg13[%parallel_loop3A_500, %parallel_loop3A_109] : memref<16x512xi32, #tpu.memory_space<vmem>>[vector<16xi32>, vector<16xi32>], vector<16xi32>,
          %parallel_loop3A_502 = arith.constant 3 : i32
          %parallel_loop3A_503 = vector.broadcast %parallel_loop3A_502 : i32 to vector<16xi32>
          %parallel_loop3A_504 = arith.muli %parallel_loop3A_501, %parallel_loop3A_503 : vector<16xi32>
          %parallel_loop3A_505 = tpu.vector_load_idx %arg10[%parallel_loop3A_504] : memref<60000xf32, #tpu.memory_space<vmem>>[vector<16xi32>], vector<16xf32>,
          %parallel_loop3A_506 = arith.constant 1 : i32
          %parallel_loop3A_507 = vector.broadcast %parallel_loop3A_506 : i32 to vector<16xi32>
          %parallel_loop3A_508 = arith.addi %parallel_loop3A_504, %parallel_loop3A_507 : vector<16xi32>
          %parallel_loop3A_509 = tpu.vector_load_idx %arg10[%parallel_loop3A_508] : memref<60000xf32, #tpu.memory_space<vmem>>[vector<16xi32>], vector<16xf32>,
          %parallel_loop3A_510 = arith.constant 2 : i32
          %parallel_loop3A_511 = vector.broadcast %parallel_loop3A_510 : i32 to vector<16xi32>
          %parallel_loop3A_512 = arith.addi %parallel_loop3A_504, %parallel_loop3A_511 : vector<16xi32>
          %parallel_loop3A_513 = tpu.vector_load_idx %arg10[%parallel_loop3A_512] : memref<60000xf32, #tpu.memory_space<vmem>>[vector<16xi32>], vector<16xf32>,
          %parallel_loop3A_514 = tpu.vector_load_idx %arg11[%parallel_loop3A_501] : memref<20000xf32, #tpu.memory_space<vmem>>[vector<16xi32>], vector<16xf32>,
          %parallel_loop3A_515 = arith.subf %parallel_loop3A_505, %parallel_loop3A_112 : vector<16xf32>
          %parallel_loop3A_516 = arith.subf %parallel_loop3A_509, %parallel_loop3A_115 : vector<16xf32>
          %parallel_loop3A_517 = arith.subf %parallel_loop3A_513, %parallel_loop3A_118 : vector<16xf32>
          %parallel_loop3A_518 = arith.mulf %parallel_loop3A_515, %parallel_loop3A_515 : vector<16xf32>
          %parallel_loop3A_519 = arith.mulf %parallel_loop3A_516, %parallel_loop3A_516 : vector<16xf32>
          %parallel_loop3A_520 = arith.addf %parallel_loop3A_518, %parallel_loop3A_519 : vector<16xf32>
          %parallel_loop3A_521 = arith.mulf %parallel_loop3A_517, %parallel_loop3A_517 : vector<16xf32>
          %parallel_loop3A_522 = arith.addf %parallel_loop3A_520, %parallel_loop3A_521 : vector<16xf32>
          %parallel_loop3A_523 = arith.mulf %parallel_loop3A_522, %parallel_loop3A_514 : vector<16xf32>
          %parallel_loop3A_524 = math.exp %parallel_loop3A_523 : vector<16xf32>
          %parallel_loop3A_525 = arith.addf %parallel_loop3A_498, %parallel_loop3A_524 : vector<16xf32>
          %parallel_loop3A_526 = arith.constant 15 : i32
          %parallel_loop3A_527 = vector.broadcast %parallel_loop3A_526 : i32 to vector<16xi32>
          %parallel_loop3A_528 = tpu.vector_load_idx %arg13[%parallel_loop3A_527, %parallel_loop3A_109] : memref<16x512xi32, #tpu.memory_space<vmem>>[vector<16xi32>, vector<16xi32>], vector<16xi32>,
          %parallel_loop3A_529 = arith.constant 3 : i32
          %parallel_loop3A_530 = vector.broadcast %parallel_loop3A_529 : i32 to vector<16xi32>
          %parallel_loop3A_531 = arith.muli %parallel_loop3A_528, %parallel_loop3A_530 : vector<16xi32>
          %parallel_loop3A_532 = tpu.vector_load_idx %arg10[%parallel_loop3A_531] : memref<60000xf32, #tpu.memory_space<vmem>>[vector<16xi32>], vector<16xf32>,
          %parallel_loop3A_533 = arith.constant 1 : i32
          %parallel_loop3A_534 = vector.broadcast %parallel_loop3A_533 : i32 to vector<16xi32>
          %parallel_loop3A_535 = arith.addi %parallel_loop3A_531, %parallel_loop3A_534 : vector<16xi32>
          %parallel_loop3A_536 = tpu.vector_load_idx %arg10[%parallel_loop3A_535] : memref<60000xf32, #tpu.memory_space<vmem>>[vector<16xi32>], vector<16xf32>,
          %parallel_loop3A_537 = arith.constant 2 : i32
          %parallel_loop3A_538 = vector.broadcast %parallel_loop3A_537 : i32 to vector<16xi32>
          %parallel_loop3A_539 = arith.addi %parallel_loop3A_531, %parallel_loop3A_538 : vector<16xi32>
          %parallel_loop3A_540 = tpu.vector_load_idx %arg10[%parallel_loop3A_539] : memref<60000xf32, #tpu.memory_space<vmem>>[vector<16xi32>], vector<16xf32>,
          %parallel_loop3A_541 = tpu.vector_load_idx %arg11[%parallel_loop3A_528] : memref<20000xf32, #tpu.memory_space<vmem>>[vector<16xi32>], vector<16xf32>,
          %parallel_loop3A_542 = arith.subf %parallel_loop3A_532, %parallel_loop3A_112 : vector<16xf32>
          %parallel_loop3A_543 = arith.subf %parallel_loop3A_536, %parallel_loop3A_115 : vector<16xf32>
          %parallel_loop3A_544 = arith.subf %parallel_loop3A_540, %parallel_loop3A_118 : vector<16xf32>
          %parallel_loop3A_545 = arith.mulf %parallel_loop3A_542, %parallel_loop3A_542 : vector<16xf32>
          %parallel_loop3A_546 = arith.mulf %parallel_loop3A_543, %parallel_loop3A_543 : vector<16xf32>
          %parallel_loop3A_547 = arith.addf %parallel_loop3A_545, %parallel_loop3A_546 : vector<16xf32>
          %parallel_loop3A_548 = arith.mulf %parallel_loop3A_544, %parallel_loop3A_544 : vector<16xf32>
          %parallel_loop3A_549 = arith.addf %parallel_loop3A_547, %parallel_loop3A_548 : vector<16xf32>
          %parallel_loop3A_550 = arith.mulf %parallel_loop3A_549, %parallel_loop3A_541 : vector<16xf32>
          %parallel_loop3A_551 = math.exp %parallel_loop3A_550 : vector<16xf32>
          %parallel_loop3A_552 = arith.addf %parallel_loop3A_525, %parallel_loop3A_551 : vector<16xf32>
          %parallel_loop3A_553 = arith.constant 1.000000e+00 : f32
          %parallel_loop3A_554 = vector.broadcast %parallel_loop3A_553 : f32 to vector<16xf32>
          %parallel_loop3A_555 = arith.divf %parallel_loop3A_554, %parallel_loop3A_552 : vector<16xf32>
          %parallel_loop3A_556 = arith.constant 0 : i32
          %parallel_loop3A_557 = vector.broadcast %parallel_loop3A_556 : i32 to vector<16xi32>
          %parallel_loop3A_558 = arith.mulf %parallel_loop3A_146, %parallel_loop3A_555 : vector<16xf32>
          tpu.vector_store_idx %arg17[%parallel_loop3A_557, %parallel_loop3A_109], %parallel_loop3A_558 : memref<16x512xf32, #tpu.memory_space<vmem>>[vector<16xi32>, vector<16xi32>], vector<16xf32>,
          %parallel_loop3A_559 = arith.constant 1 : i32
          %parallel_loop3A_560 = vector.broadcast %parallel_loop3A_559 : i32 to vector<16xi32>
          %parallel_loop3A_561 = arith.mulf %parallel_loop3A_173, %parallel_loop3A_555 : vector<16xf32>
          tpu.vector_store_idx %arg17[%parallel_loop3A_560, %parallel_loop3A_109], %parallel_loop3A_561 : memref<16x512xf32, #tpu.memory_space<vmem>>[vector<16xi32>, vector<16xi32>], vector<16xf32>,
          %parallel_loop3A_562 = arith.constant 2 : i32
          %parallel_loop3A_563 = vector.broadcast %parallel_loop3A_562 : i32 to vector<16xi32>
          %parallel_loop3A_564 = arith.mulf %parallel_loop3A_200, %parallel_loop3A_555 : vector<16xf32>
          tpu.vector_store_idx %arg17[%parallel_loop3A_563, %parallel_loop3A_109], %parallel_loop3A_564 : memref<16x512xf32, #tpu.memory_space<vmem>>[vector<16xi32>, vector<16xi32>], vector<16xf32>,
          %parallel_loop3A_565 = arith.constant 3 : i32
          %parallel_loop3A_566 = vector.broadcast %parallel_loop3A_565 : i32 to vector<16xi32>
          %parallel_loop3A_567 = arith.mulf %parallel_loop3A_227, %parallel_loop3A_555 : vector<16xf32>
          tpu.vector_store_idx %arg17[%parallel_loop3A_566, %parallel_loop3A_109], %parallel_loop3A_567 : memref<16x512xf32, #tpu.memory_space<vmem>>[vector<16xi32>, vector<16xi32>], vector<16xf32>,
          %parallel_loop3A_568 = arith.constant 4 : i32
          %parallel_loop3A_569 = vector.broadcast %parallel_loop3A_568 : i32 to vector<16xi32>
          %parallel_loop3A_570 = arith.mulf %parallel_loop3A_254, %parallel_loop3A_555 : vector<16xf32>
          tpu.vector_store_idx %arg17[%parallel_loop3A_569, %parallel_loop3A_109], %parallel_loop3A_570 : memref<16x512xf32, #tpu.memory_space<vmem>>[vector<16xi32>, vector<16xi32>], vector<16xf32>,
          %parallel_loop3A_571 = arith.constant 5 : i32
          %parallel_loop3A_572 = vector.broadcast %parallel_loop3A_571 : i32 to vector<16xi32>
          %parallel_loop3A_573 = arith.mulf %parallel_loop3A_281, %parallel_loop3A_555 : vector<16xf32>
          tpu.vector_store_idx %arg17[%parallel_loop3A_572, %parallel_loop3A_109], %parallel_loop3A_573 : memref<16x512xf32, #tpu.memory_space<vmem>>[vector<16xi32>, vector<16xi32>], vector<16xf32>,
          %parallel_loop3A_574 = arith.constant 6 : i32
          %parallel_loop3A_575 = vector.broadcast %parallel_loop3A_574 : i32 to vector<16xi32>
          %parallel_loop3A_576 = arith.mulf %parallel_loop3A_308, %parallel_loop3A_555 : vector<16xf32>
          tpu.vector_store_idx %arg17[%parallel_loop3A_575, %parallel_loop3A_109], %parallel_loop3A_576 : memref<16x512xf32, #tpu.memory_space<vmem>>[vector<16xi32>, vector<16xi32>], vector<16xf32>,
          %parallel_loop3A_577 = arith.constant 7 : i32
          %parallel_loop3A_578 = vector.broadcast %parallel_loop3A_577 : i32 to vector<16xi32>
          %parallel_loop3A_579 = arith.mulf %parallel_loop3A_335, %parallel_loop3A_555 : vector<16xf32>
          tpu.vector_store_idx %arg17[%parallel_loop3A_578, %parallel_loop3A_109], %parallel_loop3A_579 : memref<16x512xf32, #tpu.memory_space<vmem>>[vector<16xi32>, vector<16xi32>], vector<16xf32>,
          %parallel_loop3A_580 = arith.constant 8 : i32
          %parallel_loop3A_581 = vector.broadcast %parallel_loop3A_580 : i32 to vector<16xi32>
          %parallel_loop3A_582 = arith.mulf %parallel_loop3A_362, %parallel_loop3A_555 : vector<16xf32>
          tpu.vector_store_idx %arg17[%parallel_loop3A_581, %parallel_loop3A_109], %parallel_loop3A_582 : memref<16x512xf32, #tpu.memory_space<vmem>>[vector<16xi32>, vector<16xi32>], vector<16xf32>,
          %parallel_loop3A_583 = arith.constant 9 : i32
          %parallel_loop3A_584 = vector.broadcast %parallel_loop3A_583 : i32 to vector<16xi32>
          %parallel_loop3A_585 = arith.mulf %parallel_loop3A_389, %parallel_loop3A_555 : vector<16xf32>
          tpu.vector_store_idx %arg17[%parallel_loop3A_584, %parallel_loop3A_109], %parallel_loop3A_585 : memref<16x512xf32, #tpu.memory_space<vmem>>[vector<16xi32>, vector<16xi32>], vector<16xf32>,
          %parallel_loop3A_586 = arith.constant 10 : i32
          %parallel_loop3A_587 = vector.broadcast %parallel_loop3A_586 : i32 to vector<16xi32>
          %parallel_loop3A_588 = arith.mulf %parallel_loop3A_416, %parallel_loop3A_555 : vector<16xf32>
          tpu.vector_store_idx %arg17[%parallel_loop3A_587, %parallel_loop3A_109], %parallel_loop3A_588 : memref<16x512xf32, #tpu.memory_space<vmem>>[vector<16xi32>, vector<16xi32>], vector<16xf32>,
          %parallel_loop3A_589 = arith.constant 11 : i32
          %parallel_loop3A_590 = vector.broadcast %parallel_loop3A_589 : i32 to vector<16xi32>
          %parallel_loop3A_591 = arith.mulf %parallel_loop3A_443, %parallel_loop3A_555 : vector<16xf32>
          tpu.vector_store_idx %arg17[%parallel_loop3A_590, %parallel_loop3A_109], %parallel_loop3A_591 : memref<16x512xf32, #tpu.memory_space<vmem>>[vector<16xi32>, vector<16xi32>], vector<16xf32>,
          %parallel_loop3A_592 = arith.constant 12 : i32
          %parallel_loop3A_593 = vector.broadcast %parallel_loop3A_592 : i32 to vector<16xi32>
          %parallel_loop3A_594 = arith.mulf %parallel_loop3A_470, %parallel_loop3A_555 : vector<16xf32>
          tpu.vector_store_idx %arg17[%parallel_loop3A_593, %parallel_loop3A_109], %parallel_loop3A_594 : memref<16x512xf32, #tpu.memory_space<vmem>>[vector<16xi32>, vector<16xi32>], vector<16xf32>,
          %parallel_loop3A_595 = arith.constant 13 : i32
          %parallel_loop3A_596 = vector.broadcast %parallel_loop3A_595 : i32 to vector<16xi32>
          %parallel_loop3A_597 = arith.mulf %parallel_loop3A_497, %parallel_loop3A_555 : vector<16xf32>
          tpu.vector_store_idx %arg17[%parallel_loop3A_596, %parallel_loop3A_109], %parallel_loop3A_597 : memref<16x512xf32, #tpu.memory_space<vmem>>[vector<16xi32>, vector<16xi32>], vector<16xf32>,
          %parallel_loop3A_598 = arith.constant 14 : i32
          %parallel_loop3A_599 = vector.broadcast %parallel_loop3A_598 : i32 to vector<16xi32>
          %parallel_loop3A_600 = arith.mulf %parallel_loop3A_524, %parallel_loop3A_555 : vector<16xf32>
          tpu.vector_store_idx %arg17[%parallel_loop3A_599, %parallel_loop3A_109], %parallel_loop3A_600 : memref<16x512xf32, #tpu.memory_space<vmem>>[vector<16xi32>, vector<16xi32>], vector<16xf32>,
          %parallel_loop3A_601 = arith.constant 15 : i32
          %parallel_loop3A_602 = vector.broadcast %parallel_loop3A_601 : i32 to vector<16xi32>
          %parallel_loop3A_603 = arith.mulf %parallel_loop3A_551, %parallel_loop3A_555 : vector<16xf32>
          tpu.vector_store_idx %arg17[%parallel_loop3A_602, %parallel_loop3A_109], %parallel_loop3A_603 : memref<16x512xf32, #tpu.memory_space<vmem>>[vector<16xi32>, vector<16xi32>], vector<16xf32>,
        } {sc.loop_unroll_factor = 4 : i64, sc.parallel_access}
        %mul3A_98 = arith.constant 512 : i32
        %mul3A_99 = arith.muli %add3A_67, %mul3A_98 : i32
        %dma_start3A_100 = arith.constant 0 : i32
        %dma_start3A_101 = tpu.memref_slice %arg8[%dma_start3A_100, %mul3A_99] : memref<16x1000000xf32, #tpu.memory_space<hbm>> -> memref<16x512xf32, #tpu.memory_space<hbm>>
        %dma_start3A_102 = arith.constant 0 : i32
        %dma_start3A_103 = tpu.memref_slice %arg8[%dma_start3A_102, %mul3A_99] : memref<16x1000000xf32, #tpu.memory_space<hbm>> -> memref<16x512xf32, #tpu.memory_space<hbm>>
        tpu.enqueue_dma source(%arg17 : memref<16x512xf32, #tpu.memory_space<vmem>>) target(%dma_start3A_103 : memref<16x512xf32, #tpu.memory_space<hbm>>) target_semaphore(%arg23 : memref<!tpu.dma_semaphore, #tpu.memory_space<semaphore_mem>>)
      } else {
      }
    }
    %scan3A_13 = arith.constant 31 : i32
    %sub3A = arith.constant 1953 : i32
    %sub3A_14 = arith.subi %sub3A, %add3A : i32
    %add3A_15 = arith.constant 32 : i32
    %add3A_16 = arith.addi %sub3A_14, %add3A_15 : i32
    %sub3A_17 = arith.constant 1 : i32
    %sub3A_18 = arith.subi %add3A_16, %sub3A_17 : i32
    %jit3A = arith.constant 32 : i32
    %div3A = arith.divsi %sub3A_18, %jit3A : i32
    %sign3A = arith.constant 0 : i32
    %sign3A_19 = arith.cmpi sgt, %sub3A_18, %sign3A : i32
    %sign3A_20 = arith.extui %sign3A_19 : i1 to i32
    %sign3A_21 = arith.constant 0 : i32
    %sign3A_22 = arith.cmpi slt, %sub3A_18, %sign3A_21 : i32
    %sign3A_23 = arith.extui %sign3A_22 : i1 to i32
    %sign3A_24 = arith.subi %sign3A_20, %sign3A_23 : i32
    %sign3A_25 = arith.constant 0 : i32
    %sign3A_26 = arith.cmpi sgt, %jit3A, %sign3A_25 : i32
    %sign3A_27 = arith.extui %sign3A_26 : i1 to i32
    %sign3A_28 = arith.constant 0 : i32
    %sign3A_29 = arith.cmpi slt, %jit3A, %sign3A_28 : i32
    %sign3A_30 = arith.extui %sign3A_29 : i1 to i32
    %sign3A_31 = arith.subi %sign3A_27, %sign3A_30 : i32
    %ne3A = arith.cmpi ne, %sign3A_24, %sign3A_31 : i32
    %rem3A = arith.remsi %sub3A_18, %jit3A : i32
    %ne3A_32 = arith.constant 0 : i32
    %ne3A_33 = arith.cmpi ne, %rem3A, %ne3A_32 : i32
    %and3A = arith.andi %ne3A, %ne3A_33 : i1
    %sub3A_34 = arith.constant 1 : i32
    %sub3A_35 = arith.subi %div3A, %sub3A_34 : i32
    %select_n3A = arith.select %and3A, %sub3A_35, %div3A : i32
    %ge3A = arith.constant 1 : i32
    %ge3A_36 = arith.cmpi sge, %select_n3A, %ge3A : i32
    %convert_element_type3A = arith.extui %ge3A_36 : i1 to i32
    %cond3A = arith.constant 0 : i32
    %cond3A_37 = arith.cmpi ne, %convert_element_type3A, %cond3A : i32
    scf.if %cond3A_37 {
      %dma_wait3A = arith.constant 0 : i32
      %dma_wait3A_47 = arith.constant 0 : i32
      %dma_wait3A_48 = tpu.memref_slice %arg8[%dma_wait3A, %dma_wait3A_47] : memref<16x1000000xf32, #tpu.memory_space<hbm>> -> memref<16x512xf32, #tpu.memory_space<hbm>>
      %dma_wait3A_49 = arith.constant 0 : i32
      %dma_wait3A_50 = arith.constant 0 : i32
      %dma_wait3A_51 = tpu.memref_slice %arg8[%dma_wait3A_49, %dma_wait3A_50] : memref<16x1000000xf32, #tpu.memory_space<hbm>> -> memref<16x512xf32, #tpu.memory_space<hbm>>
      tpu.wait_dma2 semaphore(%arg22 : memref<!tpu.dma_semaphore, #tpu.memory_space<semaphore_mem>>) src(%arg16 : memref<16x512xf32, #tpu.memory_space<vmem>>) dst(%dma_wait3A_51 : memref<16x512xf32, #tpu.memory_space<hbm>>)
    } else {
    }
    %ge3A_38 = arith.constant 2 : i32
    %ge3A_39 = arith.cmpi sge, %select_n3A, %ge3A_38 : i32
    %convert_element_type3A_40 = arith.extui %ge3A_39 : i1 to i32
    %cond3A_41 = arith.constant 0 : i32
    %cond3A_42 = arith.cmpi ne, %convert_element_type3A_40, %cond3A_41 : i32
    scf.if %cond3A_42 {
      %dma_wait3A = arith.constant 0 : i32
      %dma_wait3A_47 = arith.constant 0 : i32
      %dma_wait3A_48 = tpu.memref_slice %arg8[%dma_wait3A, %dma_wait3A_47] : memref<16x1000000xf32, #tpu.memory_space<hbm>> -> memref<16x512xf32, #tpu.memory_space<hbm>>
      %dma_wait3A_49 = arith.constant 0 : i32
      %dma_wait3A_50 = arith.constant 0 : i32
      %dma_wait3A_51 = tpu.memref_slice %arg8[%dma_wait3A_49, %dma_wait3A_50] : memref<16x1000000xf32, #tpu.memory_space<hbm>> -> memref<16x512xf32, #tpu.memory_space<hbm>>
      tpu.wait_dma2 semaphore(%arg23 : memref<!tpu.dma_semaphore, #tpu.memory_space<semaphore_mem>>) src(%arg17 : memref<16x512xf32, #tpu.memory_space<vmem>>) dst(%dma_wait3A_51 : memref<16x512xf32, #tpu.memory_space<hbm>>)
    } else {
    }
    %eq3A = arith.constant 0 : i32
    %eq3A_43 = arith.cmpi eq, %add3A, %eq3A : i32
    %convert_element_type3A_44 = arith.extui %eq3A_43 : i1 to i32
    %cond3A_45 = arith.constant 0 : i32
    %cond3A_46 = arith.cmpi ne, %convert_element_type3A_44, %cond3A_45 : i32
    scf.if %cond3A_46 {
      "tpu.region"() ({
        %run_scoped3A = tpu.sem_alloc : memref<!tpu.dma_semaphore, #tpu.memory_space<semaphore_mem>>
        %dma_start3A_49 = arith.constant 0 : i32
        %dma_start3A_50 = arith.constant 0 : i32
        %dma_start3A_51 = tpu.memref_slice %arg12[%dma_start3A_49, %dma_start3A_50] : memref<16x512xi32, #tpu.memory_space<vmem>> -> memref<16x128xi32, #tpu.memory_space<vmem>>
        %dma_start3A_52 = arith.constant 0 : i32
        %dma_start3A_53 = arith.constant 0 : i32
        %dma_start3A_54 = tpu.memref_slice %arg12[%dma_start3A_52, %dma_start3A_53] : memref<16x512xi32, #tpu.memory_space<vmem>> -> memref<16x128xi32, #tpu.memory_space<vmem>>
        tpu.enqueue_dma source(%arg5 : memref<16x128xi32, #tpu.memory_space<hbm>>) target(%dma_start3A_54 : memref<16x128xi32, #tpu.memory_space<vmem>>) target_semaphore(%run_scoped3A : memref<!tpu.dma_semaphore, #tpu.memory_space<semaphore_mem>>)
        %dma_wait3A = arith.constant 0 : i32
        %dma_wait3A_55 = arith.constant 0 : i32
        %dma_wait3A_56 = tpu.memref_slice %arg12[%dma_wait3A, %dma_wait3A_55] : memref<16x512xi32, #tpu.memory_space<vmem>> -> memref<16x128xi32, #tpu.memory_space<vmem>>
        %dma_wait3A_57 = arith.constant 0 : i32
        %dma_wait3A_58 = arith.constant 0 : i32
        %dma_wait3A_59 = tpu.memref_slice %arg12[%dma_wait3A_57, %dma_wait3A_58] : memref<16x512xi32, #tpu.memory_space<vmem>> -> memref<16x128xi32, #tpu.memory_space<vmem>>
        tpu.wait_dma2 semaphore(%run_scoped3A : memref<!tpu.dma_semaphore, #tpu.memory_space<semaphore_mem>>) src(%arg5 : memref<16x128xi32, #tpu.memory_space<hbm>>) dst(%dma_wait3A_59 : memref<16x128xi32, #tpu.memory_space<vmem>>)
        tpu.yield
      }) : () -> ()
      "tpu.region"() ({
        %run_scoped3A = tpu.sem_alloc : memref<!tpu.dma_semaphore, #tpu.memory_space<semaphore_mem>>
        %dma_start3A_49 = arith.constant 0 : i32
        %dma_start3A_50 = arith.constant 0 : i32
        %dma_start3A_51 = tpu.memref_slice %arg14[%dma_start3A_49, %dma_start3A_50] : memref<3x512xf32, #tpu.memory_space<vmem>> -> memref<3x128xf32, #tpu.memory_space<vmem>>
        %dma_start3A_52 = arith.constant 0 : i32
        %dma_start3A_53 = arith.constant 0 : i32
        %dma_start3A_54 = tpu.memref_slice %arg14[%dma_start3A_52, %dma_start3A_53] : memref<3x512xf32, #tpu.memory_space<vmem>> -> memref<3x128xf32, #tpu.memory_space<vmem>>
        tpu.enqueue_dma source(%arg4 : memref<3x128xf32, #tpu.memory_space<hbm>>) target(%dma_start3A_54 : memref<3x128xf32, #tpu.memory_space<vmem>>) target_semaphore(%run_scoped3A : memref<!tpu.dma_semaphore, #tpu.memory_space<semaphore_mem>>)
        %dma_wait3A = arith.constant 0 : i32
        %dma_wait3A_55 = arith.constant 0 : i32
        %dma_wait3A_56 = tpu.memref_slice %arg14[%dma_wait3A, %dma_wait3A_55] : memref<3x512xf32, #tpu.memory_space<vmem>> -> memref<3x128xf32, #tpu.memory_space<vmem>>
        %dma_wait3A_57 = arith.constant 0 : i32
        %dma_wait3A_58 = arith.constant 0 : i32
        %dma_wait3A_59 = tpu.memref_slice %arg14[%dma_wait3A_57, %dma_wait3A_58] : memref<3x512xf32, #tpu.memory_space<vmem>> -> memref<3x128xf32, #tpu.memory_space<vmem>>
        tpu.wait_dma2 semaphore(%run_scoped3A : memref<!tpu.dma_semaphore, #tpu.memory_space<semaphore_mem>>) src(%arg4 : memref<3x128xf32, #tpu.memory_space<hbm>>) dst(%dma_wait3A_59 : memref<3x128xf32, #tpu.memory_space<vmem>>)
        tpu.yield
      }) : () -> ()
      %parallel_loop3A = arith.constant 0 : i32
      %parallel_loop3A_47 = arith.constant 8 : i32
      %parallel_loop3A_48 = arith.constant 1 : i32
      scf.for %parallel_loop3A_49 = %parallel_loop3A to %parallel_loop3A_47 step %parallel_loop3A_48  : i32 {
        %parallel_loop3A_50 = tpu.iota {dimensions = array<i32: 0>} : vector<16xi32>
        %parallel_loop3A_51 = arith.constant 16 : i32
        %parallel_loop3A_52 = arith.muli %parallel_loop3A_49, %parallel_loop3A_51 : i32
        %parallel_loop3A_53 = vector.broadcast %parallel_loop3A_52 : i32 to vector<16xi32>
        %parallel_loop3A_54 = arith.addi %parallel_loop3A_50, %parallel_loop3A_53 : vector<16xi32>
        %parallel_loop3A_55 = arith.constant 0 : i32
        %parallel_loop3A_56 = vector.broadcast %parallel_loop3A_55 : i32 to vector<16xi32>
        %parallel_loop3A_57 = tpu.vector_load_idx %arg14[%parallel_loop3A_56, %parallel_loop3A_54] : memref<3x512xf32, #tpu.memory_space<vmem>>[vector<16xi32>, vector<16xi32>], vector<16xf32>,
        %parallel_loop3A_58 = arith.constant 1 : i32
        %parallel_loop3A_59 = vector.broadcast %parallel_loop3A_58 : i32 to vector<16xi32>
        %parallel_loop3A_60 = tpu.vector_load_idx %arg14[%parallel_loop3A_59, %parallel_loop3A_54] : memref<3x512xf32, #tpu.memory_space<vmem>>[vector<16xi32>, vector<16xi32>], vector<16xf32>,
        %parallel_loop3A_61 = arith.constant 2 : i32
        %parallel_loop3A_62 = vector.broadcast %parallel_loop3A_61 : i32 to vector<16xi32>
        %parallel_loop3A_63 = tpu.vector_load_idx %arg14[%parallel_loop3A_62, %parallel_loop3A_54] : memref<3x512xf32, #tpu.memory_space<vmem>>[vector<16xi32>, vector<16xi32>], vector<16xf32>,
        %parallel_loop3A_64 = arith.constant 9.99999993E-9 : f32
        %parallel_loop3A_65 = vector.broadcast %parallel_loop3A_64 : f32 to vector<16xf32>
        %parallel_loop3A_66 = arith.constant 0 : i32
        %parallel_loop3A_67 = vector.broadcast %parallel_loop3A_66 : i32 to vector<16xi32>
        %parallel_loop3A_68 = tpu.vector_load_idx %arg12[%parallel_loop3A_67, %parallel_loop3A_54] : memref<16x512xi32, #tpu.memory_space<vmem>>[vector<16xi32>, vector<16xi32>], vector<16xi32>,
        %parallel_loop3A_69 = arith.constant 3 : i32
        %parallel_loop3A_70 = vector.broadcast %parallel_loop3A_69 : i32 to vector<16xi32>
        %parallel_loop3A_71 = arith.muli %parallel_loop3A_68, %parallel_loop3A_70 : vector<16xi32>
        %parallel_loop3A_72 = tpu.vector_load_idx %arg10[%parallel_loop3A_71] : memref<60000xf32, #tpu.memory_space<vmem>>[vector<16xi32>], vector<16xf32>,
        %parallel_loop3A_73 = arith.constant 1 : i32
        %parallel_loop3A_74 = vector.broadcast %parallel_loop3A_73 : i32 to vector<16xi32>
        %parallel_loop3A_75 = arith.addi %parallel_loop3A_71, %parallel_loop3A_74 : vector<16xi32>
        %parallel_loop3A_76 = tpu.vector_load_idx %arg10[%parallel_loop3A_75] : memref<60000xf32, #tpu.memory_space<vmem>>[vector<16xi32>], vector<16xf32>,
        %parallel_loop3A_77 = arith.constant 2 : i32
        %parallel_loop3A_78 = vector.broadcast %parallel_loop3A_77 : i32 to vector<16xi32>
        %parallel_loop3A_79 = arith.addi %parallel_loop3A_71, %parallel_loop3A_78 : vector<16xi32>
        %parallel_loop3A_80 = tpu.vector_load_idx %arg10[%parallel_loop3A_79] : memref<60000xf32, #tpu.memory_space<vmem>>[vector<16xi32>], vector<16xf32>,
        %parallel_loop3A_81 = tpu.vector_load_idx %arg11[%parallel_loop3A_68] : memref<20000xf32, #tpu.memory_space<vmem>>[vector<16xi32>], vector<16xf32>,
        %parallel_loop3A_82 = arith.subf %parallel_loop3A_72, %parallel_loop3A_57 : vector<16xf32>
        %parallel_loop3A_83 = arith.subf %parallel_loop3A_76, %parallel_loop3A_60 : vector<16xf32>
        %parallel_loop3A_84 = arith.subf %parallel_loop3A_80, %parallel_loop3A_63 : vector<16xf32>
        %parallel_loop3A_85 = arith.mulf %parallel_loop3A_82, %parallel_loop3A_82 : vector<16xf32>
        %parallel_loop3A_86 = arith.mulf %parallel_loop3A_83, %parallel_loop3A_83 : vector<16xf32>
        %parallel_loop3A_87 = arith.addf %parallel_loop3A_85, %parallel_loop3A_86 : vector<16xf32>
        %parallel_loop3A_88 = arith.mulf %parallel_loop3A_84, %parallel_loop3A_84 : vector<16xf32>
        %parallel_loop3A_89 = arith.addf %parallel_loop3A_87, %parallel_loop3A_88 : vector<16xf32>
        %parallel_loop3A_90 = arith.mulf %parallel_loop3A_89, %parallel_loop3A_81 : vector<16xf32>
        %parallel_loop3A_91 = math.exp %parallel_loop3A_90 : vector<16xf32>
        %parallel_loop3A_92 = arith.addf %parallel_loop3A_65, %parallel_loop3A_91 : vector<16xf32>
        %parallel_loop3A_93 = arith.constant 1 : i32
        %parallel_loop3A_94 = vector.broadcast %parallel_loop3A_93 : i32 to vector<16xi32>
        %parallel_loop3A_95 = tpu.vector_load_idx %arg12[%parallel_loop3A_94, %parallel_loop3A_54] : memref<16x512xi32, #tpu.memory_space<vmem>>[vector<16xi32>, vector<16xi32>], vector<16xi32>,
        %parallel_loop3A_96 = arith.constant 3 : i32
        %parallel_loop3A_97 = vector.broadcast %parallel_loop3A_96 : i32 to vector<16xi32>
        %parallel_loop3A_98 = arith.muli %parallel_loop3A_95, %parallel_loop3A_97 : vector<16xi32>
        %parallel_loop3A_99 = tpu.vector_load_idx %arg10[%parallel_loop3A_98] : memref<60000xf32, #tpu.memory_space<vmem>>[vector<16xi32>], vector<16xf32>,
        %parallel_loop3A_100 = arith.constant 1 : i32
        %parallel_loop3A_101 = vector.broadcast %parallel_loop3A_100 : i32 to vector<16xi32>
        %parallel_loop3A_102 = arith.addi %parallel_loop3A_98, %parallel_loop3A_101 : vector<16xi32>
        %parallel_loop3A_103 = tpu.vector_load_idx %arg10[%parallel_loop3A_102] : memref<60000xf32, #tpu.memory_space<vmem>>[vector<16xi32>], vector<16xf32>,
        %parallel_loop3A_104 = arith.constant 2 : i32
        %parallel_loop3A_105 = vector.broadcast %parallel_loop3A_104 : i32 to vector<16xi32>
        %parallel_loop3A_106 = arith.addi %parallel_loop3A_98, %parallel_loop3A_105 : vector<16xi32>
        %parallel_loop3A_107 = tpu.vector_load_idx %arg10[%parallel_loop3A_106] : memref<60000xf32, #tpu.memory_space<vmem>>[vector<16xi32>], vector<16xf32>,
        %parallel_loop3A_108 = tpu.vector_load_idx %arg11[%parallel_loop3A_95] : memref<20000xf32, #tpu.memory_space<vmem>>[vector<16xi32>], vector<16xf32>,
        %parallel_loop3A_109 = arith.subf %parallel_loop3A_99, %parallel_loop3A_57 : vector<16xf32>
        %parallel_loop3A_110 = arith.subf %parallel_loop3A_103, %parallel_loop3A_60 : vector<16xf32>
        %parallel_loop3A_111 = arith.subf %parallel_loop3A_107, %parallel_loop3A_63 : vector<16xf32>
        %parallel_loop3A_112 = arith.mulf %parallel_loop3A_109, %parallel_loop3A_109 : vector<16xf32>
        %parallel_loop3A_113 = arith.mulf %parallel_loop3A_110, %parallel_loop3A_110 : vector<16xf32>
        %parallel_loop3A_114 = arith.addf %parallel_loop3A_112, %parallel_loop3A_113 : vector<16xf32>
        %parallel_loop3A_115 = arith.mulf %parallel_loop3A_111, %parallel_loop3A_111 : vector<16xf32>
        %parallel_loop3A_116 = arith.addf %parallel_loop3A_114, %parallel_loop3A_115 : vector<16xf32>
        %parallel_loop3A_117 = arith.mulf %parallel_loop3A_116, %parallel_loop3A_108 : vector<16xf32>
        %parallel_loop3A_118 = math.exp %parallel_loop3A_117 : vector<16xf32>
        %parallel_loop3A_119 = arith.addf %parallel_loop3A_92, %parallel_loop3A_118 : vector<16xf32>
        %parallel_loop3A_120 = arith.constant 2 : i32
        %parallel_loop3A_121 = vector.broadcast %parallel_loop3A_120 : i32 to vector<16xi32>
        %parallel_loop3A_122 = tpu.vector_load_idx %arg12[%parallel_loop3A_121, %parallel_loop3A_54] : memref<16x512xi32, #tpu.memory_space<vmem>>[vector<16xi32>, vector<16xi32>], vector<16xi32>,
        %parallel_loop3A_123 = arith.constant 3 : i32
        %parallel_loop3A_124 = vector.broadcast %parallel_loop3A_123 : i32 to vector<16xi32>
        %parallel_loop3A_125 = arith.muli %parallel_loop3A_122, %parallel_loop3A_124 : vector<16xi32>
        %parallel_loop3A_126 = tpu.vector_load_idx %arg10[%parallel_loop3A_125] : memref<60000xf32, #tpu.memory_space<vmem>>[vector<16xi32>], vector<16xf32>,
        %parallel_loop3A_127 = arith.constant 1 : i32
        %parallel_loop3A_128 = vector.broadcast %parallel_loop3A_127 : i32 to vector<16xi32>
        %parallel_loop3A_129 = arith.addi %parallel_loop3A_125, %parallel_loop3A_128 : vector<16xi32>
        %parallel_loop3A_130 = tpu.vector_load_idx %arg10[%parallel_loop3A_129] : memref<60000xf32, #tpu.memory_space<vmem>>[vector<16xi32>], vector<16xf32>,
        %parallel_loop3A_131 = arith.constant 2 : i32
        %parallel_loop3A_132 = vector.broadcast %parallel_loop3A_131 : i32 to vector<16xi32>
        %parallel_loop3A_133 = arith.addi %parallel_loop3A_125, %parallel_loop3A_132 : vector<16xi32>
        %parallel_loop3A_134 = tpu.vector_load_idx %arg10[%parallel_loop3A_133] : memref<60000xf32, #tpu.memory_space<vmem>>[vector<16xi32>], vector<16xf32>,
        %parallel_loop3A_135 = tpu.vector_load_idx %arg11[%parallel_loop3A_122] : memref<20000xf32, #tpu.memory_space<vmem>>[vector<16xi32>], vector<16xf32>,
        %parallel_loop3A_136 = arith.subf %parallel_loop3A_126, %parallel_loop3A_57 : vector<16xf32>
        %parallel_loop3A_137 = arith.subf %parallel_loop3A_130, %parallel_loop3A_60 : vector<16xf32>
        %parallel_loop3A_138 = arith.subf %parallel_loop3A_134, %parallel_loop3A_63 : vector<16xf32>
        %parallel_loop3A_139 = arith.mulf %parallel_loop3A_136, %parallel_loop3A_136 : vector<16xf32>
        %parallel_loop3A_140 = arith.mulf %parallel_loop3A_137, %parallel_loop3A_137 : vector<16xf32>
        %parallel_loop3A_141 = arith.addf %parallel_loop3A_139, %parallel_loop3A_140 : vector<16xf32>
        %parallel_loop3A_142 = arith.mulf %parallel_loop3A_138, %parallel_loop3A_138 : vector<16xf32>
        %parallel_loop3A_143 = arith.addf %parallel_loop3A_141, %parallel_loop3A_142 : vector<16xf32>
        %parallel_loop3A_144 = arith.mulf %parallel_loop3A_143, %parallel_loop3A_135 : vector<16xf32>
        %parallel_loop3A_145 = math.exp %parallel_loop3A_144 : vector<16xf32>
        %parallel_loop3A_146 = arith.addf %parallel_loop3A_119, %parallel_loop3A_145 : vector<16xf32>
        %parallel_loop3A_147 = arith.constant 3 : i32
        %parallel_loop3A_148 = vector.broadcast %parallel_loop3A_147 : i32 to vector<16xi32>
        %parallel_loop3A_149 = tpu.vector_load_idx %arg12[%parallel_loop3A_148, %parallel_loop3A_54] : memref<16x512xi32, #tpu.memory_space<vmem>>[vector<16xi32>, vector<16xi32>], vector<16xi32>,
        %parallel_loop3A_150 = arith.constant 3 : i32
        %parallel_loop3A_151 = vector.broadcast %parallel_loop3A_150 : i32 to vector<16xi32>
        %parallel_loop3A_152 = arith.muli %parallel_loop3A_149, %parallel_loop3A_151 : vector<16xi32>
        %parallel_loop3A_153 = tpu.vector_load_idx %arg10[%parallel_loop3A_152] : memref<60000xf32, #tpu.memory_space<vmem>>[vector<16xi32>], vector<16xf32>,
        %parallel_loop3A_154 = arith.constant 1 : i32
        %parallel_loop3A_155 = vector.broadcast %parallel_loop3A_154 : i32 to vector<16xi32>
        %parallel_loop3A_156 = arith.addi %parallel_loop3A_152, %parallel_loop3A_155 : vector<16xi32>
        %parallel_loop3A_157 = tpu.vector_load_idx %arg10[%parallel_loop3A_156] : memref<60000xf32, #tpu.memory_space<vmem>>[vector<16xi32>], vector<16xf32>,
        %parallel_loop3A_158 = arith.constant 2 : i32
        %parallel_loop3A_159 = vector.broadcast %parallel_loop3A_158 : i32 to vector<16xi32>
        %parallel_loop3A_160 = arith.addi %parallel_loop3A_152, %parallel_loop3A_159 : vector<16xi32>
        %parallel_loop3A_161 = tpu.vector_load_idx %arg10[%parallel_loop3A_160] : memref<60000xf32, #tpu.memory_space<vmem>>[vector<16xi32>], vector<16xf32>,
        %parallel_loop3A_162 = tpu.vector_load_idx %arg11[%parallel_loop3A_149] : memref<20000xf32, #tpu.memory_space<vmem>>[vector<16xi32>], vector<16xf32>,
        %parallel_loop3A_163 = arith.subf %parallel_loop3A_153, %parallel_loop3A_57 : vector<16xf32>
        %parallel_loop3A_164 = arith.subf %parallel_loop3A_157, %parallel_loop3A_60 : vector<16xf32>
        %parallel_loop3A_165 = arith.subf %parallel_loop3A_161, %parallel_loop3A_63 : vector<16xf32>
        %parallel_loop3A_166 = arith.mulf %parallel_loop3A_163, %parallel_loop3A_163 : vector<16xf32>
        %parallel_loop3A_167 = arith.mulf %parallel_loop3A_164, %parallel_loop3A_164 : vector<16xf32>
        %parallel_loop3A_168 = arith.addf %parallel_loop3A_166, %parallel_loop3A_167 : vector<16xf32>
        %parallel_loop3A_169 = arith.mulf %parallel_loop3A_165, %parallel_loop3A_165 : vector<16xf32>
        %parallel_loop3A_170 = arith.addf %parallel_loop3A_168, %parallel_loop3A_169 : vector<16xf32>
        %parallel_loop3A_171 = arith.mulf %parallel_loop3A_170, %parallel_loop3A_162 : vector<16xf32>
        %parallel_loop3A_172 = math.exp %parallel_loop3A_171 : vector<16xf32>
        %parallel_loop3A_173 = arith.addf %parallel_loop3A_146, %parallel_loop3A_172 : vector<16xf32>
        %parallel_loop3A_174 = arith.constant 4 : i32
        %parallel_loop3A_175 = vector.broadcast %parallel_loop3A_174 : i32 to vector<16xi32>
        %parallel_loop3A_176 = tpu.vector_load_idx %arg12[%parallel_loop3A_175, %parallel_loop3A_54] : memref<16x512xi32, #tpu.memory_space<vmem>>[vector<16xi32>, vector<16xi32>], vector<16xi32>,
        %parallel_loop3A_177 = arith.constant 3 : i32
        %parallel_loop3A_178 = vector.broadcast %parallel_loop3A_177 : i32 to vector<16xi32>
        %parallel_loop3A_179 = arith.muli %parallel_loop3A_176, %parallel_loop3A_178 : vector<16xi32>
        %parallel_loop3A_180 = tpu.vector_load_idx %arg10[%parallel_loop3A_179] : memref<60000xf32, #tpu.memory_space<vmem>>[vector<16xi32>], vector<16xf32>,
        %parallel_loop3A_181 = arith.constant 1 : i32
        %parallel_loop3A_182 = vector.broadcast %parallel_loop3A_181 : i32 to vector<16xi32>
        %parallel_loop3A_183 = arith.addi %parallel_loop3A_179, %parallel_loop3A_182 : vector<16xi32>
        %parallel_loop3A_184 = tpu.vector_load_idx %arg10[%parallel_loop3A_183] : memref<60000xf32, #tpu.memory_space<vmem>>[vector<16xi32>], vector<16xf32>,
        %parallel_loop3A_185 = arith.constant 2 : i32
        %parallel_loop3A_186 = vector.broadcast %parallel_loop3A_185 : i32 to vector<16xi32>
        %parallel_loop3A_187 = arith.addi %parallel_loop3A_179, %parallel_loop3A_186 : vector<16xi32>
        %parallel_loop3A_188 = tpu.vector_load_idx %arg10[%parallel_loop3A_187] : memref<60000xf32, #tpu.memory_space<vmem>>[vector<16xi32>], vector<16xf32>,
        %parallel_loop3A_189 = tpu.vector_load_idx %arg11[%parallel_loop3A_176] : memref<20000xf32, #tpu.memory_space<vmem>>[vector<16xi32>], vector<16xf32>,
        %parallel_loop3A_190 = arith.subf %parallel_loop3A_180, %parallel_loop3A_57 : vector<16xf32>
        %parallel_loop3A_191 = arith.subf %parallel_loop3A_184, %parallel_loop3A_60 : vector<16xf32>
        %parallel_loop3A_192 = arith.subf %parallel_loop3A_188, %parallel_loop3A_63 : vector<16xf32>
        %parallel_loop3A_193 = arith.mulf %parallel_loop3A_190, %parallel_loop3A_190 : vector<16xf32>
        %parallel_loop3A_194 = arith.mulf %parallel_loop3A_191, %parallel_loop3A_191 : vector<16xf32>
        %parallel_loop3A_195 = arith.addf %parallel_loop3A_193, %parallel_loop3A_194 : vector<16xf32>
        %parallel_loop3A_196 = arith.mulf %parallel_loop3A_192, %parallel_loop3A_192 : vector<16xf32>
        %parallel_loop3A_197 = arith.addf %parallel_loop3A_195, %parallel_loop3A_196 : vector<16xf32>
        %parallel_loop3A_198 = arith.mulf %parallel_loop3A_197, %parallel_loop3A_189 : vector<16xf32>
        %parallel_loop3A_199 = math.exp %parallel_loop3A_198 : vector<16xf32>
        %parallel_loop3A_200 = arith.addf %parallel_loop3A_173, %parallel_loop3A_199 : vector<16xf32>
        %parallel_loop3A_201 = arith.constant 5 : i32
        %parallel_loop3A_202 = vector.broadcast %parallel_loop3A_201 : i32 to vector<16xi32>
        %parallel_loop3A_203 = tpu.vector_load_idx %arg12[%parallel_loop3A_202, %parallel_loop3A_54] : memref<16x512xi32, #tpu.memory_space<vmem>>[vector<16xi32>, vector<16xi32>], vector<16xi32>,
        %parallel_loop3A_204 = arith.constant 3 : i32
        %parallel_loop3A_205 = vector.broadcast %parallel_loop3A_204 : i32 to vector<16xi32>
        %parallel_loop3A_206 = arith.muli %parallel_loop3A_203, %parallel_loop3A_205 : vector<16xi32>
        %parallel_loop3A_207 = tpu.vector_load_idx %arg10[%parallel_loop3A_206] : memref<60000xf32, #tpu.memory_space<vmem>>[vector<16xi32>], vector<16xf32>,
        %parallel_loop3A_208 = arith.constant 1 : i32
        %parallel_loop3A_209 = vector.broadcast %parallel_loop3A_208 : i32 to vector<16xi32>
        %parallel_loop3A_210 = arith.addi %parallel_loop3A_206, %parallel_loop3A_209 : vector<16xi32>
        %parallel_loop3A_211 = tpu.vector_load_idx %arg10[%parallel_loop3A_210] : memref<60000xf32, #tpu.memory_space<vmem>>[vector<16xi32>], vector<16xf32>,
        %parallel_loop3A_212 = arith.constant 2 : i32
        %parallel_loop3A_213 = vector.broadcast %parallel_loop3A_212 : i32 to vector<16xi32>
        %parallel_loop3A_214 = arith.addi %parallel_loop3A_206, %parallel_loop3A_213 : vector<16xi32>
        %parallel_loop3A_215 = tpu.vector_load_idx %arg10[%parallel_loop3A_214] : memref<60000xf32, #tpu.memory_space<vmem>>[vector<16xi32>], vector<16xf32>,
        %parallel_loop3A_216 = tpu.vector_load_idx %arg11[%parallel_loop3A_203] : memref<20000xf32, #tpu.memory_space<vmem>>[vector<16xi32>], vector<16xf32>,
        %parallel_loop3A_217 = arith.subf %parallel_loop3A_207, %parallel_loop3A_57 : vector<16xf32>
        %parallel_loop3A_218 = arith.subf %parallel_loop3A_211, %parallel_loop3A_60 : vector<16xf32>
        %parallel_loop3A_219 = arith.subf %parallel_loop3A_215, %parallel_loop3A_63 : vector<16xf32>
        %parallel_loop3A_220 = arith.mulf %parallel_loop3A_217, %parallel_loop3A_217 : vector<16xf32>
        %parallel_loop3A_221 = arith.mulf %parallel_loop3A_218, %parallel_loop3A_218 : vector<16xf32>
        %parallel_loop3A_222 = arith.addf %parallel_loop3A_220, %parallel_loop3A_221 : vector<16xf32>
        %parallel_loop3A_223 = arith.mulf %parallel_loop3A_219, %parallel_loop3A_219 : vector<16xf32>
        %parallel_loop3A_224 = arith.addf %parallel_loop3A_222, %parallel_loop3A_223 : vector<16xf32>
        %parallel_loop3A_225 = arith.mulf %parallel_loop3A_224, %parallel_loop3A_216 : vector<16xf32>
        %parallel_loop3A_226 = math.exp %parallel_loop3A_225 : vector<16xf32>
        %parallel_loop3A_227 = arith.addf %parallel_loop3A_200, %parallel_loop3A_226 : vector<16xf32>
        %parallel_loop3A_228 = arith.constant 6 : i32
        %parallel_loop3A_229 = vector.broadcast %parallel_loop3A_228 : i32 to vector<16xi32>
        %parallel_loop3A_230 = tpu.vector_load_idx %arg12[%parallel_loop3A_229, %parallel_loop3A_54] : memref<16x512xi32, #tpu.memory_space<vmem>>[vector<16xi32>, vector<16xi32>], vector<16xi32>,
        %parallel_loop3A_231 = arith.constant 3 : i32
        %parallel_loop3A_232 = vector.broadcast %parallel_loop3A_231 : i32 to vector<16xi32>
        %parallel_loop3A_233 = arith.muli %parallel_loop3A_230, %parallel_loop3A_232 : vector<16xi32>
        %parallel_loop3A_234 = tpu.vector_load_idx %arg10[%parallel_loop3A_233] : memref<60000xf32, #tpu.memory_space<vmem>>[vector<16xi32>], vector<16xf32>,
        %parallel_loop3A_235 = arith.constant 1 : i32
        %parallel_loop3A_236 = vector.broadcast %parallel_loop3A_235 : i32 to vector<16xi32>
        %parallel_loop3A_237 = arith.addi %parallel_loop3A_233, %parallel_loop3A_236 : vector<16xi32>
        %parallel_loop3A_238 = tpu.vector_load_idx %arg10[%parallel_loop3A_237] : memref<60000xf32, #tpu.memory_space<vmem>>[vector<16xi32>], vector<16xf32>,
        %parallel_loop3A_239 = arith.constant 2 : i32
        %parallel_loop3A_240 = vector.broadcast %parallel_loop3A_239 : i32 to vector<16xi32>
        %parallel_loop3A_241 = arith.addi %parallel_loop3A_233, %parallel_loop3A_240 : vector<16xi32>
        %parallel_loop3A_242 = tpu.vector_load_idx %arg10[%parallel_loop3A_241] : memref<60000xf32, #tpu.memory_space<vmem>>[vector<16xi32>], vector<16xf32>,
        %parallel_loop3A_243 = tpu.vector_load_idx %arg11[%parallel_loop3A_230] : memref<20000xf32, #tpu.memory_space<vmem>>[vector<16xi32>], vector<16xf32>,
        %parallel_loop3A_244 = arith.subf %parallel_loop3A_234, %parallel_loop3A_57 : vector<16xf32>
        %parallel_loop3A_245 = arith.subf %parallel_loop3A_238, %parallel_loop3A_60 : vector<16xf32>
        %parallel_loop3A_246 = arith.subf %parallel_loop3A_242, %parallel_loop3A_63 : vector<16xf32>
        %parallel_loop3A_247 = arith.mulf %parallel_loop3A_244, %parallel_loop3A_244 : vector<16xf32>
        %parallel_loop3A_248 = arith.mulf %parallel_loop3A_245, %parallel_loop3A_245 : vector<16xf32>
        %parallel_loop3A_249 = arith.addf %parallel_loop3A_247, %parallel_loop3A_248 : vector<16xf32>
        %parallel_loop3A_250 = arith.mulf %parallel_loop3A_246, %parallel_loop3A_246 : vector<16xf32>
        %parallel_loop3A_251 = arith.addf %parallel_loop3A_249, %parallel_loop3A_250 : vector<16xf32>
        %parallel_loop3A_252 = arith.mulf %parallel_loop3A_251, %parallel_loop3A_243 : vector<16xf32>
        %parallel_loop3A_253 = math.exp %parallel_loop3A_252 : vector<16xf32>
        %parallel_loop3A_254 = arith.addf %parallel_loop3A_227, %parallel_loop3A_253 : vector<16xf32>
        %parallel_loop3A_255 = arith.constant 7 : i32
        %parallel_loop3A_256 = vector.broadcast %parallel_loop3A_255 : i32 to vector<16xi32>
        %parallel_loop3A_257 = tpu.vector_load_idx %arg12[%parallel_loop3A_256, %parallel_loop3A_54] : memref<16x512xi32, #tpu.memory_space<vmem>>[vector<16xi32>, vector<16xi32>], vector<16xi32>,
        %parallel_loop3A_258 = arith.constant 3 : i32
        %parallel_loop3A_259 = vector.broadcast %parallel_loop3A_258 : i32 to vector<16xi32>
        %parallel_loop3A_260 = arith.muli %parallel_loop3A_257, %parallel_loop3A_259 : vector<16xi32>
        %parallel_loop3A_261 = tpu.vector_load_idx %arg10[%parallel_loop3A_260] : memref<60000xf32, #tpu.memory_space<vmem>>[vector<16xi32>], vector<16xf32>,
        %parallel_loop3A_262 = arith.constant 1 : i32
        %parallel_loop3A_263 = vector.broadcast %parallel_loop3A_262 : i32 to vector<16xi32>
        %parallel_loop3A_264 = arith.addi %parallel_loop3A_260, %parallel_loop3A_263 : vector<16xi32>
        %parallel_loop3A_265 = tpu.vector_load_idx %arg10[%parallel_loop3A_264] : memref<60000xf32, #tpu.memory_space<vmem>>[vector<16xi32>], vector<16xf32>,
        %parallel_loop3A_266 = arith.constant 2 : i32
        %parallel_loop3A_267 = vector.broadcast %parallel_loop3A_266 : i32 to vector<16xi32>
        %parallel_loop3A_268 = arith.addi %parallel_loop3A_260, %parallel_loop3A_267 : vector<16xi32>
        %parallel_loop3A_269 = tpu.vector_load_idx %arg10[%parallel_loop3A_268] : memref<60000xf32, #tpu.memory_space<vmem>>[vector<16xi32>], vector<16xf32>,
        %parallel_loop3A_270 = tpu.vector_load_idx %arg11[%parallel_loop3A_257] : memref<20000xf32, #tpu.memory_space<vmem>>[vector<16xi32>], vector<16xf32>,
        %parallel_loop3A_271 = arith.subf %parallel_loop3A_261, %parallel_loop3A_57 : vector<16xf32>
        %parallel_loop3A_272 = arith.subf %parallel_loop3A_265, %parallel_loop3A_60 : vector<16xf32>
        %parallel_loop3A_273 = arith.subf %parallel_loop3A_269, %parallel_loop3A_63 : vector<16xf32>
        %parallel_loop3A_274 = arith.mulf %parallel_loop3A_271, %parallel_loop3A_271 : vector<16xf32>
        %parallel_loop3A_275 = arith.mulf %parallel_loop3A_272, %parallel_loop3A_272 : vector<16xf32>
        %parallel_loop3A_276 = arith.addf %parallel_loop3A_274, %parallel_loop3A_275 : vector<16xf32>
        %parallel_loop3A_277 = arith.mulf %parallel_loop3A_273, %parallel_loop3A_273 : vector<16xf32>
        %parallel_loop3A_278 = arith.addf %parallel_loop3A_276, %parallel_loop3A_277 : vector<16xf32>
        %parallel_loop3A_279 = arith.mulf %parallel_loop3A_278, %parallel_loop3A_270 : vector<16xf32>
        %parallel_loop3A_280 = math.exp %parallel_loop3A_279 : vector<16xf32>
        %parallel_loop3A_281 = arith.addf %parallel_loop3A_254, %parallel_loop3A_280 : vector<16xf32>
        %parallel_loop3A_282 = arith.constant 8 : i32
        %parallel_loop3A_283 = vector.broadcast %parallel_loop3A_282 : i32 to vector<16xi32>
        %parallel_loop3A_284 = tpu.vector_load_idx %arg12[%parallel_loop3A_283, %parallel_loop3A_54] : memref<16x512xi32, #tpu.memory_space<vmem>>[vector<16xi32>, vector<16xi32>], vector<16xi32>,
        %parallel_loop3A_285 = arith.constant 3 : i32
        %parallel_loop3A_286 = vector.broadcast %parallel_loop3A_285 : i32 to vector<16xi32>
        %parallel_loop3A_287 = arith.muli %parallel_loop3A_284, %parallel_loop3A_286 : vector<16xi32>
        %parallel_loop3A_288 = tpu.vector_load_idx %arg10[%parallel_loop3A_287] : memref<60000xf32, #tpu.memory_space<vmem>>[vector<16xi32>], vector<16xf32>,
        %parallel_loop3A_289 = arith.constant 1 : i32
        %parallel_loop3A_290 = vector.broadcast %parallel_loop3A_289 : i32 to vector<16xi32>
        %parallel_loop3A_291 = arith.addi %parallel_loop3A_287, %parallel_loop3A_290 : vector<16xi32>
        %parallel_loop3A_292 = tpu.vector_load_idx %arg10[%parallel_loop3A_291] : memref<60000xf32, #tpu.memory_space<vmem>>[vector<16xi32>], vector<16xf32>,
        %parallel_loop3A_293 = arith.constant 2 : i32
        %parallel_loop3A_294 = vector.broadcast %parallel_loop3A_293 : i32 to vector<16xi32>
        %parallel_loop3A_295 = arith.addi %parallel_loop3A_287, %parallel_loop3A_294 : vector<16xi32>
        %parallel_loop3A_296 = tpu.vector_load_idx %arg10[%parallel_loop3A_295] : memref<60000xf32, #tpu.memory_space<vmem>>[vector<16xi32>], vector<16xf32>,
        %parallel_loop3A_297 = tpu.vector_load_idx %arg11[%parallel_loop3A_284] : memref<20000xf32, #tpu.memory_space<vmem>>[vector<16xi32>], vector<16xf32>,
        %parallel_loop3A_298 = arith.subf %parallel_loop3A_288, %parallel_loop3A_57 : vector<16xf32>
        %parallel_loop3A_299 = arith.subf %parallel_loop3A_292, %parallel_loop3A_60 : vector<16xf32>
        %parallel_loop3A_300 = arith.subf %parallel_loop3A_296, %parallel_loop3A_63 : vector<16xf32>
        %parallel_loop3A_301 = arith.mulf %parallel_loop3A_298, %parallel_loop3A_298 : vector<16xf32>
        %parallel_loop3A_302 = arith.mulf %parallel_loop3A_299, %parallel_loop3A_299 : vector<16xf32>
        %parallel_loop3A_303 = arith.addf %parallel_loop3A_301, %parallel_loop3A_302 : vector<16xf32>
        %parallel_loop3A_304 = arith.mulf %parallel_loop3A_300, %parallel_loop3A_300 : vector<16xf32>
        %parallel_loop3A_305 = arith.addf %parallel_loop3A_303, %parallel_loop3A_304 : vector<16xf32>
        %parallel_loop3A_306 = arith.mulf %parallel_loop3A_305, %parallel_loop3A_297 : vector<16xf32>
        %parallel_loop3A_307 = math.exp %parallel_loop3A_306 : vector<16xf32>
        %parallel_loop3A_308 = arith.addf %parallel_loop3A_281, %parallel_loop3A_307 : vector<16xf32>
        %parallel_loop3A_309 = arith.constant 9 : i32
        %parallel_loop3A_310 = vector.broadcast %parallel_loop3A_309 : i32 to vector<16xi32>
        %parallel_loop3A_311 = tpu.vector_load_idx %arg12[%parallel_loop3A_310, %parallel_loop3A_54] : memref<16x512xi32, #tpu.memory_space<vmem>>[vector<16xi32>, vector<16xi32>], vector<16xi32>,
        %parallel_loop3A_312 = arith.constant 3 : i32
        %parallel_loop3A_313 = vector.broadcast %parallel_loop3A_312 : i32 to vector<16xi32>
        %parallel_loop3A_314 = arith.muli %parallel_loop3A_311, %parallel_loop3A_313 : vector<16xi32>
        %parallel_loop3A_315 = tpu.vector_load_idx %arg10[%parallel_loop3A_314] : memref<60000xf32, #tpu.memory_space<vmem>>[vector<16xi32>], vector<16xf32>,
        %parallel_loop3A_316 = arith.constant 1 : i32
        %parallel_loop3A_317 = vector.broadcast %parallel_loop3A_316 : i32 to vector<16xi32>
        %parallel_loop3A_318 = arith.addi %parallel_loop3A_314, %parallel_loop3A_317 : vector<16xi32>
        %parallel_loop3A_319 = tpu.vector_load_idx %arg10[%parallel_loop3A_318] : memref<60000xf32, #tpu.memory_space<vmem>>[vector<16xi32>], vector<16xf32>,
        %parallel_loop3A_320 = arith.constant 2 : i32
        %parallel_loop3A_321 = vector.broadcast %parallel_loop3A_320 : i32 to vector<16xi32>
        %parallel_loop3A_322 = arith.addi %parallel_loop3A_314, %parallel_loop3A_321 : vector<16xi32>
        %parallel_loop3A_323 = tpu.vector_load_idx %arg10[%parallel_loop3A_322] : memref<60000xf32, #tpu.memory_space<vmem>>[vector<16xi32>], vector<16xf32>,
        %parallel_loop3A_324 = tpu.vector_load_idx %arg11[%parallel_loop3A_311] : memref<20000xf32, #tpu.memory_space<vmem>>[vector<16xi32>], vector<16xf32>,
        %parallel_loop3A_325 = arith.subf %parallel_loop3A_315, %parallel_loop3A_57 : vector<16xf32>
        %parallel_loop3A_326 = arith.subf %parallel_loop3A_319, %parallel_loop3A_60 : vector<16xf32>
        %parallel_loop3A_327 = arith.subf %parallel_loop3A_323, %parallel_loop3A_63 : vector<16xf32>
        %parallel_loop3A_328 = arith.mulf %parallel_loop3A_325, %parallel_loop3A_325 : vector<16xf32>
        %parallel_loop3A_329 = arith.mulf %parallel_loop3A_326, %parallel_loop3A_326 : vector<16xf32>
        %parallel_loop3A_330 = arith.addf %parallel_loop3A_328, %parallel_loop3A_329 : vector<16xf32>
        %parallel_loop3A_331 = arith.mulf %parallel_loop3A_327, %parallel_loop3A_327 : vector<16xf32>
        %parallel_loop3A_332 = arith.addf %parallel_loop3A_330, %parallel_loop3A_331 : vector<16xf32>
        %parallel_loop3A_333 = arith.mulf %parallel_loop3A_332, %parallel_loop3A_324 : vector<16xf32>
        %parallel_loop3A_334 = math.exp %parallel_loop3A_333 : vector<16xf32>
        %parallel_loop3A_335 = arith.addf %parallel_loop3A_308, %parallel_loop3A_334 : vector<16xf32>
        %parallel_loop3A_336 = arith.constant 10 : i32
        %parallel_loop3A_337 = vector.broadcast %parallel_loop3A_336 : i32 to vector<16xi32>
        %parallel_loop3A_338 = tpu.vector_load_idx %arg12[%parallel_loop3A_337, %parallel_loop3A_54] : memref<16x512xi32, #tpu.memory_space<vmem>>[vector<16xi32>, vector<16xi32>], vector<16xi32>,
        %parallel_loop3A_339 = arith.constant 3 : i32
        %parallel_loop3A_340 = vector.broadcast %parallel_loop3A_339 : i32 to vector<16xi32>
        %parallel_loop3A_341 = arith.muli %parallel_loop3A_338, %parallel_loop3A_340 : vector<16xi32>
        %parallel_loop3A_342 = tpu.vector_load_idx %arg10[%parallel_loop3A_341] : memref<60000xf32, #tpu.memory_space<vmem>>[vector<16xi32>], vector<16xf32>,
        %parallel_loop3A_343 = arith.constant 1 : i32
        %parallel_loop3A_344 = vector.broadcast %parallel_loop3A_343 : i32 to vector<16xi32>
        %parallel_loop3A_345 = arith.addi %parallel_loop3A_341, %parallel_loop3A_344 : vector<16xi32>
        %parallel_loop3A_346 = tpu.vector_load_idx %arg10[%parallel_loop3A_345] : memref<60000xf32, #tpu.memory_space<vmem>>[vector<16xi32>], vector<16xf32>,
        %parallel_loop3A_347 = arith.constant 2 : i32
        %parallel_loop3A_348 = vector.broadcast %parallel_loop3A_347 : i32 to vector<16xi32>
        %parallel_loop3A_349 = arith.addi %parallel_loop3A_341, %parallel_loop3A_348 : vector<16xi32>
        %parallel_loop3A_350 = tpu.vector_load_idx %arg10[%parallel_loop3A_349] : memref<60000xf32, #tpu.memory_space<vmem>>[vector<16xi32>], vector<16xf32>,
        %parallel_loop3A_351 = tpu.vector_load_idx %arg11[%parallel_loop3A_338] : memref<20000xf32, #tpu.memory_space<vmem>>[vector<16xi32>], vector<16xf32>,
        %parallel_loop3A_352 = arith.subf %parallel_loop3A_342, %parallel_loop3A_57 : vector<16xf32>
        %parallel_loop3A_353 = arith.subf %parallel_loop3A_346, %parallel_loop3A_60 : vector<16xf32>
        %parallel_loop3A_354 = arith.subf %parallel_loop3A_350, %parallel_loop3A_63 : vector<16xf32>
        %parallel_loop3A_355 = arith.mulf %parallel_loop3A_352, %parallel_loop3A_352 : vector<16xf32>
        %parallel_loop3A_356 = arith.mulf %parallel_loop3A_353, %parallel_loop3A_353 : vector<16xf32>
        %parallel_loop3A_357 = arith.addf %parallel_loop3A_355, %parallel_loop3A_356 : vector<16xf32>
        %parallel_loop3A_358 = arith.mulf %parallel_loop3A_354, %parallel_loop3A_354 : vector<16xf32>
        %parallel_loop3A_359 = arith.addf %parallel_loop3A_357, %parallel_loop3A_358 : vector<16xf32>
        %parallel_loop3A_360 = arith.mulf %parallel_loop3A_359, %parallel_loop3A_351 : vector<16xf32>
        %parallel_loop3A_361 = math.exp %parallel_loop3A_360 : vector<16xf32>
        %parallel_loop3A_362 = arith.addf %parallel_loop3A_335, %parallel_loop3A_361 : vector<16xf32>
        %parallel_loop3A_363 = arith.constant 11 : i32
        %parallel_loop3A_364 = vector.broadcast %parallel_loop3A_363 : i32 to vector<16xi32>
        %parallel_loop3A_365 = tpu.vector_load_idx %arg12[%parallel_loop3A_364, %parallel_loop3A_54] : memref<16x512xi32, #tpu.memory_space<vmem>>[vector<16xi32>, vector<16xi32>], vector<16xi32>,
        %parallel_loop3A_366 = arith.constant 3 : i32
        %parallel_loop3A_367 = vector.broadcast %parallel_loop3A_366 : i32 to vector<16xi32>
        %parallel_loop3A_368 = arith.muli %parallel_loop3A_365, %parallel_loop3A_367 : vector<16xi32>
        %parallel_loop3A_369 = tpu.vector_load_idx %arg10[%parallel_loop3A_368] : memref<60000xf32, #tpu.memory_space<vmem>>[vector<16xi32>], vector<16xf32>,
        %parallel_loop3A_370 = arith.constant 1 : i32
        %parallel_loop3A_371 = vector.broadcast %parallel_loop3A_370 : i32 to vector<16xi32>
        %parallel_loop3A_372 = arith.addi %parallel_loop3A_368, %parallel_loop3A_371 : vector<16xi32>
        %parallel_loop3A_373 = tpu.vector_load_idx %arg10[%parallel_loop3A_372] : memref<60000xf32, #tpu.memory_space<vmem>>[vector<16xi32>], vector<16xf32>,
        %parallel_loop3A_374 = arith.constant 2 : i32
        %parallel_loop3A_375 = vector.broadcast %parallel_loop3A_374 : i32 to vector<16xi32>
        %parallel_loop3A_376 = arith.addi %parallel_loop3A_368, %parallel_loop3A_375 : vector<16xi32>
        %parallel_loop3A_377 = tpu.vector_load_idx %arg10[%parallel_loop3A_376] : memref<60000xf32, #tpu.memory_space<vmem>>[vector<16xi32>], vector<16xf32>,
        %parallel_loop3A_378 = tpu.vector_load_idx %arg11[%parallel_loop3A_365] : memref<20000xf32, #tpu.memory_space<vmem>>[vector<16xi32>], vector<16xf32>,
        %parallel_loop3A_379 = arith.subf %parallel_loop3A_369, %parallel_loop3A_57 : vector<16xf32>
        %parallel_loop3A_380 = arith.subf %parallel_loop3A_373, %parallel_loop3A_60 : vector<16xf32>
        %parallel_loop3A_381 = arith.subf %parallel_loop3A_377, %parallel_loop3A_63 : vector<16xf32>
        %parallel_loop3A_382 = arith.mulf %parallel_loop3A_379, %parallel_loop3A_379 : vector<16xf32>
        %parallel_loop3A_383 = arith.mulf %parallel_loop3A_380, %parallel_loop3A_380 : vector<16xf32>
        %parallel_loop3A_384 = arith.addf %parallel_loop3A_382, %parallel_loop3A_383 : vector<16xf32>
        %parallel_loop3A_385 = arith.mulf %parallel_loop3A_381, %parallel_loop3A_381 : vector<16xf32>
        %parallel_loop3A_386 = arith.addf %parallel_loop3A_384, %parallel_loop3A_385 : vector<16xf32>
        %parallel_loop3A_387 = arith.mulf %parallel_loop3A_386, %parallel_loop3A_378 : vector<16xf32>
        %parallel_loop3A_388 = math.exp %parallel_loop3A_387 : vector<16xf32>
        %parallel_loop3A_389 = arith.addf %parallel_loop3A_362, %parallel_loop3A_388 : vector<16xf32>
        %parallel_loop3A_390 = arith.constant 12 : i32
        %parallel_loop3A_391 = vector.broadcast %parallel_loop3A_390 : i32 to vector<16xi32>
        %parallel_loop3A_392 = tpu.vector_load_idx %arg12[%parallel_loop3A_391, %parallel_loop3A_54] : memref<16x512xi32, #tpu.memory_space<vmem>>[vector<16xi32>, vector<16xi32>], vector<16xi32>,
        %parallel_loop3A_393 = arith.constant 3 : i32
        %parallel_loop3A_394 = vector.broadcast %parallel_loop3A_393 : i32 to vector<16xi32>
        %parallel_loop3A_395 = arith.muli %parallel_loop3A_392, %parallel_loop3A_394 : vector<16xi32>
        %parallel_loop3A_396 = tpu.vector_load_idx %arg10[%parallel_loop3A_395] : memref<60000xf32, #tpu.memory_space<vmem>>[vector<16xi32>], vector<16xf32>,
        %parallel_loop3A_397 = arith.constant 1 : i32
        %parallel_loop3A_398 = vector.broadcast %parallel_loop3A_397 : i32 to vector<16xi32>
        %parallel_loop3A_399 = arith.addi %parallel_loop3A_395, %parallel_loop3A_398 : vector<16xi32>
        %parallel_loop3A_400 = tpu.vector_load_idx %arg10[%parallel_loop3A_399] : memref<60000xf32, #tpu.memory_space<vmem>>[vector<16xi32>], vector<16xf32>,
        %parallel_loop3A_401 = arith.constant 2 : i32
        %parallel_loop3A_402 = vector.broadcast %parallel_loop3A_401 : i32 to vector<16xi32>
        %parallel_loop3A_403 = arith.addi %parallel_loop3A_395, %parallel_loop3A_402 : vector<16xi32>
        %parallel_loop3A_404 = tpu.vector_load_idx %arg10[%parallel_loop3A_403] : memref<60000xf32, #tpu.memory_space<vmem>>[vector<16xi32>], vector<16xf32>,
        %parallel_loop3A_405 = tpu.vector_load_idx %arg11[%parallel_loop3A_392] : memref<20000xf32, #tpu.memory_space<vmem>>[vector<16xi32>], vector<16xf32>,
        %parallel_loop3A_406 = arith.subf %parallel_loop3A_396, %parallel_loop3A_57 : vector<16xf32>
        %parallel_loop3A_407 = arith.subf %parallel_loop3A_400, %parallel_loop3A_60 : vector<16xf32>
        %parallel_loop3A_408 = arith.subf %parallel_loop3A_404, %parallel_loop3A_63 : vector<16xf32>
        %parallel_loop3A_409 = arith.mulf %parallel_loop3A_406, %parallel_loop3A_406 : vector<16xf32>
        %parallel_loop3A_410 = arith.mulf %parallel_loop3A_407, %parallel_loop3A_407 : vector<16xf32>
        %parallel_loop3A_411 = arith.addf %parallel_loop3A_409, %parallel_loop3A_410 : vector<16xf32>
        %parallel_loop3A_412 = arith.mulf %parallel_loop3A_408, %parallel_loop3A_408 : vector<16xf32>
        %parallel_loop3A_413 = arith.addf %parallel_loop3A_411, %parallel_loop3A_412 : vector<16xf32>
        %parallel_loop3A_414 = arith.mulf %parallel_loop3A_413, %parallel_loop3A_405 : vector<16xf32>
        %parallel_loop3A_415 = math.exp %parallel_loop3A_414 : vector<16xf32>
        %parallel_loop3A_416 = arith.addf %parallel_loop3A_389, %parallel_loop3A_415 : vector<16xf32>
        %parallel_loop3A_417 = arith.constant 13 : i32
        %parallel_loop3A_418 = vector.broadcast %parallel_loop3A_417 : i32 to vector<16xi32>
        %parallel_loop3A_419 = tpu.vector_load_idx %arg12[%parallel_loop3A_418, %parallel_loop3A_54] : memref<16x512xi32, #tpu.memory_space<vmem>>[vector<16xi32>, vector<16xi32>], vector<16xi32>,
        %parallel_loop3A_420 = arith.constant 3 : i32
        %parallel_loop3A_421 = vector.broadcast %parallel_loop3A_420 : i32 to vector<16xi32>
        %parallel_loop3A_422 = arith.muli %parallel_loop3A_419, %parallel_loop3A_421 : vector<16xi32>
        %parallel_loop3A_423 = tpu.vector_load_idx %arg10[%parallel_loop3A_422] : memref<60000xf32, #tpu.memory_space<vmem>>[vector<16xi32>], vector<16xf32>,
        %parallel_loop3A_424 = arith.constant 1 : i32
        %parallel_loop3A_425 = vector.broadcast %parallel_loop3A_424 : i32 to vector<16xi32>
        %parallel_loop3A_426 = arith.addi %parallel_loop3A_422, %parallel_loop3A_425 : vector<16xi32>
        %parallel_loop3A_427 = tpu.vector_load_idx %arg10[%parallel_loop3A_426] : memref<60000xf32, #tpu.memory_space<vmem>>[vector<16xi32>], vector<16xf32>,
        %parallel_loop3A_428 = arith.constant 2 : i32
        %parallel_loop3A_429 = vector.broadcast %parallel_loop3A_428 : i32 to vector<16xi32>
        %parallel_loop3A_430 = arith.addi %parallel_loop3A_422, %parallel_loop3A_429 : vector<16xi32>
        %parallel_loop3A_431 = tpu.vector_load_idx %arg10[%parallel_loop3A_430] : memref<60000xf32, #tpu.memory_space<vmem>>[vector<16xi32>], vector<16xf32>,
        %parallel_loop3A_432 = tpu.vector_load_idx %arg11[%parallel_loop3A_419] : memref<20000xf32, #tpu.memory_space<vmem>>[vector<16xi32>], vector<16xf32>,
        %parallel_loop3A_433 = arith.subf %parallel_loop3A_423, %parallel_loop3A_57 : vector<16xf32>
        %parallel_loop3A_434 = arith.subf %parallel_loop3A_427, %parallel_loop3A_60 : vector<16xf32>
        %parallel_loop3A_435 = arith.subf %parallel_loop3A_431, %parallel_loop3A_63 : vector<16xf32>
        %parallel_loop3A_436 = arith.mulf %parallel_loop3A_433, %parallel_loop3A_433 : vector<16xf32>
        %parallel_loop3A_437 = arith.mulf %parallel_loop3A_434, %parallel_loop3A_434 : vector<16xf32>
        %parallel_loop3A_438 = arith.addf %parallel_loop3A_436, %parallel_loop3A_437 : vector<16xf32>
        %parallel_loop3A_439 = arith.mulf %parallel_loop3A_435, %parallel_loop3A_435 : vector<16xf32>
        %parallel_loop3A_440 = arith.addf %parallel_loop3A_438, %parallel_loop3A_439 : vector<16xf32>
        %parallel_loop3A_441 = arith.mulf %parallel_loop3A_440, %parallel_loop3A_432 : vector<16xf32>
        %parallel_loop3A_442 = math.exp %parallel_loop3A_441 : vector<16xf32>
        %parallel_loop3A_443 = arith.addf %parallel_loop3A_416, %parallel_loop3A_442 : vector<16xf32>
        %parallel_loop3A_444 = arith.constant 14 : i32
        %parallel_loop3A_445 = vector.broadcast %parallel_loop3A_444 : i32 to vector<16xi32>
        %parallel_loop3A_446 = tpu.vector_load_idx %arg12[%parallel_loop3A_445, %parallel_loop3A_54] : memref<16x512xi32, #tpu.memory_space<vmem>>[vector<16xi32>, vector<16xi32>], vector<16xi32>,
        %parallel_loop3A_447 = arith.constant 3 : i32
        %parallel_loop3A_448 = vector.broadcast %parallel_loop3A_447 : i32 to vector<16xi32>
        %parallel_loop3A_449 = arith.muli %parallel_loop3A_446, %parallel_loop3A_448 : vector<16xi32>
        %parallel_loop3A_450 = tpu.vector_load_idx %arg10[%parallel_loop3A_449] : memref<60000xf32, #tpu.memory_space<vmem>>[vector<16xi32>], vector<16xf32>,
        %parallel_loop3A_451 = arith.constant 1 : i32
        %parallel_loop3A_452 = vector.broadcast %parallel_loop3A_451 : i32 to vector<16xi32>
        %parallel_loop3A_453 = arith.addi %parallel_loop3A_449, %parallel_loop3A_452 : vector<16xi32>
        %parallel_loop3A_454 = tpu.vector_load_idx %arg10[%parallel_loop3A_453] : memref<60000xf32, #tpu.memory_space<vmem>>[vector<16xi32>], vector<16xf32>,
        %parallel_loop3A_455 = arith.constant 2 : i32
        %parallel_loop3A_456 = vector.broadcast %parallel_loop3A_455 : i32 to vector<16xi32>
        %parallel_loop3A_457 = arith.addi %parallel_loop3A_449, %parallel_loop3A_456 : vector<16xi32>
        %parallel_loop3A_458 = tpu.vector_load_idx %arg10[%parallel_loop3A_457] : memref<60000xf32, #tpu.memory_space<vmem>>[vector<16xi32>], vector<16xf32>,
        %parallel_loop3A_459 = tpu.vector_load_idx %arg11[%parallel_loop3A_446] : memref<20000xf32, #tpu.memory_space<vmem>>[vector<16xi32>], vector<16xf32>,
        %parallel_loop3A_460 = arith.subf %parallel_loop3A_450, %parallel_loop3A_57 : vector<16xf32>
        %parallel_loop3A_461 = arith.subf %parallel_loop3A_454, %parallel_loop3A_60 : vector<16xf32>
        %parallel_loop3A_462 = arith.subf %parallel_loop3A_458, %parallel_loop3A_63 : vector<16xf32>
        %parallel_loop3A_463 = arith.mulf %parallel_loop3A_460, %parallel_loop3A_460 : vector<16xf32>
        %parallel_loop3A_464 = arith.mulf %parallel_loop3A_461, %parallel_loop3A_461 : vector<16xf32>
        %parallel_loop3A_465 = arith.addf %parallel_loop3A_463, %parallel_loop3A_464 : vector<16xf32>
        %parallel_loop3A_466 = arith.mulf %parallel_loop3A_462, %parallel_loop3A_462 : vector<16xf32>
        %parallel_loop3A_467 = arith.addf %parallel_loop3A_465, %parallel_loop3A_466 : vector<16xf32>
        %parallel_loop3A_468 = arith.mulf %parallel_loop3A_467, %parallel_loop3A_459 : vector<16xf32>
        %parallel_loop3A_469 = math.exp %parallel_loop3A_468 : vector<16xf32>
        %parallel_loop3A_470 = arith.addf %parallel_loop3A_443, %parallel_loop3A_469 : vector<16xf32>
        %parallel_loop3A_471 = arith.constant 15 : i32
        %parallel_loop3A_472 = vector.broadcast %parallel_loop3A_471 : i32 to vector<16xi32>
        %parallel_loop3A_473 = tpu.vector_load_idx %arg12[%parallel_loop3A_472, %parallel_loop3A_54] : memref<16x512xi32, #tpu.memory_space<vmem>>[vector<16xi32>, vector<16xi32>], vector<16xi32>,
        %parallel_loop3A_474 = arith.constant 3 : i32
        %parallel_loop3A_475 = vector.broadcast %parallel_loop3A_474 : i32 to vector<16xi32>
        %parallel_loop3A_476 = arith.muli %parallel_loop3A_473, %parallel_loop3A_475 : vector<16xi32>
        %parallel_loop3A_477 = tpu.vector_load_idx %arg10[%parallel_loop3A_476] : memref<60000xf32, #tpu.memory_space<vmem>>[vector<16xi32>], vector<16xf32>,
        %parallel_loop3A_478 = arith.constant 1 : i32
        %parallel_loop3A_479 = vector.broadcast %parallel_loop3A_478 : i32 to vector<16xi32>
        %parallel_loop3A_480 = arith.addi %parallel_loop3A_476, %parallel_loop3A_479 : vector<16xi32>
        %parallel_loop3A_481 = tpu.vector_load_idx %arg10[%parallel_loop3A_480] : memref<60000xf32, #tpu.memory_space<vmem>>[vector<16xi32>], vector<16xf32>,
        %parallel_loop3A_482 = arith.constant 2 : i32
        %parallel_loop3A_483 = vector.broadcast %parallel_loop3A_482 : i32 to vector<16xi32>
        %parallel_loop3A_484 = arith.addi %parallel_loop3A_476, %parallel_loop3A_483 : vector<16xi32>
        %parallel_loop3A_485 = tpu.vector_load_idx %arg10[%parallel_loop3A_484] : memref<60000xf32, #tpu.memory_space<vmem>>[vector<16xi32>], vector<16xf32>,
        %parallel_loop3A_486 = tpu.vector_load_idx %arg11[%parallel_loop3A_473] : memref<20000xf32, #tpu.memory_space<vmem>>[vector<16xi32>], vector<16xf32>,
        %parallel_loop3A_487 = arith.subf %parallel_loop3A_477, %parallel_loop3A_57 : vector<16xf32>
        %parallel_loop3A_488 = arith.subf %parallel_loop3A_481, %parallel_loop3A_60 : vector<16xf32>
        %parallel_loop3A_489 = arith.subf %parallel_loop3A_485, %parallel_loop3A_63 : vector<16xf32>
        %parallel_loop3A_490 = arith.mulf %parallel_loop3A_487, %parallel_loop3A_487 : vector<16xf32>
        %parallel_loop3A_491 = arith.mulf %parallel_loop3A_488, %parallel_loop3A_488 : vector<16xf32>
        %parallel_loop3A_492 = arith.addf %parallel_loop3A_490, %parallel_loop3A_491 : vector<16xf32>
        %parallel_loop3A_493 = arith.mulf %parallel_loop3A_489, %parallel_loop3A_489 : vector<16xf32>
        %parallel_loop3A_494 = arith.addf %parallel_loop3A_492, %parallel_loop3A_493 : vector<16xf32>
        %parallel_loop3A_495 = arith.mulf %parallel_loop3A_494, %parallel_loop3A_486 : vector<16xf32>
        %parallel_loop3A_496 = math.exp %parallel_loop3A_495 : vector<16xf32>
        %parallel_loop3A_497 = arith.addf %parallel_loop3A_470, %parallel_loop3A_496 : vector<16xf32>
        %parallel_loop3A_498 = arith.constant 1.000000e+00 : f32
        %parallel_loop3A_499 = vector.broadcast %parallel_loop3A_498 : f32 to vector<16xf32>
        %parallel_loop3A_500 = arith.divf %parallel_loop3A_499, %parallel_loop3A_497 : vector<16xf32>
        %parallel_loop3A_501 = arith.constant 0 : i32
        %parallel_loop3A_502 = vector.broadcast %parallel_loop3A_501 : i32 to vector<16xi32>
        %parallel_loop3A_503 = arith.mulf %parallel_loop3A_91, %parallel_loop3A_500 : vector<16xf32>
        tpu.vector_store_idx %arg16[%parallel_loop3A_502, %parallel_loop3A_54], %parallel_loop3A_503 : memref<16x512xf32, #tpu.memory_space<vmem>>[vector<16xi32>, vector<16xi32>], vector<16xf32>,
        %parallel_loop3A_504 = arith.constant 1 : i32
        %parallel_loop3A_505 = vector.broadcast %parallel_loop3A_504 : i32 to vector<16xi32>
        %parallel_loop3A_506 = arith.mulf %parallel_loop3A_118, %parallel_loop3A_500 : vector<16xf32>
        tpu.vector_store_idx %arg16[%parallel_loop3A_505, %parallel_loop3A_54], %parallel_loop3A_506 : memref<16x512xf32, #tpu.memory_space<vmem>>[vector<16xi32>, vector<16xi32>], vector<16xf32>,
        %parallel_loop3A_507 = arith.constant 2 : i32
        %parallel_loop3A_508 = vector.broadcast %parallel_loop3A_507 : i32 to vector<16xi32>
        %parallel_loop3A_509 = arith.mulf %parallel_loop3A_145, %parallel_loop3A_500 : vector<16xf32>
        tpu.vector_store_idx %arg16[%parallel_loop3A_508, %parallel_loop3A_54], %parallel_loop3A_509 : memref<16x512xf32, #tpu.memory_space<vmem>>[vector<16xi32>, vector<16xi32>], vector<16xf32>,
        %parallel_loop3A_510 = arith.constant 3 : i32
        %parallel_loop3A_511 = vector.broadcast %parallel_loop3A_510 : i32 to vector<16xi32>
        %parallel_loop3A_512 = arith.mulf %parallel_loop3A_172, %parallel_loop3A_500 : vector<16xf32>
        tpu.vector_store_idx %arg16[%parallel_loop3A_511, %parallel_loop3A_54], %parallel_loop3A_512 : memref<16x512xf32, #tpu.memory_space<vmem>>[vector<16xi32>, vector<16xi32>], vector<16xf32>,
        %parallel_loop3A_513 = arith.constant 4 : i32
        %parallel_loop3A_514 = vector.broadcast %parallel_loop3A_513 : i32 to vector<16xi32>
        %parallel_loop3A_515 = arith.mulf %parallel_loop3A_199, %parallel_loop3A_500 : vector<16xf32>
        tpu.vector_store_idx %arg16[%parallel_loop3A_514, %parallel_loop3A_54], %parallel_loop3A_515 : memref<16x512xf32, #tpu.memory_space<vmem>>[vector<16xi32>, vector<16xi32>], vector<16xf32>,
        %parallel_loop3A_516 = arith.constant 5 : i32
        %parallel_loop3A_517 = vector.broadcast %parallel_loop3A_516 : i32 to vector<16xi32>
        %parallel_loop3A_518 = arith.mulf %parallel_loop3A_226, %parallel_loop3A_500 : vector<16xf32>
        tpu.vector_store_idx %arg16[%parallel_loop3A_517, %parallel_loop3A_54], %parallel_loop3A_518 : memref<16x512xf32, #tpu.memory_space<vmem>>[vector<16xi32>, vector<16xi32>], vector<16xf32>,
        %parallel_loop3A_519 = arith.constant 6 : i32
        %parallel_loop3A_520 = vector.broadcast %parallel_loop3A_519 : i32 to vector<16xi32>
        %parallel_loop3A_521 = arith.mulf %parallel_loop3A_253, %parallel_loop3A_500 : vector<16xf32>
        tpu.vector_store_idx %arg16[%parallel_loop3A_520, %parallel_loop3A_54], %parallel_loop3A_521 : memref<16x512xf32, #tpu.memory_space<vmem>>[vector<16xi32>, vector<16xi32>], vector<16xf32>,
        %parallel_loop3A_522 = arith.constant 7 : i32
        %parallel_loop3A_523 = vector.broadcast %parallel_loop3A_522 : i32 to vector<16xi32>
        %parallel_loop3A_524 = arith.mulf %parallel_loop3A_280, %parallel_loop3A_500 : vector<16xf32>
        tpu.vector_store_idx %arg16[%parallel_loop3A_523, %parallel_loop3A_54], %parallel_loop3A_524 : memref<16x512xf32, #tpu.memory_space<vmem>>[vector<16xi32>, vector<16xi32>], vector<16xf32>,
        %parallel_loop3A_525 = arith.constant 8 : i32
        %parallel_loop3A_526 = vector.broadcast %parallel_loop3A_525 : i32 to vector<16xi32>
        %parallel_loop3A_527 = arith.mulf %parallel_loop3A_307, %parallel_loop3A_500 : vector<16xf32>
        tpu.vector_store_idx %arg16[%parallel_loop3A_526, %parallel_loop3A_54], %parallel_loop3A_527 : memref<16x512xf32, #tpu.memory_space<vmem>>[vector<16xi32>, vector<16xi32>], vector<16xf32>,
        %parallel_loop3A_528 = arith.constant 9 : i32
        %parallel_loop3A_529 = vector.broadcast %parallel_loop3A_528 : i32 to vector<16xi32>
        %parallel_loop3A_530 = arith.mulf %parallel_loop3A_334, %parallel_loop3A_500 : vector<16xf32>
        tpu.vector_store_idx %arg16[%parallel_loop3A_529, %parallel_loop3A_54], %parallel_loop3A_530 : memref<16x512xf32, #tpu.memory_space<vmem>>[vector<16xi32>, vector<16xi32>], vector<16xf32>,
        %parallel_loop3A_531 = arith.constant 10 : i32
        %parallel_loop3A_532 = vector.broadcast %parallel_loop3A_531 : i32 to vector<16xi32>
        %parallel_loop3A_533 = arith.mulf %parallel_loop3A_361, %parallel_loop3A_500 : vector<16xf32>
        tpu.vector_store_idx %arg16[%parallel_loop3A_532, %parallel_loop3A_54], %parallel_loop3A_533 : memref<16x512xf32, #tpu.memory_space<vmem>>[vector<16xi32>, vector<16xi32>], vector<16xf32>,
        %parallel_loop3A_534 = arith.constant 11 : i32
        %parallel_loop3A_535 = vector.broadcast %parallel_loop3A_534 : i32 to vector<16xi32>
        %parallel_loop3A_536 = arith.mulf %parallel_loop3A_388, %parallel_loop3A_500 : vector<16xf32>
        tpu.vector_store_idx %arg16[%parallel_loop3A_535, %parallel_loop3A_54], %parallel_loop3A_536 : memref<16x512xf32, #tpu.memory_space<vmem>>[vector<16xi32>, vector<16xi32>], vector<16xf32>,
        %parallel_loop3A_537 = arith.constant 12 : i32
        %parallel_loop3A_538 = vector.broadcast %parallel_loop3A_537 : i32 to vector<16xi32>
        %parallel_loop3A_539 = arith.mulf %parallel_loop3A_415, %parallel_loop3A_500 : vector<16xf32>
        tpu.vector_store_idx %arg16[%parallel_loop3A_538, %parallel_loop3A_54], %parallel_loop3A_539 : memref<16x512xf32, #tpu.memory_space<vmem>>[vector<16xi32>, vector<16xi32>], vector<16xf32>,
        %parallel_loop3A_540 = arith.constant 13 : i32
        %parallel_loop3A_541 = vector.broadcast %parallel_loop3A_540 : i32 to vector<16xi32>
        %parallel_loop3A_542 = arith.mulf %parallel_loop3A_442, %parallel_loop3A_500 : vector<16xf32>
        tpu.vector_store_idx %arg16[%parallel_loop3A_541, %parallel_loop3A_54], %parallel_loop3A_542 : memref<16x512xf32, #tpu.memory_space<vmem>>[vector<16xi32>, vector<16xi32>], vector<16xf32>,
        %parallel_loop3A_543 = arith.constant 14 : i32
        %parallel_loop3A_544 = vector.broadcast %parallel_loop3A_543 : i32 to vector<16xi32>
        %parallel_loop3A_545 = arith.mulf %parallel_loop3A_469, %parallel_loop3A_500 : vector<16xf32>
        tpu.vector_store_idx %arg16[%parallel_loop3A_544, %parallel_loop3A_54], %parallel_loop3A_545 : memref<16x512xf32, #tpu.memory_space<vmem>>[vector<16xi32>, vector<16xi32>], vector<16xf32>,
        %parallel_loop3A_546 = arith.constant 15 : i32
        %parallel_loop3A_547 = vector.broadcast %parallel_loop3A_546 : i32 to vector<16xi32>
        %parallel_loop3A_548 = arith.mulf %parallel_loop3A_496, %parallel_loop3A_500 : vector<16xf32>
        tpu.vector_store_idx %arg16[%parallel_loop3A_547, %parallel_loop3A_54], %parallel_loop3A_548 : memref<16x512xf32, #tpu.memory_space<vmem>>[vector<16xi32>, vector<16xi32>], vector<16xf32>,
      } {sc.loop_unroll_factor = 4 : i64, sc.parallel_access}
      "tpu.region"() ({
        %run_scoped3A = tpu.sem_alloc : memref<!tpu.dma_semaphore, #tpu.memory_space<semaphore_mem>>
        %dma_start3A_49 = arith.constant 0 : i32
        %dma_start3A_50 = arith.constant 0 : i32
        %dma_start3A_51 = tpu.memref_slice %arg16[%dma_start3A_49, %dma_start3A_50] : memref<16x512xf32, #tpu.memory_space<vmem>> -> memref<16x128xf32, #tpu.memory_space<vmem>>
        %dma_start3A_52 = arith.constant 0 : i32
        %dma_start3A_53 = arith.constant 0 : i32
        %dma_start3A_54 = tpu.memref_slice %arg16[%dma_start3A_52, %dma_start3A_53] : memref<16x512xf32, #tpu.memory_space<vmem>> -> memref<16x128xf32, #tpu.memory_space<vmem>>
        tpu.enqueue_dma source(%dma_start3A_54 : memref<16x128xf32, #tpu.memory_space<vmem>>) target(%arg9 : memref<16x128xf32, #tpu.memory_space<hbm>>) target_semaphore(%run_scoped3A : memref<!tpu.dma_semaphore, #tpu.memory_space<semaphore_mem>>)
        %dma_wait3A = arith.constant 0 : i32
        %dma_wait3A_55 = arith.constant 0 : i32
        %dma_wait3A_56 = tpu.memref_slice %arg16[%dma_wait3A, %dma_wait3A_55] : memref<16x512xf32, #tpu.memory_space<vmem>> -> memref<16x128xf32, #tpu.memory_space<vmem>>
        %dma_wait3A_57 = arith.constant 0 : i32
        %dma_wait3A_58 = arith.constant 0 : i32
        %dma_wait3A_59 = tpu.memref_slice %arg16[%dma_wait3A_57, %dma_wait3A_58] : memref<16x512xf32, #tpu.memory_space<vmem>> -> memref<16x128xf32, #tpu.memory_space<vmem>>
        tpu.wait_dma2 semaphore(%run_scoped3A : memref<!tpu.dma_semaphore, #tpu.memory_space<semaphore_mem>>) src(%dma_wait3A_59 : memref<16x128xf32, #tpu.memory_space<vmem>>) dst(%arg9 : memref<16x128xf32, #tpu.memory_space<hbm>>)
        tpu.yield
      }) : () -> ()
    } else {
    }
    return
  }
}

module attributes {stable_mosaic.version = 14 : i64} {
  func.func @_radii_coef_kernel(%arg0: memref<20000x1xf32, #tpu.memory_space<vmem>>, %arg1: memref<20000x1xf32, #tpu.memory_space<vmem>>) attributes {dimension_semantics = [], scalar_prefetch = 0 : i64, scratch_operands = 0 : i64, tpu.core_type = #tpu.core_type<tc>} {
    %get3A = arith.constant 0 : index
    %get3A_0 = arith.constant 0 : index
    %get3A_1 = vector.load %arg0[%get3A, %get3A_0] : memref<20000x1xf32, #tpu.memory_space<vmem>>, vector<20000x1xf32>
    %exp3A = math.exp %get3A_1 : vector<20000x1xf32>
    %jit3A = arith.constant 0.00999999977 : f32
    %jit3A_2 = arith.constant 1.000000e+00 : f32
    %max3A = vector.broadcast %jit3A : f32 to vector<20000x1xf32>
    %max3A_3 = arith.maximumf %max3A, %exp3A : vector<20000x1xf32>
    %min3A = vector.broadcast %jit3A_2 : f32 to vector<20000x1xf32>
    %min3A_4 = arith.minimumf %min3A, %max3A_3 : vector<20000x1xf32>
    %mul3A = arith.constant 2.000000e+00 : f32
    %mul3A_5 = vector.broadcast %mul3A : f32 to vector<20000x1xf32>
    %mul3A_6 = arith.mulf %mul3A_5, %min3A_4 : vector<20000x1xf32>
    %mul3A_7 = arith.mulf %mul3A_6, %min3A_4 : vector<20000x1xf32>
    %add3A = arith.constant 9.99999993E-9 : f32
    %add3A_8 = vector.broadcast %add3A : f32 to vector<20000x1xf32>
    %add3A_9 = arith.addf %mul3A_7, %add3A_8 : vector<20000x1xf32>
    %div3A = arith.constant -1.000000e+00 : f32
    %div3A_10 = vector.broadcast %div3A : f32 to vector<20000x1xf32>
    %div3A_11 = arith.divf %div3A_10, %add3A_9 : vector<20000x1xf32>
    %swap3A = arith.constant 0 : index
    %swap3A_12 = arith.constant 0 : index
    %swap3A_13 = vector.load %arg1[%swap3A, %swap3A_12] : memref<20000x1xf32, #tpu.memory_space<vmem>>, vector<20000x1xf32>
    tpu.vector_store %arg1[%swap3A, %swap3A_12], %div3A_11 {strides = array<i32>} : memref<20000x1xf32, #tpu.memory_space<vmem>>, vector<20000x1xf32>,
    return
  }
}

</mosaic_0001>

<sc_bundles>
// kernel: kernel.4.cloned.1.call-start
scs
__scs_entry_jumppad:
0x0: {  	(pc) =	sbr.rel $0x88, $3  }
0x1: {  	(tag) =	ssettag $0x0;
	lr =	simm.s32 $0x1  }
0x2: {  	[smem:$0x3F9D] =	sst lr;
	_ =	strace $0xD0000000  }
0x3: {  	_ = 	snop  }
0x4: {  	_ = 	snop  }
0x5: {  	_ = 	snop  }
0x6: {  	_ = 	snop  }
0x7: {  	_ = 	snop  }
__scs_overlays_trampoline_lowered:
0x8: {  	[smem:$0x3FAC] =	sst s0  }
0x9: {  	[smem:$0x3FAD] =	sst s1  }
0xa: {  	[smem:$0x3FAE] =	sst s2  }
0xb: {  	[smem:$0x3FAF] =	sst s3  }
0xc: {  	[smem:$0x3FB0] =	sst s4  }
0xd: {  	[smem:$0x3FB1] =	sst s5  }
0xe: {  	[smem:$0x3FB2] =	sst s6  }
0xf: {  	[smem:$0x3FB3] =	sst s7  }
0x10: {  	[smem:$0x3FB4] =	sst s8  }
0x11: {  	[smem:$0x3FB5] =	sst s9;
	s0 =	simm.s32 @!p0 $0x0  }
0x12: {  	s1 =	sld [smem:$0x3F9B];
	s0 =	simm.s32 @p0 $0x1  }
0x13: {  	[smem:$0x3FB6] =	sst s0;
	s0 =	simm.s32 @!p1 $0x0  }
0x14: {  	s2 =	sld [smem:$0x3F9A];
	s0 =	simm.s32 @p1 $0x1  }
0x15: {  	[smem:$0x3FB7] =	sst s0;
	s0 =	simm.s32 @!p2 $0x0  }
0x16: {  	s3 =	sld [smem:$0x3FDB];
	s0 =	simm.s32 @p2 $0x1  }
0x17: {  	s4 =	simm.s32 $0x1BF5;
	[smem:$0x3FB9] =	sst s0  }
0x18: {  	s0 =	sld [smem:$0x3F9C];
	_ =	swait.ge [sflag:s4], $0x0  }
0x19: {  	s7 =	sld [smem:$0x3F9D]  }
0x1a: {  	s8 =	sadd.s32 $0xFFFFE003, lr  }
0x1b: {  	s9 =	sadd.s32 $0xFFFFFEF7, lr;
	s5 =	simm.s32 $0xFFFFFFFF;
	p2 =	slt.u32 s8, $0xFFFFF086  }
0x1c: {  	p1 =	slt.u32 s9, $0xF7A;
	s5 =	simm.s32 @!p2 $0x0  }
0x1d: {  	s5 =	simm.s32 @p1 $0x1;
	p0 =	seq.s32 s7, s2  }
0x1e: {  	s7 =	smul.u32 @!p0 $0xF7A, s2;
	p2 =	seq.s32 @!p0 s5, $0x0  }
0x1f: {  	s9 =	smul.u32 $0xF7A, s1;
	s8 =	simm.s32 @!p0 $0x1BF5;
	p2 =	por !p2, p0  }
0x20: {  	[sflag:s8] =	ssyncset.s32 @!p0 $0xFFFFF086;
	s6 =	sadd.s32 @!p0 s3, s7;
	s7 =	simm.s32 @!p0 $0x108  }
0x21: {  	s3 =	sadd.s32 s3, s9;
	s6 =	sadd.s32 @!p0 $0x88, s6;
	s7 =	simm.s32 @p2 $0x1082  }
0x22: {  	[simem:s7], [sflag:s8] =	dma.local @!p0 [hbm:s6], $0xF7A  }
0x23: {  	s9 =	sor.u32 $0xD0000000, s2;
	s6 =	simm.s32 $0x108;
	_ =	swait.ge @!p0 [sflag:s8], $0x0  }
0x24: {  	s3 =	sadd.s32 $0x88, s3;
	s6 =	simm.s32 @!p1 $0x1082;
	[sflag:s4] =	ssyncset.s32 $0xFFFFF086  }
0x25: {  	[simem:s6], [sflag:s4] =	dma.local [hbm:s3], $0xF7A  }
0x26: {  	[smem:$0x3F9D] =	sst s1;
	(tag) =	ssettag s2;
	_ =	strace s9  }
0x27: {  	s1 =	sld [smem:$0x3FAD]  }
0x28: {  	s2 =	sld [smem:$0x3FAE]  }
0x29: {  	s4 =	sld [smem:$0x3FB0]  }
0x2a: {  	p0 =	seq.s32 s5, $0x0;
	s5 =	sld [smem:$0x3FB1]  }
0x2b: {  	s6 =	sld [smem:$0x3FB2]  }
0x2c: {  	s7 =	sld [smem:$0x3FB3]  }
0x2d: {  	s3 =	simm.s32 $0x108;
	s8 =	sld [smem:$0x3FB4]  }
0x2e: {  	s3 =	simm.s32 @!p0 $0x1082;
	s9 =	sld [smem:$0x3FB5]  }
0x2f: {  	lr =	sadd.s32 s0, s3;
	s0 =	sld [smem:$0x3FAC]  }
0x30: {  	s3 =	sld [smem:$0x3FAF]  }
0x31: {  	[smem:$0x3FB8] =	sst s10  }
0x32: {  	s10 =	sld [smem:$0x3FB6];
	_ =	sdelay $0x3  }
0x33: {  	p0 =	seq.s32 s10, $0x1;
	s10 =	sld [smem:$0x3FB8];
	_ =	sdelay $0x3  }
0x34: {  	[smem:$0x3FB8] =	sst s10  }
0x35: {  	s10 =	sld [smem:$0x3FB7];
	_ =	sdelay $0x3  }
0x36: {  	p1 =	seq.s32 s10, $0x1;
	s10 =	sld [smem:$0x3FB8];
	_ =	sdelay $0x3  }
0x37: {  	[smem:$0x3FB8] =	sst s10  }
0x38: {  	s10 =	sld [smem:$0x3FB9]  }
0x39: {  	_ = 	snop;
	(pc) =	sbr.ind lr, $3  }
0x3a: {  	_ = 	snop  }
0x3b: {  	_ = 	snop  }
0x3c: {  	p2 =	seq.s32 s10, $0x1;
	s10 =	sld [smem:$0x3FB8]  }
0x3d: {  	_ =	shalt  }
0x3e: {  	_ =	shalt  }
0x3f: {  	_ =	shalt  }
0x40: {  	_ =	shalt  }
0x41: {  	_ =	shalt  }
0x42: {  	_ =	shalt  }
0x43: {  	_ =	shalt  }
0x44: {  	_ =	shalt  }
0x45: {  	_ =	shalt  }
0x46: {  	_ =	shalt  }
0x47: {  	_ =	shalt  }
0x48: {  	_ =	shalt  }
0x49: {  	_ =	shalt  }
0x4a: {  	_ =	shalt  }
0x4b: {  	_ =	shalt  }
0x4c: {  	_ =	shalt  }
0x4d: {  	_ =	shalt  }
0x4e: {  	_ =	shalt  }
0x4f: {  	_ =	shalt  }
0x50: {  	_ =	shalt  }
0x51: {  	_ =	shalt  }
0x52: {  	_ =	shalt  }
0x53: {  	_ =	shalt  }
0x54: {  	_ =	shalt  }
0x55: {  	_ =	shalt  }
0x56: {  	_ =	shalt  }
0x57: {  	_ =	shalt  }
0x58: {  	_ =	shalt  }
0x59: {  	_ =	shalt  }
0x5a: {  	_ =	shalt  }
0x5b: {  	_ =	shalt  }
0x5c: {  	_ =	shalt  }
0x5d: {  	_ =	shalt  }
0x5e: {  	_ =	shalt  }
0x5f: {  	_ =	shalt  }
0x60: {  	_ =	shalt  }
0x61: {  	_ =	shalt  }
0x62: {  	_ =	shalt  }
0x63: {  	_ =	shalt  }
0x64: {  	_ =	shalt  }
0x65: {  	_ =	shalt  }
0x66: {  	_ =	shalt  }
0x67: {  	_ =	shalt  }
0x68: {  	_ =	shalt  }
0x69: {  	_ =	shalt  }
0x6a: {  	_ =	shalt  }
0x6b: {  	_ =	shalt  }
0x6c: {  	_ =	shalt  }
0x6d: {  	_ =	shalt  }
0x6e: {  	_ =	shalt  }
0x6f: {  	_ =	shalt  }
0x70: {  	_ =	shalt  }
0x71: {  	_ =	shalt  }
0x72: {  	_ =	shalt  }
0x73: {  	_ =	shalt  }
0x74: {  	_ =	shalt  }
0x75: {  	_ =	shalt  }
0x76: {  	_ =	shalt  }
0x77: {  	_ =	shalt  }
0x78: {  	_ =	shalt  }
0x79: {  	_ =	shalt  }
0x7a: {  	_ =	shalt  }
0x7b: {  	_ =	shalt  }
0x7c: {  	_ =	shalt  }
0x7d: {  	_ =	shalt  }
0x7e: {  	_ =	shalt  }
0x7f: {  	_ =	shalt  }
0x80: {  	_ =	shalt  }
0x81: {  	_ =	shalt  }
0x82: {  	_ =	shalt  }
0x83: {  	_ =	shalt  }
0x84: {  	_ =	shalt  }
0x85: {  	_ =	shalt  }
0x86: {  	_ =	shalt  }
0x87: {  	_ =	shalt  }
.Lfunc_end0:
.L_simem_size_0:
called_computation_lowered:
.L_overlay_start_0:
0x88: {  	s2 =	sld [smem:$0x3FD9]  }
0x89: {  	s3 =	sld [smem:$0x3FFE];
	_ =	sdelay $0x1  }
0x8a: {  	s1 =	srdreg.scid  }
0x8b: {  	s0 =	sand.u32 $0x1, s1  }
0x8c: {  	s17 =	sshll.u32 s0, $0xA;
	s2 =	sadd.s32 s3, s2  }
0x8d: {  	s2 =	sadd.s32 s2, s17  }
0x8e: {  	[smem:$0x3FC4] =	sst s2  }
0x8f: {  	_ = 	snop  }
0x90: {  	s2 =	sld [smem:$0x3FC9]  }
0x91: {  	s18 =	sld [smem:$0x3FC8]  }
0x92: {  	s4 =	sld [smem:$0x3FD0];
	(tm) =	ssettm $0x1  }
0x93: {  	s5 =	sld [smem:$0x3FFB];
	_ =	sdelay $0x3  }
0x94: {  	_ =	strace s5  }
0x95: {  	s5 =	sld [smem:$0x3FFC];
	_ =	sdelay $0x3  }
0x96: {  	_ =	strace s5  }
0x97: {  	s5 =	sld [smem:$0x3FFD];
	_ =	sdelay $0x3  }
0x98: {  	_ =	strace s5  }
0x99: {  	_ =	strace $0x8FFFFFFF  }
0x9a: {  	s19 =	sld [smem:$0x3FDB];
	_ =	sdelay $0x1  }
0x9b: {  	s6 =	simm.s32 $_scs_section_size  }
0x9c: {  	s7 =	simm.s32 $_size__tile_overlayer_lowered;
	s8 =	simm.s32 $_tile_overlayer_lowered  }
0x9d: {  	s22 =	simm.s32 $0x1BFF;
	s21 =	sshll.u32 s8, $0x1;
	s5 =	sadd.s32 s6, s19  }
0x9e: {  	s9 =	simm.s32 $0x0;
	s20 =	sshll.u32 s7, $0x1;
	s7 =	sadd.s32 s21, s5  }
0x9f: {  	[timem:s9], [sflag:s22] =	dma.local [hbm:s7], s20  }
0xa0: {  	_ =	swait.ge [sflag:s22], s20  }
0xa1: {  	s6 =	ssub.s32 $0x0, s20;
	[sflag:s22] =	ssyncset.done $0x0  }
0xa2: {  	[sflag:s22] =	ssyncadd.s32 s6;
	_ =	sdelay $0x1  }
0xa3: {  	s23 =	simm.s32 $0x1B8B  }
0xa4: {  	_ =	swait.ge [sflag:s23], $0x1  }
0xa5: {  	[sflag:s23] =	ssyncset.done $0x0  }
0xa6: {  	s25 =	simm.s32 $0x1B8E;
	s24 =	sld [smem:$0x3FFE];
	[sflag:s23] =	ssyncadd.s32 $0xFFFFFFFF  }
0xa7: {  	s26 =	simm.s32 $execute0_lowered;
	[smem:$0x3FD2] =	sst s25  }
0xa8: {  	s7 =	sshll.u32 s26, $0x1;
	_ =	strace $0x80000046;
	[dreg:$0x1] =	wrdreg $0xFFFFFFFF  }
0xa9: {  	s28 =	simm.s32 $_size_execute0_lowered;
	s5 =	sadd.s32 s5, s7;
	[dreg:$0x0] =	wrdreg $0x0  }
0xaa: {  	s7 =	sshll.u32 s28, $0x1;
	[dreg:$0x2] =	wrdreg s5  }
0xab: {  	[dreg:$0x3] =	wrdreg s7  }
0xac: {  	[dreg:$0x4] =	wrdreg $0xC0  }
0xad: {  	_ =	task [dreg:s9], $0x5FFFF  }
0xae: {  	[dreg:$0x1] =	wrdreg $0xFFFFFFFF  }
0xaf: {  	[dreg:$0x0] =	wrdreg $0x60  }
0xb0: {  	[dreg:$0x2] =	wrdreg s2  }
0xb1: {  	[dreg:$0x3] =	wrdreg s18  }
0xb2: {  	[dreg:$0x4] =	wrdreg s24  }
0xb3: {  	[dreg:$0x5] =	wrdreg s4  }
0xb4: {  	[dreg:$0x6] =	wrdreg $0x9  }
0xb5: {  	_ =	task.clear_ibuf [dreg:s9], $0x7FFFF;
	_ =	strace $0x90000046  }
0xb6: {  	s29 =	simm.s32 $0x9;
	_ =	strace $0x80000048  }
0xb7: {  	_ =	swait.ge [sflag:s29], $0x1  }
0xb8: {  	[sflag:s29] =	ssyncadd.s32 $0xFFFFFFFF  }
0xb9: {  	_ =	strace $0x90000048  }
0xba: {  	_ =	sfence  }
0xbb: {  	s30 =	sld [smem:$0x0];
	_ =	sdelay $0x2  }
0xbc: {  	s31 =	sshll.u32 s1, $0xD;
	s1 =	sshrl.u32 s1, $0x2  }
0xbd: {  	s3 =	sand.u32 $0x4000, s31;
	s1 =	sadd.s32 s1, s30  }
0xbe: {  	s0 =	sor.u32 s3, s0;
	s1 =	sshll.u32 s1, $0x11  }
0xbf: {  	s0 =	sor.u32 s1, s0  }
0xc0: {  	s0 =	sadd.s32 $0x8F2B, s0  }
0xc1: {  	[sflag:s0] =	ssyncadd.remote.s32 $0x1  }
0xc2: {  	_ =	sfence.sel $0xFFFF  }
0xc3: {  	[dreg:$0x0] =	wrdreg $0xFFFFFFFF;
	(pc) =	sbr.abs _section_cstart, $3  }
0xc4: {  	[dreg:$0x1] =	wrdreg $0xFFFFFFFF  }
0xc5: {  	_ =	task.clear_ibuf [dreg:s9], $0x2FFFF;
	_ =	strace $0x9FFFFFFF  }
0xc6: {  	(tm) =	ssettm $0x7FFFFFFF  }
0xc7: {  	_ =	shalt  }
tec
execute0_lowered:
.L_overlay_start_1:
0x0: {  	(tag) =	ssettag $0x1  }
0x1: {  	s1 =	rddreg [dreg:$0x0]  }
0x2: {  	s2 =	rddreg [dreg:$0x1]  }
0x3: {  	s0 =	rddreg [dreg:$0x2]  }
0x4: {  	s3 =	rddreg [dreg:$0x3];
	s4 =	simm.s32 $0x0;
	s20 =	srdreg.scid  }
0x5: {  	s6 =	stileid.u32;
	s17 =	simm.s32 $0xEA80;
	s18 =	simm.s32 $0x1000  }
0x6: {  	s28 =	simm.s32 $0x2;
	[smem:$0x7FF] =	sst s4;
	s5 =	sadd.s32 $0x600, s0  }
0x7: {  	s19 =	sadd.s32 $0x800, s0;
	_ =	strace $0x80000047;
	[dreg:$0x5] =	wrdreg s5  }
0x8: {  	s29 =	simm.s32 $0x4;
	s7 =	sadd.s32 $0xA00, s0;
	[dreg:$0x6] =	wrdreg s19  }
0x9: {  	s30 =	simm.s32 $0x18100;
	s21 =	sadd.s32 $0x2800, s0;
	[dreg:$0x7] =	wrdreg s7  }
0xa: {  	s31 =	simm.s32 $0x15900;
	s23 =	sadd.s32 $0x3200, s0;
	[dreg:$0x8] =	wrdreg s21  }
0xb: {  	s6 =	sshll.u32 s6, $0x1;
	s26 =	sadd.s32 $0x880, s0;
	[dreg:$0x9] =	wrdreg s23  }
0xc: {  	s0 =	sadd.s32 $0x3280, s0;
	s5 =	sand.u32 $0x1, s20;
	[dreg:$0xb] =	wrdreg s26  }
0xd: {  	[dreg:$0xc] =	wrdreg s0;
	s19 =	simm.s32 $0x7A1400;
	s20 =	simm.s32 $0x13900  }
0xe: {  	s21 =	simm.s32 $0x17900;
	s23 =	simm.s32 $0x6;
	s26 =	simm.s32 $0x18900  }
0xf: {  	s0 =	simm.s32 $0x1A900;
	s22 =	ssub.s32 $0x2, s5;
	s10 =	sor.u32 s5, s6  }
.Ltmp0:
0x10: {  	s24 =	sshrl.u32 s22, $0x1;
	s6 =	sshll.u32 s10, $0x9;
	(pc) =	sbr.rel .LBB2_1-.Ltmp0, $4  }
0x11: {  	s25 =	sshll.u32 s10, $0x8;
	p0 =	sne.s32 s10, $0x0;
	s5 =	ssub.s32 s22, s24  }
0x12: {  	s6 =	sadd.s32 s2, s6;
	s13 =	sadd.s32 s1, s25;
	s22 =	simm.s32 $0x5  }
0x13: {  	s24 =	simm.s32 $0x1;
	s25 =	simm.s32 $0x3;
	[dreg:$0xa] =	wrdreg s6  }
0x14: {  	v36 =	vlaneseq.u32;
	s14 =	smax.u32 s5, $0x1;
	s5 =	simm.s32 $0x7;
	s6 =	simm.s32 $0x0  }
.LBB2_9:
0x15: {  	_ =	swait.ge [sflag:s22], $0x2000  }
.Ltmp1:
0x16: {  	[sflag:s22] =	ssyncset.done $0x0;
	(pc) =	sbr.rel @!p0 .LBB2_10-.Ltmp1, $4  }
0x17: {  	[sflag:s22] =	ssyncadd.s32 $0xFFFFE000  }
0x18: {  	_ =	swait.ge [sflag:s23], $0x2000  }
0x19: {  	[sflag:s23] =	ssyncset.done $0x0  }
0x1a: {  	[sflag:s23] =	ssyncadd.s32 $0xFFFFE000  }
.LBB2_13:
0x1b: {  	s6 =	sadd.s32 $0x1, s6  }
0x1c: {  	p1 =	sne.s32 s6, s14  }
.Ltmp2:
0x1d: {  	_ = 	snop;
	(pc) =	sbr.rel @!p1 .LBB2_14-.Ltmp2, $1  }
0x1e: {  	_ =	sdelay $0x3  }
.LBB2_1:
0x1f: {  	s7 =	rddreg [dreg:$0x7]  }
0x20: {  	[tilespmem:s4], [sflag:$0x5] =	stream.linear.gather [hbm4b:s7+s4], $0xEA80, $0x38;
	[tilespmem:$0x1C900] =	vst v63  }
0x21: {  	s15 =	rddreg [dreg:$0x8]  }
0x22: {  	[tilespmem:s17], [sflag:$0x6] =	stream.linear.gather [hbm4b:s15+s4], $0x4E80, $0x38;
	[tilespmem:$0x1C900] =	vst v63  }
0x23: {  	s16 =	rddreg [dreg:$0xa]  }
0x24: {  	[tilespmem:s20], [sflag:$0x1] =	stream.strided.gather [hbm4b:s16+s18], $0x2000, s19, s18, $0x38;
	[tilespmem:$0x1C900] =	vst v63  }
0x25: {  	_ = 	snop  }
0x26: {  	[tilespmem:s21], [sflag:$0x3] =	stream.linear.gather [hbm4b:s13+s4], $0x800, $0x38;
	[tilespmem:$0x1C900] =	vst v63  }
0x27: {  	_ =	swait.ge [sflag:s22], $0xEA80  }
.Ltmp3:
0x28: {  	[sflag:s22] =	ssyncset.done $0x0;
	(pc) =	sbr.rel .LBB2_2-.Ltmp3, $4  }
0x29: {  	[sflag:s22] =	ssyncadd.s32 $0xFFFF1580  }
0x2a: {  	_ =	swait.ge [sflag:s23], $0x4E80  }
0x2b: {  	[sflag:s23] =	ssyncset.done $0x0  }
0x2c: {  	s7 =	simm.s32 $0x0;
	[sflag:s23] =	ssyncadd.s32 $0xFFFFB180  }
.LBB2_8:
0x2d: {  	s7 =	sadd.s32 $0x1, s7  }
0x2e: {  	p1 =	sne.s32 s7, $0x1F  }
.Ltmp4:
0x2f: {  	_ = 	snop;
	(pc) =	sbr.rel @!p1 .LBB2_9-.Ltmp4, $1  }
0x30: {  	_ =	sdelay $0x3  }
.LBB2_2:
0x31: {  	s8 =	sshll.u32 s7, $0x6  }
0x32: {  	s15 =	sor.u32 s10, s8  }
0x33: {  	s11 =	sor.u32 $0x20, s15  }
0x34: {  	p2 =	sgt.u32 s11, $0x7A0  }
0x35: {  	s8 =	sshll.u32 @!p2 s11, $0x9;
	s16 =	simm.s32 @!p2 $0x1000  }
0x36: {  	s9 =	simm.s32 @!p2 $0x7A1400;
	s12 =	simm.s32 @!p2 $0x15900;
	s8 =	sadd.s32 @!p2 s2, s8  }
0x37: {  	[tilespmem:s12], [sflag:$0x2] =	stream.strided.gather @!p2 [hbm4b:s8+s16], $0x2000, s9, s16, $0x38;
	[tilespmem:$0x1C900] =	vst v63  }
0x38: {  	s8 =	sshll.u32 @!p2 s11, $0x8  }
0x39: {  	s9 =	simm.s32 @!p2 $0x0;
	s12 =	simm.s32 @!p2 $0x18100;
	s8 =	sadd.s32 @!p2 s1, s8  }
0x3a: {  	[tilespmem:s12], [sflag:$0x4] =	stream.linear.gather @!p2 [hbm4b:s8+s9], $0x800, $0x38;
	[tilespmem:$0x1C900] =	vst v63  }
0x3b: {  	_ =	swait.ge [sflag:s24], $0x2000  }
0x3c: {  	[sflag:s24] =	ssyncset.done $0x0  }
0x3d: {  	[sflag:s24] =	ssyncadd.s32 $0xFFFFE000  }
0x3e: {  	_ =	swait.ge [sflag:s25], $0x800  }
0x3f: {  	p1 =	seq.s32 s7, $0x0;
	[sflag:s25] =	ssyncset.done $0x0  }
0x40: {  	s8 =	simm.s32 @!p1 $0x5;
	[sflag:s25] =	ssyncadd.s32 $0xFFFFF800  }
0x41: {  	_ =	swait.ge @!p1 [sflag:s8], $0x2000  }
0x42: {  	[sflag:s8] =	ssyncset.done @!p1 $0x0  }
0x43: {  	s16 =	simm.s32 $0xFFFFFFFC;
	[sflag:s8] =	ssyncadd.s32 @!p1 $0xFFFFE000;
	s8 =	simm.s32 $0x30  }
.LBB2_3:
0x44: {  	s9 =	sadd.s32 $0xFFFFFFD0, s8  }
0x45: {  	v0 =	vmov s9  }
0x46: {  	v1 =	vor.u32 s9, v36;
	v0 =	vshrl.u32 v0, $0x7  }
0x47: {  	v1 =	vand.u32 $0x4F, v1;
	v2 =	vshll.u32 v0, $0xA  }
0x48: {  	v32 =	vor.u32 v1, v2;
	_ =	sdelay $0x1  }
0x49: {  	v0 =	vshll.u32 v0, $0x9;
	v2 =	vor.u32 $0x80, v32  }
0x4a: {  	v0 =	vor.u32 v1, v0  }
0x4b: {  	v34 =	vor.u32 $0x100, v32  }
0x4c: {  	v33 =	vor.u32 $0x180, v32;
	v3 =	vld.idx.msk [tilespmem:v32+s20+$0x0], $0xffff  }
0x4d: {  	v25 =	vor.u32 $0x80, v0  }
0x4e: {  	v5 =	vor.u32 $0x100, v0;
	v4 =	vld.idx.msk [tilespmem:v2+s20+$0x0], $0xffff  }
0x4f: {  	v6 =	vor.u32 $0x200, v32;
	v1 =	vld.idx.msk [tilespmem:v0+s21+$0x0], $0xffff  }
0x50: {  	v46 =	vor.u32 $0x280, v32;
	v8 =	vld.idx.msk [tilespmem:v34+s20+$0x0], $0xffff  }
0x51: {  	v54 =	vor.u32 $0x380, v32;
	v11 =	vld.idx.msk [tilespmem:v33+s20+$0x0], $0xffff;
	v7 =	vmul.u32 $0x3, v3  }
0x52: {  	[tilespmem:$0x1FB90] =	vst v2;
	v2 =	vld.idx.msk [tilespmem:v25+s21+$0x0], $0xffff  }
0x53: {  	v0 =	vld.idx.msk [tilespmem:v5+s21+$0x0], $0xffff;
	v10 =	vmul.u32 $0x3, v4;
	v9 =	vadd.s32 $0x1, v7  }
0x54: {  	v44 =	vld.idx.msk [tilespmem:v6+s20+$0x0], $0xffff  }
0x55: {  	v50 =	vld.idx.msk [tilespmem:v46+s20+$0x0], $0xffff;
	v14 =	vmul.u32 $0x3, v8;
	v26 =	vadd.s32 $0x2, v7  }
0x56: {  	v57 =	vld.idx.msk [tilespmem:v54+s20+$0x0], $0xffff;
	v16 =	vmul.u32 $0x3, v11  }
0x57: {  	v7 =	vld.idx.msk [tilespmem:v7+s4+$0x0], $0xffff  }
0x58: {  	v12 =	vadd.s32 $0x1, v10;
	v9 =	vld.idx.msk [tilespmem:v9+s4+$0x0], $0xffff  }
0x59: {  	v13 =	vadd.s32 $0x2, v10;
	v10 =	vld.idx.msk [tilespmem:v10+s4+$0x0], $0xffff  }
0x5a: {  	v17 =	vadd.s32 $0x1, v16;
	v5 =	vld.idx.msk [tilespmem:v26+s4+$0x0], $0xffff  }
0x5b: {  	v15 =	vadd.s32 $0x1, v14;
	v18 =	vadd.s32 $0x2, v14;
	v14 =	vld.idx.msk [tilespmem:v14+s4+$0x0], $0xffff  }
0x5c: {  	v19 =	vadd.s32 $0x2, v16;
	v16 =	vld.idx.msk [tilespmem:v16+s4+$0x0], $0xffff  }
0x5d: {  	v52 =	vor.u32 $0x300, v32;
	v12 =	vld.idx.msk [tilespmem:v12+s4+$0x0], $0xffff  }
0x5e: {  	v59 =	vor.u32 $0x1000, v32;
	v20 =	vor.u32 $0x1100, v32;
	v25 =	vor.u32 $0x1080, v32;
	v13 =	vld.idx.msk [tilespmem:v13+s4+$0x0], $0xffff  }
0x5f: {  	v45 =	vmul.u32 $0x3, v44;
	v53 =	vmul.u32 $0x3, v50;
	v17 =	vld.idx.msk [tilespmem:v17+s4+$0x0], $0xffff;
	v7 =	vsub.f32 v7, v1  }
0x60: {  	v24 =	vmul.u32 $0x3, v57;
	v15 =	vld.idx.msk [tilespmem:v15+s4+$0x0], $0xffff;
	v9 =	vsub.f32 v9, v2;
	v10 =	vsub.f32 v10, v1  }
0x61: {  	v51 =	vadd.s32 $0x1, v45;
	v18 =	vld.idx.msk [tilespmem:v18+s4+$0x0], $0xffff;
	v5 =	vsub.f32 v5, v0;
	v28 =	vsub.f32 v14, v1  }
0x62: {  	[tilespmem:$0x1FCD0] =	vst v20;
	v55 =	vadd.s32 $0x1, v53;
	v27 =	vld.idx.msk [tilespmem:v19+s4+$0x0], $0xffff;
	v30 =	vsub.f32 v16, v1;
	v12 =	vsub.f32 v12, v2  }
0x63: {  	v20 =	vld.idx.msk [tilespmem:v20+s20+$0x0], $0xffff;
	v7 =	vmul.f32 v7, v7;
	v13 =	vsub.f32 v13, v0;
	v9 =	vmul.f32 v9, v9  }
0x64: {  	v3 =	vld.idx.msk [tilespmem:v3+s17+$0x0], $0xffff;
	v31 =	vsub.f32 v17, v2;
	v10 =	vmul.f32 v10, v10;
	v5 =	vmul.f32 v5, v5  }
0x65: {  	v29 =	vsub.f32 v15, v2;
	v17 =	vld.idx.msk [tilespmem:v59+s20+$0x0], $0xffff;
	v15 =	vmul.f32 v30, v30;
	v12 =	vmul.f32 v12, v12  }
0x66: {  	v4 =	vld.idx.msk [tilespmem:v4+s17+$0x0], $0xffff;
	v35 =	vsub.f32 v18, v0;
	v13 =	vmul.f32 v13, v13;
	v16 =	vmul.f32 v31, v31  }
0x67: {  	v8 =	vld.idx.msk [tilespmem:v8+s17+$0x0], $0xffff;
	v14 =	vmul.f32 v29, v29;
	v7 =	vadd.f32 v9, v7;
	v9 =	vsub.f32 v27, v0  }
0x68: {  	v11 =	vld.idx.msk [tilespmem:v11+s17+$0x0], $0xffff;
	v10 =	vadd.f32 v12, v10;
	v12 =	vmul.f32 v28, v28;
	v39 =	vadd.f32 v16, v15  }
0x69: {  	v56 =	vld.idx.msk [tilespmem:v53+s4+$0x0], $0xffff;
	v28 =	vadd.s32 $0x2, v24;
	v5 =	vadd.f32 v5, v7;
	v9 =	vmul.f32 v9, v9  }
0x6a: {  	v49 =	vld.idx.msk [tilespmem:v45+s4+$0x0], $0xffff;
	v38 =	vmul.f32 v35, v35;
	v30 =	vmul.u32 $0x3, v17;
	v10 =	vadd.f32 v13, v10  }
0x6b: {  	v29 =	vld.idx.msk [tilespmem:v25+s20+$0x0], $0xffff;
	v37 =	vadd.f32 v14, v12;
	v3 =	vmul.f32 v5, v3;
	v41 =	vadd.f32 v9, v39  }
0x6c: {  	v27 =	vadd.s32 $0x1, v24;
	v9 =	vadd.s32 $0x2, v53;
	v4 =	vmul.f32 v10, v4;
	v10 =	vld.idx.msk [tilespmem:v55+s4+$0x0], $0xffff  }
0x6d: {  	v40 =	vadd.f32 v38, v37;
	v3 =	vmul.f32 $1.442695020e+00, v3;
	v7 =	vmul.f32 v41, v11;
	v11 =	vld.idx.msk [tilespmem:v52+s20+$0x0], $0xffff  }
0x6e: {  	v12 =	vsub.f32 v56, v1;
	v39 =	vadd.s32 $0x1, v30;
	v38 =	vld.idx.msk [tilespmem:v28+s4+$0x0], $0xffff;
	v4 =	vmul.f32 $1.442695020e+00, v4  }
0x6f: {  	v5 =	vmul.f32 v40, v8;
	v8 =	vld.idx.msk [tilespmem:v51+s4+$0x0], $0xffff;
	v51 =	vmul.u32 $0x3, v20;
	(erf) = vpow2.f32 v3  }
0x70: {  	v43 =	vmul.f32 $1.442695020e+00, v7;
	v7 =	vld.idx.msk [tilespmem:v24+s4+$0x0], $0xffff;
	(erf) = vpow2.f32 v4;
	v4 =	vadd.s32 $0x2, v45  }
0x71: {  	v12 =	vmul.f32 v12, v12;
	v40 =	vor.u32 $0x1180, v32;
	v19 =	vld.idx.msk [tilespmem:v30+s4+$0x0], $0xffff;
	v42 =	vmul.f32 $1.442695020e+00, v5  }
0x72: {  	v28 =	vor.u32 $0x1300, v32;
	v5 =	vsub.f32 v49, v1;
	v9 =	vld.idx.msk [tilespmem:v9+s4+$0x0], $0xffff;
	v55 =	vadd.s32 $0x1, v51  }
0x73: {  	v63 =	vld.idx.msk [tilespmem:v50+s17+$0x0], $0xffff;
	v10 =	vsub.f32 v10, v2;
	(erf) = vpow2.f32 v42;
	v58 =	vmul.u32 $0x3, v11  }
0x74: {  	v41 =	vld.idx.msk [tilespmem:v57+s17+$0x0], $0xffff;
	v56 =	vadd.s32 $0x2, v51;
	v5 =	vmul.f32 v5, v5;
	(erf) = vpow2.f32 v43  }
0x75: {  	v8 =	vsub.f32 v8, v2;
	v10 =	vmul.f32 v10, v10;
	v60 =	vadd.s32 $0x1, v58;
	v4 =	vld.idx.msk [tilespmem:v4+s4+$0x0], $0xffff  }
0x76: {  	v43 =	vmul.u32 $0x3, v29;
	v22 =	vld.idx.msk [tilespmem:v40+s20+$0x0], $0xffff;
	v62 =	vadd.s32 $0x2, v58;
	v7 =	vsub.f32 v7, v1  }
0x77: {  	[tilespmem:$0x1FC40] =	vst v54;
	v3 =	vld.idx.msk [tilespmem:v44+s17+$0x0], $0xffff;
	v42 =	vadd.s32 $0x2, v30;
	v54 =	vsub.f32 v19, v1;
	v9 =	vsub.f32 v9, v0  }
0x78: {  	s12 =	sadd.s32 $0xFFFFFFE0, s8;
	v13 =	vld.idx.msk [tilespmem:v51+s4+$0x0], $0xffff;
	v8 =	vmul.f32 v8, v8;
	v10 =	vadd.f32 v10, v12;
	v44 =	vadd.s32 $0x1, v43  }
0x79: {  	[tilespmem:$0x1FBF0] =	vst v46;
	v46 =	vadd.s32 $0x2, v43;
	v18 =	vld.idx.msk [tilespmem:v56+s4+$0x0], $0xffff;
	v56 =	vmov s12;
	v9 =	vmul.f32 v9, v9  }
0x7a: {  	v7 =	vmul.f32 v7, v7;
	v5 =	vadd.f32 v8, v5;
	v35 =	vpop (erf);
	v8 =	vld.idx.msk [tilespmem:v60+s4+$0x0], $0xffff;
	v4 =	vsub.f32 v4, v0  }
0x7b: {  	v57 =	vmul.u32 $0x3, v22;
	v61 =	vadd.f32 $9.999999930e-09, v35;
	v16 =	vld.idx.msk [tilespmem:v62+s4+$0x0], $0xffff;
	v9 =	vadd.f32 v9, v10  }
0x7c: {  	v47 =	vpop (erf);
	v10 =	vsub.f32 v38, v0;
	v50 =	vld.idx.msk [tilespmem:v43+s4+$0x0], $0xffff;
	v60 =	vor.u32 $0x1280, v32;
	v4 =	vmul.f32 v4, v4  }
0x7d: {  	[tilespmem:$0x1FC20] =	vst v52;
	v26 =	vld.idx.msk [tilespmem:v58+s4+$0x0], $0xffff;
	v13 =	vsub.f32 v13, v1;
	v38 =	vor.u32 $0x1380, v32;
	v15 =	vadd.f32 v47, v61  }
0x7e: {  	[tilespmem:$0x1FC60] =	vst v59;
	v59 =	vadd.s32 $0x1, v57;
	v48 =	vpop (erf);
	v49 =	vmul.f32 v10, v10;
	v4 =	vadd.f32 v4, v5  }
0x7f: {  	v31 =	vld.idx.msk [tilespmem:v27+s4+$0x0], $0xffff;
	v13 =	vmul.f32 v13, v13;
	[tilespmem:$0x1FBA0] =	vst v48;
	v15 =	vadd.f32 v48, v15;
	v48 =	vor.u32 $0x1200, v32  }
0x80: {  	v52 =	vld.idx.msk [tilespmem:v44+s4+$0x0], $0xffff;
	v21 =	vpop (erf);
	v8 =	vsub.f32 v8, v2;
	v16 =	vsub.f32 v16, v0;
	v3 =	vmul.f32 v4, v3  }
0x81: {  	v5 =	vmul.f32 v9, v63;
	v10 =	vsub.f32 v50, v1;
	v37 =	vadd.f32 v21, v15;
	v15 =	vld.idx.msk [tilespmem:v39+s4+$0x0], $0xffff  }
0x82: {  	[tilespmem:$0x1FB80] =	vst v47;
	v47 =	vld.idx.msk [tilespmem:v42+s4+$0x0], $0xffff;
	v4 =	vsub.f32 v26, v1;
	v8 =	vmul.f32 v8, v8;
	v3 =	vmul.f32 $1.442695020e+00, v3  }
0x83: {  	v39 =	vsub.f32 v18, v0;
	v45 =	vmul.f32 v16, v16;
	v5 =	vmul.f32 $1.442695020e+00, v5;
	v16 =	vld.idx.msk [tilespmem:v46+s4+$0x0], $0xffff  }
0x84: {  	v4 =	vmul.f32 v4, v4;
	(erf) = vpow2.f32 v3;
	v3 =	vsub.f32 v31, v2  }
0x85: {  	v62 =	vadd.s32 $0x2, v57;
	v10 =	vmul.f32 v10, v10;
	v42 =	vmul.f32 v39, v39;
	v58 =	vld.idx.msk [tilespmem:v48+s20+$0x0], $0xffff  }
0x86: {  	v11 =	vld.idx.msk [tilespmem:v11+s17+$0x0], $0xffff;
	v4 =	vadd.f32 v8, v4;
	v15 =	vsub.f32 v15, v2;
	v3 =	vmul.f32 v3, v3  }
0x87: {  	v8 =	vsub.f32 v47, v0;
	(erf) = vpow2.f32 v5;
	v5 =	vsub.f32 v52, v2  }
0x88: {  	v53 =	vld.idx.msk [tilespmem:v17+s17+$0x0], $0xffff;
	v16 =	vsub.f32 v16, v0;
	v15 =	vmul.f32 v15, v15;
	v3 =	vadd.f32 v3, v7  }
0x89: {  	v61 =	vld.idx.msk [tilespmem:v55+s4+$0x0], $0xffff;
	v4 =	vadd.f32 v45, v4;
	v8 =	vmul.f32 v8, v8;
	v5 =	vmul.f32 v5, v5  }
0x8a: {  	v12 =	vld.idx.msk [tilespmem:v29+s17+$0x0], $0xffff;
	v24 =	vmul.u32 $0x3, v58;
	v26 =	vmul.f32 v16, v16;
	v3 =	vadd.f32 v49, v3  }
0x8b: {  	v63 =	vld.idx.msk [tilespmem:v57+s4+$0x0], $0xffff;
	v57 =	vor.u32 s12, v36;
	v4 =	vmul.f32 v4, v11;
	v11 =	vmul.f32 v54, v54  }
0x8c: {  	v27 =	vld.idx.msk [tilespmem:v59+s4+$0x0], $0xffff;
	v5 =	vadd.f32 v5, v10;
	v30 =	vadd.s32 $0x1, v24;
	v3 =	vmul.f32 v3, v41  }
0x8d: {  	v29 =	vld.idx.msk [tilespmem:v62+s4+$0x0], $0xffff;
	v31 =	vadd.s32 $0x2, v24;
	v4 =	vmul.f32 $1.442695020e+00, v4;
	v11 =	vadd.f32 v15, v11;
	v23 =	vpop (erf)  }
0x8e: {  	v15 =	vsub.f32 v61, v2;
	v14 =	vadd.f32 v23, v37;
	v3 =	vmul.f32 $1.442695020e+00, v3;
	v37 =	vld.idx.msk [tilespmem:v20+s17+$0x0], $0xffff  }
0x8f: {  	v5 =	vadd.f32 v26, v5;
	(erf) = vpow2.f32 v4;
	v8 =	vadd.f32 v8, v11;
	v20 =	vld.idx.msk [tilespmem:v28+s20+$0x0], $0xffff  }
0x90: {  	v15 =	vmul.f32 v15, v15;
	v4 =	vsub.f32 v63, v1;
	(erf) = vpow2.f32 v3;
	v3 =	vld.idx.msk [tilespmem:v60+s20+$0x0], $0xffff  }
0x91: {  	[tilespmem:$0x1FCF0] =	vst v40;
	v11 =	vsub.f32 v27, v2;
	v5 =	vmul.f32 v5, v12;
	v40 =	vld.idx.msk [tilespmem:v24+s4+$0x0], $0xffff;
	v24 =	vshrl.u32 v56, $0x7  }
0x92: {  	v7 =	vmul.f32 v8, v53;
	v13 =	vadd.f32 v15, v13;
	v8 =	vsub.f32 v29, v0;
	v10 =	vld.idx.msk [tilespmem:v30+s4+$0x0], $0xffff  }
0x93: {  	[tilespmem:$0x1FBC0] =	vst v23;
	v4 =	vmul.f32 v4, v4;
	v11 =	vmul.f32 v11, v11;
	v16 =	vld.idx.msk [tilespmem:v31+s4+$0x0], $0xffff;
	v23 =	vand.u32 $0x5F, v57  }
0x94: {  	v7 =	vmul.f32 $1.442695020e+00, v7;
	v44 =	vadd.f32 v42, v13;
	v47 =	vmul.u32 $0x3, v20  }
0x95: {  	v13 =	vld.idx.msk [tilespmem:v38+s20+$0x0], $0xffff;
	v4 =	vadd.f32 v11, v4;
	v8 =	vmul.f32 v8, v8;
	v41 =	vmul.u32 $0x3, v3  }
0x96: {  	v5 =	vmul.f32 $1.442695020e+00, v5;
	(erf) = vpow2.f32 v7;
	v46 =	vsub.f32 v40, v1  }
0x97: {  	[tilespmem:$0x1FD00] =	vst v48;
	v53 =	vld.idx.msk [tilespmem:v22+s17+$0x0], $0xffff;
	v4 =	vadd.f32 v8, v4;
	v48 =	vsub.f32 v10, v2;
	v45 =	vadd.s32 $0x2, v41  }
0x98: {  	(erf) = vpow2.f32 v5;
	v50 =	vsub.f32 v16, v0;
	v43 =	vadd.s32 $0x1, v41  }
0x99: {  	[tilespmem:$0x1FCB0] =	vst v25;
	v9 =	vld.idx.msk [tilespmem:v58+s17+$0x0], $0xffff;
	v5 =	vmul.f32 v46, v46;
	v52 =	vadd.s32 $0x1, v47;
	v8 =	vmul.f32 v48, v48  }
0x9a: {  	[tilespmem:$0x1FBB0] =	vst v21;
	v21 =	vshll.u32 v24, $0xA;
	v54 =	vadd.s32 $0x2, v47;
	v55 =	vmul.u32 $0x3, v13;
	v59 =	vld.idx.msk [tilespmem:v47+s4+$0x0], $0xffff  }
0x9b: {  	v25 =	vpop (erf);
	v7 =	vmul.f32 v44, v37;
	v58 =	vmul.f32 v50, v50;
	v5 =	vadd.f32 v8, v5;
	v49 =	vld.idx.msk [tilespmem:v41+s4+$0x0], $0xffff  }
0x9c: {  	[tilespmem:$0x1FBE0] =	vst v25;
	v14 =	vadd.f32 v25, v14;
	v4 =	vmul.f32 v4, v53;
	v25 =	vadd.s32 $0x1, v55;
	v11 =	vld.idx.msk [tilespmem:v45+s4+$0x0], $0xffff  }
0x9d: {  	v7 =	vmul.f32 $1.442695020e+00, v7;
	v62 =	vadd.s32 $0x2, v55;
	v5 =	vadd.f32 v58, v5;
	v51 =	vld.idx.msk [tilespmem:v43+s4+$0x0], $0xffff  }
0x9e: {  	v31 =	vor.u32 v23, v21;
	v4 =	vmul.f32 $1.442695020e+00, v4;
	v61 =	vld.idx.msk [tilespmem:v52+s4+$0x0], $0xffff  }
0x9f: {  	v21 =	vpop (erf);
	(erf) = vpow2.f32 v7;
	v63 =	vld.idx.msk [tilespmem:v54+s4+$0x0], $0xffff;
	v5 =	vmul.f32 v5, v9  }
0xa0: {  	v40 =	vshll.u32 v24, $0x9;
	v14 =	vadd.f32 v21, v14;
	(erf) = vpow2.f32 v4;
	v26 =	vld.idx.msk [tilespmem:v55+s4+$0x0], $0xffff  }
0xa1: {  	[tilespmem:$0x1FD10] =	vst v60;
	v27 =	vld.idx.msk [tilespmem:v25+s4+$0x0], $0xffff;
	v30 =	vmul.f32 $1.442695020e+00, v5;
	v37 =	vsub.f32 v59, v1;
	v11 =	vsub.f32 v11, v0  }
0xa2: {  	[tilespmem:$0x1FD30] =	vst v38;
	v38 =	vld.idx.msk [tilespmem:v62+s4+$0x0], $0xffff;
	v43 =	vor.u32 $0x80, v31;
	v10 =	vsub.f32 v49, v1;
	v60 =	vsub.f32 v51, v2  }
0xa3: {  	v39 =	vsub.f32 v61, v2;
	(erf) = vpow2.f32 v30;
	v29 =	vmul.f32 v11, v11;
	v11 =	vld.idx.msk [tilespmem:v31+s20+$0x0], $0xffff  }
0xa4: {  	v8 =	vsub.f32 v63, v0;
	v10 =	vmul.f32 v10, v10;
	v15 =	vmul.f32 v60, v60  }
0xa5: {  	[tilespmem:$0x1FD20] =	vst v28;
	v5 =	vmul.f32 v37, v37;
	v1 =	vsub.f32 v26, v1;
	v51 =	vor.u32 $0x100, v31  }
0xa6: {  	v3 =	vld.idx.msk [tilespmem:v3+s17+$0x0], $0xffff;
	v2 =	vsub.f32 v27, v2;
	v28 =	vadd.f32 v15, v10;
	v15 =	vor.u32 v23, v40  }
0xa7: {  	v45 =	vsub.f32 v38, v0;
	v1 =	vmul.f32 v1, v1;
	v10 =	vmul.f32 v39, v39  }
0xa8: {  	v44 =	vld.idx.msk [tilespmem:v20+s17+$0x0], $0xffff;
	v2 =	vmul.f32 v2, v2;
	v41 =	vor.u32 $0x80, v15;
	v42 =	vmul.u32 $0x3, v11  }
0xa9: {  	v46 =	vld.idx.msk [tilespmem:v13+s17+$0x0], $0xffff;
	v8 =	vmul.f32 v8, v8;
	v7 =	vadd.f32 v29, v28;
	v5 =	vadd.f32 v10, v5  }
0xaa: {  	v50 =	vmul.f32 v45, v45;
	v2 =	vadd.f32 v2, v1;
	v63 =	vld.idx.msk [tilespmem:v51+s20+$0x0], $0xffff;
	v47 =	vadd.s32 $0x1, v42  }
0xab: {  	v49 =	vpop (erf);
	v48 =	vor.u32 $0x100, v15;
	v3 =	vmul.f32 v7, v3;
	v5 =	vadd.f32 v8, v5;
	v0 =	vld.idx.msk [tilespmem:v15+s21+$0x0], $0xffff  }
0xac: {  	v52 =	vadd.f32 v49, v14;
	v2 =	vadd.f32 v50, v2;
	v53 =	vadd.s32 $0x2, v42;
	v15 =	vld.idx.msk [tilespmem:v43+s20+$0x0], $0xffff  }
0xad: {  	v59 =	vor.u32 $0x180, v31;
	v54 =	vpop (erf);
	v1 =	vld.idx.msk [tilespmem:v41+s21+$0x0], $0xffff;
	v3 =	vmul.f32 $1.442695020e+00, v3;
	v55 =	vmul.f32 v5, v44  }
0xae: {  	[tilespmem:$0x1FBD0] =	vst v6;
	v57 =	vadd.f32 v54, v52;
	v61 =	vmul.f32 v2, v46;
	v56 =	vld.idx.msk [tilespmem:v42+s4+$0x0], $0xffff  }
0xaf: {  	[tilespmem:$0x1FC00] =	vst v21;
	v60 =	vpop (erf);
	v28 =	vor.u32 $0x200, v31;
	(erf) = vpow2.f32 v3;
	v4 =	vmul.f32 $1.442695020e+00, v55;
	v58 =	vld.idx.msk [tilespmem:v47+s4+$0x0], $0xffff  }
0xb0: {  	[tilespmem:$0x1FD80] =	vst v43;
	v62 =	vadd.f32 v60, v57;
	v2 =	vld.idx.msk [tilespmem:v48+s21+$0x0], $0xffff;
	v30 =	vmul.u32 $0x3, v63  }
0xb1: {  	[tilespmem:$0x1FDB0] =	vst v59;
	v21 =	vpop (erf);
	v22 =	vmul.f32 $1.442695020e+00, v61;
	(erf) = vpow2.f32 v4;
	v23 =	vld.idx.msk [tilespmem:v53+s4+$0x0], $0xffff  }
0xb2: {  	[tilespmem:$0x1FC10] =	vst v49;
	v27 =	vld.idx.msk [tilespmem:v59+s20+$0x0], $0xffff;
	v7 =	vadd.f32 v21, v62;
	v39 =	vadd.s32 $0x1, v30  }
0xb3: {  	[tilespmem:$0x1FD90] =	vst v51;
	v11 =	vld.idx.msk [tilespmem:v11+s17+$0x0], $0xffff;
	v41 =	vadd.s32 $0x2, v30;
	v24 =	vmul.u32 $0x3, v15;
	(erf) = vpow2.f32 v22  }
0xb4: {  	[tilespmem:$0x1FC30] =	vst v54;
	v25 =	vpop (erf);
	v43 =	vld.idx.msk [tilespmem:v28+s20+$0x0], $0xffff;
	v47 =	vor.u32 $0x280, v31;
	v5 =	vsub.f32 v56, v0;
	v3 =	vsub.f32 v58, v1  }
0xb5: {  	[tilespmem:$0x1FC50] =	vst v60;
	v7 =	vadd.f32 v25, v7;
	v8 =	vld.idx.msk [tilespmem:v63+s17+$0x0], $0xffff;
	v26 =	vadd.s32 $0x1, v24  }
0xb6: {  	v37 =	vpop (erf);
	v14 =	vld.idx.msk [tilespmem:v30+s4+$0x0], $0xffff;
	v9 =	vsub.f32 v23, v2;
	v5 =	vmul.f32 v5, v5;
	v3 =	vmul.f32 v3, v3  }
0xb7: {  	[tilespmem:$0x1FC70] =	vst v21;
	v7 =	vadd.f32 v37, v7;
	v42 =	vmul.u32 $0x3, v27;
	v29 =	vadd.s32 $0x2, v24;
	v10 =	vld.idx.msk [tilespmem:v39+s4+$0x0], $0xffff  }
0xb8: {  	[tilespmem:$0x1FC80] =	vst v25;
	v49 =	vld.idx.msk [tilespmem:v41+s4+$0x0], $0xffff;
	v40 =	vpop (erf);
	v9 =	vmul.f32 v9, v9;
	v3 =	vadd.f32 v3, v5  }
0xb9: {  	[tilespmem:$0x1FDC0] =	vst v28;
	v46 =	vadd.s32 $0x1, v42;
	v55 =	vld.idx.msk [tilespmem:v47+s20+$0x0], $0xffff;
	v7 =	vadd.f32 v40, v7  }
0xba: {  	[tilespmem:$0x1FC90] =	vst v37;
	v21 =	vor.u32 $0x380, v31;
	v38 =	vld.idx.msk [tilespmem:v24+s4+$0x0], $0xffff;
	v44 =	vpop (erf);
	v3 =	vadd.f32 v9, v3  }
0xbb: {  	[tilespmem:$0x1FE30] =	vst v21;
	v17 =	vadd.s32 $0x2, v42;
	v51 =	vmul.u32 $0x3, v43;
	v4 =	vld.idx.msk [tilespmem:v26+s4+$0x0], $0xffff;
	v7 =	vadd.f32 v44, v7  }
0xbc: {  	[tilespmem:$0x1FDF0] =	vst v47;
	v56 =	vor.u32 $0x300, v31;
	v45 =	vld.idx.msk [tilespmem:v29+s4+$0x0], $0xffff;
	v48 =	vpop (erf);
	v3 =	vmul.f32 v3, v11  }
0xbd: {  	v54 =	vadd.s32 $0x1, v51;
	v50 =	vld.idx.msk [tilespmem:v42+s4+$0x0], $0xffff;
	[tilespmem:$0x1FE10] =	vst v56;
	v7 =	vadd.f32 v48, v7  }
0xbe: {  	v57 =	vadd.s32 $0x2, v51;
	v52 =	vld.idx.msk [tilespmem:v46+s4+$0x0], $0xffff;
	v14 =	vsub.f32 v14, v0;
	[tilespmem:$0x1FCA0] =	vst v40;
	v3 =	vmul.f32 $1.442695020e+00, v3  }
0xbf: {  	v15 =	vld.idx.msk [tilespmem:v15+s17+$0x0], $0xffff;
	v10 =	vsub.f32 v10, v1;
	[tilespmem:$0x1FCC0] =	vst v44;
	v59 =	vmul.u32 $0x3, v55;
	(erf) = vrcp.f32 v7  }
0xc0: {  	v58 =	vld.idx.msk [tilespmem:v17+s4+$0x0], $0xffff;
	[tilespmem:$0x1FCE0] =	vst v48;
	v5 =	vsub.f32 v38, v0;
	v4 =	vsub.f32 v4, v1;
	(erf) = vpow2.f32 v3  }
0xc1: {  	v14 =	vmul.f32 v14, v14;
	v10 =	vmul.f32 v10, v10;
	v53 =	vsub.f32 v45, v2;
	v17 =	vld.idx.msk [tilespmem:v51+s4+$0x0], $0xffff  }
0xc2: {  	v26 =	vadd.s32 $0x2, v59;
	v5 =	vmul.f32 v5, v5;
	v4 =	vmul.f32 v4, v4;
	v9 =	vld.idx.msk [tilespmem:v54+s4+$0x0], $0xffff  }
0xc3: {  	v16 =	vsub.f32 v50, v0;
	v25 =	vadd.s32 $0x1, v59;
	v7 =	vsub.f32 v52, v1;
	v62 =	vld.idx.msk [tilespmem:v56+s20+$0x0], $0xffff  }
0xc4: {  	v11 =	vsub.f32 v49, v2;
	v4 =	vadd.f32 v4, v5;
	v3 =	vmul.f32 v53, v53;
	v24 =	vld.idx.msk [tilespmem:v57+s4+$0x0], $0xffff  }
0xc5: {  	v63 =	vmul.f32 v16, v16;
	v7 =	vmul.f32 v7, v7;
	v5 =	vsub.f32 v58, v2;
	v12 =	vld.idx.msk [tilespmem:v27+s17+$0x0], $0xffff  }
0xc6: {  	v60 =	vadd.f32 v10, v14;
	v61 =	vmul.f32 v11, v11;
	v28 =	vld.idx.msk [tilespmem:v43+s17+$0x0], $0xffff;
	v3 =	vadd.f32 v3, v4  }
0xc7: {  	v46 =	vor.u32 $0x1100, v31;
	v7 =	vadd.f32 v7, v63;
	v5 =	vmul.f32 v5, v5;
	v38 =	vld.idx.msk [tilespmem:v26+s4+$0x0], $0xffff  }
0xc8: {  	v29 =	vld.idx.msk [tilespmem:v59+s4+$0x0], $0xffff;
	v26 =	vor.u32 $0x1280, v31;
	v4 =	vadd.f32 v61, v60;
	v3 =	vmul.f32 v3, v15  }
0xc9: {  	v37 =	vor.u32 $0x1080, v31;
	v27 =	vor.u32 $0x1000, v31;
	v20 =	vld.idx.msk [tilespmem:v25+s4+$0x0], $0xffff;
	v5 =	vadd.f32 v5, v7  }
0xca: {  	v44 =	vld.idx.msk [tilespmem:v55+s17+$0x0], $0xffff;
	v4 =	vmul.f32 v4, v8;
	v3 =	vmul.f32 $1.442695020e+00, v3;
	v17 =	vsub.f32 v17, v0  }
0xcb: {  	v15 =	vld.idx.msk [tilespmem:v21+s20+$0x0], $0xffff;
	v9 =	vsub.f32 v9, v1;
	v30 =	vmul.u32 $0x3, v62;
	v16 =	vsub.f32 v24, v2  }
0xcc: {  	v43 =	vmul.f32 $1.442695020e+00, v4;
	v24 =	vld.idx.msk [tilespmem:v46+s20+$0x0], $0xffff;
	v56 =	vsub.f32 v38, v2;
	v38 =	vor.u32 $0x1200, v31  }
0xcd: {  	[tilespmem:$0x1FEF0] =	vst v26;
	v5 =	vmul.f32 v5, v12;
	v26 =	vld.idx.msk [tilespmem:v26+s20+$0x0], $0xffff;
	v17 =	vmul.f32 v17, v17  }
0xce: {  	v9 =	vmul.f32 v9, v9;
	v39 =	vadd.s32 $0x1, v30;
	v42 =	vmul.f32 v16, v16;
	v16 =	vld.idx.msk [tilespmem:v27+s20+$0x0], $0xffff  }
0xcf: {  	v49 =	vsub.f32 v29, v0;
	v50 =	vsub.f32 v20, v1;
	v48 =	vadd.s32 $0x2, v30;
	v11 =	vld.idx.msk [tilespmem:v62+s17+$0x0], $0xffff  }
0xd0: {  	(erf) = vpow2.f32 v3;
	v40 =	vmul.u32 $0x3, v15;
	v41 =	vadd.f32 v9, v17;
	v9 =	vld.idx.msk [tilespmem:v37+s20+$0x0], $0xffff  }
0xd1: {  	v5 =	vmul.f32 $1.442695020e+00, v5;
	v14 =	vmul.f32 v49, v49;
	v23 =	vld.idx.msk [tilespmem:v38+s20+$0x0], $0xffff  }
0xd2: {  	(erf) = vpow2.f32 v43;
	v17 =	vmul.f32 v50, v50;
	v45 =	vadd.s32 $0x1, v40;
	v47 =	vld.idx.msk [tilespmem:v30+s4+$0x0], $0xffff  }
0xd3: {  	v52 =	vadd.s32 $0x2, v40;
	v7 =	vadd.f32 v42, v41;
	v10 =	vld.idx.msk [tilespmem:v39+s4+$0x0], $0xffff;
	v53 =	vmul.u32 $0x3, v16  }
0xd4: {  	(erf) = vpow2.f32 v5;
	v5 =	vmul.f32 v56, v56;
	v58 =	vadd.f32 v17, v14;
	v57 =	vld.idx.msk [tilespmem:v48+s4+$0x0], $0xffff  }
0xd5: {  	v7 =	vmul.f32 v7, v28;
	v28 =	vmul.u32 $0x3, v24;
	v24 =	vld.idx.msk [tilespmem:v24+s17+$0x0], $0xffff;
	v54 =	vadd.s32 $0x1, v53  }
0xd6: {  	v5 =	vadd.f32 v5, v58;
	v51 =	vld.idx.msk [tilespmem:v40+s4+$0x0], $0xffff;
	v61 =	vadd.s32 $0x2, v53  }
0xd7: {  	v29 =	vor.u32 $0x1180, v31;
	v43 =	vor.u32 $0x1300, v31;
	v55 =	vmul.u32 $0x3, v9;
	v13 =	vld.idx.msk [tilespmem:v45+s4+$0x0], $0xffff  }
0xd8: {  	[tilespmem:$0x1FE50] =	vst v27;
	v27 =	vmul.u32 $0x3, v26;
	v7 =	vmul.f32 $1.442695020e+00, v7;
	v60 =	vld.idx.msk [tilespmem:v52+s4+$0x0], $0xffff;
	v4 =	vmul.f32 v5, v44  }
0xd9: {  	v42 =	vadd.s32 $0x1, v28;
	v25 =	vadd.s32 $0x2, v28;
	v59 =	vadd.s32 $0x1, v55;
	v62 =	vld.idx.msk [tilespmem:v53+s4+$0x0], $0xffff  }
0xda: {  	v3 =	vsub.f32 v47, v0;
	v63 =	vadd.s32 $0x2, v55;
	v10 =	vsub.f32 v10, v1;
	v22 =	vld.idx.msk [tilespmem:v54+s4+$0x0], $0xffff  }
0xdb: {  	(erf) = vpow2.f32 v7;
	v8 =	vsub.f32 v57, v2;
	v4 =	vmul.f32 $1.442695020e+00, v4;
	v39 =	vld.idx.msk [tilespmem:v61+s4+$0x0], $0xffff  }
0xdc: {  	v3 =	vmul.f32 v3, v3;
	v18 =	vsub.f32 v51, v0;
	v30 =	vmul.f32 v10, v10;
	v45 =	vld.idx.msk [tilespmem:v28+s4+$0x0], $0xffff  }
0xdd: {  	[tilespmem:$0x1FE70] =	vst v37;
	v8 =	vmul.f32 v8, v8;
	(erf) = vpow2.f32 v4;
	v13 =	vsub.f32 v13, v1;
	v37 =	vld.idx.msk [tilespmem:v55+s4+$0x0], $0xffff  }
0xde: {  	v14 =	vsub.f32 v60, v2;
	v55 =	vmul.u32 $0x3, v23;
	v56 =	vld.idx.msk [tilespmem:v25+s4+$0x0], $0xffff;
	v3 =	vadd.f32 v30, v3  }
0xdf: {  	v25 =	vor.u32 $0x1380, v31;
	v18 =	vmul.f32 v18, v18;
	v12 =	vld.idx.msk [tilespmem:v59+s4+$0x0], $0xffff;
	v13 =	vmul.f32 v13, v13  }
0xe0: {  	v52 =	vld.idx.msk [tilespmem:v15+s17+$0x0], $0xffff;
	v14 =	vmul.f32 v14, v14;
	v19 =	vsub.f32 v62, v0;
	v3 =	vadd.f32 v8, v3  }
0xe1: {  	v41 =	vld.idx.msk [tilespmem:v63+s4+$0x0], $0xffff;
	v28 =	vadd.s32 $0x1, v55;
	v40 =	vadd.f32 v13, v18;
	v44 =	vsub.f32 v22, v1  }
0xe2: {  	[tilespmem:$0x1FEB0] =	vst v29;
	v18 =	vld.idx.msk [tilespmem:v29+s20+$0x0], $0xffff;
	v5 =	vsub.f32 v39, v2;
	v22 =	vsub.f32 v45, v0;
	v29 =	vadd.s32 $0x1, v27  }
0xe3: {  	[tilespmem:$0x1FE90] =	vst v46;
	v9 =	vld.idx.msk [tilespmem:v9+s17+$0x0], $0xffff;
	v45 =	vadd.s32 $0x2, v27;
	v10 =	vsub.f32 v37, v0;
	v19 =	vmul.f32 v19, v19  }
0xe4: {  	v48 =	vld.idx.msk [tilespmem:v42+s4+$0x0], $0xffff;
	v3 =	vmul.f32 v3, v11;
	v62 =	vsub.f32 v56, v2;
	v12 =	vsub.f32 v12, v1  }
0xe5: {  	v53 =	vld.idx.msk [tilespmem:v16+s17+$0x0], $0xffff;
	v20 =	vmul.f32 v44, v44;
	v7 =	vadd.f32 v14, v40;
	v5 =	vmul.f32 v5, v5  }
0xe6: {  	v15 =	vld.idx.msk [tilespmem:v25+s20+$0x0], $0xffff;
	v13 =	vsub.f32 v41, v2;
	v59 =	vmul.f32 v22, v22;
	v46 =	vmul.f32 v10, v10  }
0xe7: {  	s12 =	sadd.s32 $0xFFFFFFF0, s8;
	v44 =	vadd.s32 $0x2, v55;
	v3 =	vmul.f32 $1.442695020e+00, v3;
	v21 =	vld.idx.msk [tilespmem:v28+s4+$0x0], $0xffff;
	v8 =	vmul.f32 v62, v62  }
0xe8: {  	v62 =	vld.idx.msk [tilespmem:v26+s17+$0x0], $0xffff;
	v26 =	vmov s12;
	v47 =	vmul.f32 v12, v12;
	v49 =	vadd.f32 v20, v19  }
0xe9: {  	v19 =	vld.idx.msk [tilespmem:v43+s20+$0x0], $0xffff;
	v12 =	vsub.f32 v48, v1;
	v7 =	vmul.f32 v7, v52;
	v50 =	vmul.u32 $0x3, v18  }
0xea: {  	v13 =	vmul.f32 v13, v13;
	v22 =	vld.idx.msk [tilespmem:v29+s4+$0x0], $0xffff;
	v51 =	vadd.f32 v47, v46;
	v5 =	vadd.f32 v5, v49  }
0xeb: {  	v29 =	vld.idx.msk [tilespmem:v55+s4+$0x0], $0xffff;
	v12 =	vmul.f32 v12, v12;
	v7 =	vmul.f32 $1.442695020e+00, v7;
	v54 =	vadd.s32 $0x1, v50  }
0xec: {  	v41 =	vld.idx.msk [tilespmem:v27+s4+$0x0], $0xffff;
	(erf) = vpow2.f32 v3;
	v57 =	vadd.s32 $0x2, v50;
	v4 =	vadd.f32 v13, v51  }
0xed: {  	v52 =	vld.idx.msk [tilespmem:v44+s4+$0x0], $0xffff;
	v5 =	vmul.f32 v5, v53;
	v20 =	vadd.f32 v12, v59;
	(erf) = vpow2.f32 v7  }
0xee: {  	v46 =	vsub.f32 v21, v1;
	v48 =	vld.idx.msk [tilespmem:v18+s17+$0x0], $0xffff;
	v18 =	vshrl.u32 v26, $0x7;
	v30 =	vmul.u32 $0x3, v19  }
0xef: {  	v4 =	vmul.f32 v4, v9;
	v28 =	vmul.f32 $1.442695020e+00, v5;
	v37 =	vadd.f32 v8, v20;
	v58 =	vld.idx.msk [tilespmem:v50+s4+$0x0], $0xffff  }
0xf0: {  	v5 =	vsub.f32 v29, v0;
	v51 =	vsub.f32 v22, v1;
	v61 =	vadd.s32 $0x1, v30;
	v60 =	vld.idx.msk [tilespmem:v54+s4+$0x0], $0xffff  }
0xf1: {  	v29 =	vshll.u32 v18, $0xA;
	v47 =	vadd.s32 $0x2, v30;
	v4 =	vmul.f32 $1.442695020e+00, v4  }
0xf2: {  	[tilespmem:$0x1FED0] =	vst v38;
	v27 =	vpop (erf);
	v63 =	vld.idx.msk [tilespmem:v57+s4+$0x0], $0xffff;
	(erf) = vpow2.f32 v28;
	v42 =	vmul.f32 v37, v24;
	v54 =	vmul.u32 $0x3, v15  }
0xf3: {  	v56 =	vpop (erf);
	v55 =	vld.idx.msk [tilespmem:v45+s4+$0x0], $0xffff;
	v50 =	vsub.f32 v41, v0;
	v49 =	vmul.f32 v5, v5;
	v11 =	vmul.f32 v51, v51  }
0xf4: {  	[tilespmem:$0x1FF10] =	vst v43;
	v57 =	vadd.f32 $9.999999930e-09, v56;
	v13 =	vsub.f32 v52, v2;
	v28 =	vor.u32 s12, v36;
	v43 =	vld.idx.msk [tilespmem:v30+s4+$0x0], $0xffff  }
0xf5: {  	v53 =	vmul.f32 v50, v50;
	v38 =	vld.idx.msk [tilespmem:v61+s4+$0x0], $0xffff;
	v39 =	vsub.f32 v58, v0;
	v40 =	vsub.f32 v60, v1  }
0xf6: {  	(erf) = vpow2.f32 v4;
	v4 =	vmul.f32 $1.442695020e+00, v42;
	v12 =	vld.idx.msk [tilespmem:v47+s4+$0x0], $0xffff;
	v58 =	vadd.s32 $0x1, v54  }
0xf7: {  	v61 =	vld.idx.msk [tilespmem:v23+s17+$0x0], $0xffff;
	v10 =	vsub.f32 v63, v2;
	v3 =	vmul.f32 v39, v39;
	v9 =	vmul.f32 v40, v40  }
0xf8: {  	v11 =	vadd.f32 v11, v53;
	v23 =	vand.u32 $0x6F, v28;
	v63 =	vadd.s32 $0x2, v54;
	v20 =	vld.idx.msk [tilespmem:v54+s4+$0x0], $0xffff  }
0xf9: {  	v59 =	vpop (erf);
	v10 =	vmul.f32 v10, v10;
	v7 =	vsub.f32 v43, v0;
	v3 =	vadd.f32 v9, v3  }
0xfa: {  	v60 =	vadd.f32 v59, v57;
	v9 =	vmul.f32 v46, v46;
	v8 =	vsub.f32 v38, v1  }
0xfb: {  	v12 =	vsub.f32 v12, v2;
	v7 =	vmul.f32 v7, v7;
	v3 =	vadd.f32 v10, v3  }
0xfc: {  	v22 =	vld.idx.msk [tilespmem:v58+s4+$0x0], $0xffff;
	v8 =	vmul.f32 v8, v8;
	v9 =	vadd.f32 v9, v49;
	v49 =	vor.u32 v23, v29  }
0xfd: {  	v13 =	vmul.f32 v13, v13;
	v30 =	vpop (erf);
	v10 =	vsub.f32 v55, v2;
	v0 =	vsub.f32 v20, v0  }
0xfe: {  	v39 =	vld.idx.msk [tilespmem:v63+s4+$0x0], $0xffff;
	v12 =	vmul.f32 v12, v12;
	v7 =	vadd.f32 v8, v7;
	v8 =	vadd.f32 v30, v60  }
0xff: {  	[tilespmem:$0x1FF20] =	vst v25;
	v40 =	vpop (erf);
	v47 =	vor.u32 $0x80, v49;
	v53 =	vor.u32 $0x100, v49;
	v25 =	vor.u32 $0x180, v49  }
0x100: {  	v3 =	vmul.f32 v3, v48;
	v10 =	vmul.f32 v10, v10;
	v42 =	vadd.f32 v40, v8  }
0x101: {  	v43 =	vpop (erf);
	v0 =	vmul.f32 v0, v0;
	v48 =	vshll.u32 v18, $0x9;
	v1 =	vsub.f32 v22, v1;
	v45 =	vld.idx.msk [tilespmem:v49+s20+$0x0], $0xffff  }
0x102: {  	v19 =	vld.idx.msk [tilespmem:v19+s17+$0x0], $0xffff;
	v50 =	vor.u32 v23, v48;
	v41 =	vadd.f32 v12, v7;
	v7 =	vadd.f32 v43, v42  }
0x103: {  	v51 =	vld.idx.msk [tilespmem:v15+s17+$0x0], $0xffff;
	v46 =	vpop (erf);
	v2 =	vsub.f32 v39, v2;
	v55 =	vor.u32 $0x80, v50;
	v1 =	vmul.f32 v1, v1  }
0x104: {  	[tilespmem:$0x1FD40] =	vst v56;
	v37 =	vadd.f32 v13, v9;
	v3 =	vmul.f32 $1.442695020e+00, v3;
	v58 =	vld.idx.msk [tilespmem:v47+s20+$0x0], $0xffff;
	v7 =	vadd.f32 v46, v7  }
0x105: {  	v52 =	vpop (erf);
	v38 =	vadd.f32 v10, v11;
	v2 =	vmul.f32 v2, v2;
	v63 =	vld.idx.msk [tilespmem:v53+s20+$0x0], $0xffff;
	v0 =	vadd.f32 v1, v0  }
0x106: {  	[tilespmem:$0x1FDE0] =	vst v52;
	v16 =	vld.idx.msk [tilespmem:v25+s20+$0x0], $0xffff;
	v7 =	vadd.f32 v52, v7;
	v56 =	vmul.u32 $0x3, v45;
	v52 =	vor.u32 $0x300, v49  }
0x107: {  	(erf) = vpow2.f32 v4;
	v4 =	vmul.f32 v37, v61;
	v0 =	vadd.f32 v2, v0  }
0x108: {  	(erf) = vpow2.f32 v3;
	v44 =	vmul.f32 v38, v62;
	v1 =	vld.idx.msk [tilespmem:v55+s21+$0x0], $0xffff;
	v60 =	vadd.s32 $0x1, v56  }
0x109: {  	v61 =	vmul.f32 v0, v51;
	v0 =	vld.idx.msk [tilespmem:v50+s21+$0x0], $0xffff;
	v29 =	vmul.u32 $0x3, v58;
	v24 =	vadd.s32 $0x2, v56  }
0x10a: {  	v3 =	vmul.f32 v41, v19;
	v4 =	vmul.f32 $1.442695020e+00, v4;
	v39 =	vmul.u32 $0x3, v63;
	v9 =	vld.idx.msk [tilespmem:v45+s17+$0x0], $0xffff  }
0x10b: {  	v54 =	vpop (erf);
	[tilespmem:$0x1FF50] =	vst v25;
	v8 =	vmul.f32 $1.442695020e+00, v44;
	v48 =	vmul.u32 $0x3, v16;
	v25 =	vld.idx.msk [tilespmem:v52+s20+$0x0], $0xffff  }
0x10c: {  	(erf) = vpow2.f32 v4;
	v3 =	vmul.f32 $1.442695020e+00, v3;
	v57 =	vadd.f32 v54, v7;
	v26 =	vld.idx.msk [tilespmem:v56+s4+$0x0], $0xffff  }
0x10d: {  	[tilespmem:$0x1FD50] =	vst v59;
	v59 =	vpop (erf);
	v62 =	vor.u32 $0x100, v50;
	(erf) = vpow2.f32 v8;
	v7 =	vld.idx.msk [tilespmem:v60+s4+$0x0], $0xffff  }
0x10e: {  	(erf) = vpow2.f32 v3;
	v38 =	vadd.s32 $0x1, v29;
	v2 =	vadd.f32 v59, v57;
	v3 =	vld.idx.msk [tilespmem:v24+s4+$0x0], $0xffff  }
0x10f: {  	[tilespmem:$0x1FDA0] =	vst v43;
	v23 =	vpop (erf);
	v41 =	vadd.s32 $0x1, v39;
	v43 =	vld.idx.msk [tilespmem:v29+s4+$0x0], $0xffff  }
0x110: {  	v12 =	vadd.s32 $0x2, v29;
	v2 =	vadd.f32 v23, v2;
	v14 =	vld.idx.msk [tilespmem:v39+s4+$0x0], $0xffff  }
0x111: {  	v28 =	vpop (erf);
	v45 =	vadd.s32 $0x2, v39;
	v19 =	vld.idx.msk [tilespmem:v48+s4+$0x0], $0xffff  }
0x112: {  	[tilespmem:$0x1FD60] =	vst v30;
	v8 =	vmul.f32 $1.442695020e+00, v61;
	v30 =	vadd.f32 v28, v2;
	v2 =	vld.idx.msk [tilespmem:v62+s21+$0x0], $0xffff  }
0x113: {  	[tilespmem:$0x1FD70] =	vst v40;
	v37 =	vpop (erf);
	v10 =	vld.idx.msk [tilespmem:v38+s4+$0x0], $0xffff  }
0x114: {  	[tilespmem:$0x1FDD0] =	vst v46;
	(erf) = vpow2.f32 v8;
	v56 =	vor.u32 $0x380, v49;
	v15 =	vld.idx.msk [tilespmem:v41+s4+$0x0], $0xffff;
	v8 =	vadd.f32 v37, v30  }
0x115: {  	[tilespmem:$0x1FE00] =	vst v54;
	v42 =	vor.u32 $0x200, v49;
	v51 =	vadd.s32 $0x1, v48;
	v54 =	vadd.s32 $0x2, v48;
	v40 =	vpop (erf);
	v12 =	vld.idx.msk [tilespmem:v12+s4+$0x0], $0xffff  }
0x116: {  	[tilespmem:$0x1FF30] =	vst v47;
	v18 =	vld.idx.msk [tilespmem:v45+s4+$0x0], $0xffff;
	v38 =	vmul.u32 $0x3, v25;
	v11 =	vsub.f32 v26, v0;
	v8 =	vadd.f32 v40, v8  }
0x117: {  	[tilespmem:$0x1FF40] =	vst v53;
	v47 =	vor.u32 $0x280, v49;
	v7 =	vsub.f32 v7, v1;
	v53 =	vsub.f32 v43, v0  }
0x118: {  	[tilespmem:$0x1FE20] =	vst v59;
	v14 =	vsub.f32 v14, v0;
	v62 =	vsub.f32 v19, v0;
	v43 =	vadd.s32 $0x1, v38  }
0x119: {  	v44 =	vpop (erf);
	v19 =	vld.idx.msk [tilespmem:v56+s20+$0x0], $0xffff;
	v11 =	vmul.f32 v11, v11;
	v3 =	vsub.f32 v3, v2;
	v10 =	vsub.f32 v10, v1  }
0x11a: {  	v20 =	vld.idx.msk [tilespmem:v51+s4+$0x0], $0xffff;
	v15 =	vsub.f32 v15, v1;
	v8 =	vadd.f32 v44, v8;
	v7 =	vmul.f32 v7, v7  }
0x11b: {  	v60 =	vld.idx.msk [tilespmem:v54+s4+$0x0], $0xffff;
	v46 =	vpop (erf);
	v12 =	vsub.f32 v12, v2;
	v18 =	vsub.f32 v18, v2;
	v14 =	vmul.f32 v14, v14  }
0x11c: {  	v3 =	vmul.f32 v3, v3;
	v8 =	vadd.f32 v46, v8;
	v7 =	vadd.f32 v7, v11;
	v11 =	vld.idx.msk [tilespmem:v42+s20+$0x0], $0xffff  }
0x11d: {  	v4 =	vld.idx.msk [tilespmem:v58+s17+$0x0], $0xffff;
	[tilespmem:$0x1FEC0] =	vst v44;
	v50 =	vpop (erf);
	v44 =	vor.u32 $0x1000, v49;
	v10 =	vmul.f32 v10, v10;
	v15 =	vmul.f32 v15, v15  }
0x11e: {  	[tilespmem:$0x1FF70] =	vst v47;
	v8 =	vadd.f32 v50, v8;
	v3 =	vadd.f32 v3, v7;
	v7 =	vld.idx.msk [tilespmem:v47+s20+$0x0], $0xffff;
	v47 =	vmul.u32 $0x3, v19  }
0x11f: {  	v13 =	vld.idx.msk [tilespmem:v63+s17+$0x0], $0xffff;
	[tilespmem:$0x1FEE0] =	vst v46;
	v61 =	vmul.f32 v18, v18;
	v46 =	vadd.s32 $0x2, v38;
	v59 =	vadd.f32 v15, v14  }
0x120: {  	v16 =	vld.idx.msk [tilespmem:v16+s17+$0x0], $0xffff;
	(erf) = vrcp.f32 v8;
	v8 =	vmul.f32 v53, v53;
	v54 =	vadd.s32 $0x1, v47  }
0x121: {  	[tilespmem:$0x1FEA0] =	vst v40;
	v21 =	vsub.f32 v20, v1;
	v40 =	vsub.f32 v60, v2;
	v15 =	vld.idx.msk [tilespmem:v43+s4+$0x0], $0xffff;
	v55 =	vmul.u32 $0x3, v11  }
0x122: {  	v12 =	vmul.f32 v12, v12;
	v24 =	vld.idx.msk [tilespmem:v44+s20+$0x0], $0xffff;
	v8 =	vadd.f32 v10, v8;
	v10 =	vadd.f32 v61, v59  }
0x123: {  	[tilespmem:$0x1FE60] =	vst v28;
	v28 =	vmul.f32 v62, v62;
	v3 =	vmul.f32 v3, v9;
	v53 =	vld.idx.msk [tilespmem:v38+s4+$0x0], $0xffff;
	v61 =	vor.u32 $0x1100, v49  }
0x124: {  	v17 =	vld.idx.msk [tilespmem:v46+s4+$0x0], $0xffff;
	v57 =	vadd.s32 $0x1, v55;
	v8 =	vadd.f32 v12, v8;
	v39 =	vmul.f32 v10, v13  }
0x125: {  	v9 =	vmul.f32 v21, v21;
	v58 =	vmul.u32 $0x3, v7;
	v29 =	vadd.s32 $0x2, v55;
	v60 =	vld.idx.msk [tilespmem:v54+s4+$0x0], $0xffff  }
0x126: {  	v4 =	vmul.f32 v8, v4;
	v8 =	vmul.f32 $1.442695020e+00, v39;
	v39 =	vld.idx.msk [tilespmem:v25+s17+$0x0], $0xffff  }
0x127: {  	[tilespmem:$0x1FE40] =	vst v23;
	v63 =	vadd.s32 $0x1, v58;
	v26 =	vld.idx.msk [tilespmem:v55+s4+$0x0], $0xffff  }
0x128: {  	[tilespmem:$0x1FE80] =	vst v37;
	v9 =	vadd.f32 v9, v28;
	v10 =	vmul.f32 v40, v40;
	v37 =	vadd.s32 $0x2, v58;
	v23 =	vld.idx.msk [tilespmem:v61+s20+$0x0], $0xffff  }
0x129: {  	v3 =	vmul.f32 $1.442695020e+00, v3;
	v30 =	vld.idx.msk [tilespmem:v57+s4+$0x0], $0xffff  }
0x12a: {  	[tilespmem:$0x1FF90] =	vst v56;
	v56 =	vadd.s32 $0x2, v47;
	v48 =	vadd.f32 v10, v9;
	v4 =	vmul.f32 $1.442695020e+00, v4;
	v45 =	vld.idx.msk [tilespmem:v29+s4+$0x0], $0xffff  }
0x12b: {  	(erf) = vpow2.f32 v3;
	v62 =	vsub.f32 v53, v0;
	v54 =	vor.u32 $0x1200, v49;
	v41 =	vld.idx.msk [tilespmem:v58+s4+$0x0], $0xffff  }
0x12c: {  	[tilespmem:$0x1FF60] =	vst v42;
	v25 =	vor.u32 $0x1280, v49;
	v42 =	vld.idx.msk [tilespmem:v63+s4+$0x0], $0xffff;
	(erf) = vpow2.f32 v4;
	v4 =	vmul.f32 v48, v16  }
0x12d: {  	[tilespmem:$0x1FF00] =	vst v50;
	v55 =	vor.u32 $0x1080, v49;
	v50 =	vld.idx.msk [tilespmem:v37+s4+$0x0], $0xffff;
	v37 =	vsub.f32 v17, v2;
	(erf) = vpow2.f32 v8  }
0x12e: {  	v58 =	vld.idx.msk [tilespmem:v47+s4+$0x0], $0xffff;
	v51 =	vsub.f32 v26, v0;
	v4 =	vmul.f32 $1.442695020e+00, v4;
	v26 =	vmul.u32 $0x3, v24  }
0x12f: {  	[tilespmem:$0x1FF80] =	vst v52;
	v43 =	vmul.f32 v37, v37;
	v52 =	vsub.f32 v30, v1;
	v3 =	vsub.f32 v45, v2  }
0x130: {  	v53 =	vmul.u32 $0x3, v23;
	v30 =	vsub.f32 v15, v1;
	v13 =	vsub.f32 v41, v0  }
0x131: {  	v63 =	vld.idx.msk [tilespmem:v56+s4+$0x0], $0xffff;
	v10 =	vmul.f32 v51, v51;
	v38 =	vadd.s32 $0x1, v26;
	v14 =	vsub.f32 v42, v1  }
0x132: {  	v7 =	vld.idx.msk [tilespmem:v7+s17+$0x0], $0xffff;
	(erf) = vpow2.f32 v4;
	v40 =	vadd.s32 $0x2, v26;
	v12 =	vmul.f32 v52, v52  }
0x133: {  	v29 =	vld.idx.msk [tilespmem:v11+s17+$0x0], $0xffff;
	v9 =	vsub.f32 v58, v0;
	v13 =	vmul.f32 v13, v13;
	v14 =	vmul.f32 v14, v14  }
0x134: {  	[tilespmem:$0x1FFA0] =	vst v44;
	v57 =	vsub.f32 v50, v2;
	v3 =	vmul.f32 v3, v3;
	v42 =	vor.u32 $0x1180, v49;
	v44 =	vld.idx.msk [tilespmem:v26+s4+$0x0], $0xffff  }
0x135: {  	v11 =	vmul.f32 v30, v30;
	v10 =	vadd.f32 v12, v10;
	v59 =	vadd.f32 v14, v13;
	v14 =	vld.idx.msk [tilespmem:v55+s20+$0x0], $0xffff  }
0x136: {  	v16 =	vsub.f32 v63, v2;
	v8 =	vmul.f32 v57, v57;
	v13 =	vsub.f32 v60, v1;
	v48 =	vld.idx.msk [tilespmem:v38+s4+$0x0], $0xffff  }
0x137: {  	v9 =	vmul.f32 v9, v9;
	v3 =	vadd.f32 v3, v10;
	v10 =	vmul.f32 v62, v62;
	v51 =	vld.idx.msk [tilespmem:v40+s4+$0x0], $0xffff  }
0x138: {  	v22 =	vld.idx.msk [tilespmem:v25+s20+$0x0], $0xffff;
	v62 =	vadd.s32 $0x2, v53;
	v28 =	vadd.f32 v8, v59;
	v13 =	vmul.f32 v13, v13  }
0x139: {  	v47 =	vmul.f32 v16, v16;
	v15 =	vld.idx.msk [tilespmem:v42+s20+$0x0], $0xffff;
	v10 =	vadd.f32 v11, v10;
	v3 =	vmul.f32 v3, v29  }
0x13a: {  	v57 =	vadd.s32 $0x1, v53;
	v59 =	vld.idx.msk [tilespmem:v24+s17+$0x0], $0xffff;
	v46 =	vadd.f32 v13, v9;
	v4 =	vmul.f32 v28, v7  }
0x13b: {  	v24 =	vld.idx.msk [tilespmem:v54+s20+$0x0], $0xffff;
	v50 =	vadd.f32 v43, v10;
	v3 =	vmul.f32 $1.442695020e+00, v3;
	v26 =	vsub.f32 v44, v0  }
0x13c: {  	v19 =	vld.idx.msk [tilespmem:v19+s17+$0x0], $0xffff;
	v41 =	vmul.u32 $0x3, v14;
	v28 =	vsub.f32 v48, v1;
	v10 =	vsub.f32 v51, v2  }
0x13d: {  	v11 =	vld.idx.msk [tilespmem:v62+s4+$0x0], $0xffff;
	v48 =	vmul.u32 $0x3, v22;
	v62 =	vor.u32 $0x1380, v49;
	v7 =	vmul.f32 v50, v39  }
0x13e: {  	v9 =	vld.idx.msk [tilespmem:v53+s4+$0x0], $0xffff;
	v8 =	vadd.f32 v47, v46;
	v4 =	vmul.f32 $1.442695020e+00, v4;
	(erf) = vpow2.f32 v3  }
0x13f: {  	v63 =	vmul.u32 $0x3, v15;
	v45 =	vadd.s32 $0x1, v41;
	v52 =	vadd.s32 $0x2, v41  }
0x140: {  	v12 =	vmul.f32 v28, v28;
	v40 =	vmul.u32 $0x3, v24;
	v10 =	vmul.f32 v10, v10  }
0x141: {  	[tilespmem:$0x1FFE0] =	vst v54;
	v37 =	vld.idx.msk [tilespmem:v57+s4+$0x0], $0xffff;
	v54 =	vadd.s32 $0x1, v48;
	v8 =	vmul.f32 v8, v19;
	v58 =	vmul.f32 $1.442695020e+00, v7  }
0x142: {  	(erf) = vpow2.f32 v4;
	v38 =	vadd.s32 $0x1, v63;
	v4 =	vmul.f32 v26, v26  }
0x143: {  	[tilespmem:$0x1FFB0] =	vst v55;
	v39 =	vadd.s32 $0x2, v63;
	v9 =	vsub.f32 v9, v0;
	v43 =	vadd.s32 $0x1, v40;
	v55 =	vld.idx.msk [tilespmem:v41+s4+$0x0], $0xffff  }
0x144: {  	v51 =	vadd.s32 $0x2, v40;
	v60 =	vmul.f32 $1.442695020e+00, v8;
	(erf) = vpow2.f32 v58;
	v56 =	vld.idx.msk [tilespmem:v45+s4+$0x0], $0xffff  }
0x145: {  	[tilespmem:$0x1FFC0] =	vst v61;
	v4 =	vadd.f32 v12, v4;
	v11 =	vsub.f32 v11, v2;
	v12 =	vadd.s32 $0x2, v48;
	v61 =	vld.idx.msk [tilespmem:v52+s4+$0x0], $0xffff  }
0x146: {  	v41 =	vsub.f32 v37, v1;
	v9 =	vmul.f32 v9, v9;
	v37 =	vmov s8;
	v3 =	vld.idx.msk [tilespmem:v63+s4+$0x0], $0xffff  }
0x147: {  	(erf) = vpow2.f32 v60;
	v4 =	vadd.f32 v10, v4;
	v63 =	vor.u32 $0x1300, v49;
	v58 =	vld.idx.msk [tilespmem:v54+s4+$0x0], $0xffff  }
0x148: {  	[tilespmem:$0x1FFD0] =	vst v42;
	v11 =	vmul.f32 v11, v11;
	v17 =	vshrl.u32 v37, $0x7;
	v42 =	vld.idx.msk [tilespmem:v38+s4+$0x0], $0xffff;
	v45 =	vmul.f32 v41, v41  }
0x149: {  	v50 =	vld.idx.msk [tilespmem:v40+s4+$0x0], $0xffff;
	v38 =	vor.u32 s8, v36;
	v40 =	vshll.u32 v17, $0xA;
	v17 =	vshll.u32 v17, $0x9  }
0x14a: {  	v44 =	vld.idx.msk [tilespmem:v23+s17+$0x0], $0xffff;
	v4 =	vmul.f32 v4, v59;
	v18 =	vand.u32 $0x7F, v38;
	v9 =	vadd.f32 v45, v9  }
0x14b: {  	v53 =	vld.idx.msk [tilespmem:v43+s4+$0x0], $0xffff;
	v26 =	vor.u32 v18, v40;
	v29 =	vsub.f32 v55, v0;
	v30 =	vsub.f32 v56, v1  }
0x14c: {  	v12 =	vld.idx.msk [tilespmem:v12+s4+$0x0], $0xffff;
	v4 =	vmul.f32 $1.442695020e+00, v4;
	v8 =	vsub.f32 v61, v2;
	v3 =	vsub.f32 v3, v0  }
0x14d: {  	v14 =	vld.idx.msk [tilespmem:v14+s17+$0x0], $0xffff;
	v54 =	vor.u32 $0x180, v26;
	v9 =	vadd.f32 v11, v9;
	v10 =	vsub.f32 v58, v1  }
0x14e: {  	v11 =	vld.idx.msk [tilespmem:v63+s20+$0x0], $0xffff;
	v13 =	vmul.f32 v29, v29;
	v52 =	vsub.f32 v42, v1;
	(erf) = vpow2.f32 v4  }
0x14f: {  	v60 =	vld.idx.msk [tilespmem:v48+s4+$0x0], $0xffff;
	v57 =	vsub.f32 v50, v0;
	v16 =	vmul.f32 v30, v30;
	v8 =	vmul.f32 v8, v8  }
0x150: {  	v3 =	vmul.f32 v3, v3;
	v55 =	vmul.f32 v9, v44;
	v59 =	vsub.f32 v53, v1;
	v9 =	vld.idx.msk [tilespmem:v62+s20+$0x0], $0xffff  }
0x151: {  	v47 =	vld.idx.msk [tilespmem:v39+s4+$0x0], $0xffff;
	v10 =	vmul.f32 v10, v10;
	v12 =	vsub.f32 v12, v2;
	v13 =	vadd.f32 v16, v13  }
0x152: {  	v16 =	vmul.f32 v52, v52;
	v29 =	vmul.f32 v59, v59;
	v59 =	vor.u32 $0x100, v26  }
0x153: {  	v28 =	vmul.f32 v57, v57;
	v4 =	vmul.f32 $1.442695020e+00, v55;
	v61 =	vmul.u32 $0x3, v11  }
0x154: {  	v15 =	vld.idx.msk [tilespmem:v15+s17+$0x0], $0xffff;
	v12 =	vmul.f32 v12, v12;
	v8 =	vadd.f32 v8, v13;
	v3 =	vadd.f32 v16, v3  }
0x155: {  	v21 =	vpop (erf);
	v56 =	vld.idx.msk [tilespmem:v51+s4+$0x0], $0xffff;
	v30 =	vadd.s32 $0x1, v61;
	v16 =	vadd.s32 $0x2, v61;
	v42 =	vmul.u32 $0x3, v9  }
0x156: {  	v19 =	vld.idx.msk [tilespmem:v24+s17+$0x0], $0xffff;
	v46 =	vmul.f32 v8, v14;
	v8 =	vsub.f32 v47, v2;
	v14 =	vsub.f32 v60, v0;
	v60 =	vpop (erf)  }
0x157: {  	v39 =	vadd.f32 v29, v28;
	v43 =	vadd.f32 $9.999999930e-09, v60;
	v44 =	vadd.s32 $0x1, v42;
	v24 =	vld.idx.msk [tilespmem:v59+s20+$0x0], $0xffff  }
0x158: {  	v7 =	vmul.f32 $1.442695020e+00, v46;
	v8 =	vmul.f32 v8, v8;
	v46 =	vor.u32 v18, v17;
	v17 =	vld.idx.msk [tilespmem:v26+s20+$0x0], $0xffff  }
0x159: {  	v45 =	vadd.s32 $0x2, v42;
	v14 =	vmul.f32 v14, v14;
	v41 =	vld.idx.msk [tilespmem:v61+s4+$0x0], $0xffff;
	v61 =	vor.u32 $0x80, v26  }
0x15a: {  	(erf) = vpow2.f32 v7;
	v8 =	vadd.f32 v8, v3;
	v7 =	vsub.f32 v56, v2;
	v13 =	vld.idx.msk [tilespmem:v30+s4+$0x0], $0xffff  }
0x15b: {  	v28 =	vor.u32 $0x80, v46;
	v10 =	vadd.f32 v10, v14;
	v16 =	vld.idx.msk [tilespmem:v16+s4+$0x0], $0xffff;
	(erf) = vpow2.f32 v4  }
0x15c: {  	v58 =	vpop (erf);
	v14 =	vor.u32 $0x100, v46;
	v48 =	vld.idx.msk [tilespmem:v42+s4+$0x0], $0xffff;
	v7 =	vmul.f32 v7, v7;
	v8 =	vmul.f32 v8, v15  }
0x15d: {  	v15 =	vadd.f32 v58, v43;
	v20 =	vld.idx.msk [tilespmem:v44+s4+$0x0], $0xffff;
	v37 =	vadd.f32 v12, v10;
	v3 =	vmul.u32 $0x3, v24  }
0x15e: {  	v57 =	vpop (erf);
	v36 =	vmul.u32 $0x3, v17;
	v6 =	vld.idx.msk [tilespmem:v46+s21+$0x0], $0xffff;
	v46 =	vor.u32 $0x280, v26;
	v7 =	vadd.f32 v7, v39  }
0x15f: {  	v50 =	vld.idx.msk [tilespmem:v45+s4+$0x0], $0xffff;
	v15 =	vadd.f32 v57, v15;
	v8 =	vmul.f32 $1.442695020e+00, v8;
	v47 =	vsub.f32 v41, v0  }
0x160: {  	v56 =	vpop (erf);
	v30 =	vld.idx.msk [tilespmem:v22+s17+$0x0], $0xffff;
	v13 =	vsub.f32 v13, v1;
	v39 =	vsub.f32 v16, v2;
	v40 =	vadd.s32 $0x1, v36  }
0x161: {  	[tilespmem:$0x1FFF0] =	vst v25;
	v25 =	vld.idx.msk [tilespmem:v61+s20+$0x0], $0xffff;
	v22 =	vadd.s32 $0x2, v36;
	v7 =	vmul.f32 v7, v19;
	v15 =	vadd.f32 v56, v15  }
0x162: {  	v11 =	vld.idx.msk [tilespmem:v11+s17+$0x0], $0xffff;
	v18 =	vmul.f32 v47, v47;
	(erf) = vpow2.f32 v8;
	v0 =	vsub.f32 v48, v0  }
0x163: {  	v9 =	vld.idx.msk [tilespmem:v9+s17+$0x0], $0xffff;
	v55 =	vpop (erf);
	v48 =	vor.u32 $0x200, v26;
	v13 =	vmul.f32 v13, v13;
	v1 =	vsub.f32 v20, v1  }
0x164: {  	v12 =	vld.idx.msk [tilespmem:v28+s21+$0x0], $0xffff;
	v41 =	vsub.f32 v50, v2;
	v7 =	vmul.f32 $1.442695020e+00, v7;
	v29 =	vadd.f32 v55, v15  }
0x165: {  	v4 =	vld.idx.msk [tilespmem:v14+s21+$0x0], $0xffff;
	v0 =	vmul.f32 v0, v0;
	v38 =	vadd.f32 v13, v18;
	v13 =	vmul.f32 v39, v39  }
0x166: {  	v53 =	vpop (erf);
	v19 =	vld.idx.msk [tilespmem:v46+s20+$0x0], $0xffff;
	v42 =	vmul.f32 v1, v1;
	v28 =	vmul.u32 $0x3, v25;
	(erf) = vpow2.f32 v7  }
0x167: {  	v43 =	vld.idx.msk [tilespmem:v36+s4+$0x0], $0xffff;
	v8 =	vadd.f32 v53, v29;
	v7 =	vmul.f32 v37, v30;
	v29 =	vmul.f32 v41, v41  }
0x168: {  	v52 =	vpop (erf);
	v16 =	vld.idx.msk [tilespmem:v40+s4+$0x0], $0xffff;
	v10 =	vadd.f32 v13, v38;
	v0 =	vadd.f32 v42, v0;
	v30 =	vadd.s32 $0x1, v28  }
0x169: {  	v36 =	vadd.s32 $0x2, v28;
	v38 =	vld.idx.msk [tilespmem:v22+s4+$0x0], $0xffff;
	v8 =	vadd.f32 v52, v8;
	v7 =	vmul.f32 $1.442695020e+00, v7  }
0x16a: {  	v51 =	vpop (erf);
	v13 =	vld.idx.msk [tilespmem:v54+s20+$0x0], $0xffff;
	v42 =	vor.u32 $0x300, v26;
	v10 =	vmul.f32 v10, v11;
	v15 =	vadd.f32 v29, v0  }
0x16b: {  	v18 =	vld.idx.msk [tilespmem:v48+s20+$0x0], $0xffff;
	v0 =	vmul.u32 $0x3, v19;
	v8 =	vadd.f32 v51, v8;
	(erf) = vpow2.f32 v7  }
0x16c: {  	v50 =	vpop (erf);
	v29 =	vld.idx.msk [tilespmem:v3+s4+$0x0], $0xffff;
	v23 =	vsub.f32 v43, v6;
	v37 =	vmul.f32 $1.442695020e+00, v10;
	v9 =	vmul.f32 v15, v9  }
0x16d: {  	v39 =	vld.idx.msk [tilespmem:v28+s4+$0x0], $0xffff;
	v16 =	vsub.f32 v16, v12;
	v28 =	vadd.s32 $0x1, v3;
	v8 =	vadd.f32 v50, v8  }
0x16e: {  	v11 =	vld.idx.msk [tilespmem:v30+s4+$0x0], $0xffff;
	v7 =	vmul.f32 v23, v23;
	v10 =	vsub.f32 v38, v4;
	v30 =	vadd.s32 $0x2, v3  }
0x16f: {  	v47 =	vpop (erf);
	v14 =	vld.idx.msk [tilespmem:v36+s4+$0x0], $0xffff;
	v36 =	vmul.u32 $0x3, v13;
	v9 =	vmul.f32 $1.442695020e+00, v9;
	v16 =	vmul.f32 v16, v16  }
0x170: {  	v22 =	vld.idx.msk [tilespmem:v17+s17+$0x0], $0xffff;
	(erf) = vpow2.f32 v37;
	v8 =	vadd.f32 v47, v8;
	v10 =	vmul.f32 v10, v10  }
0x171: {  	v45 =	vpop (erf);
	v38 =	vadd.s32 $0x1, v36;
	(erf) = vpow2.f32 v9;
	v7 =	vadd.f32 v16, v7;
	v9 =	vld.idx.msk [tilespmem:v25+s17+$0x0], $0xffff  }
0x172: {  	v25 =	vadd.s32 $0x2, v36;
	v16 =	vsub.f32 v29, v6;
	v3 =	vld.idx.msk [tilespmem:v0+s4+$0x0], $0xffff;
	v8 =	vadd.f32 v45, v8  }
0x173: {  	v29 =	vmul.u32 $0x3, v18;
	v15 =	vsub.f32 v39, v6;
	v37 =	vld.idx.msk [tilespmem:v28+s4+$0x0], $0xffff;
	v11 =	vsub.f32 v11, v12  }
0x174: {  	v44 =	vpop (erf);
	v14 =	vsub.f32 v14, v4;
	v7 =	vadd.f32 v10, v7;
	v10 =	vld.idx.msk [tilespmem:v42+s20+$0x0], $0xffff  }
0x175: {  	v16 =	vmul.f32 v16, v16;
	v8 =	vadd.f32 v44, v8;
	v15 =	vmul.f32 v15, v15;
	v28 =	vld.idx.msk [tilespmem:v36+s4+$0x0], $0xffff  }
0x176: {  	v43 =	vpop (erf);
	v36 =	vor.u32 $0x1080, v26;
	v11 =	vmul.f32 v11, v11;
	v14 =	vmul.f32 v14, v14;
	v20 =	vld.idx.msk [tilespmem:v38+s4+$0x0], $0xffff  }
0x177: {  	v38 =	vadd.s32 $0x2, v29;
	v7 =	vmul.f32 v7, v22;
	v8 =	vadd.f32 v43, v8;
	v1 =	vld.idx.msk [tilespmem:v25+s4+$0x0], $0xffff  }
0x178: {  	v41 =	vpop (erf);
	v11 =	vadd.f32 v11, v15;
	v15 =	vld.idx.msk [tilespmem:v30+s4+$0x0], $0xffff;
	v30 =	vsub.f32 v37, v12;
	v37 =	vadd.s32 $0x1, v29  }
0x179: {  	v25 =	vadd.s32 $0x1, v0;
	v17 =	vld.idx.msk [tilespmem:v29+s4+$0x0], $0xffff;
	v29 =	vadd.s32 $0x2, v0;
	v8 =	vadd.f32 v41, v8  }
0x17a: {  	v3 =	vsub.f32 v3, v6;
	v7 =	vmul.f32 $1.442695020e+00, v7;
	v40 =	vpop (erf);
	v0 =	vmul.u32 $0x3, v10  }
0x17b: {  	v24 =	vld.idx.msk [tilespmem:v24+s17+$0x0], $0xffff;
	v11 =	vadd.f32 v14, v11;
	v14 =	vmul.f32 v30, v30;
	v8 =	vadd.f32 v40, v8  }
0x17c: {  	v13 =	vld.idx.msk [tilespmem:v13+s17+$0x0], $0xffff;
	v3 =	vmul.f32 v3, v3;
	v5 =	vsub.f32 v28, v6;
	v39 =	vpop (erf);
	v28 =	vsub.f32 v20, v12  }
0x17d: {  	v9 =	vmul.f32 v11, v9;
	v11 =	vadd.f32 v14, v16;
	v8 =	vadd.f32 v39, v8;
	v2 =	vld.idx.msk [tilespmem:v37+s4+$0x0], $0xffff  }
0x17e: {  	v1 =	vsub.f32 v1, v4;
	v5 =	vmul.f32 v5, v5;
	v15 =	vsub.f32 v15, v4;
	v29 =	vld.idx.msk [tilespmem:v29+s4+$0x0], $0xffff  }
0x17f: {  	v30 =	vmul.f32 v28, v28;
	(erf) = vrcp.f32 v8;
	v8 =	vld.idx.msk [tilespmem:v38+s4+$0x0], $0xffff;
	v38 =	vor.u32 $0x380, v26  }
0x180: {  	v9 =	vmul.f32 $1.442695020e+00, v9;
	(erf) = vpow2.f32 v7;
	v7 =	vld.idx.msk [tilespmem:v25+s4+$0x0], $0xffff;
	v25 =	vadd.s32 $0x1, v0  }
0x181: {  	v1 =	vmul.f32 v1, v1;
	v15 =	vmul.f32 v15, v15;
	v5 =	vadd.f32 v30, v5  }
0x182: {  	v28 =	vsub.f32 v17, v6;
	v37 =	vor.u32 $0x1000, v26;
	v30 =	vadd.s32 $0x2, v0  }
0x183: {  	v0 =	vld.idx.msk [tilespmem:v0+s4+$0x0], $0xffff;
	(erf) = vpow2.f32 v9;
	v23 =	vadd.f32 v15, v11;
	v1 =	vadd.f32 v1, v5  }
0x184: {  	v5 =	vmul.f32 v28, v28;
	v2 =	vsub.f32 v2, v12;
	v14 =	vsub.f32 v29, v4;
	v20 =	vld.idx.msk [tilespmem:v38+s20+$0x0], $0xffff  }
0x185: {  	v9 =	vmul.f32 v23, v24;
	v1 =	vmul.f32 v1, v13;
	v7 =	vsub.f32 v7, v12;
	v11 =	vld.idx.msk [tilespmem:v25+s4+$0x0], $0xffff  }
0x186: {  	v13 =	vld.idx.msk [tilespmem:v18+s17+$0x0], $0xffff;
	v8 =	vsub.f32 v8, v4;
	v2 =	vmul.f32 v2, v2;
	v29 =	vmul.f32 v14, v14  }
0x187: {  	v28 =	vld.idx.msk [tilespmem:v30+s4+$0x0], $0xffff;
	v9 =	vmul.f32 $1.442695020e+00, v9;
	v25 =	vmul.f32 v7, v7  }
0x188: {  	v24 =	vld.idx.msk [tilespmem:v19+s17+$0x0], $0xffff;
	v1 =	vmul.f32 $1.442695020e+00, v1;
	v0 =	vsub.f32 v0, v6;
	v8 =	vmul.f32 v8, v8  }
0x189: {  	v22 =	vld.idx.msk [tilespmem:v37+s20+$0x0], $0xffff;
	v2 =	vadd.f32 v2, v5;
	v18 =	vmul.u32 $0x3, v20;
	v3 =	vadd.f32 v25, v3  }
0x18a: {  	(erf) = vpow2.f32 v9;
	v0 =	vmul.f32 v0, v0;
	v11 =	vsub.f32 v11, v12  }
0x18b: {  	v19 =	vld.idx.msk [tilespmem:v36+s20+$0x0], $0xffff;
	v2 =	vadd.f32 v8, v2;
	(erf) = vpow2.f32 v1;
	v25 =	vadd.f32 v29, v3  }
0x18c: {  	v7 =	vsub.f32 v28, v4;
	v30 =	vadd.s32 $0x1, v18;
	v3 =	vld.idx.msk [tilespmem:v10+s17+$0x0], $0xffff;
	v28 =	vmul.f32 v11, v11  }
0x18d: {  	v2 =	vmul.f32 v2, v13;
	v14 =	vadd.s32 $0x2, v18;
	v1 =	vmul.f32 v25, v24;
	v25 =	vld [tilespmem:$0x1FB80]  }
0x18e: {  	v10 =	vmul.u32 $0x3, v22;
	v24 =	vmul.f32 v27, v35;
	v0 =	vadd.f32 v28, v0;
	v28 =	vld [tilespmem:$0x1FB90]  }
0x18f: {  	v2 =	vmul.f32 $1.442695020e+00, v2;
	v29 =	vld.idx.msk [tilespmem:v18+s4+$0x0], $0xffff  }
0x190: {  	v7 =	vmul.f32 v7, v7;
	[tilespmem:v32+s26+$0x0] =	vst.idx.msk $0xffff, v24;
	v32 =	vld [tilespmem:$0x1FBA0]  }
0x191: {  	(erf) = vpow2.f32 v2;
	v2 =	vadd.s32 $0x2, v10;
	v30 =	vld.idx.msk [tilespmem:v30+s4+$0x0], $0xffff  }
0x192: {  	v35 =	vor.u32 $0x1100, v26;
	v17 =	vld.idx.msk [tilespmem:v14+s4+$0x0], $0xffff;
	v0 =	vadd.f32 v7, v0  }
0x193: {  	v11 =	vmul.u32 $0x3, v19;
	v23 =	vadd.s32 $0x1, v10;
	v18 =	vld.idx.msk [tilespmem:v20+s17+$0x0], $0xffff  }
0x194: {  	v0 =	vmul.f32 v0, v3;
	v3 =	vld.idx.msk [tilespmem:v10+s4+$0x0], $0xffff  }
0x195: {  	v7 =	vmul.f32 v27, v25;
	v25 =	vld [tilespmem:$0x1FBB0]  }
0x196: {  	v15 =	vld.idx.msk [tilespmem:v2+s4+$0x0], $0xffff;
	v29 =	vsub.f32 v29, v6  }
0x197: {  	v30 =	vsub.f32 v30, v12;
	v13 =	vsub.f32 v17, v4;
	v17 =	vld.idx.msk [tilespmem:v35+s20+$0x0], $0xffff  }
0x198: {  	v1 =	vmul.f32 $1.442695020e+00, v1;
	[tilespmem:v28+s26+$0x0] =	vst.idx.msk $0xffff, v7;
	v7 =	vld.idx.msk [tilespmem:v23+s4+$0x0], $0xffff  }
0x199: {  	v14 =	vmul.f32 v29, v29;
	v5 =	vmul.f32 v30, v30;
	v30 =	vld.idx.msk [tilespmem:v11+s4+$0x0], $0xffff  }
0x19a: {  	v8 =	vadd.s32 $0x1, v11;
	v24 =	vadd.s32 $0x2, v11;
	v11 =	vld [tilespmem:$0x1FBC0]  }
0x19b: {  	(erf) = vpow2.f32 v1;
	v0 =	vmul.f32 $1.442695020e+00, v0;
	v16 =	vadd.f32 v5, v14;
	v14 =	vld [tilespmem:$0x1FBD0]  }
0x19c: {  	v28 =	vmul.f32 v27, v25;
	v29 =	vmul.f32 v13, v13;
	v25 =	vld [tilespmem:$0x1FBF0]  }
0x19d: {  	(erf) = vpow2.f32 v0;
	v0 =	vsub.f32 v15, v4;
	v15 =	vld [tilespmem:$0x1FBE0];
	v5 =	vmul.u32 $0x3, v17  }
0x19e: {  	v22 =	vld.idx.msk [tilespmem:v22+s17+$0x0], $0xffff;
	v9 =	vmul.f32 v27, v32;
	v3 =	vsub.f32 v3, v6;
	v2 =	vadd.f32 v29, v16  }
0x19f: {  	v8 =	vld.idx.msk [tilespmem:v8+s4+$0x0], $0xffff;
	v7 =	vsub.f32 v7, v12  }
0x1a0: {  	[tilespmem:v34+s26+$0x0] =	vst.idx.msk $0xffff, v9;
	v3 =	vmul.f32 v3, v3;
	v1 =	vmul.f32 v2, v18;
	v18 =	vadd.s32 $0x1, v5  }
0x1a1: {  	v34 =	vor.u32 $0x1180, v26;
	v9 =	vld.idx.msk [tilespmem:v24+s4+$0x0], $0xffff;
	v13 =	vmul.f32 v27, v11;
	v7 =	vmul.f32 v7, v7  }
0x1a2: {  	[tilespmem:v33+s26+$0x0] =	vst.idx.msk $0xffff, v28;
	v28 =	vld [tilespmem:$0x1FC00];
	v24 =	vadd.s32 $0x2, v5;
	v16 =	vmul.f32 v27, v15  }
0x1a3: {  	v0 =	vmul.f32 v0, v0;
	v3 =	vadd.f32 v7, v3;
	v5 =	vld.idx.msk [tilespmem:v5+s4+$0x0], $0xffff;
	[tilespmem:v14+s26+$0x0] =	vst.idx.msk $0xffff, v13  }
0x1a4: {  	[tilespmem:v25+s26+$0x0] =	vst.idx.msk $0xffff, v16;
	v25 =	vld [tilespmem:$0x1FC20]  }
0x1a5: {  	v0 =	vadd.f32 v0, v3;
	v18 =	vld.idx.msk [tilespmem:v18+s4+$0x0], $0xffff  }
0x1a6: {  	v20 =	vld.idx.msk [tilespmem:v34+s20+$0x0], $0xffff  }
0x1a7: {  	v10 =	vsub.f32 v30, v6;
	v13 =	vmul.f32 v0, v22;
	v22 =	vld.idx.msk [tilespmem:v24+s4+$0x0], $0xffff  }
0x1a8: {  	v29 =	vmul.f32 v27, v28;
	v28 =	vld [tilespmem:$0x1FC30]  }
0x1a9: {  	v23 =	vmul.f32 v10, v10;
	v10 =	vld [tilespmem:$0x1FC40]  }
0x1aa: {  	v16 =	vld [tilespmem:$0x1FC10];
	v5 =	vsub.f32 v5, v6;
	v18 =	vsub.f32 v18, v12  }
0x1ab: {  	v11 =	vld [tilespmem:$0x1FC50]  }
0x1ac: {  	v14 =	vld [tilespmem:$0x1FC60];
	v5 =	vmul.f32 v5, v5;
	v22 =	vsub.f32 v22, v4;
	v18 =	vmul.f32 v18, v18  }
0x1ad: {  	[tilespmem:v25+s26+$0x0] =	vst.idx.msk $0xffff, v29;
	v29 =	vmul.f32 v27, v28;
	v28 =	vld [tilespmem:$0x1FCB0]  }
0x1ae: {  	v5 =	vadd.f32 v18, v5;
	v18 =	vmul.f32 v22, v22;
	v22 =	vld [tilespmem:$0x1FCD0]  }
0x1af: {  	v33 =	vor.u32 $0x1200, v26;
	v32 =	vmul.f32 v27, v16;
	v16 =	vld [tilespmem:$0x1FC70]  }
0x1b0: {  	v7 =	vsub.f32 v9, v4;
	v9 =	vmul.u32 $0x3, v20;
	_ =	sdelay $0x1  }
0x1b1: {  	[tilespmem:v10+s26+$0x0] =	vst.idx.msk $0xffff, v32;
	v32 =	vadd.s32 $0x1, v9  }
0x1b2: {  	v24 =	vmul.f32 v27, v11  }
0x1b3: {  	v8 =	vsub.f32 v8, v12;
	v15 =	vld.idx.msk [tilespmem:v33+s20+$0x0], $0xffff;
	[tilespmem:v14+s26+$0x0] =	vst.idx.msk $0xffff, v29;
	v10 =	vmul.f32 v27, v16  }
0x1b4: {  	v11 =	vld.idx.msk [tilespmem:v19+s17+$0x0], $0xffff;
	[tilespmem:v28+s26+$0x0] =	vst.idx.msk $0xffff, v24  }
0x1b5: {  	v8 =	vmul.f32 v8, v8;
	[tilespmem:v22+s26+$0x0] =	vst.idx.msk $0xffff, v10;
	v22 =	vld [tilespmem:$0x1FCE0]  }
0x1b6: {  	v32 =	vld.idx.msk [tilespmem:v32+s4+$0x0], $0xffff  }
0x1b7: {  	v17 =	vld.idx.msk [tilespmem:v17+s17+$0x0], $0xffff;
	v8 =	vadd.f32 v8, v23;
	v7 =	vmul.f32 v7, v7  }
0x1b8: {  	v30 =	vor.u32 $0x1280, v26;
	v23 =	vld [tilespmem:$0x1FC90];
	v0 =	vmul.u32 $0x3, v15  }
0x1b9: {  	v8 =	vadd.f32 v7, v8;
	v19 =	vld [tilespmem:$0x1FC80]  }
0x1ba: {  	v10 =	vmul.f32 v27, v22;
	v22 =	vld [tilespmem:$0x1FCF0]  }
0x1bb: {  	v8 =	vmul.f32 v8, v11;
	v11 =	vsub.f32 v32, v12;
	v32 =	vld [tilespmem:$0x1FD00]  }
0x1bc: {  	v3 =	vadd.s32 $0x1, v0;
	v7 =	vld.idx.msk [tilespmem:v9+s4+$0x0], $0xffff  }
0x1bd: {  	v16 =	vmul.f32 v27, v23;
	v23 =	vld.idx.msk [tilespmem:v30+s20+$0x0], $0xffff  }
0x1be: {  	v2 =	vadd.s32 $0x2, v0;
	v0 =	vld.idx.msk [tilespmem:v0+s4+$0x0], $0xffff  }
0x1bf: {  	v1 =	vmul.f32 $1.442695020e+00, v1;
	v25 =	vld [tilespmem:$0x1FCA0]  }
0x1c0: {  	v29 =	vor.u32 $0x1300, v26;
	v14 =	vmul.f32 v27, v19;
	v28 =	vld [tilespmem:$0x1FCC0]  }
0x1c1: {  	(erf) = vpow2.f32 v1;
	v1 =	vld.idx.msk [tilespmem:v3+s4+$0x0], $0xffff  }
0x1c2: {  	v13 =	vmul.f32 $1.442695020e+00, v13;
	v9 =	vadd.s32 $0x2, v9;
	v3 =	vmul.u32 $0x3, v23;
	[tilespmem:v22+s26+$0x0] =	vst.idx.msk $0xffff, v14;
	v22 =	vld [tilespmem:$0x1FD10]  }
0x1c3: {  	[tilespmem:v32+s26+$0x0] =	vst.idx.msk $0xffff, v16;
	v32 =	vld [tilespmem:$0x1FD20]  }
0x1c4: {  	(erf) = vpow2.f32 v13;
	v2 =	vld.idx.msk [tilespmem:v2+s4+$0x0], $0xffff;
	v7 =	vsub.f32 v7, v6;
	v13 =	vadd.s32 $0x1, v3  }
0x1c5: {  	v19 =	vmul.f32 v27, v25;
	v25 =	vld.idx.msk [tilespmem:v29+s20+$0x0], $0xffff;
	v24 =	vmul.f32 v27, v28;
	v28 =	vor.u32 $0x1380, v26  }
0x1c6: {  	v15 =	vld.idx.msk [tilespmem:v15+s17+$0x0], $0xffff  }
0x1c7: {  	v5 =	vadd.f32 v18, v5;
	v7 =	vmul.f32 v7, v7;
	v9 =	vld.idx.msk [tilespmem:v9+s4+$0x0], $0xffff;
	v11 =	vmul.f32 v11, v11  }
0x1c8: {  	v0 =	vsub.f32 v0, v6;
	v27 =	vadd.s32 $0x2, v3;
	v3 =	vld.idx.msk [tilespmem:v3+s4+$0x0], $0xffff  }
0x1c9: {  	v5 =	vmul.f32 v5, v17;
	v1 =	vsub.f32 v1, v12;
	v7 =	vadd.f32 v11, v7;
	v11 =	vld.idx.msk [tilespmem:v13+s4+$0x0], $0xffff  }
0x1ca: {  	v2 =	vsub.f32 v2, v4;
	v17 =	vmul.u32 $0x3, v25;
	v18 =	vld.idx.msk [tilespmem:v28+s20+$0x0], $0xffff;
	[tilespmem:v22+s26+$0x0] =	vst.idx.msk $0xffff, v19  }
0x1cb: {  	v0 =	vmul.f32 v0, v0;
	v1 =	vmul.f32 v1, v1;
	[tilespmem:v32+s26+$0x0] =	vst.idx.msk $0xffff, v24;
	v24 =	vld [tilespmem:$0x1FD30]  }
0x1cc: {  	v9 =	vsub.f32 v9, v4;
	v16 =	vld.idx.msk [tilespmem:v20+s17+$0x0], $0xffff;
	v20 =	vadd.s32 $0x1, v17  }
0x1cd: {  	v8 =	vmul.f32 $1.442695020e+00, v8;
	v2 =	vmul.f32 v2, v2;
	v0 =	vadd.f32 v1, v0;
	v13 =	vld.idx.msk [tilespmem:v27+s4+$0x0], $0xffff  }
0x1ce: {  	v9 =	vmul.f32 v9, v9;
	v27 =	vmul.f32 $1.442695020e+00, v5;
	v14 =	vadd.s32 $0x2, v17  }
0x1cf: {  	v5 =	vpop (erf);
	(erf) = vpow2.f32 v8;
	v3 =	vsub.f32 v3, v6;
	v19 =	vmul.u32 $0x3, v18  }
0x1d0: {  	v8 =	vadd.f32 v9, v7;
	(erf) = vpow2.f32 v27;
	v27 =	vadd.f32 v2, v0;
	v17 =	vld.idx.msk [tilespmem:v17+s4+$0x0], $0xffff  }
0x1d1: {  	v7 =	vpop (erf);
	v3 =	vmul.f32 v3, v3;
	v9 =	vld.idx.msk [tilespmem:v20+s4+$0x0], $0xffff;
	v22 =	vsub.f32 v11, v12;
	v20 =	vadd.s32 $0x1, v19  }
0x1d2: {  	v1 =	vmul.f32 v27, v15;
	v27 =	vld [tilespmem:$0x1FD40];
	v13 =	vsub.f32 v13, v4;
	v32 =	vadd.f32 $9.999999930e-09, v7  }
0x1d3: {  	v0 =	vpop (erf);
	[tilespmem:v24+s26+$0x0] =	vst.idx.msk $0xffff, v10;
	v24 =	vld.idx.msk [tilespmem:v14+s4+$0x0], $0xffff;
	v14 =	vadd.s32 $0x2, v19;
	v10 =	vmul.f32 v22, v22  }
0x1d4: {  	v2 =	vadd.f32 v0, v32;
	v32 =	vld.idx.msk [tilespmem:v23+s17+$0x0], $0xffff  }
0x1d5: {  	v13 =	vmul.f32 v13, v13;
	v8 =	vmul.f32 v8, v16;
	v15 =	vld.idx.msk [tilespmem:v19+s4+$0x0], $0xffff;
	v3 =	vadd.f32 v10, v3  }
0x1d6: {  	v17 =	vsub.f32 v17, v6;
	v9 =	vsub.f32 v9, v12;
	v19 =	vld.idx.msk [tilespmem:v20+s4+$0x0], $0xffff  }
0x1d7: {  	v16 =	vmul.f32 v21, v27;
	v8 =	vmul.f32 $1.442695020e+00, v8;
	v23 =	vld [tilespmem:$0x1FD70];
	v3 =	vadd.f32 v13, v3  }
0x1d8: {  	v17 =	vmul.f32 v17, v17;
	v9 =	vmul.f32 v9, v9;
	v24 =	vsub.f32 v24, v4;
	v27 =	vld.idx.msk [tilespmem:v14+s4+$0x0], $0xffff  }
0x1d9: {  	[tilespmem:v31+s26+$0x0] =	vst.idx.msk $0xffff, v16;
	v31 =	vmul.f32 v3, v32;
	v32 =	vld.idx.msk [tilespmem:v25+s17+$0x0], $0xffff  }
0x1da: {  	(erf) = vpow2.f32 v8;
	v9 =	vadd.f32 v9, v17;
	v22 =	vld [tilespmem:$0x1FD60];
	v8 =	vmul.f32 v24, v24  }
0x1db: {  	v12 =	vsub.f32 v19, v12;
	v19 =	vld [tilespmem:$0x1FD50]  }
0x1dc: {  	v25 =	vld [tilespmem:$0x1FD80];
	v8 =	vadd.f32 v8, v9  }
0x1dd: {  	v4 =	vsub.f32 v27, v4;
	v27 =	vld [tilespmem:$0x1FD90]  }
0x1de: {  	v3 =	vmul.f32 v8, v32;
	v32 =	vld [tilespmem:$0x1FDB0]  }
0x1df: {  	v1 =	vmul.f32 $1.442695020e+00, v1;
	v6 =	vsub.f32 v15, v6;
	_ =	sdelay $0x1  }
0x1e0: {  	(erf) = vpow2.f32 v1;
	v6 =	vmul.f32 v6, v6;
	v24 =	vld.idx.msk [tilespmem:v18+s17+$0x0], $0xffff  }
0x1e1: {  	v17 =	vmul.f32 v12, v12;
	v18 =	vld [tilespmem:$0x1FDD0];
	v11 =	vmul.f32 v21, v19  }
0x1e2: {  	v12 =	vmul.f32 v21, v23;
	v23 =	vld [tilespmem:$0x1FE00];
	v9 =	vmul.f32 v21, v22  }
0x1e3: {  	v1 =	vmul.f32 $1.442695020e+00, v31;
	v31 =	vld [tilespmem:$0x1FDA0];
	v6 =	vadd.f32 v17, v6;
	v4 =	vmul.f32 v4, v4;
	[tilespmem:v25+s26+$0x0] =	vst.idx.msk $0xffff, v11  }
0x1e4: {  	v17 =	vld [tilespmem:$0x1FDC0];
	[tilespmem:v27+s26+$0x0] =	vst.idx.msk $0xffff, v9  }
0x1e5: {  	v20 =	vpop (erf);
	v22 =	vld [tilespmem:$0x1FDF0];
	[tilespmem:v32+s26+$0x0] =	vst.idx.msk $0xffff, v12;
	v12 =	vadd.f32 v4, v6  }
0x1e6: {  	v2 =	vadd.f32 v20, v2;
	v19 =	vld [tilespmem:$0x1FDE0]  }
0x1e7: {  	v13 =	vpop (erf);
	(erf) = vpow2.f32 v1;
	v1 =	vmul.f32 v12, v24;
	v24 =	vld [tilespmem:$0x1FE10]  }
0x1e8: {  	v2 =	vadd.f32 v13, v2;
	v27 =	vld [tilespmem:$0x1FE30]  }
0x1e9: {  	v14 =	vpop (erf);
	v32 =	vld [tilespmem:$0x1FE50]  }
0x1ea: {  	v2 =	vadd.f32 v14, v2;
	v3 =	vmul.f32 $1.442695020e+00, v3;
	v25 =	vld [tilespmem:$0x1FE20]  }
0x1eb: {  	v15 =	vld [tilespmem:$0x1FE80];
	v10 =	vpop (erf);
	v8 =	vmul.f32 v21, v31  }
0x1ec: {  	v2 =	vadd.f32 v10, v2;
	v31 =	vld [tilespmem:$0x1FE40];
	(erf) = vpow2.f32 v3;
	v4 =	vmul.f32 v21, v18  }
0x1ed: {  	v16 =	vpop (erf);
	v3 =	vmul.f32 v21, v23;
	v23 =	vld [tilespmem:$0x1FED0];
	[tilespmem:v17+s26+$0x0] =	vst.idx.msk $0xffff, v8;
	v8 =	vmul.f32 v21, v19  }
0x1ee: {  	v2 =	vadd.f32 v16, v2;
	v17 =	vld [tilespmem:$0x1FE90];
	[tilespmem:v22+s26+$0x0] =	vst.idx.msk $0xffff, v4  }
0x1ef: {  	v9 =	vpop (erf);
	v12 =	vld [tilespmem:$0x1FE70];
	[tilespmem:v24+s26+$0x0] =	vst.idx.msk $0xffff, v8;
	v8 =	vmul.f32 v21, v25  }
0x1f0: {  	v2 =	vadd.f32 v9, v2;
	v19 =	vld [tilespmem:$0x1FEB0];
	[tilespmem:v27+s26+$0x0] =	vst.idx.msk $0xffff, v3  }
0x1f1: {  	v6 =	vpop (erf);
	[tilespmem:v32+s26+$0x0] =	vst.idx.msk $0xffff, v8;
	v8 =	vld [tilespmem:$0x1FE60]  }
0x1f2: {  	v18 =	vld [tilespmem:$0x1FEA0];
	v2 =	vadd.f32 v6, v2  }
0x1f3: {  	v22 =	vld [tilespmem:$0x1FEC0];
	v4 =	vpop (erf)  }
0x1f4: {  	v1 =	vmul.f32 $1.442695020e+00, v1;
	v2 =	vadd.f32 v4, v2;
	v25 =	vld [tilespmem:$0x1FEF0]  }
0x1f5: {  	v11 =	vpop (erf);
	v3 =	vmul.f32 v21, v31;
	v31 =	vld [tilespmem:$0x1FF10]  }
0x1f6: {  	(erf) = vpow2.f32 v1;
	v2 =	vadd.f32 v11, v2;
	v24 =	vld [tilespmem:$0x1FEE0];
	v1 =	vmul.f32 v21, v8  }
0x1f7: {  	[tilespmem:v12+s26+$0x0] =	vst.idx.msk $0xffff, v3;
	v3 =	vmul.f32 v21, v15;
	v8 =	vpop (erf)  }
0x1f8: {  	v27 =	vld [tilespmem:$0x1FF00];
	v2 =	vadd.f32 v8, v2;
	[tilespmem:v17+s26+$0x0] =	vst.idx.msk $0xffff, v1;
	v1 =	vmul.f32 v21, v18  }
0x1f9: {  	v32 =	vmul.f32 v5, v60;
	v60 =	vld [tilespmem:$0x1FF20];
	v12 =	vpop (erf);
	[tilespmem:v19+s26+$0x0] =	vst.idx.msk $0xffff, v3  }
0x1fa: {  	v3 =	vmul.f32 v21, v22;
	v2 =	vadd.f32 v12, v2;
	[tilespmem:v23+s26+$0x0] =	vst.idx.msk $0xffff, v1;
	v23 =	vld [tilespmem:$0x1FF30]  }
0x1fb: {  	v15 =	vpop (erf);
	v1 =	vmul.f32 v21, v24  }
0x1fc: {  	[tilespmem:v25+s26+$0x0] =	vst.idx.msk $0xffff, v3;
	v2 =	vadd.f32 v15, v2;
	v25 =	vld [tilespmem:$0x1FF40]  }
0x1fd: {  	v17 =	vpop (erf);
	[tilespmem:v31+s26+$0x0] =	vst.idx.msk $0xffff, v1;
	v31 =	vld [tilespmem:$0x1FF50]  }
0x1fe: {  	[tilespmem:v49+s26+$0x0] =	vst.idx.msk $0xffff, v32;
	v49 =	vld [tilespmem:$0x1FF60];
	v2 =	vadd.f32 v17, v2  }
0x1ff: {  	v18 =	vpop (erf);
	v3 =	vmul.f32 v21, v27;
	v27 =	vmul.f32 v5, v55;
	v55 =	vld [tilespmem:$0x1FF70]  }
0x200: {  	v22 =	vmul.f32 v5, v57;
	v57 =	vld [tilespmem:$0x1FF80];
	v21 =	vmul.f32 v5, v58;
	v2 =	vadd.f32 v18, v2  }
0x201: {  	[tilespmem:v60+s26+$0x0] =	vst.idx.msk $0xffff, v3;
	v60 =	vld [tilespmem:$0x1FF90]  }
0x202: {  	(erf) = vrcp.f32 v2;
	[tilespmem:v23+s26+$0x0] =	vst.idx.msk $0xffff, v21;
	v21 =	vld [tilespmem:$0x1FFA0]  }
0x203: {  	v24 =	vmul.f32 v5, v56;
	v23 =	vld [tilespmem:$0x1FFB0]  }
0x204: {  	[tilespmem:v25+s26+$0x0] =	vst.idx.msk $0xffff, v22;
	v25 =	vld [tilespmem:$0x1FFC0]  }
0x205: {  	v32 =	vmul.f32 v5, v53;
	[tilespmem:v31+s26+$0x0] =	vst.idx.msk $0xffff, v24;
	v31 =	vld [tilespmem:$0x1FFD0]  }
0x206: {  	v53 =	vmul.f32 v5, v52;
	[tilespmem:v49+s26+$0x0] =	vst.idx.msk $0xffff, v27  }
0x207: {  	v56 =	vmul.f32 v5, v51;
	[tilespmem:v55+s26+$0x0] =	vst.idx.msk $0xffff, v32;
	v32 =	vmul.f32 v5, v41;
	v41 =	vld [tilespmem:$0x1FFE0]  }
0x208: {  	v58 =	vmul.f32 v5, v50;
	[tilespmem:v57+s26+$0x0] =	vst.idx.msk $0xffff, v53  }
0x209: {  	v19 =	vmul.f32 v5, v47;
	v24 =	vmul.f32 v5, v44;
	v44 =	vld [tilespmem:$0x1FFF0];
	[tilespmem:v60+s26+$0x0] =	vst.idx.msk $0xffff, v56  }
0x20a: {  	v22 =	vmul.f32 v5, v45;
	[tilespmem:v21+s26+$0x0] =	vst.idx.msk $0xffff, v58  }
0x20b: {  	v47 =	vpop (erf);
	[tilespmem:v23+s26+$0x0] =	vst.idx.msk $0xffff, v19  }
0x20c: {  	v49 =	vmul.f32 v47, v7;
	[tilespmem:v25+s26+$0x0] =	vst.idx.msk $0xffff, v22  }
0x20d: {  	v27 =	vmul.f32 v5, v43;
	[tilespmem:v31+s26+$0x0] =	vst.idx.msk $0xffff, v24  }
0x20e: {  	v0 =	vmul.f32 v47, v0;
	[tilespmem:v26+s26+$0x0] =	vst.idx.msk $0xffff, v49  }
0x20f: {  	[tilespmem:v41+s26+$0x0] =	vst.idx.msk $0xffff, v27  }
0x210: {  	v50 =	vmul.f32 v47, v20;
	[tilespmem:v61+s26+$0x0] =	vst.idx.msk $0xffff, v0  }
0x211: {  	v43 =	vmul.f32 v5, v40;
	[tilespmem:v44+s26+$0x0] =	vst.idx.msk $0xffff, v32  }
0x212: {  	v51 =	vmul.f32 v47, v13;
	[tilespmem:v59+s26+$0x0] =	vst.idx.msk $0xffff, v50  }
0x213: {  	v45 =	vmul.f32 v5, v39;
	[tilespmem:v63+s26+$0x0] =	vst.idx.msk $0xffff, v43  }
0x214: {  	v52 =	vmul.f32 v47, v14;
	[tilespmem:v54+s26+$0x0] =	vst.idx.msk $0xffff, v51  }
0x215: {  	v53 =	vmul.f32 v47, v10;
	[tilespmem:v62+s26+$0x0] =	vst.idx.msk $0xffff, v45  }
0x216: {  	v54 =	vmul.f32 v47, v16;
	[tilespmem:v48+s26+$0x0] =	vst.idx.msk $0xffff, v52  }
0x217: {  	v55 =	vmul.f32 v47, v9;
	[tilespmem:v46+s26+$0x0] =	vst.idx.msk $0xffff, v53  }
0x218: {  	v56 =	vmul.f32 v47, v6;
	[tilespmem:v42+s26+$0x0] =	vst.idx.msk $0xffff, v54  }
0x219: {  	v57 =	vmul.f32 v47, v4;
	[tilespmem:v38+s26+$0x0] =	vst.idx.msk $0xffff, v55  }
0x21a: {  	v58 =	vmul.f32 v47, v11;
	[tilespmem:v37+s26+$0x0] =	vst.idx.msk $0xffff, v56  }
0x21b: {  	s16 =	sadd.s32 $0x4, s16;
	v59 =	vmul.f32 v47, v8;
	[tilespmem:v36+s26+$0x0] =	vst.idx.msk $0xffff, v57  }
0x21c: {  	p3 =	slt.u32 s16, $0x1C;
	v60 =	vmul.f32 v47, v12;
	[tilespmem:v35+s26+$0x0] =	vst.idx.msk $0xffff, v58  }
.Ltmp5:
0x21d: {  	v61 =	vmul.f32 v47, v15;
	[tilespmem:v34+s26+$0x0] =	vst.idx.msk $0xffff, v59;
	(pc) =	sbr.rel @p3 .LBB2_3-.Ltmp5, $4  }
0x21e: {  	v62 =	vmul.f32 v47, v17;
	[tilespmem:v33+s26+$0x0] =	vst.idx.msk $0xffff, v60  }
0x21f: {  	v63 =	vmul.f32 v47, v18;
	[tilespmem:v30+s26+$0x0] =	vst.idx.msk $0xffff, v61  }
0x220: {  	[tilespmem:v29+s26+$0x0] =	vst.idx.msk $0xffff, v62  }
0x221: {  	s8 =	sadd.s32 $0x40, s8;
	v36 =	vlaneseq.u32;
	[tilespmem:v28+s26+$0x0] =	vst.idx.msk $0xffff, v63  }
.Ltmp6:
0x222: {  	(pc) =	sbr.rel @p2 .LBB2_8-.Ltmp6, $4  }
0x223: {  	_ = 	snop  }
0x224: {  	s8 =	sshll.u32 s15, $0x9  }
0x225: {  	s8 =	sadd.s32 s3, s8  }
0x226: {  	[hbm4b:s8+s18] =	stream.strided.scatter [tilespmem:s26], [sflag:$0x5], $0x2000, s19, s18, $0x38;
	[tilespmem:$0x1C900] =	vst v63  }
0x227: {  	p2 =	sgt.u32 s11, $0x780  }
0x228: {  	s8 =	sadd.s32 @!p2 $0x40, s15  }
0x229: {  	s12 =	simm.s32 @!p2 $0x1000;
	s15 =	simm.s32 @!p2 $0x7A1400;
	s9 =	sshll.u32 @!p2 s8, $0x9  }
0x22a: {  	s16 =	simm.s32 @!p2 $0x13900;
	s8 =	sshll.u32 @!p2 s8, $0x8;
	s9 =	sadd.s32 @!p2 s2, s9  }
0x22b: {  	[tilespmem:s16], [sflag:$0x1] =	stream.strided.gather @!p2 [hbm4b:s9+s12], $0x2000, s15, s12, $0x38;
	[tilespmem:$0x1C900] =	vst v63  }
0x22c: {  	s8 =	sadd.s32 @!p2 s1, s8;
	s9 =	simm.s32 @!p2 $0x0;
	s12 =	simm.s32 @!p2 $0x17900  }
0x22d: {  	[tilespmem:s12], [sflag:$0x3] =	stream.linear.gather @!p2 [hbm4b:s8+s9], $0x800, $0x38;
	[tilespmem:$0x1C900] =	vst v63  }
0x22e: {  	_ =	swait.ge [sflag:s28], $0x2000  }
0x22f: {  	[sflag:s28] =	ssyncset.done $0x0  }
0x230: {  	[sflag:s28] =	ssyncadd.s32 $0xFFFFE000  }
0x231: {  	_ =	swait.ge [sflag:s29], $0x800  }
0x232: {  	[sflag:s29] =	ssyncset.done $0x0  }
0x233: {  	s8 =	simm.s32 @!p1 $0x6;
	[sflag:s29] =	ssyncadd.s32 $0xFFFFF800  }
0x234: {  	_ =	swait.ge @!p1 [sflag:s8], $0x2000  }
0x235: {  	[sflag:s8] =	ssyncset.done @!p1 $0x0  }
0x236: {  	s15 =	simm.s32 $0xFFFFFFFC;
	[sflag:s8] =	ssyncadd.s32 @!p1 $0xFFFFE000;
	s8 =	simm.s32 $0x30  }
.LBB2_6:
0x237: {  	s9 =	sadd.s32 $0xFFFFFFD0, s8  }
0x238: {  	v0 =	vmov s9  }
0x239: {  	v1 =	vor.u32 s9, v36;
	v0 =	vshrl.u32 v0, $0x7  }
0x23a: {  	v1 =	vand.u32 $0x4F, v1;
	v2 =	vshll.u32 v0, $0xA  }
0x23b: {  	v32 =	vor.u32 v1, v2;
	_ =	sdelay $0x1  }
0x23c: {  	v0 =	vshll.u32 v0, $0x9;
	v2 =	vor.u32 $0x80, v32  }
0x23d: {  	v0 =	vor.u32 v1, v0  }
0x23e: {  	v34 =	vor.u32 $0x100, v32  }
0x23f: {  	v33 =	vor.u32 $0x180, v32;
	v3 =	vld.idx.msk [tilespmem:v32+s31+$0x0], $0xffff  }
0x240: {  	v25 =	vor.u32 $0x80, v0  }
0x241: {  	v5 =	vor.u32 $0x100, v0;
	v4 =	vld.idx.msk [tilespmem:v2+s31+$0x0], $0xffff  }
0x242: {  	v6 =	vor.u32 $0x200, v32;
	v1 =	vld.idx.msk [tilespmem:v0+s30+$0x0], $0xffff  }
0x243: {  	v46 =	vor.u32 $0x280, v32;
	v8 =	vld.idx.msk [tilespmem:v34+s31+$0x0], $0xffff  }
0x244: {  	v54 =	vor.u32 $0x380, v32;
	v11 =	vld.idx.msk [tilespmem:v33+s31+$0x0], $0xffff;
	v7 =	vmul.u32 $0x3, v3  }
0x245: {  	[tilespmem:$0x1F710] =	vst v2;
	v2 =	vld.idx.msk [tilespmem:v25+s30+$0x0], $0xffff  }
0x246: {  	v0 =	vld.idx.msk [tilespmem:v5+s30+$0x0], $0xffff;
	v10 =	vmul.u32 $0x3, v4;
	v9 =	vadd.s32 $0x1, v7  }
0x247: {  	v44 =	vld.idx.msk [tilespmem:v6+s31+$0x0], $0xffff  }
0x248: {  	v50 =	vld.idx.msk [tilespmem:v46+s31+$0x0], $0xffff;
	v14 =	vmul.u32 $0x3, v8;
	v26 =	vadd.s32 $0x2, v7  }
0x249: {  	v57 =	vld.idx.msk [tilespmem:v54+s31+$0x0], $0xffff;
	v16 =	vmul.u32 $0x3, v11  }
0x24a: {  	v7 =	vld.idx.msk [tilespmem:v7+s4+$0x0], $0xffff  }
0x24b: {  	v12 =	vadd.s32 $0x1, v10;
	v9 =	vld.idx.msk [tilespmem:v9+s4+$0x0], $0xffff  }
0x24c: {  	v13 =	vadd.s32 $0x2, v10;
	v10 =	vld.idx.msk [tilespmem:v10+s4+$0x0], $0xffff  }
0x24d: {  	v17 =	vadd.s32 $0x1, v16;
	v5 =	vld.idx.msk [tilespmem:v26+s4+$0x0], $0xffff  }
0x24e: {  	v15 =	vadd.s32 $0x1, v14;
	v18 =	vadd.s32 $0x2, v14;
	v14 =	vld.idx.msk [tilespmem:v14+s4+$0x0], $0xffff  }
0x24f: {  	v19 =	vadd.s32 $0x2, v16;
	v16 =	vld.idx.msk [tilespmem:v16+s4+$0x0], $0xffff  }
0x250: {  	v52 =	vor.u32 $0x300, v32;
	v12 =	vld.idx.msk [tilespmem:v12+s4+$0x0], $0xffff  }
0x251: {  	v59 =	vor.u32 $0x1000, v32;
	v20 =	vor.u32 $0x1100, v32;
	v25 =	vor.u32 $0x1080, v32;
	v13 =	vld.idx.msk [tilespmem:v13+s4+$0x0], $0xffff  }
0x252: {  	v45 =	vmul.u32 $0x3, v44;
	v53 =	vmul.u32 $0x3, v50;
	v17 =	vld.idx.msk [tilespmem:v17+s4+$0x0], $0xffff;
	v7 =	vsub.f32 v7, v1  }
0x253: {  	v24 =	vmul.u32 $0x3, v57;
	v15 =	vld.idx.msk [tilespmem:v15+s4+$0x0], $0xffff;
	v9 =	vsub.f32 v9, v2;
	v10 =	vsub.f32 v10, v1  }
0x254: {  	v51 =	vadd.s32 $0x1, v45;
	v18 =	vld.idx.msk [tilespmem:v18+s4+$0x0], $0xffff;
	v5 =	vsub.f32 v5, v0;
	v28 =	vsub.f32 v14, v1  }
0x255: {  	[tilespmem:$0x1F850] =	vst v20;
	v55 =	vadd.s32 $0x1, v53;
	v27 =	vld.idx.msk [tilespmem:v19+s4+$0x0], $0xffff;
	v30 =	vsub.f32 v16, v1;
	v12 =	vsub.f32 v12, v2  }
0x256: {  	v20 =	vld.idx.msk [tilespmem:v20+s31+$0x0], $0xffff;
	v7 =	vmul.f32 v7, v7;
	v13 =	vsub.f32 v13, v0;
	v9 =	vmul.f32 v9, v9  }
0x257: {  	v3 =	vld.idx.msk [tilespmem:v3+s17+$0x0], $0xffff;
	v31 =	vsub.f32 v17, v2;
	v10 =	vmul.f32 v10, v10;
	v5 =	vmul.f32 v5, v5  }
0x258: {  	v29 =	vsub.f32 v15, v2;
	v17 =	vld.idx.msk [tilespmem:v59+s31+$0x0], $0xffff;
	v15 =	vmul.f32 v30, v30;
	v12 =	vmul.f32 v12, v12  }
0x259: {  	v4 =	vld.idx.msk [tilespmem:v4+s17+$0x0], $0xffff;
	v35 =	vsub.f32 v18, v0;
	v13 =	vmul.f32 v13, v13;
	v16 =	vmul.f32 v31, v31  }
0x25a: {  	v8 =	vld.idx.msk [tilespmem:v8+s17+$0x0], $0xffff;
	v14 =	vmul.f32 v29, v29;
	v7 =	vadd.f32 v9, v7;
	v9 =	vsub.f32 v27, v0  }
0x25b: {  	v11 =	vld.idx.msk [tilespmem:v11+s17+$0x0], $0xffff;
	v10 =	vadd.f32 v12, v10;
	v12 =	vmul.f32 v28, v28;
	v39 =	vadd.f32 v16, v15  }
0x25c: {  	v56 =	vld.idx.msk [tilespmem:v53+s4+$0x0], $0xffff;
	v28 =	vadd.s32 $0x2, v24;
	v5 =	vadd.f32 v5, v7;
	v9 =	vmul.f32 v9, v9  }
0x25d: {  	v49 =	vld.idx.msk [tilespmem:v45+s4+$0x0], $0xffff;
	v38 =	vmul.f32 v35, v35;
	v30 =	vmul.u32 $0x3, v17;
	v10 =	vadd.f32 v13, v10  }
0x25e: {  	v29 =	vld.idx.msk [tilespmem:v25+s31+$0x0], $0xffff;
	v37 =	vadd.f32 v14, v12;
	v3 =	vmul.f32 v5, v3;
	v41 =	vadd.f32 v9, v39  }
0x25f: {  	v27 =	vadd.s32 $0x1, v24;
	v9 =	vadd.s32 $0x2, v53;
	v4 =	vmul.f32 v10, v4;
	v10 =	vld.idx.msk [tilespmem:v55+s4+$0x0], $0xffff  }
0x260: {  	v40 =	vadd.f32 v38, v37;
	v3 =	vmul.f32 $1.442695020e+00, v3;
	v7 =	vmul.f32 v41, v11;
	v11 =	vld.idx.msk [tilespmem:v52+s31+$0x0], $0xffff  }
0x261: {  	v12 =	vsub.f32 v56, v1;
	v39 =	vadd.s32 $0x1, v30;
	v38 =	vld.idx.msk [tilespmem:v28+s4+$0x0], $0xffff;
	v4 =	vmul.f32 $1.442695020e+00, v4  }
0x262: {  	v5 =	vmul.f32 v40, v8;
	v8 =	vld.idx.msk [tilespmem:v51+s4+$0x0], $0xffff;
	v51 =	vmul.u32 $0x3, v20;
	(erf) = vpow2.f32 v3  }
0x263: {  	v43 =	vmul.f32 $1.442695020e+00, v7;
	v7 =	vld.idx.msk [tilespmem:v24+s4+$0x0], $0xffff;
	(erf) = vpow2.f32 v4;
	v4 =	vadd.s32 $0x2, v45  }
0x264: {  	v12 =	vmul.f32 v12, v12;
	v40 =	vor.u32 $0x1180, v32;
	v19 =	vld.idx.msk [tilespmem:v30+s4+$0x0], $0xffff;
	v42 =	vmul.f32 $1.442695020e+00, v5  }
0x265: {  	v28 =	vor.u32 $0x1300, v32;
	v5 =	vsub.f32 v49, v1;
	v9 =	vld.idx.msk [tilespmem:v9+s4+$0x0], $0xffff;
	v55 =	vadd.s32 $0x1, v51  }
0x266: {  	v63 =	vld.idx.msk [tilespmem:v50+s17+$0x0], $0xffff;
	v10 =	vsub.f32 v10, v2;
	(erf) = vpow2.f32 v42;
	v58 =	vmul.u32 $0x3, v11  }
0x267: {  	v41 =	vld.idx.msk [tilespmem:v57+s17+$0x0], $0xffff;
	v56 =	vadd.s32 $0x2, v51;
	v5 =	vmul.f32 v5, v5;
	(erf) = vpow2.f32 v43  }
0x268: {  	v8 =	vsub.f32 v8, v2;
	v10 =	vmul.f32 v10, v10;
	v60 =	vadd.s32 $0x1, v58;
	v4 =	vld.idx.msk [tilespmem:v4+s4+$0x0], $0xffff  }
0x269: {  	v43 =	vmul.u32 $0x3, v29;
	v22 =	vld.idx.msk [tilespmem:v40+s31+$0x0], $0xffff;
	v62 =	vadd.s32 $0x2, v58;
	v7 =	vsub.f32 v7, v1  }
0x26a: {  	[tilespmem:$0x1F7C0] =	vst v54;
	v3 =	vld.idx.msk [tilespmem:v44+s17+$0x0], $0xffff;
	v42 =	vadd.s32 $0x2, v30;
	v54 =	vsub.f32 v19, v1;
	v9 =	vsub.f32 v9, v0  }
0x26b: {  	s12 =	sadd.s32 $0xFFFFFFE0, s8;
	v13 =	vld.idx.msk [tilespmem:v51+s4+$0x0], $0xffff;
	v8 =	vmul.f32 v8, v8;
	v10 =	vadd.f32 v10, v12;
	v44 =	vadd.s32 $0x1, v43  }
0x26c: {  	[tilespmem:$0x1F770] =	vst v46;
	v46 =	vadd.s32 $0x2, v43;
	v18 =	vld.idx.msk [tilespmem:v56+s4+$0x0], $0xffff;
	v56 =	vmov s12;
	v9 =	vmul.f32 v9, v9  }
0x26d: {  	v7 =	vmul.f32 v7, v7;
	v5 =	vadd.f32 v8, v5;
	v35 =	vpop (erf);
	v8 =	vld.idx.msk [tilespmem:v60+s4+$0x0], $0xffff;
	v4 =	vsub.f32 v4, v0  }
0x26e: {  	v57 =	vmul.u32 $0x3, v22;
	v61 =	vadd.f32 $9.999999930e-09, v35;
	v16 =	vld.idx.msk [tilespmem:v62+s4+$0x0], $0xffff;
	v9 =	vadd.f32 v9, v10  }
0x26f: {  	v47 =	vpop (erf);
	v10 =	vsub.f32 v38, v0;
	v50 =	vld.idx.msk [tilespmem:v43+s4+$0x0], $0xffff;
	v60 =	vor.u32 $0x1280, v32;
	v4 =	vmul.f32 v4, v4  }
0x270: {  	[tilespmem:$0x1F7A0] =	vst v52;
	v26 =	vld.idx.msk [tilespmem:v58+s4+$0x0], $0xffff;
	v13 =	vsub.f32 v13, v1;
	v38 =	vor.u32 $0x1380, v32;
	v15 =	vadd.f32 v47, v61  }
0x271: {  	[tilespmem:$0x1F7E0] =	vst v59;
	v59 =	vadd.s32 $0x1, v57;
	v48 =	vpop (erf);
	v49 =	vmul.f32 v10, v10;
	v4 =	vadd.f32 v4, v5  }
0x272: {  	v31 =	vld.idx.msk [tilespmem:v27+s4+$0x0], $0xffff;
	v13 =	vmul.f32 v13, v13;
	[tilespmem:$0x1F720] =	vst v48;
	v15 =	vadd.f32 v48, v15;
	v48 =	vor.u32 $0x1200, v32  }
0x273: {  	v52 =	vld.idx.msk [tilespmem:v44+s4+$0x0], $0xffff;
	v21 =	vpop (erf);
	v8 =	vsub.f32 v8, v2;
	v16 =	vsub.f32 v16, v0;
	v3 =	vmul.f32 v4, v3  }
0x274: {  	v5 =	vmul.f32 v9, v63;
	v10 =	vsub.f32 v50, v1;
	v37 =	vadd.f32 v21, v15;
	v15 =	vld.idx.msk [tilespmem:v39+s4+$0x0], $0xffff  }
0x275: {  	[tilespmem:$0x1F700] =	vst v47;
	v47 =	vld.idx.msk [tilespmem:v42+s4+$0x0], $0xffff;
	v4 =	vsub.f32 v26, v1;
	v8 =	vmul.f32 v8, v8;
	v3 =	vmul.f32 $1.442695020e+00, v3  }
0x276: {  	v39 =	vsub.f32 v18, v0;
	v45 =	vmul.f32 v16, v16;
	v5 =	vmul.f32 $1.442695020e+00, v5;
	v16 =	vld.idx.msk [tilespmem:v46+s4+$0x0], $0xffff  }
0x277: {  	v4 =	vmul.f32 v4, v4;
	(erf) = vpow2.f32 v3;
	v3 =	vsub.f32 v31, v2  }
0x278: {  	v62 =	vadd.s32 $0x2, v57;
	v10 =	vmul.f32 v10, v10;
	v42 =	vmul.f32 v39, v39;
	v58 =	vld.idx.msk [tilespmem:v48+s31+$0x0], $0xffff  }
0x279: {  	v11 =	vld.idx.msk [tilespmem:v11+s17+$0x0], $0xffff;
	v4 =	vadd.f32 v8, v4;
	v15 =	vsub.f32 v15, v2;
	v3 =	vmul.f32 v3, v3  }
0x27a: {  	v8 =	vsub.f32 v47, v0;
	(erf) = vpow2.f32 v5;
	v5 =	vsub.f32 v52, v2  }
0x27b: {  	v53 =	vld.idx.msk [tilespmem:v17+s17+$0x0], $0xffff;
	v16 =	vsub.f32 v16, v0;
	v15 =	vmul.f32 v15, v15;
	v3 =	vadd.f32 v3, v7  }
0x27c: {  	v61 =	vld.idx.msk [tilespmem:v55+s4+$0x0], $0xffff;
	v4 =	vadd.f32 v45, v4;
	v8 =	vmul.f32 v8, v8;
	v5 =	vmul.f32 v5, v5  }
0x27d: {  	v12 =	vld.idx.msk [tilespmem:v29+s17+$0x0], $0xffff;
	v24 =	vmul.u32 $0x3, v58;
	v26 =	vmul.f32 v16, v16;
	v3 =	vadd.f32 v49, v3  }
0x27e: {  	v63 =	vld.idx.msk [tilespmem:v57+s4+$0x0], $0xffff;
	v57 =	vor.u32 s12, v36;
	v4 =	vmul.f32 v4, v11;
	v11 =	vmul.f32 v54, v54  }
0x27f: {  	v27 =	vld.idx.msk [tilespmem:v59+s4+$0x0], $0xffff;
	v5 =	vadd.f32 v5, v10;
	v30 =	vadd.s32 $0x1, v24;
	v3 =	vmul.f32 v3, v41  }
0x280: {  	v29 =	vld.idx.msk [tilespmem:v62+s4+$0x0], $0xffff;
	v31 =	vadd.s32 $0x2, v24;
	v4 =	vmul.f32 $1.442695020e+00, v4;
	v11 =	vadd.f32 v15, v11;
	v23 =	vpop (erf)  }
0x281: {  	v15 =	vsub.f32 v61, v2;
	v14 =	vadd.f32 v23, v37;
	v3 =	vmul.f32 $1.442695020e+00, v3;
	v37 =	vld.idx.msk [tilespmem:v20+s17+$0x0], $0xffff  }
0x282: {  	v5 =	vadd.f32 v26, v5;
	(erf) = vpow2.f32 v4;
	v8 =	vadd.f32 v8, v11;
	v20 =	vld.idx.msk [tilespmem:v28+s31+$0x0], $0xffff  }
0x283: {  	v15 =	vmul.f32 v15, v15;
	v4 =	vsub.f32 v63, v1;
	(erf) = vpow2.f32 v3;
	v3 =	vld.idx.msk [tilespmem:v60+s31+$0x0], $0xffff  }
0x284: {  	[tilespmem:$0x1F870] =	vst v40;
	v11 =	vsub.f32 v27, v2;
	v5 =	vmul.f32 v5, v12;
	v40 =	vld.idx.msk [tilespmem:v24+s4+$0x0], $0xffff;
	v24 =	vshrl.u32 v56, $0x7  }
0x285: {  	v7 =	vmul.f32 v8, v53;
	v13 =	vadd.f32 v15, v13;
	v8 =	vsub.f32 v29, v0;
	v10 =	vld.idx.msk [tilespmem:v30+s4+$0x0], $0xffff  }
0x286: {  	[tilespmem:$0x1F740] =	vst v23;
	v4 =	vmul.f32 v4, v4;
	v11 =	vmul.f32 v11, v11;
	v16 =	vld.idx.msk [tilespmem:v31+s4+$0x0], $0xffff;
	v23 =	vand.u32 $0x5F, v57  }
0x287: {  	v7 =	vmul.f32 $1.442695020e+00, v7;
	v44 =	vadd.f32 v42, v13;
	v47 =	vmul.u32 $0x3, v20  }
0x288: {  	v13 =	vld.idx.msk [tilespmem:v38+s31+$0x0], $0xffff;
	v4 =	vadd.f32 v11, v4;
	v8 =	vmul.f32 v8, v8;
	v41 =	vmul.u32 $0x3, v3  }
0x289: {  	v5 =	vmul.f32 $1.442695020e+00, v5;
	(erf) = vpow2.f32 v7;
	v46 =	vsub.f32 v40, v1  }
0x28a: {  	[tilespmem:$0x1F880] =	vst v48;
	v53 =	vld.idx.msk [tilespmem:v22+s17+$0x0], $0xffff;
	v4 =	vadd.f32 v8, v4;
	v48 =	vsub.f32 v10, v2;
	v45 =	vadd.s32 $0x2, v41  }
0x28b: {  	(erf) = vpow2.f32 v5;
	v50 =	vsub.f32 v16, v0;
	v43 =	vadd.s32 $0x1, v41  }
0x28c: {  	[tilespmem:$0x1F830] =	vst v25;
	v9 =	vld.idx.msk [tilespmem:v58+s17+$0x0], $0xffff;
	v5 =	vmul.f32 v46, v46;
	v52 =	vadd.s32 $0x1, v47;
	v8 =	vmul.f32 v48, v48  }
0x28d: {  	[tilespmem:$0x1F730] =	vst v21;
	v21 =	vshll.u32 v24, $0xA;
	v54 =	vadd.s32 $0x2, v47;
	v55 =	vmul.u32 $0x3, v13;
	v59 =	vld.idx.msk [tilespmem:v47+s4+$0x0], $0xffff  }
0x28e: {  	v25 =	vpop (erf);
	v7 =	vmul.f32 v44, v37;
	v58 =	vmul.f32 v50, v50;
	v5 =	vadd.f32 v8, v5;
	v49 =	vld.idx.msk [tilespmem:v41+s4+$0x0], $0xffff  }
0x28f: {  	[tilespmem:$0x1F760] =	vst v25;
	v14 =	vadd.f32 v25, v14;
	v4 =	vmul.f32 v4, v53;
	v25 =	vadd.s32 $0x1, v55;
	v11 =	vld.idx.msk [tilespmem:v45+s4+$0x0], $0xffff  }
0x290: {  	v7 =	vmul.f32 $1.442695020e+00, v7;
	v62 =	vadd.s32 $0x2, v55;
	v5 =	vadd.f32 v58, v5;
	v51 =	vld.idx.msk [tilespmem:v43+s4+$0x0], $0xffff  }
0x291: {  	v31 =	vor.u32 v23, v21;
	v4 =	vmul.f32 $1.442695020e+00, v4;
	v61 =	vld.idx.msk [tilespmem:v52+s4+$0x0], $0xffff  }
0x292: {  	v21 =	vpop (erf);
	(erf) = vpow2.f32 v7;
	v63 =	vld.idx.msk [tilespmem:v54+s4+$0x0], $0xffff;
	v5 =	vmul.f32 v5, v9  }
0x293: {  	v40 =	vshll.u32 v24, $0x9;
	v14 =	vadd.f32 v21, v14;
	(erf) = vpow2.f32 v4;
	v26 =	vld.idx.msk [tilespmem:v55+s4+$0x0], $0xffff  }
0x294: {  	[tilespmem:$0x1F890] =	vst v60;
	v27 =	vld.idx.msk [tilespmem:v25+s4+$0x0], $0xffff;
	v30 =	vmul.f32 $1.442695020e+00, v5;
	v37 =	vsub.f32 v59, v1;
	v11 =	vsub.f32 v11, v0  }
0x295: {  	[tilespmem:$0x1F8B0] =	vst v38;
	v38 =	vld.idx.msk [tilespmem:v62+s4+$0x0], $0xffff;
	v43 =	vor.u32 $0x80, v31;
	v10 =	vsub.f32 v49, v1;
	v60 =	vsub.f32 v51, v2  }
0x296: {  	v39 =	vsub.f32 v61, v2;
	(erf) = vpow2.f32 v30;
	v29 =	vmul.f32 v11, v11;
	v11 =	vld.idx.msk [tilespmem:v31+s31+$0x0], $0xffff  }
0x297: {  	v8 =	vsub.f32 v63, v0;
	v10 =	vmul.f32 v10, v10;
	v15 =	vmul.f32 v60, v60  }
0x298: {  	[tilespmem:$0x1F8A0] =	vst v28;
	v5 =	vmul.f32 v37, v37;
	v1 =	vsub.f32 v26, v1;
	v51 =	vor.u32 $0x100, v31  }
0x299: {  	v3 =	vld.idx.msk [tilespmem:v3+s17+$0x0], $0xffff;
	v2 =	vsub.f32 v27, v2;
	v28 =	vadd.f32 v15, v10;
	v15 =	vor.u32 v23, v40  }
0x29a: {  	v45 =	vsub.f32 v38, v0;
	v1 =	vmul.f32 v1, v1;
	v10 =	vmul.f32 v39, v39  }
0x29b: {  	v44 =	vld.idx.msk [tilespmem:v20+s17+$0x0], $0xffff;
	v2 =	vmul.f32 v2, v2;
	v41 =	vor.u32 $0x80, v15;
	v42 =	vmul.u32 $0x3, v11  }
0x29c: {  	v46 =	vld.idx.msk [tilespmem:v13+s17+$0x0], $0xffff;
	v8 =	vmul.f32 v8, v8;
	v7 =	vadd.f32 v29, v28;
	v5 =	vadd.f32 v10, v5  }
0x29d: {  	v50 =	vmul.f32 v45, v45;
	v2 =	vadd.f32 v2, v1;
	v63 =	vld.idx.msk [tilespmem:v51+s31+$0x0], $0xffff;
	v47 =	vadd.s32 $0x1, v42  }
0x29e: {  	v49 =	vpop (erf);
	v48 =	vor.u32 $0x100, v15;
	v3 =	vmul.f32 v7, v3;
	v5 =	vadd.f32 v8, v5;
	v0 =	vld.idx.msk [tilespmem:v15+s30+$0x0], $0xffff  }
0x29f: {  	v52 =	vadd.f32 v49, v14;
	v2 =	vadd.f32 v50, v2;
	v53 =	vadd.s32 $0x2, v42;
	v15 =	vld.idx.msk [tilespmem:v43+s31+$0x0], $0xffff  }
0x2a0: {  	v59 =	vor.u32 $0x180, v31;
	v54 =	vpop (erf);
	v1 =	vld.idx.msk [tilespmem:v41+s30+$0x0], $0xffff;
	v3 =	vmul.f32 $1.442695020e+00, v3;
	v55 =	vmul.f32 v5, v44  }
0x2a1: {  	[tilespmem:$0x1F750] =	vst v6;
	v57 =	vadd.f32 v54, v52;
	v61 =	vmul.f32 v2, v46;
	v56 =	vld.idx.msk [tilespmem:v42+s4+$0x0], $0xffff  }
0x2a2: {  	[tilespmem:$0x1F780] =	vst v21;
	v60 =	vpop (erf);
	v28 =	vor.u32 $0x200, v31;
	(erf) = vpow2.f32 v3;
	v4 =	vmul.f32 $1.442695020e+00, v55;
	v58 =	vld.idx.msk [tilespmem:v47+s4+$0x0], $0xffff  }
0x2a3: {  	[tilespmem:$0x1F900] =	vst v43;
	v62 =	vadd.f32 v60, v57;
	v2 =	vld.idx.msk [tilespmem:v48+s30+$0x0], $0xffff;
	v30 =	vmul.u32 $0x3, v63  }
0x2a4: {  	[tilespmem:$0x1F930] =	vst v59;
	v21 =	vpop (erf);
	v22 =	vmul.f32 $1.442695020e+00, v61;
	(erf) = vpow2.f32 v4;
	v23 =	vld.idx.msk [tilespmem:v53+s4+$0x0], $0xffff  }
0x2a5: {  	[tilespmem:$0x1F790] =	vst v49;
	v27 =	vld.idx.msk [tilespmem:v59+s31+$0x0], $0xffff;
	v7 =	vadd.f32 v21, v62;
	v39 =	vadd.s32 $0x1, v30  }
0x2a6: {  	[tilespmem:$0x1F910] =	vst v51;
	v11 =	vld.idx.msk [tilespmem:v11+s17+$0x0], $0xffff;
	v41 =	vadd.s32 $0x2, v30;
	v24 =	vmul.u32 $0x3, v15;
	(erf) = vpow2.f32 v22  }
0x2a7: {  	[tilespmem:$0x1F7B0] =	vst v54;
	v25 =	vpop (erf);
	v43 =	vld.idx.msk [tilespmem:v28+s31+$0x0], $0xffff;
	v47 =	vor.u32 $0x280, v31;
	v5 =	vsub.f32 v56, v0;
	v3 =	vsub.f32 v58, v1  }
0x2a8: {  	[tilespmem:$0x1F7D0] =	vst v60;
	v7 =	vadd.f32 v25, v7;
	v8 =	vld.idx.msk [tilespmem:v63+s17+$0x0], $0xffff;
	v26 =	vadd.s32 $0x1, v24  }
0x2a9: {  	v37 =	vpop (erf);
	v14 =	vld.idx.msk [tilespmem:v30+s4+$0x0], $0xffff;
	v9 =	vsub.f32 v23, v2;
	v5 =	vmul.f32 v5, v5;
	v3 =	vmul.f32 v3, v3  }
0x2aa: {  	[tilespmem:$0x1F7F0] =	vst v21;
	v7 =	vadd.f32 v37, v7;
	v42 =	vmul.u32 $0x3, v27;
	v29 =	vadd.s32 $0x2, v24;
	v10 =	vld.idx.msk [tilespmem:v39+s4+$0x0], $0xffff  }
0x2ab: {  	[tilespmem:$0x1F800] =	vst v25;
	v49 =	vld.idx.msk [tilespmem:v41+s4+$0x0], $0xffff;
	v40 =	vpop (erf);
	v9 =	vmul.f32 v9, v9;
	v3 =	vadd.f32 v3, v5  }
0x2ac: {  	[tilespmem:$0x1F940] =	vst v28;
	v46 =	vadd.s32 $0x1, v42;
	v55 =	vld.idx.msk [tilespmem:v47+s31+$0x0], $0xffff;
	v7 =	vadd.f32 v40, v7  }
0x2ad: {  	[tilespmem:$0x1F810] =	vst v37;
	v21 =	vor.u32 $0x380, v31;
	v38 =	vld.idx.msk [tilespmem:v24+s4+$0x0], $0xffff;
	v44 =	vpop (erf);
	v3 =	vadd.f32 v9, v3  }
0x2ae: {  	[tilespmem:$0x1F9B0] =	vst v21;
	v17 =	vadd.s32 $0x2, v42;
	v51 =	vmul.u32 $0x3, v43;
	v4 =	vld.idx.msk [tilespmem:v26+s4+$0x0], $0xffff;
	v7 =	vadd.f32 v44, v7  }
0x2af: {  	[tilespmem:$0x1F970] =	vst v47;
	v56 =	vor.u32 $0x300, v31;
	v45 =	vld.idx.msk [tilespmem:v29+s4+$0x0], $0xffff;
	v48 =	vpop (erf);
	v3 =	vmul.f32 v3, v11  }
0x2b0: {  	v54 =	vadd.s32 $0x1, v51;
	v50 =	vld.idx.msk [tilespmem:v42+s4+$0x0], $0xffff;
	[tilespmem:$0x1F990] =	vst v56;
	v7 =	vadd.f32 v48, v7  }
0x2b1: {  	v57 =	vadd.s32 $0x2, v51;
	v52 =	vld.idx.msk [tilespmem:v46+s4+$0x0], $0xffff;
	v14 =	vsub.f32 v14, v0;
	[tilespmem:$0x1F820] =	vst v40;
	v3 =	vmul.f32 $1.442695020e+00, v3  }
0x2b2: {  	v15 =	vld.idx.msk [tilespmem:v15+s17+$0x0], $0xffff;
	v10 =	vsub.f32 v10, v1;
	[tilespmem:$0x1F840] =	vst v44;
	v59 =	vmul.u32 $0x3, v55;
	(erf) = vrcp.f32 v7  }
0x2b3: {  	v58 =	vld.idx.msk [tilespmem:v17+s4+$0x0], $0xffff;
	[tilespmem:$0x1F860] =	vst v48;
	v5 =	vsub.f32 v38, v0;
	v4 =	vsub.f32 v4, v1;
	(erf) = vpow2.f32 v3  }
0x2b4: {  	v14 =	vmul.f32 v14, v14;
	v10 =	vmul.f32 v10, v10;
	v53 =	vsub.f32 v45, v2;
	v17 =	vld.idx.msk [tilespmem:v51+s4+$0x0], $0xffff  }
0x2b5: {  	v26 =	vadd.s32 $0x2, v59;
	v5 =	vmul.f32 v5, v5;
	v4 =	vmul.f32 v4, v4;
	v9 =	vld.idx.msk [tilespmem:v54+s4+$0x0], $0xffff  }
0x2b6: {  	v16 =	vsub.f32 v50, v0;
	v25 =	vadd.s32 $0x1, v59;
	v7 =	vsub.f32 v52, v1;
	v62 =	vld.idx.msk [tilespmem:v56+s31+$0x0], $0xffff  }
0x2b7: {  	v11 =	vsub.f32 v49, v2;
	v4 =	vadd.f32 v4, v5;
	v3 =	vmul.f32 v53, v53;
	v24 =	vld.idx.msk [tilespmem:v57+s4+$0x0], $0xffff  }
0x2b8: {  	v63 =	vmul.f32 v16, v16;
	v7 =	vmul.f32 v7, v7;
	v5 =	vsub.f32 v58, v2;
	v12 =	vld.idx.msk [tilespmem:v27+s17+$0x0], $0xffff  }
0x2b9: {  	v60 =	vadd.f32 v10, v14;
	v61 =	vmul.f32 v11, v11;
	v28 =	vld.idx.msk [tilespmem:v43+s17+$0x0], $0xffff;
	v3 =	vadd.f32 v3, v4  }
0x2ba: {  	v46 =	vor.u32 $0x1100, v31;
	v7 =	vadd.f32 v7, v63;
	v5 =	vmul.f32 v5, v5;
	v38 =	vld.idx.msk [tilespmem:v26+s4+$0x0], $0xffff  }
0x2bb: {  	v29 =	vld.idx.msk [tilespmem:v59+s4+$0x0], $0xffff;
	v26 =	vor.u32 $0x1280, v31;
	v4 =	vadd.f32 v61, v60;
	v3 =	vmul.f32 v3, v15  }
0x2bc: {  	v37 =	vor.u32 $0x1080, v31;
	v27 =	vor.u32 $0x1000, v31;
	v20 =	vld.idx.msk [tilespmem:v25+s4+$0x0], $0xffff;
	v5 =	vadd.f32 v5, v7  }
0x2bd: {  	v44 =	vld.idx.msk [tilespmem:v55+s17+$0x0], $0xffff;
	v4 =	vmul.f32 v4, v8;
	v3 =	vmul.f32 $1.442695020e+00, v3;
	v17 =	vsub.f32 v17, v0  }
0x2be: {  	v15 =	vld.idx.msk [tilespmem:v21+s31+$0x0], $0xffff;
	v9 =	vsub.f32 v9, v1;
	v30 =	vmul.u32 $0x3, v62;
	v16 =	vsub.f32 v24, v2  }
0x2bf: {  	v43 =	vmul.f32 $1.442695020e+00, v4;
	v24 =	vld.idx.msk [tilespmem:v46+s31+$0x0], $0xffff;
	v56 =	vsub.f32 v38, v2;
	v38 =	vor.u32 $0x1200, v31  }
0x2c0: {  	[tilespmem:$0x1FA70] =	vst v26;
	v5 =	vmul.f32 v5, v12;
	v26 =	vld.idx.msk [tilespmem:v26+s31+$0x0], $0xffff;
	v17 =	vmul.f32 v17, v17  }
0x2c1: {  	v9 =	vmul.f32 v9, v9;
	v39 =	vadd.s32 $0x1, v30;
	v42 =	vmul.f32 v16, v16;
	v16 =	vld.idx.msk [tilespmem:v27+s31+$0x0], $0xffff  }
0x2c2: {  	v49 =	vsub.f32 v29, v0;
	v50 =	vsub.f32 v20, v1;
	v48 =	vadd.s32 $0x2, v30;
	v11 =	vld.idx.msk [tilespmem:v62+s17+$0x0], $0xffff  }
0x2c3: {  	(erf) = vpow2.f32 v3;
	v40 =	vmul.u32 $0x3, v15;
	v41 =	vadd.f32 v9, v17;
	v9 =	vld.idx.msk [tilespmem:v37+s31+$0x0], $0xffff  }
0x2c4: {  	v5 =	vmul.f32 $1.442695020e+00, v5;
	v14 =	vmul.f32 v49, v49;
	v23 =	vld.idx.msk [tilespmem:v38+s31+$0x0], $0xffff  }
0x2c5: {  	(erf) = vpow2.f32 v43;
	v17 =	vmul.f32 v50, v50;
	v45 =	vadd.s32 $0x1, v40;
	v47 =	vld.idx.msk [tilespmem:v30+s4+$0x0], $0xffff  }
0x2c6: {  	v52 =	vadd.s32 $0x2, v40;
	v7 =	vadd.f32 v42, v41;
	v10 =	vld.idx.msk [tilespmem:v39+s4+$0x0], $0xffff;
	v53 =	vmul.u32 $0x3, v16  }
0x2c7: {  	(erf) = vpow2.f32 v5;
	v5 =	vmul.f32 v56, v56;
	v58 =	vadd.f32 v17, v14;
	v57 =	vld.idx.msk [tilespmem:v48+s4+$0x0], $0xffff  }
0x2c8: {  	v7 =	vmul.f32 v7, v28;
	v28 =	vmul.u32 $0x3, v24;
	v24 =	vld.idx.msk [tilespmem:v24+s17+$0x0], $0xffff;
	v54 =	vadd.s32 $0x1, v53  }
0x2c9: {  	v5 =	vadd.f32 v5, v58;
	v51 =	vld.idx.msk [tilespmem:v40+s4+$0x0], $0xffff;
	v61 =	vadd.s32 $0x2, v53  }
0x2ca: {  	v29 =	vor.u32 $0x1180, v31;
	v43 =	vor.u32 $0x1300, v31;
	v55 =	vmul.u32 $0x3, v9;
	v13 =	vld.idx.msk [tilespmem:v45+s4+$0x0], $0xffff  }
0x2cb: {  	[tilespmem:$0x1F9D0] =	vst v27;
	v27 =	vmul.u32 $0x3, v26;
	v7 =	vmul.f32 $1.442695020e+00, v7;
	v60 =	vld.idx.msk [tilespmem:v52+s4+$0x0], $0xffff;
	v4 =	vmul.f32 v5, v44  }
0x2cc: {  	v42 =	vadd.s32 $0x1, v28;
	v25 =	vadd.s32 $0x2, v28;
	v59 =	vadd.s32 $0x1, v55;
	v62 =	vld.idx.msk [tilespmem:v53+s4+$0x0], $0xffff  }
0x2cd: {  	v3 =	vsub.f32 v47, v0;
	v63 =	vadd.s32 $0x2, v55;
	v10 =	vsub.f32 v10, v1;
	v22 =	vld.idx.msk [tilespmem:v54+s4+$0x0], $0xffff  }
0x2ce: {  	(erf) = vpow2.f32 v7;
	v8 =	vsub.f32 v57, v2;
	v4 =	vmul.f32 $1.442695020e+00, v4;
	v39 =	vld.idx.msk [tilespmem:v61+s4+$0x0], $0xffff  }
0x2cf: {  	v3 =	vmul.f32 v3, v3;
	v18 =	vsub.f32 v51, v0;
	v30 =	vmul.f32 v10, v10;
	v45 =	vld.idx.msk [tilespmem:v28+s4+$0x0], $0xffff  }
0x2d0: {  	[tilespmem:$0x1F9F0] =	vst v37;
	v8 =	vmul.f32 v8, v8;
	(erf) = vpow2.f32 v4;
	v13 =	vsub.f32 v13, v1;
	v37 =	vld.idx.msk [tilespmem:v55+s4+$0x0], $0xffff  }
0x2d1: {  	v14 =	vsub.f32 v60, v2;
	v55 =	vmul.u32 $0x3, v23;
	v56 =	vld.idx.msk [tilespmem:v25+s4+$0x0], $0xffff;
	v3 =	vadd.f32 v30, v3  }
0x2d2: {  	v25 =	vor.u32 $0x1380, v31;
	v18 =	vmul.f32 v18, v18;
	v12 =	vld.idx.msk [tilespmem:v59+s4+$0x0], $0xffff;
	v13 =	vmul.f32 v13, v13  }
0x2d3: {  	v52 =	vld.idx.msk [tilespmem:v15+s17+$0x0], $0xffff;
	v14 =	vmul.f32 v14, v14;
	v19 =	vsub.f32 v62, v0;
	v3 =	vadd.f32 v8, v3  }
0x2d4: {  	v41 =	vld.idx.msk [tilespmem:v63+s4+$0x0], $0xffff;
	v28 =	vadd.s32 $0x1, v55;
	v40 =	vadd.f32 v13, v18;
	v44 =	vsub.f32 v22, v1  }
0x2d5: {  	[tilespmem:$0x1FA30] =	vst v29;
	v18 =	vld.idx.msk [tilespmem:v29+s31+$0x0], $0xffff;
	v5 =	vsub.f32 v39, v2;
	v22 =	vsub.f32 v45, v0;
	v29 =	vadd.s32 $0x1, v27  }
0x2d6: {  	[tilespmem:$0x1FA10] =	vst v46;
	v9 =	vld.idx.msk [tilespmem:v9+s17+$0x0], $0xffff;
	v45 =	vadd.s32 $0x2, v27;
	v10 =	vsub.f32 v37, v0;
	v19 =	vmul.f32 v19, v19  }
0x2d7: {  	v48 =	vld.idx.msk [tilespmem:v42+s4+$0x0], $0xffff;
	v3 =	vmul.f32 v3, v11;
	v62 =	vsub.f32 v56, v2;
	v12 =	vsub.f32 v12, v1  }
0x2d8: {  	v53 =	vld.idx.msk [tilespmem:v16+s17+$0x0], $0xffff;
	v20 =	vmul.f32 v44, v44;
	v7 =	vadd.f32 v14, v40;
	v5 =	vmul.f32 v5, v5  }
0x2d9: {  	v15 =	vld.idx.msk [tilespmem:v25+s31+$0x0], $0xffff;
	v13 =	vsub.f32 v41, v2;
	v59 =	vmul.f32 v22, v22;
	v46 =	vmul.f32 v10, v10  }
0x2da: {  	s16 =	sadd.s32 $0xFFFFFFF0, s8;
	v44 =	vadd.s32 $0x2, v55;
	v3 =	vmul.f32 $1.442695020e+00, v3;
	v21 =	vld.idx.msk [tilespmem:v28+s4+$0x0], $0xffff;
	v8 =	vmul.f32 v62, v62  }
0x2db: {  	v62 =	vld.idx.msk [tilespmem:v26+s17+$0x0], $0xffff;
	v26 =	vmov s16;
	v47 =	vmul.f32 v12, v12;
	v49 =	vadd.f32 v20, v19  }
0x2dc: {  	v19 =	vld.idx.msk [tilespmem:v43+s31+$0x0], $0xffff;
	v12 =	vsub.f32 v48, v1;
	v7 =	vmul.f32 v7, v52;
	v50 =	vmul.u32 $0x3, v18  }
0x2dd: {  	v13 =	vmul.f32 v13, v13;
	v22 =	vld.idx.msk [tilespmem:v29+s4+$0x0], $0xffff;
	v51 =	vadd.f32 v47, v46;
	v5 =	vadd.f32 v5, v49  }
0x2de: {  	v29 =	vld.idx.msk [tilespmem:v55+s4+$0x0], $0xffff;
	v12 =	vmul.f32 v12, v12;
	v7 =	vmul.f32 $1.442695020e+00, v7;
	v54 =	vadd.s32 $0x1, v50  }
0x2df: {  	v41 =	vld.idx.msk [tilespmem:v27+s4+$0x0], $0xffff;
	(erf) = vpow2.f32 v3;
	v57 =	vadd.s32 $0x2, v50;
	v4 =	vadd.f32 v13, v51  }
0x2e0: {  	v52 =	vld.idx.msk [tilespmem:v44+s4+$0x0], $0xffff;
	v5 =	vmul.f32 v5, v53;
	v20 =	vadd.f32 v12, v59;
	(erf) = vpow2.f32 v7  }
0x2e1: {  	v46 =	vsub.f32 v21, v1;
	v48 =	vld.idx.msk [tilespmem:v18+s17+$0x0], $0xffff;
	v18 =	vshrl.u32 v26, $0x7;
	v30 =	vmul.u32 $0x3, v19  }
0x2e2: {  	v4 =	vmul.f32 v4, v9;
	v28 =	vmul.f32 $1.442695020e+00, v5;
	v37 =	vadd.f32 v8, v20;
	v58 =	vld.idx.msk [tilespmem:v50+s4+$0x0], $0xffff  }
0x2e3: {  	v5 =	vsub.f32 v29, v0;
	v51 =	vsub.f32 v22, v1;
	v61 =	vadd.s32 $0x1, v30;
	v60 =	vld.idx.msk [tilespmem:v54+s4+$0x0], $0xffff  }
0x2e4: {  	v29 =	vshll.u32 v18, $0xA;
	v47 =	vadd.s32 $0x2, v30;
	v4 =	vmul.f32 $1.442695020e+00, v4  }
0x2e5: {  	[tilespmem:$0x1FA50] =	vst v38;
	v27 =	vpop (erf);
	v63 =	vld.idx.msk [tilespmem:v57+s4+$0x0], $0xffff;
	(erf) = vpow2.f32 v28;
	v42 =	vmul.f32 v37, v24;
	v54 =	vmul.u32 $0x3, v15  }
0x2e6: {  	v56 =	vpop (erf);
	v55 =	vld.idx.msk [tilespmem:v45+s4+$0x0], $0xffff;
	v50 =	vsub.f32 v41, v0;
	v49 =	vmul.f32 v5, v5;
	v11 =	vmul.f32 v51, v51  }
0x2e7: {  	[tilespmem:$0x1FA90] =	vst v43;
	v57 =	vadd.f32 $9.999999930e-09, v56;
	v13 =	vsub.f32 v52, v2;
	v28 =	vor.u32 s16, v36;
	v43 =	vld.idx.msk [tilespmem:v30+s4+$0x0], $0xffff  }
0x2e8: {  	v53 =	vmul.f32 v50, v50;
	v38 =	vld.idx.msk [tilespmem:v61+s4+$0x0], $0xffff;
	v39 =	vsub.f32 v58, v0;
	v40 =	vsub.f32 v60, v1  }
0x2e9: {  	(erf) = vpow2.f32 v4;
	v4 =	vmul.f32 $1.442695020e+00, v42;
	v12 =	vld.idx.msk [tilespmem:v47+s4+$0x0], $0xffff;
	v58 =	vadd.s32 $0x1, v54  }
0x2ea: {  	v61 =	vld.idx.msk [tilespmem:v23+s17+$0x0], $0xffff;
	v10 =	vsub.f32 v63, v2;
	v3 =	vmul.f32 v39, v39;
	v9 =	vmul.f32 v40, v40  }
0x2eb: {  	v11 =	vadd.f32 v11, v53;
	v23 =	vand.u32 $0x6F, v28;
	v63 =	vadd.s32 $0x2, v54;
	v20 =	vld.idx.msk [tilespmem:v54+s4+$0x0], $0xffff  }
0x2ec: {  	v59 =	vpop (erf);
	v10 =	vmul.f32 v10, v10;
	v7 =	vsub.f32 v43, v0;
	v3 =	vadd.f32 v9, v3  }
0x2ed: {  	v60 =	vadd.f32 v59, v57;
	v9 =	vmul.f32 v46, v46;
	v8 =	vsub.f32 v38, v1  }
0x2ee: {  	v12 =	vsub.f32 v12, v2;
	v7 =	vmul.f32 v7, v7;
	v3 =	vadd.f32 v10, v3  }
0x2ef: {  	v22 =	vld.idx.msk [tilespmem:v58+s4+$0x0], $0xffff;
	v8 =	vmul.f32 v8, v8;
	v9 =	vadd.f32 v9, v49;
	v49 =	vor.u32 v23, v29  }
0x2f0: {  	v13 =	vmul.f32 v13, v13;
	v30 =	vpop (erf);
	v10 =	vsub.f32 v55, v2;
	v0 =	vsub.f32 v20, v0  }
0x2f1: {  	v39 =	vld.idx.msk [tilespmem:v63+s4+$0x0], $0xffff;
	v12 =	vmul.f32 v12, v12;
	v7 =	vadd.f32 v8, v7;
	v8 =	vadd.f32 v30, v60  }
0x2f2: {  	[tilespmem:$0x1FAA0] =	vst v25;
	v40 =	vpop (erf);
	v47 =	vor.u32 $0x80, v49;
	v53 =	vor.u32 $0x100, v49;
	v25 =	vor.u32 $0x180, v49  }
0x2f3: {  	v3 =	vmul.f32 v3, v48;
	v10 =	vmul.f32 v10, v10;
	v42 =	vadd.f32 v40, v8  }
0x2f4: {  	v43 =	vpop (erf);
	v0 =	vmul.f32 v0, v0;
	v48 =	vshll.u32 v18, $0x9;
	v1 =	vsub.f32 v22, v1;
	v45 =	vld.idx.msk [tilespmem:v49+s31+$0x0], $0xffff  }
0x2f5: {  	v19 =	vld.idx.msk [tilespmem:v19+s17+$0x0], $0xffff;
	v50 =	vor.u32 v23, v48;
	v41 =	vadd.f32 v12, v7;
	v7 =	vadd.f32 v43, v42  }
0x2f6: {  	v51 =	vld.idx.msk [tilespmem:v15+s17+$0x0], $0xffff;
	v46 =	vpop (erf);
	v2 =	vsub.f32 v39, v2;
	v55 =	vor.u32 $0x80, v50;
	v1 =	vmul.f32 v1, v1  }
0x2f7: {  	[tilespmem:$0x1F8C0] =	vst v56;
	v37 =	vadd.f32 v13, v9;
	v3 =	vmul.f32 $1.442695020e+00, v3;
	v58 =	vld.idx.msk [tilespmem:v47+s31+$0x0], $0xffff;
	v7 =	vadd.f32 v46, v7  }
0x2f8: {  	v52 =	vpop (erf);
	v38 =	vadd.f32 v10, v11;
	v2 =	vmul.f32 v2, v2;
	v63 =	vld.idx.msk [tilespmem:v53+s31+$0x0], $0xffff;
	v0 =	vadd.f32 v1, v0  }
0x2f9: {  	[tilespmem:$0x1F960] =	vst v52;
	v16 =	vld.idx.msk [tilespmem:v25+s31+$0x0], $0xffff;
	v7 =	vadd.f32 v52, v7;
	v56 =	vmul.u32 $0x3, v45;
	v52 =	vor.u32 $0x300, v49  }
0x2fa: {  	(erf) = vpow2.f32 v4;
	v4 =	vmul.f32 v37, v61;
	v0 =	vadd.f32 v2, v0  }
0x2fb: {  	(erf) = vpow2.f32 v3;
	v44 =	vmul.f32 v38, v62;
	v1 =	vld.idx.msk [tilespmem:v55+s30+$0x0], $0xffff;
	v60 =	vadd.s32 $0x1, v56  }
0x2fc: {  	v61 =	vmul.f32 v0, v51;
	v0 =	vld.idx.msk [tilespmem:v50+s30+$0x0], $0xffff;
	v29 =	vmul.u32 $0x3, v58;
	v24 =	vadd.s32 $0x2, v56  }
0x2fd: {  	v3 =	vmul.f32 v41, v19;
	v4 =	vmul.f32 $1.442695020e+00, v4;
	v39 =	vmul.u32 $0x3, v63;
	v9 =	vld.idx.msk [tilespmem:v45+s17+$0x0], $0xffff  }
0x2fe: {  	v54 =	vpop (erf);
	[tilespmem:$0x1FAD0] =	vst v25;
	v8 =	vmul.f32 $1.442695020e+00, v44;
	v48 =	vmul.u32 $0x3, v16;
	v25 =	vld.idx.msk [tilespmem:v52+s31+$0x0], $0xffff  }
0x2ff: {  	(erf) = vpow2.f32 v4;
	v3 =	vmul.f32 $1.442695020e+00, v3;
	v57 =	vadd.f32 v54, v7;
	v26 =	vld.idx.msk [tilespmem:v56+s4+$0x0], $0xffff  }
0x300: {  	[tilespmem:$0x1F8D0] =	vst v59;
	v59 =	vpop (erf);
	v62 =	vor.u32 $0x100, v50;
	(erf) = vpow2.f32 v8;
	v7 =	vld.idx.msk [tilespmem:v60+s4+$0x0], $0xffff  }
0x301: {  	(erf) = vpow2.f32 v3;
	v38 =	vadd.s32 $0x1, v29;
	v2 =	vadd.f32 v59, v57;
	v3 =	vld.idx.msk [tilespmem:v24+s4+$0x0], $0xffff  }
0x302: {  	[tilespmem:$0x1F920] =	vst v43;
	v23 =	vpop (erf);
	v41 =	vadd.s32 $0x1, v39;
	v43 =	vld.idx.msk [tilespmem:v29+s4+$0x0], $0xffff  }
0x303: {  	v12 =	vadd.s32 $0x2, v29;
	v2 =	vadd.f32 v23, v2;
	v14 =	vld.idx.msk [tilespmem:v39+s4+$0x0], $0xffff  }
0x304: {  	v28 =	vpop (erf);
	v45 =	vadd.s32 $0x2, v39;
	v19 =	vld.idx.msk [tilespmem:v48+s4+$0x0], $0xffff  }
0x305: {  	[tilespmem:$0x1F8E0] =	vst v30;
	v8 =	vmul.f32 $1.442695020e+00, v61;
	v30 =	vadd.f32 v28, v2;
	v2 =	vld.idx.msk [tilespmem:v62+s30+$0x0], $0xffff  }
0x306: {  	[tilespmem:$0x1F8F0] =	vst v40;
	v37 =	vpop (erf);
	v10 =	vld.idx.msk [tilespmem:v38+s4+$0x0], $0xffff  }
0x307: {  	[tilespmem:$0x1F950] =	vst v46;
	(erf) = vpow2.f32 v8;
	v56 =	vor.u32 $0x380, v49;
	v15 =	vld.idx.msk [tilespmem:v41+s4+$0x0], $0xffff;
	v8 =	vadd.f32 v37, v30  }
0x308: {  	[tilespmem:$0x1F980] =	vst v54;
	v42 =	vor.u32 $0x200, v49;
	v51 =	vadd.s32 $0x1, v48;
	v54 =	vadd.s32 $0x2, v48;
	v40 =	vpop (erf);
	v12 =	vld.idx.msk [tilespmem:v12+s4+$0x0], $0xffff  }
0x309: {  	[tilespmem:$0x1FAB0] =	vst v47;
	v18 =	vld.idx.msk [tilespmem:v45+s4+$0x0], $0xffff;
	v38 =	vmul.u32 $0x3, v25;
	v11 =	vsub.f32 v26, v0;
	v8 =	vadd.f32 v40, v8  }
0x30a: {  	[tilespmem:$0x1FAC0] =	vst v53;
	v47 =	vor.u32 $0x280, v49;
	v7 =	vsub.f32 v7, v1;
	v53 =	vsub.f32 v43, v0  }
0x30b: {  	[tilespmem:$0x1F9A0] =	vst v59;
	v14 =	vsub.f32 v14, v0;
	v62 =	vsub.f32 v19, v0;
	v43 =	vadd.s32 $0x1, v38  }
0x30c: {  	v44 =	vpop (erf);
	v19 =	vld.idx.msk [tilespmem:v56+s31+$0x0], $0xffff;
	v11 =	vmul.f32 v11, v11;
	v3 =	vsub.f32 v3, v2;
	v10 =	vsub.f32 v10, v1  }
0x30d: {  	v20 =	vld.idx.msk [tilespmem:v51+s4+$0x0], $0xffff;
	v15 =	vsub.f32 v15, v1;
	v8 =	vadd.f32 v44, v8;
	v7 =	vmul.f32 v7, v7  }
0x30e: {  	v60 =	vld.idx.msk [tilespmem:v54+s4+$0x0], $0xffff;
	v46 =	vpop (erf);
	v12 =	vsub.f32 v12, v2;
	v18 =	vsub.f32 v18, v2;
	v14 =	vmul.f32 v14, v14  }
0x30f: {  	v3 =	vmul.f32 v3, v3;
	v8 =	vadd.f32 v46, v8;
	v7 =	vadd.f32 v7, v11;
	v11 =	vld.idx.msk [tilespmem:v42+s31+$0x0], $0xffff  }
0x310: {  	v4 =	vld.idx.msk [tilespmem:v58+s17+$0x0], $0xffff;
	[tilespmem:$0x1FA40] =	vst v44;
	v50 =	vpop (erf);
	v44 =	vor.u32 $0x1000, v49;
	v10 =	vmul.f32 v10, v10;
	v15 =	vmul.f32 v15, v15  }
0x311: {  	[tilespmem:$0x1FAF0] =	vst v47;
	v8 =	vadd.f32 v50, v8;
	v3 =	vadd.f32 v3, v7;
	v7 =	vld.idx.msk [tilespmem:v47+s31+$0x0], $0xffff;
	v47 =	vmul.u32 $0x3, v19  }
0x312: {  	v13 =	vld.idx.msk [tilespmem:v63+s17+$0x0], $0xffff;
	[tilespmem:$0x1FA60] =	vst v46;
	v61 =	vmul.f32 v18, v18;
	v46 =	vadd.s32 $0x2, v38;
	v59 =	vadd.f32 v15, v14  }
0x313: {  	v16 =	vld.idx.msk [tilespmem:v16+s17+$0x0], $0xffff;
	(erf) = vrcp.f32 v8;
	v8 =	vmul.f32 v53, v53;
	v54 =	vadd.s32 $0x1, v47  }
0x314: {  	[tilespmem:$0x1FA20] =	vst v40;
	v21 =	vsub.f32 v20, v1;
	v40 =	vsub.f32 v60, v2;
	v15 =	vld.idx.msk [tilespmem:v43+s4+$0x0], $0xffff;
	v55 =	vmul.u32 $0x3, v11  }
0x315: {  	v12 =	vmul.f32 v12, v12;
	v24 =	vld.idx.msk [tilespmem:v44+s31+$0x0], $0xffff;
	v8 =	vadd.f32 v10, v8;
	v10 =	vadd.f32 v61, v59  }
0x316: {  	[tilespmem:$0x1F9E0] =	vst v28;
	v28 =	vmul.f32 v62, v62;
	v3 =	vmul.f32 v3, v9;
	v53 =	vld.idx.msk [tilespmem:v38+s4+$0x0], $0xffff;
	v61 =	vor.u32 $0x1100, v49  }
0x317: {  	v17 =	vld.idx.msk [tilespmem:v46+s4+$0x0], $0xffff;
	v57 =	vadd.s32 $0x1, v55;
	v8 =	vadd.f32 v12, v8;
	v39 =	vmul.f32 v10, v13  }
0x318: {  	v9 =	vmul.f32 v21, v21;
	v58 =	vmul.u32 $0x3, v7;
	v29 =	vadd.s32 $0x2, v55;
	v60 =	vld.idx.msk [tilespmem:v54+s4+$0x0], $0xffff  }
0x319: {  	v4 =	vmul.f32 v8, v4;
	v8 =	vmul.f32 $1.442695020e+00, v39;
	v39 =	vld.idx.msk [tilespmem:v25+s17+$0x0], $0xffff  }
0x31a: {  	[tilespmem:$0x1F9C0] =	vst v23;
	v63 =	vadd.s32 $0x1, v58;
	v26 =	vld.idx.msk [tilespmem:v55+s4+$0x0], $0xffff  }
0x31b: {  	[tilespmem:$0x1FA00] =	vst v37;
	v9 =	vadd.f32 v9, v28;
	v10 =	vmul.f32 v40, v40;
	v37 =	vadd.s32 $0x2, v58;
	v23 =	vld.idx.msk [tilespmem:v61+s31+$0x0], $0xffff  }
0x31c: {  	v3 =	vmul.f32 $1.442695020e+00, v3;
	v30 =	vld.idx.msk [tilespmem:v57+s4+$0x0], $0xffff  }
0x31d: {  	[tilespmem:$0x1FB10] =	vst v56;
	v56 =	vadd.s32 $0x2, v47;
	v48 =	vadd.f32 v10, v9;
	v4 =	vmul.f32 $1.442695020e+00, v4;
	v45 =	vld.idx.msk [tilespmem:v29+s4+$0x0], $0xffff  }
0x31e: {  	(erf) = vpow2.f32 v3;
	v62 =	vsub.f32 v53, v0;
	v54 =	vor.u32 $0x1200, v49;
	v41 =	vld.idx.msk [tilespmem:v58+s4+$0x0], $0xffff  }
0x31f: {  	[tilespmem:$0x1FAE0] =	vst v42;
	v25 =	vor.u32 $0x1280, v49;
	v42 =	vld.idx.msk [tilespmem:v63+s4+$0x0], $0xffff;
	(erf) = vpow2.f32 v4;
	v4 =	vmul.f32 v48, v16  }
0x320: {  	[tilespmem:$0x1FA80] =	vst v50;
	v55 =	vor.u32 $0x1080, v49;
	v50 =	vld.idx.msk [tilespmem:v37+s4+$0x0], $0xffff;
	v37 =	vsub.f32 v17, v2;
	(erf) = vpow2.f32 v8  }
0x321: {  	v58 =	vld.idx.msk [tilespmem:v47+s4+$0x0], $0xffff;
	v51 =	vsub.f32 v26, v0;
	v4 =	vmul.f32 $1.442695020e+00, v4;
	v26 =	vmul.u32 $0x3, v24  }
0x322: {  	[tilespmem:$0x1FB00] =	vst v52;
	v43 =	vmul.f32 v37, v37;
	v52 =	vsub.f32 v30, v1;
	v3 =	vsub.f32 v45, v2  }
0x323: {  	v53 =	vmul.u32 $0x3, v23;
	v30 =	vsub.f32 v15, v1;
	v13 =	vsub.f32 v41, v0  }
0x324: {  	v63 =	vld.idx.msk [tilespmem:v56+s4+$0x0], $0xffff;
	v10 =	vmul.f32 v51, v51;
	v38 =	vadd.s32 $0x1, v26;
	v14 =	vsub.f32 v42, v1  }
0x325: {  	v7 =	vld.idx.msk [tilespmem:v7+s17+$0x0], $0xffff;
	(erf) = vpow2.f32 v4;
	v40 =	vadd.s32 $0x2, v26;
	v12 =	vmul.f32 v52, v52  }
0x326: {  	v29 =	vld.idx.msk [tilespmem:v11+s17+$0x0], $0xffff;
	v9 =	vsub.f32 v58, v0;
	v13 =	vmul.f32 v13, v13;
	v14 =	vmul.f32 v14, v14  }
0x327: {  	[tilespmem:$0x1FB20] =	vst v44;
	v57 =	vsub.f32 v50, v2;
	v3 =	vmul.f32 v3, v3;
	v42 =	vor.u32 $0x1180, v49;
	v44 =	vld.idx.msk [tilespmem:v26+s4+$0x0], $0xffff  }
0x328: {  	v11 =	vmul.f32 v30, v30;
	v10 =	vadd.f32 v12, v10;
	v59 =	vadd.f32 v14, v13;
	v14 =	vld.idx.msk [tilespmem:v55+s31+$0x0], $0xffff  }
0x329: {  	v16 =	vsub.f32 v63, v2;
	v8 =	vmul.f32 v57, v57;
	v13 =	vsub.f32 v60, v1;
	v48 =	vld.idx.msk [tilespmem:v38+s4+$0x0], $0xffff  }
0x32a: {  	v9 =	vmul.f32 v9, v9;
	v3 =	vadd.f32 v3, v10;
	v10 =	vmul.f32 v62, v62;
	v51 =	vld.idx.msk [tilespmem:v40+s4+$0x0], $0xffff  }
0x32b: {  	v22 =	vld.idx.msk [tilespmem:v25+s31+$0x0], $0xffff;
	v62 =	vadd.s32 $0x2, v53;
	v28 =	vadd.f32 v8, v59;
	v13 =	vmul.f32 v13, v13  }
0x32c: {  	v47 =	vmul.f32 v16, v16;
	v15 =	vld.idx.msk [tilespmem:v42+s31+$0x0], $0xffff;
	v10 =	vadd.f32 v11, v10;
	v3 =	vmul.f32 v3, v29  }
0x32d: {  	v57 =	vadd.s32 $0x1, v53;
	v59 =	vld.idx.msk [tilespmem:v24+s17+$0x0], $0xffff;
	v46 =	vadd.f32 v13, v9;
	v4 =	vmul.f32 v28, v7  }
0x32e: {  	v24 =	vld.idx.msk [tilespmem:v54+s31+$0x0], $0xffff;
	v50 =	vadd.f32 v43, v10;
	v3 =	vmul.f32 $1.442695020e+00, v3;
	v26 =	vsub.f32 v44, v0  }
0x32f: {  	v19 =	vld.idx.msk [tilespmem:v19+s17+$0x0], $0xffff;
	v41 =	vmul.u32 $0x3, v14;
	v28 =	vsub.f32 v48, v1;
	v10 =	vsub.f32 v51, v2  }
0x330: {  	v11 =	vld.idx.msk [tilespmem:v62+s4+$0x0], $0xffff;
	v48 =	vmul.u32 $0x3, v22;
	v62 =	vor.u32 $0x1380, v49;
	v7 =	vmul.f32 v50, v39  }
0x331: {  	v9 =	vld.idx.msk [tilespmem:v53+s4+$0x0], $0xffff;
	v8 =	vadd.f32 v47, v46;
	v4 =	vmul.f32 $1.442695020e+00, v4;
	(erf) = vpow2.f32 v3  }
0x332: {  	v63 =	vmul.u32 $0x3, v15;
	v45 =	vadd.s32 $0x1, v41;
	v52 =	vadd.s32 $0x2, v41  }
0x333: {  	v12 =	vmul.f32 v28, v28;
	v40 =	vmul.u32 $0x3, v24;
	v10 =	vmul.f32 v10, v10  }
0x334: {  	[tilespmem:$0x1FB60] =	vst v54;
	v37 =	vld.idx.msk [tilespmem:v57+s4+$0x0], $0xffff;
	v54 =	vadd.s32 $0x1, v48;
	v8 =	vmul.f32 v8, v19;
	v58 =	vmul.f32 $1.442695020e+00, v7  }
0x335: {  	(erf) = vpow2.f32 v4;
	v38 =	vadd.s32 $0x1, v63;
	v4 =	vmul.f32 v26, v26  }
0x336: {  	[tilespmem:$0x1FB30] =	vst v55;
	v39 =	vadd.s32 $0x2, v63;
	v9 =	vsub.f32 v9, v0;
	v43 =	vadd.s32 $0x1, v40;
	v55 =	vld.idx.msk [tilespmem:v41+s4+$0x0], $0xffff  }
0x337: {  	v51 =	vadd.s32 $0x2, v40;
	v60 =	vmul.f32 $1.442695020e+00, v8;
	(erf) = vpow2.f32 v58;
	v56 =	vld.idx.msk [tilespmem:v45+s4+$0x0], $0xffff  }
0x338: {  	[tilespmem:$0x1FB40] =	vst v61;
	v4 =	vadd.f32 v12, v4;
	v11 =	vsub.f32 v11, v2;
	v12 =	vadd.s32 $0x2, v48;
	v61 =	vld.idx.msk [tilespmem:v52+s4+$0x0], $0xffff  }
0x339: {  	v41 =	vsub.f32 v37, v1;
	v9 =	vmul.f32 v9, v9;
	v37 =	vmov s8;
	v3 =	vld.idx.msk [tilespmem:v63+s4+$0x0], $0xffff  }
0x33a: {  	(erf) = vpow2.f32 v60;
	v4 =	vadd.f32 v10, v4;
	v63 =	vor.u32 $0x1300, v49;
	v58 =	vld.idx.msk [tilespmem:v54+s4+$0x0], $0xffff  }
0x33b: {  	[tilespmem:$0x1FB50] =	vst v42;
	v11 =	vmul.f32 v11, v11;
	v17 =	vshrl.u32 v37, $0x7;
	v42 =	vld.idx.msk [tilespmem:v38+s4+$0x0], $0xffff;
	v45 =	vmul.f32 v41, v41  }
0x33c: {  	v50 =	vld.idx.msk [tilespmem:v40+s4+$0x0], $0xffff;
	v38 =	vor.u32 s8, v36;
	v40 =	vshll.u32 v17, $0xA;
	v17 =	vshll.u32 v17, $0x9  }
0x33d: {  	v44 =	vld.idx.msk [tilespmem:v23+s17+$0x0], $0xffff;
	v4 =	vmul.f32 v4, v59;
	v18 =	vand.u32 $0x7F, v38;
	v9 =	vadd.f32 v45, v9  }
0x33e: {  	v53 =	vld.idx.msk [tilespmem:v43+s4+$0x0], $0xffff;
	v26 =	vor.u32 v18, v40;
	v29 =	vsub.f32 v55, v0;
	v30 =	vsub.f32 v56, v1  }
0x33f: {  	v12 =	vld.idx.msk [tilespmem:v12+s4+$0x0], $0xffff;
	v4 =	vmul.f32 $1.442695020e+00, v4;
	v8 =	vsub.f32 v61, v2;
	v3 =	vsub.f32 v3, v0  }
0x340: {  	v14 =	vld.idx.msk [tilespmem:v14+s17+$0x0], $0xffff;
	v54 =	vor.u32 $0x180, v26;
	v9 =	vadd.f32 v11, v9;
	v10 =	vsub.f32 v58, v1  }
0x341: {  	v11 =	vld.idx.msk [tilespmem:v63+s31+$0x0], $0xffff;
	v13 =	vmul.f32 v29, v29;
	v52 =	vsub.f32 v42, v1;
	(erf) = vpow2.f32 v4  }
0x342: {  	v60 =	vld.idx.msk [tilespmem:v48+s4+$0x0], $0xffff;
	v57 =	vsub.f32 v50, v0;
	v16 =	vmul.f32 v30, v30;
	v8 =	vmul.f32 v8, v8  }
0x343: {  	v3 =	vmul.f32 v3, v3;
	v55 =	vmul.f32 v9, v44;
	v59 =	vsub.f32 v53, v1;
	v9 =	vld.idx.msk [tilespmem:v62+s31+$0x0], $0xffff  }
0x344: {  	v47 =	vld.idx.msk [tilespmem:v39+s4+$0x0], $0xffff;
	v10 =	vmul.f32 v10, v10;
	v12 =	vsub.f32 v12, v2;
	v13 =	vadd.f32 v16, v13  }
0x345: {  	v16 =	vmul.f32 v52, v52;
	v29 =	vmul.f32 v59, v59;
	v59 =	vor.u32 $0x100, v26  }
0x346: {  	v28 =	vmul.f32 v57, v57;
	v4 =	vmul.f32 $1.442695020e+00, v55;
	v61 =	vmul.u32 $0x3, v11  }
0x347: {  	v15 =	vld.idx.msk [tilespmem:v15+s17+$0x0], $0xffff;
	v12 =	vmul.f32 v12, v12;
	v8 =	vadd.f32 v8, v13;
	v3 =	vadd.f32 v16, v3  }
0x348: {  	v21 =	vpop (erf);
	v56 =	vld.idx.msk [tilespmem:v51+s4+$0x0], $0xffff;
	v30 =	vadd.s32 $0x1, v61;
	v16 =	vadd.s32 $0x2, v61;
	v42 =	vmul.u32 $0x3, v9  }
0x349: {  	v19 =	vld.idx.msk [tilespmem:v24+s17+$0x0], $0xffff;
	v46 =	vmul.f32 v8, v14;
	v8 =	vsub.f32 v47, v2;
	v14 =	vsub.f32 v60, v0;
	v60 =	vpop (erf)  }
0x34a: {  	v39 =	vadd.f32 v29, v28;
	v43 =	vadd.f32 $9.999999930e-09, v60;
	v44 =	vadd.s32 $0x1, v42;
	v24 =	vld.idx.msk [tilespmem:v59+s31+$0x0], $0xffff  }
0x34b: {  	v7 =	vmul.f32 $1.442695020e+00, v46;
	v8 =	vmul.f32 v8, v8;
	v46 =	vor.u32 v18, v17;
	v17 =	vld.idx.msk [tilespmem:v26+s31+$0x0], $0xffff  }
0x34c: {  	v45 =	vadd.s32 $0x2, v42;
	v14 =	vmul.f32 v14, v14;
	v41 =	vld.idx.msk [tilespmem:v61+s4+$0x0], $0xffff;
	v61 =	vor.u32 $0x80, v26  }
0x34d: {  	(erf) = vpow2.f32 v7;
	v8 =	vadd.f32 v8, v3;
	v7 =	vsub.f32 v56, v2;
	v13 =	vld.idx.msk [tilespmem:v30+s4+$0x0], $0xffff  }
0x34e: {  	v28 =	vor.u32 $0x80, v46;
	v10 =	vadd.f32 v10, v14;
	v16 =	vld.idx.msk [tilespmem:v16+s4+$0x0], $0xffff;
	(erf) = vpow2.f32 v4  }
0x34f: {  	v58 =	vpop (erf);
	v14 =	vor.u32 $0x100, v46;
	v48 =	vld.idx.msk [tilespmem:v42+s4+$0x0], $0xffff;
	v7 =	vmul.f32 v7, v7;
	v8 =	vmul.f32 v8, v15  }
0x350: {  	v15 =	vadd.f32 v58, v43;
	v20 =	vld.idx.msk [tilespmem:v44+s4+$0x0], $0xffff;
	v37 =	vadd.f32 v12, v10;
	v3 =	vmul.u32 $0x3, v24  }
0x351: {  	v57 =	vpop (erf);
	v36 =	vmul.u32 $0x3, v17;
	v6 =	vld.idx.msk [tilespmem:v46+s30+$0x0], $0xffff;
	v46 =	vor.u32 $0x280, v26;
	v7 =	vadd.f32 v7, v39  }
0x352: {  	v50 =	vld.idx.msk [tilespmem:v45+s4+$0x0], $0xffff;
	v15 =	vadd.f32 v57, v15;
	v8 =	vmul.f32 $1.442695020e+00, v8;
	v47 =	vsub.f32 v41, v0  }
0x353: {  	v56 =	vpop (erf);
	v30 =	vld.idx.msk [tilespmem:v22+s17+$0x0], $0xffff;
	v13 =	vsub.f32 v13, v1;
	v39 =	vsub.f32 v16, v2;
	v40 =	vadd.s32 $0x1, v36  }
0x354: {  	[tilespmem:$0x1FB70] =	vst v25;
	v25 =	vld.idx.msk [tilespmem:v61+s31+$0x0], $0xffff;
	v22 =	vadd.s32 $0x2, v36;
	v7 =	vmul.f32 v7, v19;
	v15 =	vadd.f32 v56, v15  }
0x355: {  	v11 =	vld.idx.msk [tilespmem:v11+s17+$0x0], $0xffff;
	v18 =	vmul.f32 v47, v47;
	(erf) = vpow2.f32 v8;
	v0 =	vsub.f32 v48, v0  }
0x356: {  	v9 =	vld.idx.msk [tilespmem:v9+s17+$0x0], $0xffff;
	v55 =	vpop (erf);
	v48 =	vor.u32 $0x200, v26;
	v13 =	vmul.f32 v13, v13;
	v1 =	vsub.f32 v20, v1  }
0x357: {  	v12 =	vld.idx.msk [tilespmem:v28+s30+$0x0], $0xffff;
	v41 =	vsub.f32 v50, v2;
	v7 =	vmul.f32 $1.442695020e+00, v7;
	v29 =	vadd.f32 v55, v15  }
0x358: {  	v4 =	vld.idx.msk [tilespmem:v14+s30+$0x0], $0xffff;
	v0 =	vmul.f32 v0, v0;
	v38 =	vadd.f32 v13, v18;
	v13 =	vmul.f32 v39, v39  }
0x359: {  	v53 =	vpop (erf);
	v19 =	vld.idx.msk [tilespmem:v46+s31+$0x0], $0xffff;
	v42 =	vmul.f32 v1, v1;
	v28 =	vmul.u32 $0x3, v25;
	(erf) = vpow2.f32 v7  }
0x35a: {  	v43 =	vld.idx.msk [tilespmem:v36+s4+$0x0], $0xffff;
	v8 =	vadd.f32 v53, v29;
	v7 =	vmul.f32 v37, v30;
	v29 =	vmul.f32 v41, v41  }
0x35b: {  	v52 =	vpop (erf);
	v16 =	vld.idx.msk [tilespmem:v40+s4+$0x0], $0xffff;
	v10 =	vadd.f32 v13, v38;
	v0 =	vadd.f32 v42, v0;
	v30 =	vadd.s32 $0x1, v28  }
0x35c: {  	v36 =	vadd.s32 $0x2, v28;
	v38 =	vld.idx.msk [tilespmem:v22+s4+$0x0], $0xffff;
	v8 =	vadd.f32 v52, v8;
	v7 =	vmul.f32 $1.442695020e+00, v7  }
0x35d: {  	v51 =	vpop (erf);
	v13 =	vld.idx.msk [tilespmem:v54+s31+$0x0], $0xffff;
	v42 =	vor.u32 $0x300, v26;
	v10 =	vmul.f32 v10, v11;
	v15 =	vadd.f32 v29, v0  }
0x35e: {  	v18 =	vld.idx.msk [tilespmem:v48+s31+$0x0], $0xffff;
	v0 =	vmul.u32 $0x3, v19;
	v8 =	vadd.f32 v51, v8;
	(erf) = vpow2.f32 v7  }
0x35f: {  	v50 =	vpop (erf);
	v29 =	vld.idx.msk [tilespmem:v3+s4+$0x0], $0xffff;
	v23 =	vsub.f32 v43, v6;
	v37 =	vmul.f32 $1.442695020e+00, v10;
	v9 =	vmul.f32 v15, v9  }
0x360: {  	v39 =	vld.idx.msk [tilespmem:v28+s4+$0x0], $0xffff;
	v16 =	vsub.f32 v16, v12;
	v28 =	vadd.s32 $0x1, v3;
	v8 =	vadd.f32 v50, v8  }
0x361: {  	v11 =	vld.idx.msk [tilespmem:v30+s4+$0x0], $0xffff;
	v7 =	vmul.f32 v23, v23;
	v10 =	vsub.f32 v38, v4;
	v30 =	vadd.s32 $0x2, v3  }
0x362: {  	v47 =	vpop (erf);
	v14 =	vld.idx.msk [tilespmem:v36+s4+$0x0], $0xffff;
	v36 =	vmul.u32 $0x3, v13;
	v9 =	vmul.f32 $1.442695020e+00, v9;
	v16 =	vmul.f32 v16, v16  }
0x363: {  	v22 =	vld.idx.msk [tilespmem:v17+s17+$0x0], $0xffff;
	(erf) = vpow2.f32 v37;
	v8 =	vadd.f32 v47, v8;
	v10 =	vmul.f32 v10, v10  }
0x364: {  	v45 =	vpop (erf);
	v38 =	vadd.s32 $0x1, v36;
	(erf) = vpow2.f32 v9;
	v7 =	vadd.f32 v16, v7;
	v9 =	vld.idx.msk [tilespmem:v25+s17+$0x0], $0xffff  }
0x365: {  	v25 =	vadd.s32 $0x2, v36;
	v16 =	vsub.f32 v29, v6;
	v3 =	vld.idx.msk [tilespmem:v0+s4+$0x0], $0xffff;
	v8 =	vadd.f32 v45, v8  }
0x366: {  	v29 =	vmul.u32 $0x3, v18;
	v15 =	vsub.f32 v39, v6;
	v37 =	vld.idx.msk [tilespmem:v28+s4+$0x0], $0xffff;
	v11 =	vsub.f32 v11, v12  }
0x367: {  	v44 =	vpop (erf);
	v14 =	vsub.f32 v14, v4;
	v7 =	vadd.f32 v10, v7;
	v10 =	vld.idx.msk [tilespmem:v42+s31+$0x0], $0xffff  }
0x368: {  	v16 =	vmul.f32 v16, v16;
	v8 =	vadd.f32 v44, v8;
	v15 =	vmul.f32 v15, v15;
	v28 =	vld.idx.msk [tilespmem:v36+s4+$0x0], $0xffff  }
0x369: {  	v43 =	vpop (erf);
	v36 =	vor.u32 $0x1080, v26;
	v11 =	vmul.f32 v11, v11;
	v14 =	vmul.f32 v14, v14;
	v20 =	vld.idx.msk [tilespmem:v38+s4+$0x0], $0xffff  }
0x36a: {  	v38 =	vadd.s32 $0x2, v29;
	v7 =	vmul.f32 v7, v22;
	v8 =	vadd.f32 v43, v8;
	v1 =	vld.idx.msk [tilespmem:v25+s4+$0x0], $0xffff  }
0x36b: {  	v41 =	vpop (erf);
	v11 =	vadd.f32 v11, v15;
	v15 =	vld.idx.msk [tilespmem:v30+s4+$0x0], $0xffff;
	v30 =	vsub.f32 v37, v12;
	v37 =	vadd.s32 $0x1, v29  }
0x36c: {  	v25 =	vadd.s32 $0x1, v0;
	v17 =	vld.idx.msk [tilespmem:v29+s4+$0x0], $0xffff;
	v29 =	vadd.s32 $0x2, v0;
	v8 =	vadd.f32 v41, v8  }
0x36d: {  	v3 =	vsub.f32 v3, v6;
	v7 =	vmul.f32 $1.442695020e+00, v7;
	v40 =	vpop (erf);
	v0 =	vmul.u32 $0x3, v10  }
0x36e: {  	v24 =	vld.idx.msk [tilespmem:v24+s17+$0x0], $0xffff;
	v11 =	vadd.f32 v14, v11;
	v14 =	vmul.f32 v30, v30;
	v8 =	vadd.f32 v40, v8  }
0x36f: {  	v13 =	vld.idx.msk [tilespmem:v13+s17+$0x0], $0xffff;
	v3 =	vmul.f32 v3, v3;
	v5 =	vsub.f32 v28, v6;
	v39 =	vpop (erf);
	v28 =	vsub.f32 v20, v12  }
0x370: {  	v9 =	vmul.f32 v11, v9;
	v11 =	vadd.f32 v14, v16;
	v8 =	vadd.f32 v39, v8;
	v2 =	vld.idx.msk [tilespmem:v37+s4+$0x0], $0xffff  }
0x371: {  	v1 =	vsub.f32 v1, v4;
	v5 =	vmul.f32 v5, v5;
	v15 =	vsub.f32 v15, v4;
	v29 =	vld.idx.msk [tilespmem:v29+s4+$0x0], $0xffff  }
0x372: {  	v30 =	vmul.f32 v28, v28;
	(erf) = vrcp.f32 v8;
	v8 =	vld.idx.msk [tilespmem:v38+s4+$0x0], $0xffff;
	v38 =	vor.u32 $0x380, v26  }
0x373: {  	v9 =	vmul.f32 $1.442695020e+00, v9;
	(erf) = vpow2.f32 v7;
	v7 =	vld.idx.msk [tilespmem:v25+s4+$0x0], $0xffff;
	v25 =	vadd.s32 $0x1, v0  }
0x374: {  	v1 =	vmul.f32 v1, v1;
	v15 =	vmul.f32 v15, v15;
	v5 =	vadd.f32 v30, v5  }
0x375: {  	v28 =	vsub.f32 v17, v6;
	v37 =	vor.u32 $0x1000, v26;
	v30 =	vadd.s32 $0x2, v0  }
0x376: {  	v0 =	vld.idx.msk [tilespmem:v0+s4+$0x0], $0xffff;
	(erf) = vpow2.f32 v9;
	v23 =	vadd.f32 v15, v11;
	v1 =	vadd.f32 v1, v5  }
0x377: {  	v5 =	vmul.f32 v28, v28;
	v2 =	vsub.f32 v2, v12;
	v14 =	vsub.f32 v29, v4;
	v20 =	vld.idx.msk [tilespmem:v38+s31+$0x0], $0xffff  }
0x378: {  	v9 =	vmul.f32 v23, v24;
	v1 =	vmul.f32 v1, v13;
	v7 =	vsub.f32 v7, v12;
	v11 =	vld.idx.msk [tilespmem:v25+s4+$0x0], $0xffff  }
0x379: {  	v13 =	vld.idx.msk [tilespmem:v18+s17+$0x0], $0xffff;
	v8 =	vsub.f32 v8, v4;
	v2 =	vmul.f32 v2, v2;
	v29 =	vmul.f32 v14, v14  }
0x37a: {  	v28 =	vld.idx.msk [tilespmem:v30+s4+$0x0], $0xffff;
	v9 =	vmul.f32 $1.442695020e+00, v9;
	v25 =	vmul.f32 v7, v7  }
0x37b: {  	v24 =	vld.idx.msk [tilespmem:v19+s17+$0x0], $0xffff;
	v1 =	vmul.f32 $1.442695020e+00, v1;
	v0 =	vsub.f32 v0, v6;
	v8 =	vmul.f32 v8, v8  }
0x37c: {  	v22 =	vld.idx.msk [tilespmem:v37+s31+$0x0], $0xffff;
	v2 =	vadd.f32 v2, v5;
	v18 =	vmul.u32 $0x3, v20;
	v3 =	vadd.f32 v25, v3  }
0x37d: {  	(erf) = vpow2.f32 v9;
	v0 =	vmul.f32 v0, v0;
	v11 =	vsub.f32 v11, v12  }
0x37e: {  	v19 =	vld.idx.msk [tilespmem:v36+s31+$0x0], $0xffff;
	v2 =	vadd.f32 v8, v2;
	(erf) = vpow2.f32 v1;
	v25 =	vadd.f32 v29, v3  }
0x37f: {  	v7 =	vsub.f32 v28, v4;
	v30 =	vadd.s32 $0x1, v18;
	v3 =	vld.idx.msk [tilespmem:v10+s17+$0x0], $0xffff;
	v28 =	vmul.f32 v11, v11  }
0x380: {  	v2 =	vmul.f32 v2, v13;
	v14 =	vadd.s32 $0x2, v18;
	v1 =	vmul.f32 v25, v24;
	v25 =	vld [tilespmem:$0x1F700]  }
0x381: {  	v10 =	vmul.u32 $0x3, v22;
	v24 =	vmul.f32 v27, v35;
	v0 =	vadd.f32 v28, v0;
	v28 =	vld [tilespmem:$0x1F710]  }
0x382: {  	v2 =	vmul.f32 $1.442695020e+00, v2;
	v29 =	vld.idx.msk [tilespmem:v18+s4+$0x0], $0xffff  }
0x383: {  	v7 =	vmul.f32 v7, v7;
	[tilespmem:v32+s0+$0x0] =	vst.idx.msk $0xffff, v24;
	v32 =	vld [tilespmem:$0x1F720]  }
0x384: {  	(erf) = vpow2.f32 v2;
	v2 =	vadd.s32 $0x2, v10;
	v30 =	vld.idx.msk [tilespmem:v30+s4+$0x0], $0xffff  }
0x385: {  	v35 =	vor.u32 $0x1100, v26;
	v17 =	vld.idx.msk [tilespmem:v14+s4+$0x0], $0xffff;
	v0 =	vadd.f32 v7, v0  }
0x386: {  	v11 =	vmul.u32 $0x3, v19;
	v23 =	vadd.s32 $0x1, v10;
	v18 =	vld.idx.msk [tilespmem:v20+s17+$0x0], $0xffff  }
0x387: {  	v0 =	vmul.f32 v0, v3;
	v3 =	vld.idx.msk [tilespmem:v10+s4+$0x0], $0xffff  }
0x388: {  	v7 =	vmul.f32 v27, v25;
	v25 =	vld [tilespmem:$0x1F730]  }
0x389: {  	v15 =	vld.idx.msk [tilespmem:v2+s4+$0x0], $0xffff;
	v29 =	vsub.f32 v29, v6  }
0x38a: {  	v30 =	vsub.f32 v30, v12;
	v13 =	vsub.f32 v17, v4;
	v17 =	vld.idx.msk [tilespmem:v35+s31+$0x0], $0xffff  }
0x38b: {  	v1 =	vmul.f32 $1.442695020e+00, v1;
	[tilespmem:v28+s0+$0x0] =	vst.idx.msk $0xffff, v7;
	v7 =	vld.idx.msk [tilespmem:v23+s4+$0x0], $0xffff  }
0x38c: {  	v14 =	vmul.f32 v29, v29;
	v5 =	vmul.f32 v30, v30;
	v30 =	vld.idx.msk [tilespmem:v11+s4+$0x0], $0xffff  }
0x38d: {  	v8 =	vadd.s32 $0x1, v11;
	v24 =	vadd.s32 $0x2, v11;
	v11 =	vld [tilespmem:$0x1F740]  }
0x38e: {  	(erf) = vpow2.f32 v1;
	v0 =	vmul.f32 $1.442695020e+00, v0;
	v16 =	vadd.f32 v5, v14;
	v14 =	vld [tilespmem:$0x1F750]  }
0x38f: {  	v28 =	vmul.f32 v27, v25;
	v29 =	vmul.f32 v13, v13;
	v25 =	vld [tilespmem:$0x1F770]  }
0x390: {  	(erf) = vpow2.f32 v0;
	v0 =	vsub.f32 v15, v4;
	v15 =	vld [tilespmem:$0x1F760];
	v5 =	vmul.u32 $0x3, v17  }
0x391: {  	v22 =	vld.idx.msk [tilespmem:v22+s17+$0x0], $0xffff;
	v9 =	vmul.f32 v27, v32;
	v3 =	vsub.f32 v3, v6;
	v2 =	vadd.f32 v29, v16  }
0x392: {  	v8 =	vld.idx.msk [tilespmem:v8+s4+$0x0], $0xffff;
	v7 =	vsub.f32 v7, v12  }
0x393: {  	[tilespmem:v34+s0+$0x0] =	vst.idx.msk $0xffff, v9;
	v3 =	vmul.f32 v3, v3;
	v1 =	vmul.f32 v2, v18;
	v18 =	vadd.s32 $0x1, v5  }
0x394: {  	v34 =	vor.u32 $0x1180, v26;
	v9 =	vld.idx.msk [tilespmem:v24+s4+$0x0], $0xffff;
	v13 =	vmul.f32 v27, v11;
	v7 =	vmul.f32 v7, v7  }
0x395: {  	[tilespmem:v33+s0+$0x0] =	vst.idx.msk $0xffff, v28;
	v28 =	vld [tilespmem:$0x1F780];
	v24 =	vadd.s32 $0x2, v5;
	v16 =	vmul.f32 v27, v15  }
0x396: {  	v0 =	vmul.f32 v0, v0;
	v3 =	vadd.f32 v7, v3;
	v5 =	vld.idx.msk [tilespmem:v5+s4+$0x0], $0xffff;
	[tilespmem:v14+s0+$0x0] =	vst.idx.msk $0xffff, v13  }
0x397: {  	[tilespmem:v25+s0+$0x0] =	vst.idx.msk $0xffff, v16;
	v25 =	vld [tilespmem:$0x1F7A0]  }
0x398: {  	v0 =	vadd.f32 v0, v3;
	v18 =	vld.idx.msk [tilespmem:v18+s4+$0x0], $0xffff  }
0x399: {  	v20 =	vld.idx.msk [tilespmem:v34+s31+$0x0], $0xffff  }
0x39a: {  	v10 =	vsub.f32 v30, v6;
	v13 =	vmul.f32 v0, v22;
	v22 =	vld.idx.msk [tilespmem:v24+s4+$0x0], $0xffff  }
0x39b: {  	v29 =	vmul.f32 v27, v28;
	v28 =	vld [tilespmem:$0x1F7B0]  }
0x39c: {  	v23 =	vmul.f32 v10, v10;
	v10 =	vld [tilespmem:$0x1F7C0]  }
0x39d: {  	v16 =	vld [tilespmem:$0x1F790];
	v5 =	vsub.f32 v5, v6;
	v18 =	vsub.f32 v18, v12  }
0x39e: {  	v11 =	vld [tilespmem:$0x1F7D0]  }
0x39f: {  	v14 =	vld [tilespmem:$0x1F7E0];
	v5 =	vmul.f32 v5, v5;
	v22 =	vsub.f32 v22, v4;
	v18 =	vmul.f32 v18, v18  }
0x3a0: {  	[tilespmem:v25+s0+$0x0] =	vst.idx.msk $0xffff, v29;
	v29 =	vmul.f32 v27, v28;
	v28 =	vld [tilespmem:$0x1F830]  }
0x3a1: {  	v5 =	vadd.f32 v18, v5;
	v18 =	vmul.f32 v22, v22;
	v22 =	vld [tilespmem:$0x1F850]  }
0x3a2: {  	v33 =	vor.u32 $0x1200, v26;
	v32 =	vmul.f32 v27, v16;
	v16 =	vld [tilespmem:$0x1F7F0]  }
0x3a3: {  	v7 =	vsub.f32 v9, v4;
	v9 =	vmul.u32 $0x3, v20;
	_ =	sdelay $0x1  }
0x3a4: {  	[tilespmem:v10+s0+$0x0] =	vst.idx.msk $0xffff, v32;
	v32 =	vadd.s32 $0x1, v9  }
0x3a5: {  	v24 =	vmul.f32 v27, v11  }
0x3a6: {  	v8 =	vsub.f32 v8, v12;
	v15 =	vld.idx.msk [tilespmem:v33+s31+$0x0], $0xffff;
	[tilespmem:v14+s0+$0x0] =	vst.idx.msk $0xffff, v29;
	v10 =	vmul.f32 v27, v16  }
0x3a7: {  	v11 =	vld.idx.msk [tilespmem:v19+s17+$0x0], $0xffff;
	[tilespmem:v28+s0+$0x0] =	vst.idx.msk $0xffff, v24  }
0x3a8: {  	v8 =	vmul.f32 v8, v8;
	[tilespmem:v22+s0+$0x0] =	vst.idx.msk $0xffff, v10;
	v22 =	vld [tilespmem:$0x1F860]  }
0x3a9: {  	v32 =	vld.idx.msk [tilespmem:v32+s4+$0x0], $0xffff  }
0x3aa: {  	v17 =	vld.idx.msk [tilespmem:v17+s17+$0x0], $0xffff;
	v8 =	vadd.f32 v8, v23;
	v7 =	vmul.f32 v7, v7  }
0x3ab: {  	v30 =	vor.u32 $0x1280, v26;
	v23 =	vld [tilespmem:$0x1F810];
	v0 =	vmul.u32 $0x3, v15  }
0x3ac: {  	v8 =	vadd.f32 v7, v8;
	v19 =	vld [tilespmem:$0x1F800]  }
0x3ad: {  	v10 =	vmul.f32 v27, v22;
	v22 =	vld [tilespmem:$0x1F870]  }
0x3ae: {  	v8 =	vmul.f32 v8, v11;
	v11 =	vsub.f32 v32, v12;
	v32 =	vld [tilespmem:$0x1F880]  }
0x3af: {  	v3 =	vadd.s32 $0x1, v0;
	v7 =	vld.idx.msk [tilespmem:v9+s4+$0x0], $0xffff  }
0x3b0: {  	v16 =	vmul.f32 v27, v23;
	v23 =	vld.idx.msk [tilespmem:v30+s31+$0x0], $0xffff  }
0x3b1: {  	v2 =	vadd.s32 $0x2, v0;
	v0 =	vld.idx.msk [tilespmem:v0+s4+$0x0], $0xffff  }
0x3b2: {  	v1 =	vmul.f32 $1.442695020e+00, v1;
	v25 =	vld [tilespmem:$0x1F820]  }
0x3b3: {  	v29 =	vor.u32 $0x1300, v26;
	v14 =	vmul.f32 v27, v19;
	v28 =	vld [tilespmem:$0x1F840]  }
0x3b4: {  	(erf) = vpow2.f32 v1;
	v1 =	vld.idx.msk [tilespmem:v3+s4+$0x0], $0xffff  }
0x3b5: {  	v13 =	vmul.f32 $1.442695020e+00, v13;
	v9 =	vadd.s32 $0x2, v9;
	v3 =	vmul.u32 $0x3, v23;
	[tilespmem:v22+s0+$0x0] =	vst.idx.msk $0xffff, v14;
	v22 =	vld [tilespmem:$0x1F890]  }
0x3b6: {  	[tilespmem:v32+s0+$0x0] =	vst.idx.msk $0xffff, v16;
	v32 =	vld [tilespmem:$0x1F8A0]  }
0x3b7: {  	(erf) = vpow2.f32 v13;
	v2 =	vld.idx.msk [tilespmem:v2+s4+$0x0], $0xffff;
	v7 =	vsub.f32 v7, v6;
	v13 =	vadd.s32 $0x1, v3  }
0x3b8: {  	v19 =	vmul.f32 v27, v25;
	v25 =	vld.idx.msk [tilespmem:v29+s31+$0x0], $0xffff;
	v24 =	vmul.f32 v27, v28;
	v28 =	vor.u32 $0x1380, v26  }
0x3b9: {  	v15 =	vld.idx.msk [tilespmem:v15+s17+$0x0], $0xffff  }
0x3ba: {  	v5 =	vadd.f32 v18, v5;
	v7 =	vmul.f32 v7, v7;
	v9 =	vld.idx.msk [tilespmem:v9+s4+$0x0], $0xffff;
	v11 =	vmul.f32 v11, v11  }
0x3bb: {  	v0 =	vsub.f32 v0, v6;
	v27 =	vadd.s32 $0x2, v3;
	v3 =	vld.idx.msk [tilespmem:v3+s4+$0x0], $0xffff  }
0x3bc: {  	v5 =	vmul.f32 v5, v17;
	v1 =	vsub.f32 v1, v12;
	v7 =	vadd.f32 v11, v7;
	v11 =	vld.idx.msk [tilespmem:v13+s4+$0x0], $0xffff  }
0x3bd: {  	v2 =	vsub.f32 v2, v4;
	v17 =	vmul.u32 $0x3, v25;
	v18 =	vld.idx.msk [tilespmem:v28+s31+$0x0], $0xffff;
	[tilespmem:v22+s0+$0x0] =	vst.idx.msk $0xffff, v19  }
0x3be: {  	v0 =	vmul.f32 v0, v0;
	v1 =	vmul.f32 v1, v1;
	[tilespmem:v32+s0+$0x0] =	vst.idx.msk $0xffff, v24;
	v24 =	vld [tilespmem:$0x1F8B0]  }
0x3bf: {  	v9 =	vsub.f32 v9, v4;
	v16 =	vld.idx.msk [tilespmem:v20+s17+$0x0], $0xffff;
	v20 =	vadd.s32 $0x1, v17  }
0x3c0: {  	v8 =	vmul.f32 $1.442695020e+00, v8;
	v2 =	vmul.f32 v2, v2;
	v0 =	vadd.f32 v1, v0;
	v13 =	vld.idx.msk [tilespmem:v27+s4+$0x0], $0xffff  }
0x3c1: {  	v9 =	vmul.f32 v9, v9;
	v27 =	vmul.f32 $1.442695020e+00, v5;
	v14 =	vadd.s32 $0x2, v17  }
0x3c2: {  	v5 =	vpop (erf);
	(erf) = vpow2.f32 v8;
	v3 =	vsub.f32 v3, v6;
	v19 =	vmul.u32 $0x3, v18  }
0x3c3: {  	v8 =	vadd.f32 v9, v7;
	(erf) = vpow2.f32 v27;
	v27 =	vadd.f32 v2, v0;
	v17 =	vld.idx.msk [tilespmem:v17+s4+$0x0], $0xffff  }
0x3c4: {  	v7 =	vpop (erf);
	v3 =	vmul.f32 v3, v3;
	v9 =	vld.idx.msk [tilespmem:v20+s4+$0x0], $0xffff;
	v22 =	vsub.f32 v11, v12;
	v20 =	vadd.s32 $0x1, v19  }
0x3c5: {  	v1 =	vmul.f32 v27, v15;
	v27 =	vld [tilespmem:$0x1F8C0];
	v13 =	vsub.f32 v13, v4;
	v32 =	vadd.f32 $9.999999930e-09, v7  }
0x3c6: {  	v0 =	vpop (erf);
	[tilespmem:v24+s0+$0x0] =	vst.idx.msk $0xffff, v10;
	v24 =	vld.idx.msk [tilespmem:v14+s4+$0x0], $0xffff;
	v14 =	vadd.s32 $0x2, v19;
	v10 =	vmul.f32 v22, v22  }
0x3c7: {  	v2 =	vadd.f32 v0, v32;
	v32 =	vld.idx.msk [tilespmem:v23+s17+$0x0], $0xffff  }
0x3c8: {  	v13 =	vmul.f32 v13, v13;
	v8 =	vmul.f32 v8, v16;
	v15 =	vld.idx.msk [tilespmem:v19+s4+$0x0], $0xffff;
	v3 =	vadd.f32 v10, v3  }
0x3c9: {  	v17 =	vsub.f32 v17, v6;
	v9 =	vsub.f32 v9, v12;
	v19 =	vld.idx.msk [tilespmem:v20+s4+$0x0], $0xffff  }
0x3ca: {  	v16 =	vmul.f32 v21, v27;
	v8 =	vmul.f32 $1.442695020e+00, v8;
	v23 =	vld [tilespmem:$0x1F8F0];
	v3 =	vadd.f32 v13, v3  }
0x3cb: {  	v17 =	vmul.f32 v17, v17;
	v9 =	vmul.f32 v9, v9;
	v24 =	vsub.f32 v24, v4;
	v27 =	vld.idx.msk [tilespmem:v14+s4+$0x0], $0xffff  }
0x3cc: {  	[tilespmem:v31+s0+$0x0] =	vst.idx.msk $0xffff, v16;
	v31 =	vmul.f32 v3, v32;
	v32 =	vld.idx.msk [tilespmem:v25+s17+$0x0], $0xffff  }
0x3cd: {  	(erf) = vpow2.f32 v8;
	v9 =	vadd.f32 v9, v17;
	v22 =	vld [tilespmem:$0x1F8E0];
	v8 =	vmul.f32 v24, v24  }
0x3ce: {  	v12 =	vsub.f32 v19, v12;
	v19 =	vld [tilespmem:$0x1F8D0]  }
0x3cf: {  	v25 =	vld [tilespmem:$0x1F900];
	v8 =	vadd.f32 v8, v9  }
0x3d0: {  	v4 =	vsub.f32 v27, v4;
	v27 =	vld [tilespmem:$0x1F910]  }
0x3d1: {  	v3 =	vmul.f32 v8, v32;
	v32 =	vld [tilespmem:$0x1F930]  }
0x3d2: {  	v1 =	vmul.f32 $1.442695020e+00, v1;
	v6 =	vsub.f32 v15, v6;
	_ =	sdelay $0x1  }
0x3d3: {  	(erf) = vpow2.f32 v1;
	v6 =	vmul.f32 v6, v6;
	v24 =	vld.idx.msk [tilespmem:v18+s17+$0x0], $0xffff  }
0x3d4: {  	v17 =	vmul.f32 v12, v12;
	v18 =	vld [tilespmem:$0x1F950];
	v11 =	vmul.f32 v21, v19  }
0x3d5: {  	v12 =	vmul.f32 v21, v23;
	v23 =	vld [tilespmem:$0x1F980];
	v9 =	vmul.f32 v21, v22  }
0x3d6: {  	v1 =	vmul.f32 $1.442695020e+00, v31;
	v31 =	vld [tilespmem:$0x1F920];
	v6 =	vadd.f32 v17, v6;
	v4 =	vmul.f32 v4, v4;
	[tilespmem:v25+s0+$0x0] =	vst.idx.msk $0xffff, v11  }
0x3d7: {  	v17 =	vld [tilespmem:$0x1F940];
	[tilespmem:v27+s0+$0x0] =	vst.idx.msk $0xffff, v9  }
0x3d8: {  	v20 =	vpop (erf);
	v22 =	vld [tilespmem:$0x1F970];
	[tilespmem:v32+s0+$0x0] =	vst.idx.msk $0xffff, v12;
	v12 =	vadd.f32 v4, v6  }
0x3d9: {  	v2 =	vadd.f32 v20, v2;
	v19 =	vld [tilespmem:$0x1F960]  }
0x3da: {  	v13 =	vpop (erf);
	(erf) = vpow2.f32 v1;
	v1 =	vmul.f32 v12, v24;
	v24 =	vld [tilespmem:$0x1F990]  }
0x3db: {  	v2 =	vadd.f32 v13, v2;
	v27 =	vld [tilespmem:$0x1F9B0]  }
0x3dc: {  	v14 =	vpop (erf);
	v32 =	vld [tilespmem:$0x1F9D0]  }
0x3dd: {  	v2 =	vadd.f32 v14, v2;
	v3 =	vmul.f32 $1.442695020e+00, v3;
	v25 =	vld [tilespmem:$0x1F9A0]  }
0x3de: {  	v15 =	vld [tilespmem:$0x1FA00];
	v10 =	vpop (erf);
	v8 =	vmul.f32 v21, v31  }
0x3df: {  	v2 =	vadd.f32 v10, v2;
	v31 =	vld [tilespmem:$0x1F9C0];
	(erf) = vpow2.f32 v3;
	v4 =	vmul.f32 v21, v18  }
0x3e0: {  	v16 =	vpop (erf);
	v3 =	vmul.f32 v21, v23;
	v23 =	vld [tilespmem:$0x1FA50];
	[tilespmem:v17+s0+$0x0] =	vst.idx.msk $0xffff, v8;
	v8 =	vmul.f32 v21, v19  }
0x3e1: {  	v2 =	vadd.f32 v16, v2;
	v17 =	vld [tilespmem:$0x1FA10];
	[tilespmem:v22+s0+$0x0] =	vst.idx.msk $0xffff, v4  }
0x3e2: {  	v9 =	vpop (erf);
	v12 =	vld [tilespmem:$0x1F9F0];
	[tilespmem:v24+s0+$0x0] =	vst.idx.msk $0xffff, v8;
	v8 =	vmul.f32 v21, v25  }
0x3e3: {  	v2 =	vadd.f32 v9, v2;
	v19 =	vld [tilespmem:$0x1FA30];
	[tilespmem:v27+s0+$0x0] =	vst.idx.msk $0xffff, v3  }
0x3e4: {  	v6 =	vpop (erf);
	[tilespmem:v32+s0+$0x0] =	vst.idx.msk $0xffff, v8;
	v8 =	vld [tilespmem:$0x1F9E0]  }
0x3e5: {  	v18 =	vld [tilespmem:$0x1FA20];
	v2 =	vadd.f32 v6, v2  }
0x3e6: {  	v22 =	vld [tilespmem:$0x1FA40];
	v4 =	vpop (erf)  }
0x3e7: {  	v1 =	vmul.f32 $1.442695020e+00, v1;
	v2 =	vadd.f32 v4, v2;
	v25 =	vld [tilespmem:$0x1FA70]  }
0x3e8: {  	v11 =	vpop (erf);
	v3 =	vmul.f32 v21, v31;
	v31 =	vld [tilespmem:$0x1FA90]  }
0x3e9: {  	(erf) = vpow2.f32 v1;
	v2 =	vadd.f32 v11, v2;
	v24 =	vld [tilespmem:$0x1FA60];
	v1 =	vmul.f32 v21, v8  }
0x3ea: {  	[tilespmem:v12+s0+$0x0] =	vst.idx.msk $0xffff, v3;
	v3 =	vmul.f32 v21, v15;
	v8 =	vpop (erf)  }
0x3eb: {  	v27 =	vld [tilespmem:$0x1FA80];
	v2 =	vadd.f32 v8, v2;
	[tilespmem:v17+s0+$0x0] =	vst.idx.msk $0xffff, v1;
	v1 =	vmul.f32 v21, v18  }
0x3ec: {  	v32 =	vmul.f32 v5, v60;
	v60 =	vld [tilespmem:$0x1FAA0];
	v12 =	vpop (erf);
	[tilespmem:v19+s0+$0x0] =	vst.idx.msk $0xffff, v3  }
0x3ed: {  	v3 =	vmul.f32 v21, v22;
	v2 =	vadd.f32 v12, v2;
	[tilespmem:v23+s0+$0x0] =	vst.idx.msk $0xffff, v1;
	v23 =	vld [tilespmem:$0x1FAB0]  }
0x3ee: {  	v15 =	vpop (erf);
	v1 =	vmul.f32 v21, v24  }
0x3ef: {  	[tilespmem:v25+s0+$0x0] =	vst.idx.msk $0xffff, v3;
	v2 =	vadd.f32 v15, v2;
	v25 =	vld [tilespmem:$0x1FAC0]  }
0x3f0: {  	v17 =	vpop (erf);
	[tilespmem:v31+s0+$0x0] =	vst.idx.msk $0xffff, v1;
	v31 =	vld [tilespmem:$0x1FAD0]  }
0x3f1: {  	[tilespmem:v49+s0+$0x0] =	vst.idx.msk $0xffff, v32;
	v49 =	vld [tilespmem:$0x1FAE0];
	v2 =	vadd.f32 v17, v2  }
0x3f2: {  	v18 =	vpop (erf);
	v3 =	vmul.f32 v21, v27;
	v27 =	vmul.f32 v5, v55;
	v55 =	vld [tilespmem:$0x1FAF0]  }
0x3f3: {  	v22 =	vmul.f32 v5, v57;
	v57 =	vld [tilespmem:$0x1FB00];
	v21 =	vmul.f32 v5, v58;
	v2 =	vadd.f32 v18, v2  }
0x3f4: {  	[tilespmem:v60+s0+$0x0] =	vst.idx.msk $0xffff, v3;
	v60 =	vld [tilespmem:$0x1FB10]  }
0x3f5: {  	(erf) = vrcp.f32 v2;
	[tilespmem:v23+s0+$0x0] =	vst.idx.msk $0xffff, v21;
	v21 =	vld [tilespmem:$0x1FB20]  }
0x3f6: {  	v24 =	vmul.f32 v5, v56;
	v23 =	vld [tilespmem:$0x1FB30]  }
0x3f7: {  	[tilespmem:v25+s0+$0x0] =	vst.idx.msk $0xffff, v22;
	v25 =	vld [tilespmem:$0x1FB40]  }
0x3f8: {  	v32 =	vmul.f32 v5, v53;
	[tilespmem:v31+s0+$0x0] =	vst.idx.msk $0xffff, v24;
	v31 =	vld [tilespmem:$0x1FB50]  }
0x3f9: {  	v53 =	vmul.f32 v5, v52;
	[tilespmem:v49+s0+$0x0] =	vst.idx.msk $0xffff, v27  }
0x3fa: {  	v56 =	vmul.f32 v5, v51;
	[tilespmem:v55+s0+$0x0] =	vst.idx.msk $0xffff, v32;
	v32 =	vmul.f32 v5, v41;
	v41 =	vld [tilespmem:$0x1FB60]  }
0x3fb: {  	v58 =	vmul.f32 v5, v50;
	[tilespmem:v57+s0+$0x0] =	vst.idx.msk $0xffff, v53  }
0x3fc: {  	v19 =	vmul.f32 v5, v47;
	v24 =	vmul.f32 v5, v44;
	v44 =	vld [tilespmem:$0x1FB70];
	[tilespmem:v60+s0+$0x0] =	vst.idx.msk $0xffff, v56  }
0x3fd: {  	v22 =	vmul.f32 v5, v45;
	[tilespmem:v21+s0+$0x0] =	vst.idx.msk $0xffff, v58  }
0x3fe: {  	v47 =	vpop (erf);
	[tilespmem:v23+s0+$0x0] =	vst.idx.msk $0xffff, v19  }
0x3ff: {  	v49 =	vmul.f32 v47, v7;
	[tilespmem:v25+s0+$0x0] =	vst.idx.msk $0xffff, v22  }
0x400: {  	v27 =	vmul.f32 v5, v43;
	[tilespmem:v31+s0+$0x0] =	vst.idx.msk $0xffff, v24  }
0x401: {  	v0 =	vmul.f32 v47, v0;
	[tilespmem:v26+s0+$0x0] =	vst.idx.msk $0xffff, v49  }
0x402: {  	[tilespmem:v41+s0+$0x0] =	vst.idx.msk $0xffff, v27  }
0x403: {  	v50 =	vmul.f32 v47, v20;
	[tilespmem:v61+s0+$0x0] =	vst.idx.msk $0xffff, v0  }
0x404: {  	v43 =	vmul.f32 v5, v40;
	[tilespmem:v44+s0+$0x0] =	vst.idx.msk $0xffff, v32  }
0x405: {  	v51 =	vmul.f32 v47, v13;
	[tilespmem:v59+s0+$0x0] =	vst.idx.msk $0xffff, v50  }
0x406: {  	v45 =	vmul.f32 v5, v39;
	[tilespmem:v63+s0+$0x0] =	vst.idx.msk $0xffff, v43  }
0x407: {  	v52 =	vmul.f32 v47, v14;
	[tilespmem:v54+s0+$0x0] =	vst.idx.msk $0xffff, v51  }
0x408: {  	v53 =	vmul.f32 v47, v10;
	[tilespmem:v62+s0+$0x0] =	vst.idx.msk $0xffff, v45  }
0x409: {  	v54 =	vmul.f32 v47, v16;
	[tilespmem:v48+s0+$0x0] =	vst.idx.msk $0xffff, v52  }
0x40a: {  	v55 =	vmul.f32 v47, v9;
	[tilespmem:v46+s0+$0x0] =	vst.idx.msk $0xffff, v53  }
0x40b: {  	v56 =	vmul.f32 v47, v6;
	[tilespmem:v42+s0+$0x0] =	vst.idx.msk $0xffff, v54  }
0x40c: {  	v57 =	vmul.f32 v47, v4;
	[tilespmem:v38+s0+$0x0] =	vst.idx.msk $0xffff, v55  }
0x40d: {  	v58 =	vmul.f32 v47, v11;
	[tilespmem:v37+s0+$0x0] =	vst.idx.msk $0xffff, v56  }
0x40e: {  	s15 =	sadd.s32 $0x4, s15;
	v59 =	vmul.f32 v47, v8;
	[tilespmem:v36+s0+$0x0] =	vst.idx.msk $0xffff, v57  }
0x40f: {  	p1 =	slt.u32 s15, $0x1C;
	v60 =	vmul.f32 v47, v12;
	[tilespmem:v35+s0+$0x0] =	vst.idx.msk $0xffff, v58  }
.Ltmp7:
0x410: {  	v61 =	vmul.f32 v47, v15;
	[tilespmem:v34+s0+$0x0] =	vst.idx.msk $0xffff, v59;
	(pc) =	sbr.rel @p1 .LBB2_6-.Ltmp7, $4  }
0x411: {  	v62 =	vmul.f32 v47, v17;
	[tilespmem:v33+s0+$0x0] =	vst.idx.msk $0xffff, v60  }
0x412: {  	v63 =	vmul.f32 v47, v18;
	[tilespmem:v30+s0+$0x0] =	vst.idx.msk $0xffff, v61  }
0x413: {  	[tilespmem:v29+s0+$0x0] =	vst.idx.msk $0xffff, v62  }
0x414: {  	s8 =	sadd.s32 $0x40, s8;
	v36 =	vlaneseq.u32;
	[tilespmem:v28+s0+$0x0] =	vst.idx.msk $0xffff, v63  }
.Ltmp8:
0x415: {  	(pc) =	sbr.rel .LBB2_8-.Ltmp8, $4  }
0x416: {  	_ = 	snop  }
0x417: {  	s8 =	sshll.u32 s11, $0x9  }
0x418: {  	s8 =	sadd.s32 s3, s8  }
0x419: {  	[hbm4b:s8+s18] =	stream.strided.scatter [tilespmem:s0], [sflag:$0x6], $0x2000, s19, s18, $0x38;
	[tilespmem:$0x1C900] =	vst v63  }
.LBB2_10:
0x41a: {  	s7 =	simm.s32 $0x0;
	s8 =	rddreg [dreg:$0x6]  }
0x41b: {  	[tilespmem:s20], [sflag:$0x7] =	stream.linear.gather [hbm4b:s8+s7], $0x400, $0x38;
	[tilespmem:$0x1C900] =	vst v63  }
0x41c: {  	s15 =	rddreg [dreg:$0xb];
	s9 =	simm.s32 $0x14900  }
0x41d: {  	[tilespmem:s9], [sflag:$0x7] =	stream.linear.gather [hbm4b:s15+s7], $0x400, $0x38;
	[tilespmem:$0x1C900] =	vst v63  }
0x41e: {  	_ =	swait.ge [sflag:s5], $0x800  }
0x41f: {  	[sflag:s5] =	ssyncset.done $0x0  }
0x420: {  	s16 =	rddreg [dreg:$0x5];
	[sflag:s5] =	ssyncadd.s32 $0xFFFFF800  }
0x421: {  	[tilespmem:s21], [sflag:$0x7] =	stream.linear.gather [hbm4b:s16+s7], $0x200, $0x38;
	[tilespmem:$0x1C900] =	vst v63  }
0x422: {  	_ =	swait.ge [sflag:s5], $0x200  }
0x423: {  	[sflag:s5] =	ssyncset.done $0x0  }
0x424: {  	p1 =	por $0x1, $0x1;
	[sflag:s5] =	ssyncadd.s32 $0xFFFFFE00  }
.LBB2_11:
0x425: {  	v1 =	vor.u32 s7, v36  }
0x426: {  	v46 =	vor.u32 $0x80, v36  }
0x427: {  	v10 =	vor.u32 s7, v46  }
0x428: {  	v40 =	vor.u32 $0x100, v36  }
0x429: {  	v25 =	vor.u32 $0x180, v36;
	v11 =	vor.u32 s7, v40  }
0x42a: {  	v0 =	vor.u32 s7, v25;
	v3 =	vld.idx.msk [tilespmem:v1+s20+$0x0], $0xffff;
	_ =	sdelay $0x1  }
0x42b: {  	v4 =	vld.idx.msk [tilespmem:v10+s20+$0x0], $0xffff;
	_ =	sdelay $0x1  }
0x42c: {  	v6 =	vld.idx.msk [tilespmem:v11+s20+$0x0], $0xffff  }
0x42d: {  	v9 =	vld.idx.msk [tilespmem:v0+s20+$0x0], $0xffff;
	v5 =	vmul.u32 $0x3, v3;
	_ =	sdelay $0x1  }
0x42e: {  	v8 =	vmul.u32 $0x3, v4;
	v7 =	vadd.s32 $0x1, v5  }
0x42f: {  	[tilespmem:$0x1F260] =	vst v1;
	v1 =	vld.idx.msk [tilespmem:v1+s21+$0x0], $0xffff  }
0x430: {  	v2 =	vld.idx.msk [tilespmem:v10+s21+$0x0], $0xffff;
	v13 =	vmul.u32 $0x3, v6;
	v47 =	vadd.s32 $0x2, v5  }
0x431: {  	[tilespmem:$0x1F2C0] =	vst v0;
	v0 =	vld.idx.msk [tilespmem:v11+s21+$0x0], $0xffff;
	v15 =	vmul.u32 $0x3, v9  }
0x432: {  	v5 =	vld.idx.msk [tilespmem:v5+s4+$0x0], $0xffff  }
0x433: {  	v45 =	vadd.s32 $0x1, v8;
	v7 =	vld.idx.msk [tilespmem:v7+s4+$0x0], $0xffff  }
0x434: {  	v12 =	vadd.s32 $0x2, v8;
	v8 =	vld.idx.msk [tilespmem:v8+s4+$0x0], $0xffff  }
0x435: {  	[tilespmem:$0x1F290] =	vst v11;
	v16 =	vadd.s32 $0x1, v15;
	v11 =	vld.idx.msk [tilespmem:v47+s4+$0x0], $0xffff  }
0x436: {  	v14 =	vadd.s32 $0x1, v13;
	v17 =	vadd.s32 $0x2, v13;
	v13 =	vld.idx.msk [tilespmem:v13+s4+$0x0], $0xffff  }
0x437: {  	v18 =	vadd.s32 $0x2, v15;
	v15 =	vld.idx.msk [tilespmem:v15+s4+$0x0], $0xffff  }
0x438: {  	[tilespmem:$0x1F270] =	vst v10;
	v10 =	vld.idx.msk [tilespmem:v45+s4+$0x0], $0xffff  }
0x439: {  	v12 =	vld.idx.msk [tilespmem:v12+s4+$0x0], $0xffff  }
0x43a: {  	v26 =	vor.u32 $0x200, v36;
	v35 =	vor.u32 $0x280, v36;
	v42 =	vor.u32 $0x300, v36;
	v16 =	vld.idx.msk [tilespmem:v16+s4+$0x0], $0xffff  }
0x43b: {  	v59 =	vor.u32 s7, v26;
	v14 =	vld.idx.msk [tilespmem:v14+s4+$0x0], $0xffff;
	v5 =	vsub.f32 v5, v1;
	v7 =	vsub.f32 v7, v2  }
0x43c: {  	v37 =	vor.u32 $0x380, v36;
	v17 =	vld.idx.msk [tilespmem:v17+s4+$0x0], $0xffff;
	v8 =	vsub.f32 v8, v1;
	v11 =	vsub.f32 v11, v0  }
0x43d: {  	v23 =	vor.u32 s7, v42;
	v50 =	vsub.f32 v13, v1;
	v52 =	vsub.f32 v15, v1  }
0x43e: {  	v48 =	vld.idx.msk [tilespmem:v18+s4+$0x0], $0xffff;
	v10 =	vsub.f32 v10, v2;
	v5 =	vmul.f32 v5, v5;
	v12 =	vsub.f32 v12, v0  }
0x43f: {  	v53 =	vsub.f32 v16, v2;
	v7 =	vmul.f32 v7, v7;
	v8 =	vmul.f32 v8, v8  }
0x440: {  	v63 =	vld.idx.msk [tilespmem:v59+s20+$0x0], $0xffff;
	v51 =	vsub.f32 v14, v2;
	v49 =	vmul.f32 v11, v11;
	v11 =	vmul.f32 v50, v50  }
0x441: {  	v3 =	vld.idx.msk [tilespmem:v3+s17+$0x0], $0xffff;
	v54 =	vsub.f32 v17, v0;
	v14 =	vmul.f32 v52, v52;
	v15 =	vmul.f32 v53, v53  }
0x442: {  	v4 =	vld.idx.msk [tilespmem:v4+s17+$0x0], $0xffff;
	v10 =	vmul.f32 v10, v10;
	v13 =	vmul.f32 v51, v51;
	v5 =	vadd.f32 v7, v5  }
0x443: {  	v6 =	vld.idx.msk [tilespmem:v6+s17+$0x0], $0xffff;
	v7 =	vsub.f32 v48, v0;
	v57 =	vadd.f32 v15, v14;
	v15 =	vor.u32 s7, v35  }
0x444: {  	v31 =	vor.u32 s7, v37;
	v9 =	vld.idx.msk [tilespmem:v9+s17+$0x0], $0xffff;
	v56 =	vmul.f32 v54, v54;
	v55 =	vadd.f32 v13, v11  }
0x445: {  	v12 =	vmul.f32 v12, v12;
	v8 =	vadd.f32 v10, v8;
	v7 =	vmul.f32 v7, v7  }
0x446: {  	v38 =	vor.u32 $0x1000, v36;
	v5 =	vadd.f32 v49, v5;
	v58 =	vadd.f32 v56, v55  }
0x447: {  	v43 =	vor.u32 s7, v38;
	v8 =	vadd.f32 v12, v8;
	v7 =	vadd.f32 v7, v57  }
0x448: {  	v14 =	vmul.u32 $0x3, v63;
	v3 =	vmul.f32 v5, v3;
	v5 =	vmul.f32 v58, v6;
	v6 =	vld.idx.msk [tilespmem:v15+s20+$0x0], $0xffff  }
0x449: {  	v4 =	vmul.f32 v8, v4;
	v60 =	vmul.f32 v7, v9;
	v9 =	vld.idx.msk [tilespmem:v23+s20+$0x0], $0xffff  }
0x44a: {  	[tilespmem:$0x1F2F0] =	vst v15;
	v24 =	vadd.s32 $0x1, v14;
	v3 =	vmul.f32 $1.442695020e+00, v3;
	v15 =	vld.idx.msk [tilespmem:v31+s20+$0x0], $0xffff  }
0x44b: {  	v39 =	vor.u32 $0x1080, v36;
	v4 =	vmul.f32 $1.442695020e+00, v4  }
0x44c: {  	v55 =	vor.u32 s7, v39;
	(erf) = vpow2.f32 v3  }
0x44d: {  	v54 =	vld.idx.msk [tilespmem:v43+s20+$0x0], $0xffff;
	(erf) = vpow2.f32 v4;
	v4 =	vadd.s32 $0x2, v14;
	v27 =	vmul.u32 $0x3, v6  }
0x44e: {  	v22 =	vld.idx.msk [tilespmem:v14+s4+$0x0], $0xffff;
	v30 =	vmul.u32 $0x3, v9  }
0x44f: {  	v7 =	vld.idx.msk [tilespmem:v24+s4+$0x0], $0xffff;
	v49 =	vmul.u32 $0x3, v15  }
0x450: {  	v3 =	vld.idx.msk [tilespmem:v63+s17+$0x0], $0xffff  }
0x451: {  	v63 =	vld.idx.msk [tilespmem:v55+s20+$0x0], $0xffff;
	v28 =	vadd.s32 $0x1, v27  }
0x452: {  	v29 =	vadd.s32 $0x2, v27;
	v4 =	vld.idx.msk [tilespmem:v4+s4+$0x0], $0xffff  }
0x453: {  	v61 =	vmul.f32 $1.442695020e+00, v5;
	v32 =	vadd.s32 $0x1, v30;
	v8 =	vld.idx.msk [tilespmem:v27+s4+$0x0], $0xffff  }
0x454: {  	v62 =	vmul.f32 $1.442695020e+00, v60;
	v60 =	vmul.u32 $0x3, v54;
	v33 =	vadd.s32 $0x2, v30;
	v34 =	vld.idx.msk [tilespmem:v30+s4+$0x0], $0xffff  }
0x455: {  	[tilespmem:$0x1F320] =	vst v23;
	v5 =	vsub.f32 v22, v1;
	v7 =	vsub.f32 v7, v2;
	v56 =	vadd.s32 $0x2, v49;
	v58 =	vld.idx.msk [tilespmem:v49+s4+$0x0], $0xffff  }
0x456: {  	[tilespmem:$0x1F340] =	vst v31;
	v31 =	vor.u32 $0x1180, v36;
	(erf) = vpow2.f32 v61;
	v23 =	vadd.s32 $0x1, v60;
	v10 =	vld.idx.msk [tilespmem:v28+s4+$0x0], $0xffff  }
0x457: {  	v24 =	vadd.s32 $0x2, v60;
	v5 =	vmul.f32 v5, v5;
	v7 =	vmul.f32 v7, v7;
	v11 =	vld.idx.msk [tilespmem:v29+s4+$0x0], $0xffff  }
0x458: {  	(erf) = vpow2.f32 v62;
	v53 =	vadd.s32 $0x1, v49;
	v41 =	vld.idx.msk [tilespmem:v32+s4+$0x0], $0xffff;
	v29 =	vmul.u32 $0x3, v63  }
0x459: {  	[tilespmem:$0x1F360] =	vst v43;
	v21 =	vpop (erf);
	v5 =	vadd.f32 v7, v5;
	v30 =	vor.u32 $0x1100, v36;
	v44 =	vld.idx.msk [tilespmem:v33+s4+$0x0], $0xffff;
	v4 =	vsub.f32 v4, v0  }
0x45a: {  	[tilespmem:$0x1F240] =	vst v21;
	v61 =	vor.u32 s7, v30;
	v21 =	vadd.f32 $9.999999930e-09, v21;
	v22 =	vld.idx.msk [tilespmem:v56+s4+$0x0], $0xffff;
	v43 =	vadd.s32 $0x1, v29  }
0x45b: {  	v4 =	vmul.f32 v4, v4;
	v8 =	vsub.f32 v8, v1;
	v51 =	vsub.f32 v34, v1  }
0x45c: {  	v50 =	vld.idx.msk [tilespmem:v6+s17+$0x0], $0xffff;
	v33 =	vor.u32 s7, v31;
	v27 =	vsub.f32 v58, v1;
	v10 =	vsub.f32 v10, v2  }
0x45d: {  	v9 =	vld.idx.msk [tilespmem:v9+s17+$0x0], $0xffff;
	v32 =	vor.u32 $0x1280, v36;
	v4 =	vadd.f32 v4, v5;
	v48 =	vsub.f32 v11, v0  }
0x45e: {  	v52 =	vsub.f32 v41, v2;
	v13 =	vsub.f32 v44, v0;
	v41 =	vld.idx.msk [tilespmem:v23+s4+$0x0], $0xffff;
	v45 =	vmul.f32 v8, v8  }
0x45f: {  	v34 =	vsub.f32 v22, v0;
	v6 =	vmul.f32 v51, v51;
	v8 =	vld.idx.msk [tilespmem:v60+s4+$0x0], $0xffff;
	v47 =	vmul.f32 v10, v10  }
0x460: {  	[tilespmem:$0x1F2D0] =	vst v59;
	v44 =	vadd.s32 $0x2, v29;
	v7 =	vmul.f32 v52, v52;
	v57 =	vmul.f32 v13, v13;
	v13 =	vld.idx.msk [tilespmem:v43+s4+$0x0], $0xffff  }
0x461: {  	v18 =	vpop (erf);
	v59 =	vld.idx.msk [tilespmem:v53+s4+$0x0], $0xffff;
	v3 =	vmul.f32 v4, v3;
	v10 =	vmul.f32 v48, v48;
	v5 =	vadd.f32 v47, v45  }
0x462: {  	[tilespmem:$0x1F3B0] =	vst v55;
	v55 =	vor.u32 s7, v32;
	v17 =	vld.idx.msk [tilespmem:v33+s20+$0x0], $0xffff;
	v6 =	vadd.f32 v7, v6;
	v7 =	vadd.f32 v18, v21  }
0x463: {  	v20 =	vpop (erf);
	v3 =	vmul.f32 $1.442695020e+00, v3;
	v49 =	vsub.f32 v41, v2;
	v5 =	vadd.f32 v10, v5  }
0x464: {  	[tilespmem:$0x1F3F0] =	vst v33;
	v33 =	vor.u32 $0x1380, v36;
	v62 =	vadd.f32 v57, v6;
	v7 =	vadd.f32 v20, v7  }
0x465: {  	(erf) = vpow2.f32 v3;
	v10 =	vld.idx.msk [tilespmem:v61+s20+$0x0], $0xffff;
	v8 =	vsub.f32 v8, v1;
	v13 =	vsub.f32 v13, v2  }
0x466: {  	v19 =	vpop (erf);
	v16 =	vld.idx.msk [tilespmem:v44+s4+$0x0], $0xffff;
	v4 =	vmul.f32 v5, v50;
	v3 =	vmul.f32 v62, v9;
	v5 =	vsub.f32 v59, v2  }
0x467: {  	v7 =	vadd.f32 v19, v7;
	v50 =	vld.idx.msk [tilespmem:v29+s4+$0x0], $0xffff;
	v8 =	vmul.f32 v8, v8;
	v59 =	vmul.u32 $0x3, v17  }
0x468: {  	v6 =	vld.idx.msk [tilespmem:v63+s17+$0x0], $0xffff;
	v29 =	vor.u32 $0x1300, v36;
	v13 =	vmul.f32 v13, v13;
	v4 =	vmul.f32 $1.442695020e+00, v4  }
0x469: {  	v9 =	vld.idx.msk [tilespmem:v24+s4+$0x0], $0xffff;
	v63 =	vor.u32 s7, v29;
	v3 =	vmul.f32 $1.442695020e+00, v3;
	v5 =	vmul.f32 v5, v5  }
0x46a: {  	v15 =	vld.idx.msk [tilespmem:v15+s17+$0x0], $0xffff;
	v62 =	vadd.s32 $0x1, v59;
	v48 =	vmul.u32 $0x3, v10;
	(erf) = vpow2.f32 v4  }
0x46b: {  	v47 =	vld.idx.msk [tilespmem:v54+s17+$0x0], $0xffff;
	v24 =	vsub.f32 v16, v0;
	v4 =	vmul.f32 v27, v27;
	(erf) = vpow2.f32 v3  }
0x46c: {  	[tilespmem:$0x1F2A0] =	vst v19;
	v19 =	vld.idx.msk [tilespmem:v55+s20+$0x0], $0xffff;
	v3 =	vmul.f32 v34, v34;
	v52 =	vadd.s32 $0x1, v48;
	v11 =	vsub.f32 v50, v1  }
0x46d: {  	v34 =	vor.u32 $0x1200, v36;
	v54 =	vadd.s32 $0x2, v48;
	v4 =	vadd.f32 v5, v4;
	v28 =	vld.idx.msk [tilespmem:v59+s4+$0x0], $0xffff  }
0x46e: {  	[tilespmem:$0x1F280] =	vst v20;
	v9 =	vsub.f32 v9, v0;
	v51 =	vor.u32 s7, v34;
	v20 =	vld.idx.msk [tilespmem:v63+s20+$0x0], $0xffff;
	v11 =	vmul.f32 v11, v11  }
0x46f: {  	v27 =	vadd.s32 $0x2, v59;
	v43 =	vld.idx.msk [tilespmem:v62+s4+$0x0], $0xffff;
	v3 =	vadd.f32 v3, v4;
	v4 =	vmul.f32 v49, v49  }
0x470: {  	v5 =	vmul.f32 v24, v24;
	v57 =	vmul.f32 v9, v9;
	v58 =	vld.idx.msk [tilespmem:v48+s4+$0x0], $0xffff;
	v11 =	vadd.f32 v13, v11  }
0x471: {  	[tilespmem:$0x1F3D0] =	vst v61;
	v45 =	vpop (erf);
	v48 =	vmul.u32 $0x3, v19;
	v3 =	vmul.f32 v3, v15;
	v4 =	vadd.f32 v4, v8;
	v61 =	vld.idx.msk [tilespmem:v52+s4+$0x0], $0xffff  }
0x472: {  	[tilespmem:$0x1F250] =	vst v18;
	v22 =	vor.u32 s7, v33;
	v7 =	vadd.f32 v45, v7;
	v18 =	vld.idx.msk [tilespmem:v54+s4+$0x0], $0xffff;
	v5 =	vadd.f32 v5, v11  }
0x473: {  	v60 =	vld.idx.msk [tilespmem:v51+s20+$0x0], $0xffff;
	v50 =	vadd.s32 $0x1, v48;
	v3 =	vmul.f32 $1.442695020e+00, v3;
	v4 =	vadd.f32 v57, v4  }
0x474: {  	v52 =	vadd.s32 $0x2, v48;
	v13 =	vsub.f32 v43, v2;
	v53 =	vpop (erf);
	v49 =	vmul.f32 v5, v6  }
0x475: {  	[tilespmem:$0x1F2B0] =	vst v45;
	v45 =	vld.idx.msk [tilespmem:v27+s4+$0x0], $0xffff;
	v7 =	vadd.f32 v53, v7;
	v4 =	vmul.f32 v4, v47;
	(erf) = vpow2.f32 v3  }
0x476: {  	v17 =	vld.idx.msk [tilespmem:v17+s17+$0x0], $0xffff;
	[tilespmem:$0x1F2E0] =	vst v53;
	v9 =	vsub.f32 v58, v1;
	v3 =	vsub.f32 v28, v1;
	v53 =	vmul.u32 $0x3, v20  }
0x477: {  	v10 =	vld.idx.msk [tilespmem:v10+s17+$0x0], $0xffff;
	v56 =	vpop (erf);
	v13 =	vmul.f32 v13, v13;
	v8 =	vsub.f32 v61, v2;
	v18 =	vsub.f32 v18, v0  }
0x478: {  	v6 =	vld.idx.msk [tilespmem:v22+s20+$0x0], $0xffff;
	v7 =	vadd.f32 v56, v7;
	v41 =	vmul.u32 $0x3, v60;
	v57 =	vadd.s32 $0x1, v53  }
0x479: {  	[tilespmem:$0x1F300] =	vst v56;
	v4 =	vmul.f32 $1.442695020e+00, v4;
	v9 =	vmul.f32 v9, v9;
	v56 =	vld.idx.msk [tilespmem:v48+s4+$0x0], $0xffff;
	v59 =	vadd.s32 $0x2, v53  }
0x47a: {  	v54 =	vsub.f32 v45, v0;
	v3 =	vmul.f32 v3, v3;
	v58 =	vld.idx.msk [tilespmem:v50+s4+$0x0], $0xffff;
	v8 =	vmul.f32 v8, v8  }
0x47b: {  	[tilespmem:$0x1F400] =	vst v51;
	v62 =	vld.idx.msk [tilespmem:v52+s4+$0x0], $0xffff;
	v51 =	vmul.f32 v18, v18;
	v44 =	vadd.s32 $0x1, v41;
	v47 =	vadd.s32 $0x2, v41  }
0x47c: {  	s8 =	sor.u32 $0x10, s7;
	[tilespmem:$0x1F420] =	vst v63;
	(erf) = vpow2.f32 v4;
	v4 =	vmul.f32 $1.442695020e+00, v49;
	v8 =	vadd.f32 v8, v9;
	v63 =	vld.idx.msk [tilespmem:v53+s4+$0x0], $0xffff  }
0x47d: {  	v24 =	vor.u32 s8, v36;
	v23 =	vmul.u32 $0x3, v6;
	v3 =	vadd.f32 v13, v3;
	v28 =	vld.idx.msk [tilespmem:v57+s4+$0x0], $0xffff  }
0x47e: {  	v9 =	vmul.f32 v54, v54;
	(erf) = vpow2.f32 v4;
	v8 =	vadd.f32 v51, v8;
	v5 =	vld.idx.msk [tilespmem:v59+s4+$0x0], $0xffff  }
0x47f: {  	v27 =	vadd.s32 $0x1, v23;
	v16 =	vsub.f32 v56, v1;
	v4 =	vsub.f32 v58, v2;
	v12 =	vld.idx.msk [tilespmem:v41+s4+$0x0], $0xffff  }
0x480: {  	v45 =	vor.u32 s8, v46;
	v3 =	vadd.f32 v9, v3;
	v14 =	vld.idx.msk [tilespmem:v44+s4+$0x0], $0xffff;
	v8 =	vmul.f32 v8, v10  }
0x481: {  	[tilespmem:$0x1F410] =	vst v55;
	v41 =	vadd.s32 $0x2, v23;
	v55 =	vld.idx.msk [tilespmem:v47+s4+$0x0], $0xffff;
	v16 =	vmul.f32 v16, v16;
	v4 =	vmul.f32 v4, v4;
	v47 =	vpop (erf)  }
0x482: {  	v57 =	vor.u32 s8, v40;
	v3 =	vmul.f32 v3, v17;
	v17 =	vld.idx.msk [tilespmem:v24+s20+$0x0], $0xffff;
	v7 =	vadd.f32 v47, v7  }
0x483: {  	v43 =	vld.idx.msk [tilespmem:v23+s4+$0x0], $0xffff;
	v8 =	vmul.f32 $1.442695020e+00, v8;
	v4 =	vadd.f32 v4, v16;
	v9 =	vsub.f32 v63, v1  }
0x484: {  	v3 =	vmul.f32 $1.442695020e+00, v3;
	v44 =	vld.idx.msk [tilespmem:v27+s4+$0x0], $0xffff;
	v51 =	vsub.f32 v28, v2;
	v5 =	vsub.f32 v5, v0  }
0x485: {  	v50 =	vld.idx.msk [tilespmem:v19+s17+$0x0], $0xffff;
	v12 =	vsub.f32 v12, v1;
	(erf) = vpow2.f32 v8;
	v61 =	vsub.f32 v14, v2  }
0x486: {  	v49 =	vld.idx.msk [tilespmem:v41+s4+$0x0], $0xffff;
	v9 =	vmul.f32 v9, v9;
	v11 =	vsub.f32 v55, v0;
	v14 =	vsub.f32 v62, v0  }
0x487: {  	v60 =	vld.idx.msk [tilespmem:v60+s17+$0x0], $0xffff;
	(erf) = vpow2.f32 v3;
	v52 =	vmul.u32 $0x3, v17;
	v5 =	vmul.f32 v5, v5  }
0x488: {  	v54 =	vmovc v45;
	v12 =	vmul.f32 v12, v12;
	v1 =	vsub.f32 v43, v1;
	v13 =	vmul.f32 v61, v61  }
0x489: {  	v53 =	vld.idx.msk [tilespmem:v45+s20+$0x0], $0xffff;
	v11 =	vmul.f32 v11, v11;
	v48 =	vmul.f32 v14, v14;
	v2 =	vsub.f32 v44, v2  }
0x48a: {  	v6 =	vld.idx.msk [tilespmem:v6+s17+$0x0], $0xffff;
	v56 =	vadd.s32 $0x1, v52;
	v59 =	vadd.s32 $0x2, v52;
	v12 =	vadd.f32 v13, v12  }
0x48b: {  	v55 =	vld.idx.msk [tilespmem:v20+s17+$0x0], $0xffff;
	v1 =	vmul.f32 v1, v1;
	v3 =	vsub.f32 v49, v0;
	v2 =	vmul.f32 v2, v2  }
0x48c: {  	[tilespmem:$0x1F450] =	vst v24;
	v0 =	vld.idx.msk [tilespmem:v24+s21+$0x0], $0xffff;
	v24 =	vor.u32 s8, v26;
	v11 =	vadd.f32 v11, v12;
	v12 =	vmul.f32 v51, v51  }
0x48d: {  	v4 =	vadd.f32 v48, v4;
	v2 =	vadd.f32 v2, v1;
	v3 =	vmul.f32 v3, v3;
	v1 =	vld.idx.msk [tilespmem:v54+s21+$0x0], $0xffff  }
0x48e: {  	v61 =	vpop (erf);
	v58 =	vld.idx.msk [tilespmem:v52+s4+$0x0], $0xffff;
	v10 =	vmul.f32 v11, v60;
	v9 =	vadd.f32 v12, v9;
	v60 =	vmul.u32 $0x3, v53  }
0x48f: {  	v7 =	vadd.f32 v61, v7;
	v4 =	vmul.f32 v4, v50;
	v62 =	vld.idx.msk [tilespmem:v56+s4+$0x0], $0xffff;
	v2 =	vadd.f32 v3, v2  }
0x490: {  	v11 =	vld.idx.msk [tilespmem:v59+s4+$0x0], $0xffff;
	v10 =	vmul.f32 $1.442695020e+00, v10;
	v5 =	vadd.f32 v5, v9;
	v21 =	vadd.s32 $0x1, v60  }
0x491: {  	[tilespmem:$0x1F430] =	vst v22;
	v22 =	vpop (erf);
	v4 =	vmul.f32 $1.442695020e+00, v4;
	v14 =	vld.idx.msk [tilespmem:v24+s20+$0x0], $0xffff;
	v20 =	vmul.f32 v2, v6;
	v23 =	vadd.s32 $0x2, v60  }
0x492: {  	v7 =	vadd.f32 v22, v7;
	v2 =	vld.idx.msk [tilespmem:v57+s21+$0x0], $0xffff;
	(erf) = vpow2.f32 v10;
	v5 =	vmul.f32 v5, v55  }
0x493: {  	v63 =	vor.u32 s8, v25;
	v27 =	vpop (erf);
	v10 =	vld.idx.msk [tilespmem:v57+s20+$0x0], $0xffff  }
0x494: {  	[tilespmem:$0x1F490] =	vst v45;
	v7 =	vadd.f32 v27, v7;
	(erf) = vpow2.f32 v4;
	v5 =	vmul.f32 $1.442695020e+00, v5;
	v41 =	vld.idx.msk [tilespmem:v60+s4+$0x0], $0xffff  }
0x495: {  	[tilespmem:$0x1F4A0] =	vst v57;
	v48 =	vor.u32 s8, v35;
	v28 =	vsub.f32 v58, v0;
	v3 =	vsub.f32 v62, v1;
	v6 =	vld.idx.msk [tilespmem:v21+s4+$0x0], $0xffff  }
0x496: {  	[tilespmem:$0x1F310] =	vst v47;
	v4 =	vmul.f32 $1.442695020e+00, v20;
	v56 =	vmul.u32 $0x3, v14;
	v13 =	vld.idx.msk [tilespmem:v23+s4+$0x0], $0xffff;
	(erf) = vpow2.f32 v5  }
0x497: {  	[tilespmem:$0x1F4C0] =	vst v63;
	v43 =	vpop (erf);
	v3 =	vmul.f32 v3, v3;
	v11 =	vsub.f32 v11, v2;
	v5 =	vmul.f32 v28, v28  }
0x498: {  	[tilespmem:$0x1F330] =	vst v61;
	v7 =	vadd.f32 v43, v7;
	v60 =	vadd.s32 $0x1, v56;
	(erf) = vpow2.f32 v4;
	v4 =	vld.idx.msk [tilespmem:v63+s20+$0x0], $0xffff  }
0x499: {  	[tilespmem:$0x1F4D0] =	vst v24;
	v61 =	vadd.s32 $0x2, v56;
	v11 =	vmul.f32 v11, v11;
	v3 =	vadd.f32 v3, v5  }
0x49a: {  	v8 =	vld.idx.msk [tilespmem:v53+s17+$0x0], $0xffff;
	[tilespmem:$0x1F500] =	vst v48;
	v44 =	vmul.u32 $0x3, v10;
	v9 =	vsub.f32 v41, v0;
	v6 =	vsub.f32 v6, v1  }
0x49b: {  	v49 =	vld.idx.msk [tilespmem:v17+s17+$0x0], $0xffff;
	[tilespmem:$0x1F350] =	vst v22;
	v63 =	vor.u32 s8, v42;
	v13 =	vsub.f32 v13, v2;
	v3 =	vadd.f32 v11, v3;
	v45 =	vpop (erf)  }
0x49c: {  	v11 =	vld.idx.msk [tilespmem:v48+s20+$0x0], $0xffff;
	v9 =	vmul.f32 v9, v9;
	v7 =	vadd.f32 v45, v7;
	v6 =	vmul.f32 v6, v6  }
0x49d: {  	[tilespmem:$0x1F370] =	vst v27;
	v47 =	vadd.s32 $0x1, v44;
	v51 =	vadd.s32 $0x2, v44;
	v24 =	vld.idx.msk [tilespmem:v56+s4+$0x0], $0xffff;
	v50 =	vpop (erf);
	v52 =	vmul.u32 $0x3, v4  }
0x49e: {  	v16 =	vld.idx.msk [tilespmem:v60+s4+$0x0], $0xffff;
	v57 =	vmul.f32 v13, v13;
	v7 =	vadd.f32 v50, v7;
	v6 =	vadd.f32 v6, v9  }
0x49f: {  	[tilespmem:$0x1F380] =	vst v43;
	v43 =	vor.u32 s8, v37;
	v41 =	vld.idx.msk [tilespmem:v61+s4+$0x0], $0xffff;
	v54 =	vpop (erf)  }
0x4a0: {  	[tilespmem:$0x1F540] =	vst v43;
	v18 =	vld.idx.msk [tilespmem:v63+s20+$0x0], $0xffff;
	v53 =	vadd.s32 $0x1, v52;
	v7 =	vadd.f32 v54, v7;
	v6 =	vadd.f32 v57, v6  }
0x4a1: {  	[tilespmem:$0x1F520] =	vst v63;
	v3 =	vmul.f32 v3, v49;
	v12 =	vld.idx.msk [tilespmem:v44+s4+$0x0], $0xffff;
	v55 =	vadd.s32 $0x2, v52;
	v59 =	vpop (erf)  }
0x4a2: {  	[tilespmem:$0x1F390] =	vst v45;
	v5 =	vld.idx.msk [tilespmem:v47+s4+$0x0], $0xffff;
	v27 =	vmul.u32 $0x3, v11;
	v7 =	vadd.f32 v59, v7;
	v6 =	vmul.f32 v6, v8  }
0x4a3: {  	[tilespmem:$0x1F3A0] =	vst v50;
	v58 =	vld.idx.msk [tilespmem:v51+s4+$0x0], $0xffff;
	v3 =	vmul.f32 $1.442695020e+00, v3  }
0x4a4: {  	[tilespmem:$0x1F3C0] =	vst v54;
	v17 =	vld.idx.msk [tilespmem:v52+s4+$0x0], $0xffff;
	(erf) = vrcp.f32 v7;
	v28 =	vmul.f32 $1.442695020e+00, v6  }
0x4a5: {  	[tilespmem:$0x1F3E0] =	vst v59;
	v45 =	vadd.s32 $0x1, v27;
	v62 =	vld.idx.msk [tilespmem:v53+s4+$0x0], $0xffff;
	(erf) = vpow2.f32 v3  }
0x4a6: {  	v23 =	vld.idx.msk [tilespmem:v55+s4+$0x0], $0xffff;
	(erf) = vpow2.f32 v28  }
0x4a7: {  	v15 =	vadd.s32 $0x2, v27;
	v49 =	vmul.u32 $0x3, v18;
	v3 =	vld.idx.msk [tilespmem:v10+s17+$0x0], $0xffff  }
0x4a8: {  	v16 =	vsub.f32 v16, v1;
	v22 =	vsub.f32 v12, v0;
	v48 =	vld.idx.msk [tilespmem:v27+s4+$0x0], $0xffff  }
0x4a9: {  	v60 =	vor.u32 s8, v39;
	v8 =	vsub.f32 v24, v0;
	v5 =	vsub.f32 v5, v1;
	v19 =	vld.idx.msk [tilespmem:v43+s20+$0x0], $0xffff  }
0x4aa: {  	v50 =	vor.u32 s8, v38;
	v16 =	vmul.f32 v16, v16;
	v7 =	vmul.f32 v22, v22;
	v13 =	vld.idx.msk [tilespmem:v45+s4+$0x0], $0xffff  }
0x4ab: {  	v57 =	vadd.s32 $0x2, v49;
	v8 =	vmul.f32 v8, v8;
	v5 =	vmul.f32 v5, v5;
	v53 =	vld.idx.msk [tilespmem:v14+s17+$0x0], $0xffff  }
0x4ac: {  	v44 =	vsub.f32 v58, v2;
	v54 =	vadd.s32 $0x1, v49;
	v6 =	vsub.f32 v41, v2;
	v56 =	vld.idx.msk [tilespmem:v15+s4+$0x0], $0xffff  }
0x4ad: {  	v8 =	vadd.f32 v16, v8;
	v5 =	vadd.f32 v5, v7;
	v63 =	vld.idx.msk [tilespmem:v49+s4+$0x0], $0xffff  }
0x4ae: {  	v6 =	vmul.f32 v6, v6;
	v47 =	vsub.f32 v17, v0;
	v43 =	vld.idx.msk [tilespmem:v60+s20+$0x0], $0xffff;
	v9 =	vsub.f32 v62, v1  }
0x4af: {  	v7 =	vmul.f32 v44, v44;
	v45 =	vor.u32 s8, v30;
	v12 =	vsub.f32 v23, v2;
	v62 =	vld.idx.msk [tilespmem:v50+s20+$0x0], $0xffff  }
0x4b0: {  	v6 =	vadd.f32 v6, v8;
	v41 =	vld.idx.msk [tilespmem:v57+s4+$0x0], $0xffff;
	v10 =	vmul.f32 v47, v47;
	v9 =	vmul.f32 v9, v9  }
0x4b1: {  	v5 =	vadd.f32 v7, v5;
	v52 =	vmul.f32 v12, v12;
	v12 =	vld.idx.msk [tilespmem:v54+s4+$0x0], $0xffff;
	v54 =	vor.u32 s8, v31  }
0x4b2: {  	v51 =	vadd.f32 v9, v10;
	v59 =	vmul.u32 $0x3, v19;
	v61 =	vsub.f32 v48, v0  }
0x4b3: {  	[tilespmem:$0x1F560] =	vst v50;
	v4 =	vld.idx.msk [tilespmem:v4+s17+$0x0], $0xffff;
	v13 =	vsub.f32 v13, v1;
	v6 =	vmul.f32 v6, v53;
	v53 =	vmul.u32 $0x3, v43  }
0x4b4: {  	v50 =	vld.idx.msk [tilespmem:v18+s17+$0x0], $0xffff;
	v3 =	vmul.f32 v5, v3;
	v28 =	vsub.f32 v56, v2;
	v10 =	vsub.f32 v63, v0  }
0x4b5: {  	[tilespmem:$0x1F5A0] =	vst v45;
	v18 =	vld.idx.msk [tilespmem:v45+s20+$0x0], $0xffff;
	v45 =	vor.u32 s8, v29;
	v44 =	vmul.u32 $0x3, v62;
	v24 =	vadd.s32 $0x1, v59  }
0x4b6: {  	v58 =	vld.idx.msk [tilespmem:v11+s17+$0x0], $0xffff;
	v7 =	vsub.f32 v41, v2;
	v41 =	vor.u32 s8, v32;
	v27 =	vadd.s32 $0x2, v59  }
0x4b7: {  	v55 =	vadd.f32 v52, v51;
	v3 =	vmul.f32 $1.442695020e+00, v3;
	v5 =	vmul.f32 v61, v61;
	v52 =	vld.idx.msk [tilespmem:v19+s17+$0x0], $0xffff  }
0x4b8: {  	v13 =	vmul.f32 v13, v13;
	v57 =	vadd.s32 $0x2, v53;
	v49 =	vadd.s32 $0x1, v44;
	v11 =	vld.idx.msk [tilespmem:v59+s4+$0x0], $0xffff  }
0x4b9: {  	v12 =	vsub.f32 v12, v1;
	v51 =	vadd.s32 $0x2, v44;
	v4 =	vmul.f32 v55, v4;
	v59 =	vld.idx.msk [tilespmem:v53+s4+$0x0], $0xffff  }
0x4ba: {  	(erf) = vpow2.f32 v3;
	v5 =	vadd.f32 v13, v5;
	v3 =	vmul.f32 v28, v28;
	v47 =	vld.idx.msk [tilespmem:v24+s4+$0x0], $0xffff  }
0x4bb: {  	v10 =	vmul.f32 v10, v10;
	v55 =	vadd.s32 $0x1, v53;
	v12 =	vmul.f32 v12, v12;
	v48 =	vld.idx.msk [tilespmem:v27+s4+$0x0], $0xffff  }
0x4bc: {  	[tilespmem:$0x1F580] =	vst v60;
	v60 =	vmul.u32 $0x3, v18;
	v4 =	vmul.f32 $1.442695020e+00, v4;
	v3 =	vadd.f32 v3, v5;
	v13 =	vld.idx.msk [tilespmem:v44+s4+$0x0], $0xffff  }
0x4bd: {  	v6 =	vmul.f32 $1.442695020e+00, v6;
	v7 =	vmul.f32 v7, v7;
	v10 =	vadd.f32 v12, v10;
	v24 =	vld.idx.msk [tilespmem:v57+s4+$0x0], $0xffff  }
0x4be: {  	v63 =	vadd.s32 $0x1, v60;
	(erf) = vpow2.f32 v4;
	v3 =	vmul.f32 v3, v58;
	v56 =	vld.idx.msk [tilespmem:v51+s4+$0x0], $0xffff  }
0x4bf: {  	v27 =	vadd.s32 $0x2, v60;
	(erf) = vpow2.f32 v6;
	v6 =	vld.idx.msk [tilespmem:v49+s4+$0x0], $0xffff;
	v7 =	vadd.f32 v7, v10  }
0x4c0: {  	[tilespmem:$0x1F5C0] =	vst v54;
	v58 =	vor.u32 s8, v34;
	v10 =	vld.idx.msk [tilespmem:v54+s20+$0x0], $0xffff;
	v54 =	vor.u32 s8, v33;
	v3 =	vmul.f32 $1.442695020e+00, v3  }
0x4c1: {  	v61 =	vld.idx.msk [tilespmem:v55+s4+$0x0], $0xffff;
	v11 =	vsub.f32 v11, v0;
	v7 =	vmul.f32 v7, v50;
	v4 =	vsub.f32 v47, v1  }
0x4c2: {  	v22 =	vld.idx.msk [tilespmem:v41+s20+$0x0], $0xffff;
	v5 =	vsub.f32 v48, v2;
	(erf) = vpow2.f32 v3;
	v13 =	vsub.f32 v13, v0  }
0x4c3: {  	v17 =	vld.idx.msk [tilespmem:v60+s4+$0x0], $0xffff;
	v47 =	vsub.f32 v24, v2;
	v11 =	vmul.f32 v11, v11;
	v7 =	vmul.f32 $1.442695020e+00, v7  }
0x4c4: {  	v48 =	vld.idx.msk [tilespmem:v27+s4+$0x0], $0xffff;
	v12 =	vsub.f32 v56, v2;
	v4 =	vmul.f32 v4, v4;
	v5 =	vmul.f32 v5, v5  }
0x4c5: {  	v44 =	vld.idx.msk [tilespmem:v63+s4+$0x0], $0xffff;
	v6 =	vsub.f32 v6, v1;
	v28 =	vmul.u32 $0x3, v10;
	v13 =	vmul.f32 v13, v13  }
0x4c6: {  	v19 =	vld.idx.msk [tilespmem:v58+s20+$0x0], $0xffff;
	v3 =	vsub.f32 v61, v1;
	v51 =	vmul.f32 v47, v47;
	v12 =	vmul.f32 v12, v12  }
0x4c7: {  	(erf) = vpow2.f32 v7;
	v4 =	vadd.f32 v4, v11;
	v6 =	vmul.f32 v6, v6  }
0x4c8: {  	v9 =	vld.idx.msk [tilespmem:v43+s17+$0x0], $0xffff;
	v11 =	vsub.f32 v59, v0;
	v43 =	vadd.s32 $0x1, v28;
	v3 =	vmul.f32 v3, v3  }
0x4c9: {  	v62 =	vld.idx.msk [tilespmem:v62+s17+$0x0], $0xffff;
	v49 =	vadd.s32 $0x2, v28;
	v56 =	vsub.f32 v17, v0;
	v15 =	vsub.f32 v48, v2  }
0x4ca: {  	v24 =	vld.idx.msk [tilespmem:v54+s20+$0x0], $0xffff;
	v59 =	vmul.u32 $0x3, v22;
	v4 =	vadd.f32 v5, v4;
	v6 =	vadd.f32 v6, v13  }
0x4cb: {  	v55 =	vld.idx.msk [tilespmem:v18+s17+$0x0], $0xffff;
	v11 =	vmul.f32 v11, v11;
	v50 =	vmul.u32 $0x3, v19;
	v13 =	vsub.f32 v44, v1  }
0x4cc: {  	v61 =	vadd.s32 $0x1, v59;
	v15 =	vmul.f32 v15, v15;
	v4 =	vmul.f32 v4, v52;
	v8 =	vld.idx.msk [tilespmem:v28+s4+$0x0], $0xffff  }
0x4cd: {  	v6 =	vadd.f32 v12, v6;
	v3 =	vadd.f32 v3, v11;
	v53 =	vadd.s32 $0x1, v50;
	v52 =	vld.idx.msk [tilespmem:v43+s4+$0x0], $0xffff  }
0x4ce: {  	[tilespmem:$0x1F5E0] =	vst v58;
	v58 =	vadd.s32 $0x2, v50;
	v11 =	vmul.f32 v56, v56;
	v13 =	vmul.f32 v13, v13;
	v57 =	vld.idx.msk [tilespmem:v49+s4+$0x0], $0xffff  }
0x4cf: {  	v49 =	vmul.u32 $0x3, v24;
	v4 =	vmul.f32 $1.442695020e+00, v4;
	v5 =	vmul.f32 v6, v62;
	v6 =	vld.idx.msk [tilespmem:v45+s20+$0x0], $0xffff  }
0x4d0: {  	v3 =	vadd.f32 v51, v3;
	v62 =	vadd.s32 $0x2, v59;
	v11 =	vadd.f32 v13, v11;
	v43 =	vld.idx.msk [tilespmem:v59+s4+$0x0], $0xffff  }
0x4d1: {  	s15 =	sor.u32 $0x20, s7;
	[tilespmem:$0x1F620] =	vst v45;
	v45 =	vld.idx.msk [tilespmem:v61+s4+$0x0], $0xffff;
	v18 =	vadd.s32 $0x2, v49;
	(erf) = vpow2.f32 v4;
	v5 =	vmul.f32 $1.442695020e+00, v5  }
0x4d2: {  	[tilespmem:$0x1F600] =	vst v41;
	v60 =	vld.idx.msk [tilespmem:v50+s4+$0x0], $0xffff;
	v3 =	vmul.f32 v3, v9;
	v41 =	vadd.f32 v15, v11;
	v4 =	vor.u32 s15, v36  }
0x4d3: {  	v8 =	vsub.f32 v8, v0;
	v12 =	vld.idx.msk [tilespmem:v53+s4+$0x0], $0xffff;
	v7 =	vsub.f32 v52, v1;
	(erf) = vpow2.f32 v5  }
0x4d4: {  	v27 =	vld.idx.msk [tilespmem:v58+s4+$0x0], $0xffff;
	v63 =	vsub.f32 v57, v2;
	v3 =	vmul.f32 $1.442695020e+00, v3;
	v53 =	vmul.f32 v41, v55  }
0x4d5: {  	v23 =	vmul.u32 $0x3, v6;
	v8 =	vmul.f32 v8, v8;
	v7 =	vmul.f32 v7, v7  }
0x4d6: {  	v55 =	vadd.s32 $0x1, v49;
	v47 =	vld.idx.msk [tilespmem:v62+s4+$0x0], $0xffff;
	v5 =	vmul.f32 v63, v63;
	(erf) = vpow2.f32 v3  }
0x4d7: {  	v10 =	vld.idx.msk [tilespmem:v10+s17+$0x0], $0xffff;
	v57 =	vsub.f32 v45, v1;
	v28 =	vadd.s32 $0x1, v23;
	v44 =	vsub.f32 v60, v0  }
0x4d8: {  	v56 =	vld.idx.msk [tilespmem:v19+s17+$0x0], $0xffff;
	v48 =	vadd.s32 $0x2, v23;
	v7 =	vadd.f32 v7, v8;
	v12 =	vsub.f32 v12, v1  }
0x4d9: {  	v3 =	vmul.f32 $1.442695020e+00, v53;
	v20 =	vld.idx.msk [tilespmem:v4+s20+$0x0], $0xffff;
	v13 =	vsub.f32 v27, v2;
	v8 =	vsub.f32 v43, v0  }
0x4da: {  	v61 =	vld.idx.msk [tilespmem:v49+s4+$0x0], $0xffff;
	v14 =	vmul.f32 v57, v57;
	v50 =	vmul.f32 v44, v44;
	v5 =	vadd.f32 v5, v7  }
0x4db: {  	v51 =	vmul.f32 v12, v12;
	v58 =	vsub.f32 v47, v2;
	v8 =	vmul.f32 v8, v8;
	v52 =	vld.idx.msk [tilespmem:v23+s4+$0x0], $0xffff  }
0x4dc: {  	[tilespmem:$0x1F630] =	vst v54;
	v13 =	vmul.f32 v13, v13;
	v54 =	vld.idx.msk [tilespmem:v28+s4+$0x0], $0xffff;
	v5 =	vmul.f32 v5, v10;
	v28 =	vpop (erf)  }
0x4dd: {  	v7 =	vadd.f32 v51, v50;
	v59 =	vld.idx.msk [tilespmem:v48+s4+$0x0], $0xffff;
	v15 =	vmul.f32 v58, v58;
	v8 =	vadd.f32 v14, v8;
	v60 =	vpop (erf)  }
0x4de: {  	v10 =	vld.idx.msk [tilespmem:v55+s4+$0x0], $0xffff;
	v48 =	vmul.u32 $0x3, v20;
	v5 =	vmul.f32 $1.442695020e+00, v5;
	v19 =	vadd.f32 $9.999999930e-09, v60  }
0x4df: {  	v44 =	vld.idx.msk [tilespmem:v18+s4+$0x0], $0xffff;
	v62 =	vpop (erf);
	(erf) = vpow2.f32 v3;
	v21 =	vadd.f32 v13, v7;
	v41 =	vadd.f32 v15, v8  }
0x4e0: {  	v57 =	vadd.s32 $0x2, v48;
	v12 =	vsub.f32 v52, v0;
	v19 =	vadd.f32 v62, v19  }
0x4e1: {  	v3 =	vmul.f32 v21, v56;
	v0 =	vsub.f32 v61, v0;
	v52 =	vadd.s32 $0x1, v48  }
0x4e2: {  	v27 =	vld.idx.msk [tilespmem:v22+s17+$0x0], $0xffff;
	[tilespmem:$0x1F460] =	vst v62;
	v63 =	vpop (erf);
	v62 =	vor.u32 s15, v40;
	v9 =	vsub.f32 v54, v1;
	v47 =	vsub.f32 v59, v2  }
0x4e3: {  	v6 =	vld.idx.msk [tilespmem:v6+s17+$0x0], $0xffff;
	[tilespmem:$0x1F470] =	vst v63;
	v1 =	vsub.f32 v10, v1;
	v23 =	vadd.f32 v63, v19;
	v63 =	vor.u32 s15, v46  }
0x4e4: {  	v45 =	vpop (erf);
	v2 =	vsub.f32 v44, v2;
	v54 =	vld.idx.msk [tilespmem:v24+s17+$0x0], $0xffff;
	v12 =	vmul.f32 v12, v12;
	v9 =	vmul.f32 v9, v9  }
0x4e5: {  	v0 =	vmul.f32 v0, v0;
	v56 =	vld.idx.msk [tilespmem:v48+s4+$0x0], $0xffff;
	v1 =	vmul.f32 v1, v1;
	v7 =	vadd.f32 v45, v23  }
0x4e6: {  	(erf) = vpow2.f32 v5;
	v49 =	vpop (erf);
	v50 =	vmul.f32 v47, v47;
	v43 =	vadd.f32 v9, v12;
	v19 =	vld.idx.msk [tilespmem:v52+s4+$0x0], $0xffff  }
0x4e7: {  	v2 =	vmul.f32 v2, v2;
	v0 =	vadd.f32 v1, v0;
	v11 =	vld.idx.msk [tilespmem:v62+s20+$0x0], $0xffff;
	v7 =	vadd.f32 v49, v7  }
0x4e8: {  	v5 =	vmul.f32 v41, v27;
	v51 =	vpop (erf);
	v8 =	vadd.f32 v50, v43;
	v61 =	vld.idx.msk [tilespmem:v63+s20+$0x0], $0xffff;
	v43 =	vor.u32 s15, v25  }
0x4e9: {  	v0 =	vadd.f32 v2, v0;
	v2 =	vld.idx.msk [tilespmem:v4+s21+$0x0], $0xffff;
	v50 =	vor.u32 s15, v26;
	v7 =	vadd.f32 v51, v7  }
0x4ea: {  	v53 =	vmul.f32 $1.442695020e+00, v3;
	v5 =	vmul.f32 $1.442695020e+00, v5;
	v55 =	vpop (erf);
	v1 =	vld.idx.msk [tilespmem:v63+s21+$0x0], $0xffff  }
0x4eb: {  	v27 =	vld.idx.msk [tilespmem:v57+s4+$0x0], $0xffff;
	v57 =	vor.u32 s15, v35;
	v58 =	vmul.f32 v8, v6;
	v7 =	vadd.f32 v55, v7  }
0x4ec: {  	(erf) = vpow2.f32 v53;
	v59 =	vpop (erf);
	v52 =	vld.idx.msk [tilespmem:v20+s17+$0x0], $0xffff;
	v0 =	vmul.f32 v0, v54;
	v54 =	vmul.u32 $0x3, v11  }
0x4ed: {  	(erf) = vpow2.f32 v5;
	v22 =	vmul.f32 $1.442695020e+00, v58;
	v7 =	vadd.f32 v59, v7;
	v13 =	vld.idx.msk [tilespmem:v43+s20+$0x0], $0xffff  }
0x4ee: {  	[tilespmem:$0x1F480] =	vst v45;
	v23 =	vpop (erf);
	v45 =	vmul.u32 $0x3, v61;
	v9 =	vsub.f32 v56, v2;
	v56 =	vadd.s32 $0x1, v54;
	v16 =	vld.idx.msk [tilespmem:v50+s20+$0x0], $0xffff  }
0x4ef: {  	[tilespmem:$0x1F440] =	vst v60;
	v8 =	vsub.f32 v19, v1;
	(erf) = vpow2.f32 v22;
	v22 =	vld.idx.msk [tilespmem:v62+s21+$0x0], $0xffff;
	v24 =	vadd.f32 v23, v7  }
0x4f0: {  	[tilespmem:$0x1F4E0] =	vst v51;
	v41 =	vpop (erf);
	v20 =	vld.idx.msk [tilespmem:v57+s20+$0x0], $0xffff;
	v48 =	vadd.s32 $0x1, v45;
	v51 =	vadd.s32 $0x2, v45  }
0x4f1: {  	v9 =	vmul.f32 v9, v9;
	v8 =	vmul.f32 v8, v8;
	v6 =	vld.idx.msk [tilespmem:v61+s17+$0x0], $0xffff;
	v3 =	vadd.f32 v41, v24  }
0x4f2: {  	[tilespmem:$0x1F510] =	vst v59;
	v47 =	vpop (erf);
	v44 =	vmul.f32 $1.442695020e+00, v0;
	v59 =	vadd.s32 $0x2, v54;
	v61 =	vld.idx.msk [tilespmem:v54+s4+$0x0], $0xffff  }
0x4f3: {  	[tilespmem:$0x1F4B0] =	vst v49;
	v8 =	vadd.f32 v8, v9;
	v60 =	vmul.u32 $0x3, v13;
	v9 =	vld.idx.msk [tilespmem:v56+s4+$0x0], $0xffff;
	v3 =	vadd.f32 v47, v3  }
0x4f4: {  	[tilespmem:$0x1F650] =	vst v43;
	v49 =	vpop (erf);
	v43 =	vmul.u32 $0x3, v16;
	v5 =	vsub.f32 v27, v22;
	v10 =	vld.idx.msk [tilespmem:v45+s4+$0x0], $0xffff  }
0x4f5: {  	s16 =	sor.u32 $0x30, s7;
	[tilespmem:$0x1F4F0] =	vst v55;
	(erf) = vpow2.f32 v44;
	v7 =	vld.idx.msk [tilespmem:v48+s4+$0x0], $0xffff;
	v3 =	vadd.f32 v49, v3  }
0x4f6: {  	v40 =	vor.u32 s16, v40;
	[tilespmem:$0x1F550] =	vst v41;
	v53 =	vpop (erf);
	v12 =	vld.idx.msk [tilespmem:v51+s4+$0x0], $0xffff;
	v27 =	vadd.s32 $0x1, v60;
	v5 =	vmul.f32 v5, v5  }
0x4f7: {  	[tilespmem:$0x1F660] =	vst v50;
	v41 =	vadd.s32 $0x2, v60;
	v48 =	vor.u32 s15, v42;
	v3 =	vadd.f32 v53, v3  }
0x4f8: {  	[tilespmem:$0x1F570] =	vst v47;
	v45 =	vld.idx.msk [tilespmem:v59+s4+$0x0], $0xffff;
	v51 =	vadd.s32 $0x1, v43;
	v5 =	vadd.f32 v5, v8;
	v8 =	vsub.f32 v61, v2  }
0x4f9: {  	[tilespmem:$0x1F5B0] =	vst v53;
	v55 =	vpop (erf);
	v9 =	vsub.f32 v9, v1;
	v53 =	vmul.u32 $0x3, v20;
	v10 =	vsub.f32 v10, v2;
	v47 =	vld.idx.msk [tilespmem:v60+s4+$0x0], $0xffff  }
0x4fa: {  	v54 =	vld.idx.msk [tilespmem:v43+s4+$0x0], $0xffff;
	v3 =	vadd.f32 v55, v3;
	v5 =	vmul.f32 v5, v52;
	v7 =	vsub.f32 v7, v1  }
0x4fb: {  	[tilespmem:$0x1F590] =	vst v49;
	v49 =	vsub.f32 v12, v22;
	v50 =	vld.idx.msk [tilespmem:v27+s4+$0x0], $0xffff;
	v52 =	vadd.s32 $0x2, v43;
	v8 =	vmul.f32 v8, v8  }
0x4fc: {  	[tilespmem:$0x1F5D0] =	vst v55;
	v58 =	vpop (erf);
	v14 =	vld.idx.msk [tilespmem:v41+s4+$0x0], $0xffff;
	v9 =	vmul.f32 v9, v9;
	v55 =	vor.u32 s15, v37;
	v56 =	vadd.s32 $0x1, v53  }
0x4fd: {  	v19 =	vld.idx.msk [tilespmem:v48+s20+$0x0], $0xffff;
	v10 =	vmul.f32 v10, v10;
	v3 =	vadd.f32 v58, v3;
	v7 =	vmul.f32 v7, v7  }
0x4fe: {  	[tilespmem:$0x1F670] =	vst v57;
	v11 =	vld.idx.msk [tilespmem:v11+s17+$0x0], $0xffff;
	v24 =	vpop (erf);
	v44 =	vmul.f32 $1.442695020e+00, v5;
	v5 =	vsub.f32 v45, v22;
	v57 =	vadd.f32 v9, v8  }
0x4ff: {  	v16 =	vld.idx.msk [tilespmem:v16+s17+$0x0], $0xffff;
	v60 =	vadd.s32 $0x2, v53;
	v3 =	vadd.f32 v24, v3;
	v7 =	vadd.f32 v7, v10  }
0x500: {  	v15 =	vld.idx.msk [tilespmem:v51+s4+$0x0], $0xffff;
	v17 =	vsub.f32 v47, v2;
	v5 =	vmul.f32 v5, v5;
	v10 =	vsub.f32 v54, v2  }
0x501: {  	[tilespmem:$0x1F610] =	vst v24;
	v61 =	vld.idx.msk [tilespmem:v53+s4+$0x0], $0xffff;
	v24 =	vor.u32 s15, v38;
	v12 =	vsub.f32 v50, v1;
	v41 =	vsub.f32 v14, v22  }
0x502: {  	[tilespmem:$0x1F5F0] =	vst v58;
	v58 =	vld.idx.msk [tilespmem:v52+s4+$0x0], $0xffff;
	v43 =	vmul.u32 $0x3, v19;
	(erf) = vrcp.f32 v3;
	v3 =	vmul.f32 v49, v49  }
0x503: {  	v14 =	vld.idx.msk [tilespmem:v55+s20+$0x0], $0xffff;
	v59 =	vmul.f32 v17, v17;
	v5 =	vadd.f32 v5, v57;
	v10 =	vmul.f32 v10, v10  }
0x504: {  	v45 =	vld.idx.msk [tilespmem:v56+s4+$0x0], $0xffff;
	v49 =	vor.u32 s15, v39;
	v57 =	vor.u32 s15, v30;
	v12 =	vmul.f32 v12, v12  }
0x505: {  	v9 =	vld.idx.msk [tilespmem:v13+s17+$0x0], $0xffff;
	(erf) = vpow2.f32 v44;
	v44 =	vsub.f32 v15, v1;
	v47 =	vadd.s32 $0x1, v43  }
0x506: {  	v50 =	vld.idx.msk [tilespmem:v20+s17+$0x0], $0xffff;
	v3 =	vadd.f32 v3, v7;
	v27 =	vadd.f32 v12, v59;
	v12 =	vmul.f32 v41, v41  }
0x507: {  	[tilespmem:$0x1F680] =	vst v48;
	v17 =	vld.idx.msk [tilespmem:v60+s4+$0x0], $0xffff;
	v48 =	vadd.s32 $0x2, v43;
	v5 =	vmul.f32 v5, v11;
	v11 =	vmul.f32 v44, v44  }
0x508: {  	v52 =	vsub.f32 v61, v2;
	v3 =	vmul.f32 v3, v6;
	v7 =	vadd.f32 v12, v27;
	v12 =	vld.idx.msk [tilespmem:v24+s20+$0x0], $0xffff  }
0x509: {  	v8 =	vsub.f32 v58, v22;
	v51 =	vmul.u32 $0x3, v14;
	v53 =	vsub.f32 v45, v1;
	v13 =	vld.idx.msk [tilespmem:v43+s4+$0x0], $0xffff  }
0x50a: {  	[tilespmem:$0x1F640] =	vst v4;
	v5 =	vmul.f32 $1.442695020e+00, v5;
	v10 =	vadd.f32 v11, v10;
	v4 =	vld.idx.msk [tilespmem:v49+s20+$0x0], $0xffff;
	v3 =	vmul.f32 $1.442695020e+00, v3  }
0x50b: {  	v20 =	vld.idx.msk [tilespmem:v57+s20+$0x0], $0xffff;
	v43 =	vor.u32 s15, v31;
	v8 =	vmul.f32 v8, v8;
	v6 =	vmul.f32 v53, v53  }
0x50c: {  	[tilespmem:$0x1F690] =	vst v55;
	v55 =	vadd.s32 $0x1, v51;
	v56 =	vld.idx.msk [tilespmem:v48+s4+$0x0], $0xffff;
	(erf) = vpow2.f32 v3;
	v3 =	vmul.f32 v52, v52  }
0x50d: {  	v60 =	vsub.f32 v17, v22;
	v54 =	vld.idx.msk [tilespmem:v47+s4+$0x0], $0xffff;
	v58 =	vadd.s32 $0x2, v51;
	v7 =	vmul.f32 v7, v9  }
0x50e: {  	v8 =	vadd.f32 v8, v10;
	v59 =	vmul.u32 $0x3, v12;
	v3 =	vadd.f32 v6, v3;
	v6 =	vld.idx.msk [tilespmem:v19+s17+$0x0], $0xffff  }
0x50f: {  	v9 =	vmul.f32 v60, v60;
	(erf) = vpow2.f32 v5;
	v61 =	vld.idx.msk [tilespmem:v51+s4+$0x0], $0xffff;
	v41 =	vmul.u32 $0x3, v4  }
0x510: {  	v46 =	vor.u32 s16, v46;
	v7 =	vmul.f32 $1.442695020e+00, v7;
	v8 =	vmul.f32 v8, v16;
	v19 =	vld.idx.msk [tilespmem:v43+s20+$0x0], $0xffff  }
0x511: {  	[tilespmem:$0x1F6B0] =	vst v49;
	v15 =	vld.idx.msk [tilespmem:v55+s4+$0x0], $0xffff;
	v49 =	vsub.f32 v56, v22;
	v56 =	vor.u32 s15, v34;
	v3 =	vadd.f32 v9, v3  }
0x512: {  	[tilespmem:$0x1F6A0] =	vst v24;
	v13 =	vsub.f32 v13, v2;
	v10 =	vsub.f32 v54, v1;
	v5 =	vld.idx.msk [tilespmem:v58+s4+$0x0], $0xffff;
	v24 =	vadd.s32 $0x1, v59  }
0x513: {  	v54 =	vmul.u32 $0x3, v20;
	v27 =	vadd.s32 $0x2, v59;
	v3 =	vmul.f32 v3, v50;
	v50 =	vld.idx.msk [tilespmem:v14+s17+$0x0], $0xffff  }
0x514: {  	v13 =	vmul.f32 v13, v13;
	v48 =	vadd.s32 $0x1, v41;
	v10 =	vmul.f32 v10, v10;
	v44 =	vld.idx.msk [tilespmem:v59+s4+$0x0], $0xffff  }
0x515: {  	(erf) = vpow2.f32 v7;
	v8 =	vmul.f32 $1.442695020e+00, v8;
	v53 =	vadd.s32 $0x2, v41;
	v55 =	vld.idx.msk [tilespmem:v41+s4+$0x0], $0xffff  }
0x516: {  	[tilespmem:$0x1F6C0] =	vst v57;
	v11 =	vmul.f32 v49, v49;
	v57 =	vadd.s32 $0x1, v54;
	v45 =	vadd.f32 v10, v13;
	v0 =	vld.idx.msk [tilespmem:v56+s20+$0x0], $0xffff  }
0x517: {  	v51 =	vsub.f32 v61, v2;
	v61 =	vadd.s32 $0x2, v54;
	v15 =	vsub.f32 v15, v1;
	v47 =	vld.idx.msk [tilespmem:v24+s4+$0x0], $0xffff  }
0x518: {  	(erf) = vpow2.f32 v8;
	v3 =	vmul.f32 $1.442695020e+00, v3;
	v5 =	vsub.f32 v5, v22;
	v52 =	vld.idx.msk [tilespmem:v27+s4+$0x0], $0xffff  }
0x519: {  	v14 =	vmul.f32 v51, v51;
	v10 =	vld.idx.msk [tilespmem:v48+s4+$0x0], $0xffff;
	v8 =	vadd.f32 v11, v45;
	v15 =	vmul.f32 v15, v15  }
0x51a: {  	v59 =	vld.idx.msk [tilespmem:v53+s4+$0x0], $0xffff;
	v24 =	vmul.u32 $0x3, v19;
	v45 =	vor.u32 s15, v32;
	(erf) = vpow2.f32 v3  }
0x51b: {  	v60 =	vld.idx.msk [tilespmem:v54+s4+$0x0], $0xffff;
	v5 =	vmul.f32 v5, v5;
	v6 =	vmul.f32 v8, v6;
	v58 =	vadd.f32 v15, v14  }
0x51c: {  	v49 =	vld.idx.msk [tilespmem:v61+s4+$0x0], $0xffff;
	v61 =	vor.u32 s15, v29;
	v7 =	vsub.f32 v44, v2;
	v41 =	vsub.f32 v55, v2  }
0x51d: {  	[tilespmem:$0x1F6D0] =	vst v43;
	v43 =	vld.idx.msk [tilespmem:v57+s4+$0x0], $0xffff;
	v44 =	vadd.s32 $0x1, v24;
	v6 =	vmul.f32 $1.442695020e+00, v6;
	v9 =	vsub.f32 v47, v1  }
0x51e: {  	v53 =	vmul.u32 $0x3, v0;
	v3 =	vadd.f32 v5, v58;
	v27 =	vsub.f32 v52, v22  }
0x51f: {  	v12 =	vld.idx.msk [tilespmem:v12+s17+$0x0], $0xffff;
	v10 =	vsub.f32 v10, v1;
	v47 =	vadd.s32 $0x2, v24;
	v51 =	vsub.f32 v59, v22  }
0x520: {  	v5 =	vsub.f32 v60, v2;
	v59 =	vld.idx.msk [tilespmem:v4+s17+$0x0], $0xffff;
	v7 =	vmul.f32 v7, v7;
	v16 =	vmul.f32 v41, v41  }
0x521: {  	v60 =	vor.u32 s15, v33;
	(erf) = vpow2.f32 v6;
	v52 =	vld.idx.msk [tilespmem:v24+s4+$0x0], $0xffff;
	v9 =	vmul.f32 v9, v9  }
0x522: {  	v54 =	vsub.f32 v43, v1;
	v8 =	vmul.f32 v27, v27;
	v3 =	vmul.f32 v3, v50;
	v27 =	vld.idx.msk [tilespmem:v45+s20+$0x0], $0xffff  }
0x523: {  	v57 =	vadd.s32 $0x1, v53;
	v10 =	vmul.f32 v10, v10;
	v15 =	vld.idx.msk [tilespmem:v61+s20+$0x0], $0xffff;
	v7 =	vadd.f32 v9, v7  }
0x524: {  	[tilespmem:$0x1F6E0] =	vst v56;
	v13 =	vadd.s32 $0x2, v53;
	v41 =	vor.u32 s16, v36;
	v55 =	vld.idx.msk [tilespmem:v44+s4+$0x0], $0xffff;
	v3 =	vmul.f32 $1.442695020e+00, v3  }
0x525: {  	v50 =	vadd.f32 v10, v16;
	v10 =	vmul.f32 v51, v51;
	v56 =	vld.idx.msk [tilespmem:v47+s4+$0x0], $0xffff;
	v48 =	vadd.f32 v8, v7  }
0x526: {  	v5 =	vmul.f32 v5, v5;
	v24 =	vld.idx.msk [tilespmem:v53+s4+$0x0], $0xffff;
	(erf) = vpow2.f32 v3;
	v7 =	vsub.f32 v49, v22  }
0x527: {  	v9 =	vld.idx.msk [tilespmem:v60+s20+$0x0], $0xffff;
	v58 =	vadd.f32 v10, v50;
	v21 =	vsub.f32 v52, v2;
	v6 =	vmul.f32 v48, v12  }
0x528: {  	v44 =	vmul.u32 $0x3, v27;
	v12 =	vmul.f32 v54, v54;
	v7 =	vmul.f32 v7, v7  }
0x529: {  	[tilespmem:$0x1F530] =	vst v23;
	v17 =	vld.idx.msk [tilespmem:v57+s4+$0x0], $0xffff;
	v3 =	vmul.f32 v58, v59;
	v52 =	vmul.u32 $0x3, v15;
	v23 =	vsub.f32 v55, v1  }
0x52a: {  	[tilespmem:$0x1F6F0] =	vst v45;
	v51 =	vld.idx.msk [tilespmem:v13+s4+$0x0], $0xffff;
	v45 =	vadd.s32 $0x1, v44;
	v48 =	vadd.s32 $0x2, v44;
	v6 =	vmul.f32 $1.442695020e+00, v6  }
0x52b: {  	v20 =	vld.idx.msk [tilespmem:v20+s17+$0x0], $0xffff;
	v5 =	vadd.f32 v12, v5;
	v16 =	vsub.f32 v56, v22;
	v49 =	vmul.f32 $1.442695020e+00, v3  }
0x52c: {  	v50 =	vld.idx.msk [tilespmem:v19+s17+$0x0], $0xffff;
	v12 =	vsub.f32 v24, v2;
	v54 =	vadd.s32 $0x1, v52;
	v55 =	vmul.u32 $0x3, v9  }
0x52d: {  	v24 =	vadd.s32 $0x2, v52;
	(erf) = vpow2.f32 v6;
	v6 =	vmul.f32 v21, v21;
	v21 =	vld.idx.msk [tilespmem:v41+s20+$0x0], $0xffff  }
0x52e: {  	v11 =	vmul.f32 v23, v23;
	v17 =	vsub.f32 v17, v1;
	v5 =	vadd.f32 v7, v5;
	v14 =	vld.idx.msk [tilespmem:v44+s4+$0x0], $0xffff  }
0x52f: {  	v8 =	vsub.f32 v51, v22;
	v47 =	vmul.f32 v16, v16;
	v12 =	vmul.f32 v12, v12;
	v23 =	vpop (erf);
	v7 =	vld.idx.msk [tilespmem:v45+s4+$0x0], $0xffff  }
0x530: {  	v17 =	vmul.f32 v17, v17;
	v6 =	vadd.f32 v11, v6;
	v5 =	vmul.f32 v5, v20;
	v59 =	vpop (erf);
	v11 =	vld.idx.msk [tilespmem:v48+s4+$0x0], $0xffff  }
0x531: {  	v36 =	vadd.s32 $0x1, v55;
	v19 =	vadd.s32 $0x2, v55;
	v13 =	vld.idx.msk [tilespmem:v52+s4+$0x0], $0xffff;
	v53 =	vadd.f32 $9.999999930e-09, v59  }
0x532: {  	v8 =	vmul.f32 v8, v8;
	v58 =	vpop (erf);
	v12 =	vadd.f32 v17, v12;
	v43 =	vld.idx.msk [tilespmem:v54+s4+$0x0], $0xffff;
	v5 =	vmul.f32 $1.442695020e+00, v5  }
0x533: {  	(erf) = vpow2.f32 v49;
	v49 =	vld.idx.msk [tilespmem:v24+s4+$0x0], $0xffff;
	v6 =	vadd.f32 v47, v6;
	v10 =	vadd.f32 v58, v53  }
0x534: {  	v0 =	vld.idx.msk [tilespmem:v0+s17+$0x0], $0xffff;
	v54 =	vor.u32 s16, v25;
	v57 =	vpop (erf);
	v48 =	vadd.f32 v8, v12;
	(erf) = vpow2.f32 v5  }
0x535: {  	v47 =	vld.idx.msk [tilespmem:v55+s4+$0x0], $0xffff;
	v6 =	vmul.f32 v6, v50;
	v14 =	vsub.f32 v14, v2;
	v5 =	vadd.f32 v57, v10  }
0x536: {  	v24 =	vld.idx.msk [tilespmem:v36+s4+$0x0], $0xffff;
	v50 =	vmul.u32 $0x3, v21;
	v7 =	vsub.f32 v7, v1;
	v11 =	vsub.f32 v11, v22  }
0x537: {  	v45 =	vld.idx.msk [tilespmem:v19+s4+$0x0], $0xffff;
	v13 =	vsub.f32 v13, v2;
	v6 =	vmul.f32 $1.442695020e+00, v6;
	v14 =	vmul.f32 v14, v14  }
0x538: {  	v18 =	vld.idx.msk [tilespmem:v27+s17+$0x0], $0xffff;
	v3 =	vsub.f32 v43, v1;
	v27 =	vadd.s32 $0x1, v50;
	v8 =	vsub.f32 v49, v22  }
0x539: {  	v56 =	vpop (erf);
	v12 =	vadd.s32 $0x2, v50;
	v7 =	vmul.f32 v7, v7;
	v11 =	vmul.f32 v11, v11  }
0x53a: {  	v20 =	vld.idx.msk [tilespmem:v46+s20+$0x0], $0xffff;
	v5 =	vadd.f32 v56, v5;
	v44 =	vmul.f32 v13, v13;
	(erf) = vpow2.f32 v6  }
0x53b: {  	v15 =	vld.idx.msk [tilespmem:v15+s17+$0x0], $0xffff;
	v2 =	vsub.f32 v47, v2;
	v6 =	vmul.f32 v48, v0;
	v3 =	vmul.f32 v3, v3  }
0x53c: {  	v16 =	vld.idx.msk [tilespmem:v41+s21+$0x0], $0xffff;
	v55 =	vpop (erf);
	v1 =	vsub.f32 v24, v1;
	v8 =	vmul.f32 v8, v8;
	v45 =	vsub.f32 v45, v22  }
0x53d: {  	v13 =	vld.idx.msk [tilespmem:v46+s21+$0x0], $0xffff;
	v7 =	vadd.f32 v7, v14;
	v5 =	vadd.f32 v55, v5;
	v36 =	vmul.f32 v2, v2  }
0x53e: {  	v22 =	vld.idx.msk [tilespmem:v40+s20+$0x0], $0xffff;
	v3 =	vadd.f32 v3, v44;
	v47 =	vmul.f32 $1.442695020e+00, v6;
	v1 =	vmul.f32 v1, v1  }
0x53f: {  	v53 =	vpop (erf);
	v44 =	vmul.u32 $0x3, v20;
	v4 =	vmul.f32 v45, v45;
	v7 =	vadd.f32 v11, v7;
	v17 =	vld.idx.msk [tilespmem:v27+s4+$0x0], $0xffff  }
0x540: {  	v24 =	vld.idx.msk [tilespmem:v9+s17+$0x0], $0xffff;
	v5 =	vadd.f32 v53, v5;
	(erf) = vpow2.f32 v47;
	v3 =	vadd.f32 v8, v3  }
0x541: {  	v52 =	vpop (erf);
	v9 =	vld.idx.msk [tilespmem:v40+s21+$0x0], $0xffff;
	v47 =	vadd.f32 v1, v36;
	v49 =	vadd.s32 $0x1, v44;
	v7 =	vmul.f32 v7, v18  }
0x542: {  	v42 =	vor.u32 s16, v42;
	v43 =	vld.idx.msk [tilespmem:v50+s4+$0x0], $0xffff;
	v27 =	vadd.s32 $0x2, v44;
	v5 =	vadd.f32 v52, v5  }
0x543: {  	v51 =	vpop (erf);
	v8 =	vld.idx.msk [tilespmem:v12+s4+$0x0], $0xffff;
	v3 =	vmul.f32 v3, v15;
	v4 =	vadd.f32 v4, v47;
	v7 =	vmul.f32 $1.442695020e+00, v7  }
0x544: {  	v36 =	vmul.u32 $0x3, v22;
	v5 =	vadd.f32 v51, v5;
	v25 =	vsub.f32 v17, v13;
	v17 =	vld.idx.msk [tilespmem:v54+s20+$0x0], $0xffff  }
0x545: {  	v50 =	vpop (erf);
	v47 =	vor.u32 s16, v35;
	v3 =	vmul.f32 $1.442695020e+00, v3;
	(erf) = vpow2.f32 v7;
	v7 =	vld.idx.msk [tilespmem:v44+s4+$0x0], $0xffff  }
0x546: {  	v4 =	vmul.f32 v4, v24;
	v5 =	vadd.f32 v50, v5;
	v15 =	vld.idx.msk [tilespmem:v49+s4+$0x0], $0xffff;
	v49 =	vor.u32 s16, v26  }
0x547: {  	v48 =	vpop (erf);
	v35 =	vadd.s32 $0x2, v36;
	v24 =	vsub.f32 v43, v16;
	v26 =	vadd.s32 $0x1, v36  }
0x548: {  	v12 =	vld.idx.msk [tilespmem:v27+s4+$0x0], $0xffff;
	(erf) = vpow2.f32 v3;
	v4 =	vmul.f32 $1.442695020e+00, v4;
	v5 =	vadd.f32 v48, v5  }
0x549: {  	v19 =	vld.idx.msk [tilespmem:v21+s17+$0x0], $0xffff;
	v45 =	vpop (erf);
	v27 =	vsub.f32 v8, v9;
	v3 =	vmul.f32 v24, v24;
	v10 =	vmul.f32 v25, v25  }
0x54a: {  	v21 =	vld.idx.msk [tilespmem:v36+s4+$0x0], $0xffff;
	(erf) = vpow2.f32 v4;
	v5 =	vadd.f32 v45, v5;
	v8 =	vmul.u32 $0x3, v17  }
0x54b: {  	v44 =	vpop (erf);
	v6 =	vadd.f32 v10, v3;
	v3 =	vmul.f32 v27, v27;
	v7 =	vsub.f32 v7, v16;
	v18 =	vld.idx.msk [tilespmem:v49+s20+$0x0], $0xffff  }
0x54c: {  	v15 =	vsub.f32 v15, v13;
	v24 =	vld.idx.msk [tilespmem:v26+s4+$0x0], $0xffff;
	v5 =	vadd.f32 v44, v5;
	v25 =	vadd.s32 $0x1, v8  }
0x54d: {  	v37 =	vor.u32 s16, v37;
	v20 =	vld.idx.msk [tilespmem:v20+s17+$0x0], $0xffff;
	v43 =	vpop (erf);
	v12 =	vsub.f32 v12, v9;
	v14 =	vadd.f32 v3, v6  }
0x54e: {  	v7 =	vmul.f32 v7, v7;
	v26 =	vmul.f32 v15, v15;
	v15 =	vld.idx.msk [tilespmem:v47+s20+$0x0], $0xffff;
	v5 =	vadd.f32 v43, v5  }
0x54f: {  	v4 =	vadd.s32 $0x2, v8;
	v27 =	vmul.f32 v12, v12;
	v12 =	vld.idx.msk [tilespmem:v35+s4+$0x0], $0xffff;
	v21 =	vsub.f32 v21, v16;
	v36 =	vpop (erf)  }
0x550: {  	v38 =	vor.u32 s16, v38;
	v0 =	vadd.f32 v26, v7;
	v5 =	vadd.f32 v36, v5;
	v8 =	vld.idx.msk [tilespmem:v8+s4+$0x0], $0xffff  }
0x551: {  	v21 =	vmul.f32 v21, v21;
	v35 =	vpop (erf);
	v1 =	vmul.u32 $0x3, v18;
	v11 =	vsub.f32 v24, v13;
	v10 =	vld.idx.msk [tilespmem:v25+s4+$0x0], $0xffff  }
0x552: {  	v2 =	vadd.f32 v27, v0;
	v25 =	vmul.f32 v14, v19;
	v14 =	vld.idx.msk [tilespmem:v42+s20+$0x0], $0xffff;
	v5 =	vadd.f32 v35, v5  }
0x553: {  	v3 =	vadd.s32 $0x1, v1;
	v11 =	vmul.f32 v11, v11;
	v24 =	vmul.u32 $0x3, v15  }
0x554: {  	v4 =	vld.idx.msk [tilespmem:v4+s4+$0x0], $0xffff;
	v27 =	vpop (erf);
	v6 =	vadd.s32 $0x2, v1;
	v12 =	vsub.f32 v12, v9;
	v2 =	vmul.f32 v2, v20  }
0x555: {  	v22 =	vld.idx.msk [tilespmem:v22+s17+$0x0], $0xffff;
	v5 =	vadd.f32 v27, v5;
	v11 =	vadd.f32 v11, v21;
	v26 =	vadd.s32 $0x1, v24  }
0x556: {  	v17 =	vld.idx.msk [tilespmem:v17+s17+$0x0], $0xffff;
	v12 =	vmul.f32 v12, v12;
	v8 =	vsub.f32 v8, v16;
	v10 =	vsub.f32 v10, v13  }
0x557: {  	(erf) = vrcp.f32 v5;
	v5 =	vmul.f32 $1.442695020e+00, v25;
	v1 =	vld.idx.msk [tilespmem:v1+s4+$0x0], $0xffff;
	v21 =	vmul.u32 $0x3, v14  }
0x558: {  	v25 =	vadd.f32 v12, v11;
	v12 =	vld.idx.msk [tilespmem:v37+s20+$0x0], $0xffff;
	v8 =	vmul.f32 v8, v8;
	v10 =	vmul.f32 v10, v10  }
0x559: {  	v20 =	vadd.s32 $0x2, v24;
	v4 =	vsub.f32 v4, v9;
	v0 =	vld.idx.msk [tilespmem:v24+s4+$0x0], $0xffff  }
0x55a: {  	v2 =	vmul.f32 $1.442695020e+00, v2;
	v24 =	vadd.f32 v10, v8;
	v8 =	vld.idx.msk [tilespmem:v26+s4+$0x0], $0xffff;
	v26 =	vadd.s32 $0x1, v21  }
0x55b: {  	v3 =	vld.idx.msk [tilespmem:v3+s4+$0x0], $0xffff;
	(erf) = vpow2.f32 v5;
	v4 =	vmul.f32 v4, v4  }
0x55c: {  	v6 =	vld.idx.msk [tilespmem:v6+s4+$0x0], $0xffff;
	(erf) = vpow2.f32 v2;
	v2 =	vmul.f32 v25, v22  }
0x55d: {  	v19 =	vld.idx.msk [tilespmem:v38+s20+$0x0], $0xffff;
	v4 =	vadd.f32 v4, v24;
	v24 =	vadd.s32 $0x2, v21  }
0x55e: {  	v39 =	vor.u32 s16, v39;
	v5 =	vld.idx.msk [tilespmem:v20+s4+$0x0], $0xffff;
	v1 =	vsub.f32 v1, v16;
	v2 =	vmul.f32 $1.442695020e+00, v2  }
0x55f: {  	v11 =	vmul.u32 $0x3, v12;
	v0 =	vsub.f32 v0, v16;
	v8 =	vsub.f32 v8, v13;
	v10 =	vld.idx.msk [tilespmem:v26+s4+$0x0], $0xffff  }
0x560: {  	v3 =	vsub.f32 v3, v13;
	v25 =	vld.idx.msk [tilespmem:v21+s4+$0x0], $0xffff;
	v1 =	vmul.f32 v1, v1;
	(erf) = vpow2.f32 v2  }
0x561: {  	v6 =	vsub.f32 v6, v9;
	v2 =	vld.idx.msk [tilespmem:v15+s17+$0x0], $0xffff;
	v0 =	vmul.f32 v0, v0;
	v26 =	vmul.f32 v8, v8  }
0x562: {  	v4 =	vmul.f32 v4, v17;
	v3 =	vmul.f32 v3, v3;
	v8 =	vld.idx.msk [tilespmem:v24+s4+$0x0], $0xffff;
	v24 =	vadd.s32 $0x1, v11  }
0x563: {  	v17 =	vld.idx.msk [tilespmem:v18+s17+$0x0], $0xffff;
	v5 =	vsub.f32 v5, v9;
	v0 =	vadd.f32 v26, v0;
	v26 =	vadd.s32 $0x2, v11  }
0x564: {  	v1 =	vadd.f32 v3, v1;
	v21 =	vmul.f32 $1.442695020e+00, v4;
	v3 =	vld.idx.msk [tilespmem:v14+s17+$0x0], $0xffff;
	v10 =	vsub.f32 v10, v13  }
0x565: {  	v6 =	vmul.f32 v6, v6;
	v22 =	vmul.f32 v5, v5;
	v14 =	vld.idx.msk [tilespmem:v39+s20+$0x0], $0xffff  }
0x566: {  	(erf) = vpow2.f32 v21;
	v21 =	vld.idx.msk [tilespmem:v11+s4+$0x0], $0xffff;
	v20 =	vmul.f32 v10, v10;
	v10 =	vmul.u32 $0x3, v19  }
0x567: {  	v25 =	vsub.f32 v25, v16;
	v5 =	vld.idx.msk [tilespmem:v24+s4+$0x0], $0xffff  }
0x568: {  	v1 =	vadd.f32 v6, v1;
	v0 =	vadd.f32 v22, v0;
	v22 =	vadd.s32 $0x1, v10;
	v15 =	vld.idx.msk [tilespmem:v26+s4+$0x0], $0xffff  }
0x569: {  	v6 =	vmul.f32 v25, v25;
	v18 =	vsub.f32 v8, v9;
	v26 =	vld [tilespmem:$0x1F250]  }
0x56a: {  	v1 =	vmul.f32 v1, v17;
	v17 =	vld [tilespmem:$0x1F260]  }
0x56b: {  	v24 =	vld [tilespmem:$0x1F240];
	v6 =	vadd.f32 v20, v6;
	v4 =	vmul.f32 v18, v18  }
0x56c: {  	v1 =	vmul.f32 $1.442695020e+00, v1;
	v0 =	vmul.f32 v0, v2;
	v2 =	vsub.f32 v21, v16;
	v18 =	vld [tilespmem:$0x1F270]  }
0x56d: {  	v11 =	vmul.u32 $0x3, v14;
	v4 =	vadd.f32 v4, v6;
	v21 =	vsub.f32 v5, v13;
	v5 =	vld.idx.msk [tilespmem:v22+s4+$0x0], $0xffff  }
0x56e: {  	(erf) = vpow2.f32 v1;
	v1 =	vadd.s32 $0x2, v10;
	v6 =	vmul.f32 v28, v26;
	v26 =	vld [tilespmem:$0x1F290]  }
0x56f: {  	v0 =	vmul.f32 $1.442695020e+00, v0;
	v20 =	vmul.f32 v4, v3;
	v22 =	vld [tilespmem:$0x1F280];
	_ =	sdelay $0x1  }
0x570: {  	(erf) = vpow2.f32 v0;
	v3 =	vld.idx.msk [tilespmem:v10+s4+$0x0], $0xffff;
	v0 =	vmul.f32 $1.442695020e+00, v20  }
0x571: {  	v25 =	vmul.f32 v28, v24;
	v20 =	vld [tilespmem:$0x1F2A0]  }
0x572: {  	(erf) = vpow2.f32 v0;
	v0 =	vld.idx.msk [tilespmem:v1+s4+$0x0], $0xffff  }
0x573: {  	[tilespmem:v17+s26+$0x0] =	vst.idx.msk $0xffff, v25;
	v24 =	vmul.f32 v28, v22;
	v22 =	vld.idx.msk [tilespmem:v11+s4+$0x0], $0xffff  }
0x574: {  	v17 =	vadd.s32 $0x2, v11;
	[tilespmem:v18+s26+$0x0] =	vst.idx.msk $0xffff, v6;
	v6 =	vadd.s32 $0x1, v11;
	v11 =	vld [tilespmem:$0x1F2D0]  }
0x575: {  	v2 =	vmul.f32 v2, v2;
	v4 =	vmul.f32 v21, v21;
	[tilespmem:v26+s26+$0x0] =	vst.idx.msk $0xffff, v24;
	v24 =	vld [tilespmem:$0x1F2B0]  }
0x576: {  	v26 =	vld [tilespmem:$0x1F2C0]  }
0x577: {  	v25 =	vsub.f32 v15, v9;
	v18 =	vadd.f32 v4, v2;
	v2 =	vmul.f32 v28, v20;
	v20 =	vld [tilespmem:$0x1F2E0]  }
0x578: {  	v8 =	vsub.f32 v22, v16;
	v22 =	vld [tilespmem:$0x1F2F0]  }
0x579: {  	v21 =	vmul.f32 v25, v25;
	v3 =	vsub.f32 v3, v16;
	v5 =	vsub.f32 v5, v13;
	v6 =	vld.idx.msk [tilespmem:v6+s4+$0x0], $0xffff  }
0x57a: {  	v30 =	vor.u32 s16, v30;
	v25 =	vmul.f32 v28, v24;
	v24 =	vld [tilespmem:$0x1F300]  }
0x57b: {  	v1 =	vadd.f32 v21, v18;
	v3 =	vmul.f32 v3, v3;
	v18 =	vmul.f32 v5, v5;
	_ =	sdelay $0x1  }
0x57c: {  	v0 =	vsub.f32 v0, v9;
	v3 =	vadd.f32 v18, v3  }
0x57d: {  	v12 =	vld.idx.msk [tilespmem:v12+s17+$0x0], $0xffff;
	v21 =	vmul.f32 v28, v20;
	v6 =	vsub.f32 v6, v13;
	[tilespmem:v26+s26+$0x0] =	vst.idx.msk $0xffff, v2  }
0x57e: {  	v0 =	vmul.f32 v0, v0;
	[tilespmem:v11+s26+$0x0] =	vst.idx.msk $0xffff, v25;
	v26 =	vmul.f32 v28, v24;
	v24 =	vld [tilespmem:$0x1F320]  }
0x57f: {  	v15 =	vld.idx.msk [tilespmem:v30+s20+$0x0], $0xffff;
	v6 =	vmul.f32 v6, v6;
	[tilespmem:v22+s26+$0x0] =	vst.idx.msk $0xffff, v21;
	v22 =	vmul.f32 v8, v8  }
0x580: {  	v5 =	vld.idx.msk [tilespmem:v17+s4+$0x0], $0xffff  }
0x581: {  	v0 =	vadd.f32 v0, v3;
	v3 =	vadd.f32 v6, v22;
	v22 =	vld [tilespmem:$0x1F340]  }
0x582: {  	v34 =	vor.u32 s16, v34;
	v21 =	vld [tilespmem:$0x1F310];
	_ =	sdelay $0x1  }
0x583: {  	v2 =	vmul.u32 $0x3, v15  }
0x584: {  	v20 =	vld [tilespmem:$0x1F330];
	v25 =	vmul.f32 v1, v12  }
0x585: {  	v12 =	vld.idx.msk [tilespmem:v19+s17+$0x0], $0xffff;
	v10 =	vadd.s32 $0x1, v2;
	[tilespmem:v24+s26+$0x0] =	vst.idx.msk $0xffff, v26;
	v26 =	vsub.f32 v5, v9  }
0x586: {  	v19 =	vld.idx.msk [tilespmem:v34+s20+$0x0], $0xffff;
	v18 =	vmul.f32 v28, v21  }
0x587: {  	v17 =	vadd.s32 $0x2, v2;
	v4 =	vmul.f32 v26, v26;
	v26 =	vld [tilespmem:$0x1F360]  }
0x588: {  	[tilespmem:v22+s26+$0x0] =	vst.idx.msk $0xffff, v18;
	v18 =	vld [tilespmem:$0x1F370]  }
0x589: {  	v2 =	vld.idx.msk [tilespmem:v2+s4+$0x0], $0xffff  }
0x58a: {  	v5 =	vld.idx.msk [tilespmem:v10+s4+$0x0], $0xffff  }
0x58b: {  	v31 =	vor.u32 s16, v31  }
0x58c: {  	v10 =	vld.idx.msk [tilespmem:v17+s4+$0x0], $0xffff  }
0x58d: {  	v21 =	vmul.f32 v28, v20;
	v20 =	vld [tilespmem:$0x1F380];
	v6 =	vmul.f32 v28, v18;
	v18 =	vmul.u32 $0x3, v19;
	_ =	sdelay $0x1  }
0x58e: {  	v2 =	vsub.f32 v2, v16;
	v5 =	vsub.f32 v5, v13;
	[tilespmem:v26+s26+$0x0] =	vst.idx.msk $0xffff, v21;
	v21 =	vld [tilespmem:$0x1F390]  }
0x58f: {  	v11 =	vld.idx.msk [tilespmem:v31+s20+$0x0], $0xffff;
	v7 =	vmul.f32 v0, v12  }
0x590: {  	v24 =	vld [tilespmem:$0x1F350];
	v2 =	vmul.f32 v2, v2;
	v10 =	vsub.f32 v10, v9;
	v5 =	vmul.f32 v5, v5  }
0x591: {  	v3 =	vadd.f32 v4, v3;
	v4 =	vmul.f32 v28, v20;
	v26 =	vld [tilespmem:$0x1F3B0]  }
0x592: {  	v2 =	vadd.f32 v5, v2;
	v5 =	vmul.f32 $1.442695020e+00, v7;
	v7 =	vmul.f32 v10, v10;
	v10 =	vld.idx.msk [tilespmem:v18+s4+$0x0], $0xffff  }
0x593: {  	v0 =	vadd.s32 $0x2, v18;
	v20 =	vmul.f32 v28, v21;
	v21 =	vadd.s32 $0x1, v18;
	v18 =	vld [tilespmem:$0x1F3D0];
	_ =	sdelay $0x1  }
0x594: {  	v32 =	vor.u32 s16, v32;
	_ =	sdelay $0x1  }
0x595: {  	v8 =	vmul.u32 $0x3, v11  }
0x596: {  	v12 =	vmul.f32 v28, v24  }
0x597: {  	v17 =	vadd.s32 $0x1, v8  }
0x598: {  	v24 =	vld.idx.msk [tilespmem:v32+s20+$0x0], $0xffff;
	[tilespmem:v26+s26+$0x0] =	vst.idx.msk $0xffff, v12  }
0x599: {  	[tilespmem:v18+s26+$0x0] =	vst.idx.msk $0xffff, v6;
	v18 =	vld [tilespmem:$0x1F3E0]  }
0x59a: {  	v22 =	vld [tilespmem:$0x1F3A0]  }
0x59b: {  	v26 =	vld [tilespmem:$0x1F3C0]  }
0x59c: {  	v17 =	vld.idx.msk [tilespmem:v17+s4+$0x0], $0xffff  }
0x59d: {  	v1 =	vld.idx.msk [tilespmem:v8+s4+$0x0], $0xffff  }
0x59e: {  	v8 =	vadd.s32 $0x2, v8;
	v6 =	vmul.f32 v28, v18;
	v18 =	vld.idx.msk [tilespmem:v21+s4+$0x0], $0xffff;
	v21 =	vmul.u32 $0x3, v24  }
0x59f: {  	v29 =	vor.u32 s16, v29;
	v14 =	vld.idx.msk [tilespmem:v14+s17+$0x0], $0xffff;
	v25 =	vmul.f32 $1.442695020e+00, v25  }
0x5a0: {  	v15 =	vld.idx.msk [tilespmem:v15+s17+$0x0], $0xffff;
	v22 =	vmul.f32 v28, v22;
	v12 =	vmul.f32 v28, v26;
	v28 =	vadd.s32 $0x1, v21  }
0x5a1: {  	v2 =	vadd.f32 v7, v2;
	v7 =	vsub.f32 v17, v13;
	v17 =	vld [tilespmem:$0x1F3F0]  }
0x5a2: {  	(erf) = vpow2.f32 v25;
	v25 =	vld [tilespmem:$0x1F400]  }
0x5a3: {  	(erf) = vpow2.f32 v5;
	v5 =	vld.idx.msk [tilespmem:v8+s4+$0x0], $0xffff  }
0x5a4: {  	v26 =	vld.idx.msk [tilespmem:v29+s20+$0x0], $0xffff  }
0x5a5: {  	v8 =	vld.idx.msk [tilespmem:v28+s4+$0x0], $0xffff  }
0x5a6: {  	v33 =	vor.u32 s16, v33;
	v28 =	vld [tilespmem:$0x1F410];
	_ =	sdelay $0x1  }
0x5a7: {  	v1 =	vsub.f32 v1, v16  }
0x5a8: {  	v0 =	vld.idx.msk [tilespmem:v0+s4+$0x0], $0xffff;
	[tilespmem:v17+s26+$0x0] =	vst.idx.msk $0xffff, v4  }
0x5a9: {  	v3 =	vmul.f32 v3, v14;
	v1 =	vmul.f32 v1, v1;
	[tilespmem:v25+s26+$0x0] =	vst.idx.msk $0xffff, v20;
	v25 =	vld [tilespmem:$0x1F420];
	v14 =	vmul.u32 $0x3, v26  }
0x5aa: {  	v2 =	vmul.f32 v2, v15;
	v15 =	vld.idx.msk [tilespmem:v33+s20+$0x0], $0xffff;
	v7 =	vmul.f32 v7, v7;
	v5 =	vsub.f32 v5, v9  }
0x5ab: {  	v11 =	vld.idx.msk [tilespmem:v11+s17+$0x0], $0xffff;
	v4 =	vadd.s32 $0x2, v21  }
0x5ac: {  	v3 =	vmul.f32 $1.442695020e+00, v3;
	v1 =	vadd.f32 v7, v1;
	v5 =	vmul.f32 v5, v5;
	v17 =	vld.idx.msk [tilespmem:v19+s17+$0x0], $0xffff  }
0x5ad: {  	v10 =	vsub.f32 v10, v16;
	v19 =	vadd.s32 $0x1, v14;
	v18 =	vsub.f32 v18, v13;
	[tilespmem:v28+s26+$0x0] =	vst.idx.msk $0xffff, v22;
	v28 =	vld [tilespmem:$0x1F430]  }
0x5ae: {  	v0 =	vsub.f32 v0, v9;
	v1 =	vadd.f32 v5, v1;
	v7 =	vld.idx.msk [tilespmem:v21+s4+$0x0], $0xffff;
	v21 =	vadd.s32 $0x2, v14  }
0x5af: {  	v10 =	vmul.f32 v10, v10;
	v14 =	vld.idx.msk [tilespmem:v14+s4+$0x0], $0xffff;
	v18 =	vmul.f32 v18, v18;
	v22 =	vmul.u32 $0x3, v15  }
0x5b0: {  	v2 =	vmul.f32 $1.442695020e+00, v2;
	v1 =	vmul.f32 v1, v11;
	v20 =	vld.idx.msk [tilespmem:v4+s4+$0x0], $0xffff  }
0x5b1: {  	v10 =	vadd.f32 v18, v10;
	v18 =	vmul.f32 v0, v0;
	[tilespmem:v25+s26+$0x0] =	vst.idx.msk $0xffff, v12;
	v12 =	vadd.s32 $0x1, v22  }
0x5b2: {  	v4 =	vpop (erf);
	(erf) = vpow2.f32 v3;
	v3 =	vld.idx.msk [tilespmem:v19+s4+$0x0], $0xffff  }
0x5b3: {  	v1 =	vmul.f32 $1.442695020e+00, v1;
	(erf) = vpow2.f32 v2;
	v18 =	vadd.f32 v18, v10;
	v10 =	vld.idx.msk [tilespmem:v21+s4+$0x0], $0xffff  }
0x5b4: {  	v7 =	vsub.f32 v7, v16;
	v21 =	vld [tilespmem:$0x1F440];
	v8 =	vsub.f32 v8, v13;
	v25 =	vadd.s32 $0x2, v22  }
0x5b5: {  	v0 =	vpop (erf);
	v2 =	vmul.f32 v18, v17;
	v18 =	vld.idx.msk [tilespmem:v22+s4+$0x0], $0xffff;
	[tilespmem:v28+s26+$0x0] =	vst.idx.msk $0xffff, v6;
	v28 =	vsub.f32 v20, v9  }
0x5b6: {  	v19 =	vadd.f32 $9.999999930e-09, v0;
	v7 =	vmul.f32 v7, v7;
	v8 =	vmul.f32 v8, v8;
	v12 =	vld.idx.msk [tilespmem:v12+s4+$0x0], $0xffff  }
0x5b7: {  	v5 =	vpop (erf);
	v14 =	vsub.f32 v14, v16;
	v3 =	vsub.f32 v3, v13;
	v17 =	vmul.f32 v28, v28;
	v28 =	vld [tilespmem:$0x1F450]  }
0x5b8: {  	v7 =	vadd.f32 v8, v7;
	v8 =	vld.idx.msk [tilespmem:v24+s17+$0x0], $0xffff;
	v6 =	vadd.f32 v5, v19  }
0x5b9: {  	(erf) = vpow2.f32 v1;
	v14 =	vmul.f32 v14, v14;
	v24 =	vsub.f32 v10, v9;
	v25 =	vld.idx.msk [tilespmem:v25+s4+$0x0], $0xffff;
	v20 =	vpop (erf)  }
0x5ba: {  	v3 =	vmul.f32 v3, v3;
	v6 =	vadd.f32 v20, v6;
	v18 =	vsub.f32 v18, v16  }
0x5bb: {  	v19 =	vmul.f32 v23, v21;
	v22 =	vadd.f32 v17, v7;
	v12 =	vsub.f32 v12, v13  }
0x5bc: {  	v15 =	vld.idx.msk [tilespmem:v15+s17+$0x0], $0xffff;
	v3 =	vadd.f32 v3, v14;
	v11 =	vpop (erf);
	v7 =	vmul.f32 v24, v24;
	v21 =	vmul.f32 v18, v18  }
0x5bd: {  	v6 =	vadd.f32 v11, v6;
	v24 =	vld [tilespmem:$0x1F460];
	v1 =	vmul.f32 v22, v8;
	v22 =	vmul.f32 v12, v12  }
0x5be: {  	v13 =	vpop (erf);
	v9 =	vsub.f32 v25, v9;
	v25 =	vld [tilespmem:$0x1F470];
	v3 =	vadd.f32 v7, v3  }
0x5bf: {  	v2 =	vmul.f32 $1.442695020e+00, v2;
	v7 =	vadd.f32 v22, v21;
	v22 =	vld [tilespmem:$0x1F4C0];
	[tilespmem:v28+s26+$0x0] =	vst.idx.msk $0xffff, v19;
	v19 =	vadd.f32 v13, v6  }
0x5c0: {  	v12 =	vpop (erf);
	v28 =	vld [tilespmem:$0x1F490]  }
0x5c1: {  	(erf) = vpow2.f32 v2;
	v2 =	vadd.f32 v12, v19;
	v19 =	vld [tilespmem:$0x1F4A0]  }
0x5c2: {  	v6 =	vld.idx.msk [tilespmem:v26+s17+$0x0], $0xffff  }
0x5c3: {  	v26 =	vld [tilespmem:$0x1F480]  }
0x5c4: {  	v17 =	vld [tilespmem:$0x1F520];
	v9 =	vmul.f32 v9, v9  }
0x5c5: {  	v18 =	vld [tilespmem:$0x1F530];
	v1 =	vmul.f32 $1.442695020e+00, v1  }
0x5c6: {  	v21 =	vld [tilespmem:$0x1F4B0];
	v10 =	vmul.f32 v23, v24;
	v24 =	vadd.f32 v9, v7  }
0x5c7: {  	v8 =	vmul.f32 v23, v25;
	v25 =	vld [tilespmem:$0x1F4D0];
	(erf) = vpow2.f32 v1  }
0x5c8: {  	v1 =	vmul.f32 v24, v15;
	v15 =	vld [tilespmem:$0x1F510];
	v14 =	vmul.f32 v23, v26;
	[tilespmem:v28+s26+$0x0] =	vst.idx.msk $0xffff, v10  }
0x5c9: {  	v26 =	vld [tilespmem:$0x1F4E0];
	[tilespmem:v19+s26+$0x0] =	vst.idx.msk $0xffff, v8  }
0x5ca: {  	[tilespmem:v22+s26+$0x0] =	vst.idx.msk $0xffff, v14;
	v14 =	vld [tilespmem:$0x1F500]  }
0x5cb: {  	v28 =	vld [tilespmem:$0x1F4F0]  }
0x5cc: {  	v19 =	vld [tilespmem:$0x1F540]  }
0x5cd: {  	v24 =	vld [tilespmem:$0x1F570]  }
0x5ce: {  	v16 =	vpop (erf);
	v3 =	vmul.f32 v3, v6;
	v6 =	vmul.f32 v23, v21;
	v21 =	vld [tilespmem:$0x1F550]  }
0x5cf: {  	v2 =	vadd.f32 v16, v2;
	v22 =	vld [tilespmem:$0x1F560]  }
0x5d0: {  	v3 =	vmul.f32 $1.442695020e+00, v3;
	v8 =	vpop (erf);
	[tilespmem:v25+s26+$0x0] =	vst.idx.msk $0xffff, v6;
	v6 =	vmul.f32 v23, v26;
	v25 =	vld [tilespmem:$0x1F580]  }
0x5d1: {  	v2 =	vadd.f32 v8, v2;
	v26 =	vld [tilespmem:$0x1F590];
	v9 =	vmul.f32 v23, v28  }
0x5d2: {  	(erf) = vpow2.f32 v3;
	v3 =	vmul.f32 v23, v15;
	v7 =	vpop (erf);
	v28 =	vld [tilespmem:$0x1F5A0];
	[tilespmem:v14+s26+$0x0] =	vst.idx.msk $0xffff, v6  }
0x5d3: {  	v2 =	vadd.f32 v7, v2;
	[tilespmem:v17+s26+$0x0] =	vst.idx.msk $0xffff, v9;
	v17 =	vld [tilespmem:$0x1F5C0]  }
0x5d4: {  	v6 =	vpop (erf);
	v9 =	vmul.f32 v23, v18;
	[tilespmem:v19+s26+$0x0] =	vst.idx.msk $0xffff, v3;
	v19 =	vld [tilespmem:$0x1F5E0]  }
0x5d5: {  	v1 =	vmul.f32 $1.442695020e+00, v1;
	v15 =	vld [tilespmem:$0x1F5B0];
	v2 =	vadd.f32 v6, v2  }
0x5d6: {  	v10 =	vpop (erf);
	v18 =	vld [tilespmem:$0x1F5D0]  }
0x5d7: {  	(erf) = vpow2.f32 v1;
	v3 =	vmul.f32 v23, v21;
	v21 =	vld [tilespmem:$0x1F5F0];
	v2 =	vadd.f32 v10, v2  }
0x5d8: {  	v1 =	vmul.f32 v23, v24;
	[tilespmem:v22+s26+$0x0] =	vst.idx.msk $0xffff, v9;
	v22 =	vld [tilespmem:$0x1F600];
	v9 =	vpop (erf)  }
0x5d9: {  	[tilespmem:v25+s26+$0x0] =	vst.idx.msk $0xffff, v3;
	v3 =	vmul.f32 v23, v26;
	v25 =	vld [tilespmem:$0x1F620];
	v2 =	vadd.f32 v9, v2  }
0x5da: {  	[tilespmem:v28+s26+$0x0] =	vst.idx.msk $0xffff, v1;
	v1 =	vmul.f32 v23, v15;
	v28 =	vld [tilespmem:$0x1F630];
	v14 =	vpop (erf)  }
0x5db: {  	v24 =	vld [tilespmem:$0x1F610];
	v2 =	vadd.f32 v14, v2;
	[tilespmem:v17+s26+$0x0] =	vst.idx.msk $0xffff, v3  }
0x5dc: {  	v15 =	vpop (erf);
	[tilespmem:v19+s26+$0x0] =	vst.idx.msk $0xffff, v1;
	v1 =	vmul.f32 v23, v21;
	v21 =	vld [tilespmem:$0x1F640]  }
0x5dd: {  	v2 =	vadd.f32 v15, v2  }
0x5de: {  	v3 =	vmul.f32 v23, v18;
	v17 =	vpop (erf)  }
0x5df: {  	v2 =	vadd.f32 v17, v2  }
0x5e0: {  	v18 =	vpop (erf);
	[tilespmem:v22+s26+$0x0] =	vst.idx.msk $0xffff, v3;
	v3 =	vmul.f32 v23, v24  }
0x5e1: {  	[tilespmem:v25+s26+$0x0] =	vst.idx.msk $0xffff, v1;
	v25 =	vld [tilespmem:$0x1F650];
	v2 =	vadd.f32 v18, v2  }
0x5e2: {  	v26 =	vmul.f32 v4, v59;
	v59 =	vmul.f32 v4, v58;
	[tilespmem:v28+s26+$0x0] =	vst.idx.msk $0xffff, v3;
	v28 =	vld [tilespmem:$0x1F660]  }
0x5e3: {  	v24 =	vmul.f32 v4, v55;
	v55 =	vld [tilespmem:$0x1F670];
	(erf) = vrcp.f32 v2  }
0x5e4: {  	v22 =	vmul.f32 v4, v57;
	v57 =	vld [tilespmem:$0x1F680];
	[tilespmem:v21+s26+$0x0] =	vst.idx.msk $0xffff, v26  }
0x5e5: {  	[tilespmem:v63+s26+$0x0] =	vst.idx.msk $0xffff, v59;
	v59 =	vld [tilespmem:$0x1F690]  }
0x5e6: {  	v63 =	vld [tilespmem:$0x1F6A0]  }
0x5e7: {  	v23 =	vmul.f32 v4, v56  }
0x5e8: {  	v21 =	vld [tilespmem:$0x1F6B0];
	[tilespmem:v62+s26+$0x0] =	vst.idx.msk $0xffff, v22  }
0x5e9: {  	v26 =	vmul.f32 v4, v53;
	[tilespmem:v25+s26+$0x0] =	vst.idx.msk $0xffff, v23  }
0x5ea: {  	v53 =	vmul.f32 v4, v52;
	v23 =	vld [tilespmem:$0x1F6C0];
	[tilespmem:v28+s26+$0x0] =	vst.idx.msk $0xffff, v24  }
0x5eb: {  	v56 =	vmul.f32 v4, v51;
	[tilespmem:v55+s26+$0x0] =	vst.idx.msk $0xffff, v26  }
0x5ec: {  	v58 =	vmul.f32 v4, v50;
	v19 =	vmul.f32 v4, v45;
	v25 =	vld [tilespmem:$0x1F6D0];
	[tilespmem:v57+s26+$0x0] =	vst.idx.msk $0xffff, v53;
	v45 =	vpop (erf)  }
0x5ed: {  	v0 =	vmul.f32 v45, v0;
	[tilespmem:v59+s26+$0x0] =	vst.idx.msk $0xffff, v56  }
0x5ee: {  	v62 =	vmul.f32 v4, v48;
	v28 =	vld [tilespmem:$0x1F6E0];
	[tilespmem:v63+s26+$0x0] =	vst.idx.msk $0xffff, v58  }
0x5ef: {  	v48 =	vmul.f32 v45, v5;
	[tilespmem:v41+s26+$0x0] =	vst.idx.msk $0xffff, v0  }
0x5f0: {  	v24 =	vmul.f32 v4, v43;
	v43 =	vld [tilespmem:$0x1F6F0];
	[tilespmem:v21+s26+$0x0] =	vst.idx.msk $0xffff, v62  }
0x5f1: {  	v50 =	vmul.f32 v45, v20;
	[tilespmem:v46+s26+$0x0] =	vst.idx.msk $0xffff, v48  }
0x5f2: {  	v22 =	vmul.f32 v4, v44;
	[tilespmem:v23+s26+$0x0] =	vst.idx.msk $0xffff, v19  }
0x5f3: {  	v51 =	vmul.f32 v45, v11;
	[tilespmem:v40+s26+$0x0] =	vst.idx.msk $0xffff, v50  }
0x5f4: {  	[tilespmem:v25+s26+$0x0] =	vst.idx.msk $0xffff, v22  }
0x5f5: {  	v52 =	vmul.f32 v45, v13;
	[tilespmem:v54+s26+$0x0] =	vst.idx.msk $0xffff, v51  }
0x5f6: {  	v26 =	vmul.f32 v4, v36;
	[tilespmem:v28+s26+$0x0] =	vst.idx.msk $0xffff, v24  }
0x5f7: {  	v53 =	vmul.f32 v45, v12;
	[tilespmem:v49+s26+$0x0] =	vst.idx.msk $0xffff, v52  }
0x5f8: {  	v35 =	vmul.f32 v4, v35;
	[tilespmem:v43+s26+$0x0] =	vst.idx.msk $0xffff, v26  }
0x5f9: {  	v54 =	vmul.f32 v45, v16;
	[tilespmem:v47+s26+$0x0] =	vst.idx.msk $0xffff, v53  }
0x5fa: {  	v44 =	vmul.f32 v4, v27;
	[tilespmem:v61+s26+$0x0] =	vst.idx.msk $0xffff, v35  }
0x5fb: {  	v55 =	vmul.f32 v45, v8;
	[tilespmem:v42+s26+$0x0] =	vst.idx.msk $0xffff, v54  }
0x5fc: {  	v56 =	vmul.f32 v45, v7;
	[tilespmem:v60+s26+$0x0] =	vst.idx.msk $0xffff, v44  }
0x5fd: {  	v57 =	vmul.f32 v45, v6;
	[tilespmem:v37+s26+$0x0] =	vst.idx.msk $0xffff, v55  }
0x5fe: {  	v58 =	vmul.f32 v45, v10;
	[tilespmem:v38+s26+$0x0] =	vst.idx.msk $0xffff, v56  }
0x5ff: {  	v59 =	vmul.f32 v45, v9;
	[tilespmem:v39+s26+$0x0] =	vst.idx.msk $0xffff, v57  }
0x600: {  	p2 =	por p1, p1;
	v60 =	vmul.f32 v45, v14;
	[tilespmem:v30+s26+$0x0] =	vst.idx.msk $0xffff, v58  }
.Ltmp9:
0x601: {  	v61 =	vmul.f32 v45, v15;
	[tilespmem:v31+s26+$0x0] =	vst.idx.msk $0xffff, v59;
	(pc) =	sbr.rel @p2 .LBB2_11-.Ltmp9, $4  }
0x602: {  	v62 =	vmul.f32 v45, v17;
	[tilespmem:v34+s26+$0x0] =	vst.idx.msk $0xffff, v60  }
0x603: {  	v63 =	vmul.f32 v45, v18;
	[tilespmem:v32+s26+$0x0] =	vst.idx.msk $0xffff, v61  }
0x604: {  	[tilespmem:v29+s26+$0x0] =	vst.idx.msk $0xffff, v62  }
0x605: {  	p1 =	por $0x0, $0x0;
	s7 =	simm.s32 $0x40;
	v36 =	vlaneseq.u32;
	[tilespmem:v33+s26+$0x0] =	vst.idx.msk $0xffff, v63  }
0x606: {  	s7 =	rddreg [dreg:$0x9]  }
0x607: {  	[hbm4b:s7+s4] =	stream.linear.scatter [tilespmem:s26], [sflag:$0x7], $0x400, $0x38;
	[tilespmem:$0x1C900] =	vst v63  }
.Ltmp10:
0x608: {  	s16 =	rddreg [dreg:$0xc];
	s8 =	simm.s32 $0x19900;
	(pc) =	sbr.rel .LBB2_13-.Ltmp10, $4  }
0x609: {  	[hbm4b:s16+s4] =	stream.linear.scatter [tilespmem:s8], [sflag:$0x7], $0x400, $0x38;
	[tilespmem:$0x1C900] =	vst v63  }
0x60a: {  	_ =	swait.ge [sflag:s5], $0x800  }
0x60b: {  	[sflag:s5] =	ssyncset.done $0x0  }
0x60c: {  	[sflag:s5] =	ssyncadd.s32 $0xFFFFF800  }
.LBB2_14:
0x60d: {  	_ =	sfence.sel $0x180000  }
0x60e: {  	[bflag:$0x0] =	sbarrier.arrive $0xFFFF  }
0x60f: {  	_ =	strace $0x90000047  }
0x610: {  	s0 =	stileid.u32;
	[bflag:$0x2] =	sbarrier.arrive $0xFFFF  }
0x611: {  	p0 =	sne.s32 s0, $0x0;
	s0 =	rddreg [dreg:$0x4]  }
0x612: {  	s0 =	sadd.s32 @!p0 $0x100000, s0  }
0x613: {  	[sflag:s0] =	ssyncadd.tile.s32 @!p0 $0x1;
	_ =	shalt  }
.Lfunc_end2:
_tile_overlayer_lowered:
.L_overlay_start_2:
0x614: {  	(tag) =	ssettag $0x2  }
0x615: {  	s0 =	rddreg [dreg:$0x0];
	s2 =	stileid.u32  }
0x616: {  	s1 =	rddreg [dreg:$0x1];
	p0 =	sne.s32 s2, $0x0  }
0x617: {  	s3 =	rddreg [dreg:$0x2];
	[bflag:$0x3] =	sbarrier.arrive $0xFFFF;
	s2 =	simm.s32 @!p0 $0x1C07  }
0x618: {  	[timem:s3], [sflag:s2] =	dma.local @!p0 [hbm:s0], s1  }
0x619: {  	s0 =	simm.s32 @!p0 $0x7  }
0x61a: {  	_ =	swait.ge @!p0 [sflag:s0], s1  }
0x61b: {  	s1 =	ssub.s32 @!p0 $0x0, s1;
	[sflag:s0] =	ssyncset.done @!p0 $0x0  }
0x61c: {  	[sflag:s0] =	ssyncadd.s32 @!p0 s1  }
0x61d: {  	[bflag:$0x3] =	sbarrier.arrive $0xFFFF  }
0x61e: {  	_ =	shalt  }

</sc_bundles>
